<compile_context>
chip_gen: v7x
topology: tpu7x:2x2x1
jax: 0.10.2.dev20260603
libtpu: 0.0.44.dev20260713+nightly
codegen_flags: <defaults>
</compile_context>

<pallas_src>
import jax
import jax.numpy as jnp
from jax import lax
from jax.experimental import pallas as pl
from jax.experimental.pallas import tpu as pltpu
from jax.experimental.pallas import tpu_sc as plsc

NUM_HEADS = 12
SEQ = 2048
TAB = 512
B = 256
NT = 3

ROWS_TOTAL = NUM_HEADS * NT * B
NW = 32
ROWS_PER_W = ROWS_TOTAL // NW
ROWS_PER_HEAD = NT * B
GW = 1536
CH = 96


def _sc_build_tiles_body(tab_hbm, bt_hbm, tab_v, grev_v, rows_v, sem0, sem1):
    cid = lax.axis_index("c")
    sid = lax.axis_index("s")
    wid = sid * 2 + cid
    r0 = wid * ROWS_PER_W
    h0 = r0 // ROWS_PER_HEAD

    def build_grev(h, slot):
        base = slot * GW
        pltpu.sync_copy(tab_hbm.at[h], tab_v)
        idx511 = jnp.full((16,), TAB - 1, dtype=jnp.int32)
        constv = plsc.load_gather(tab_v, [idx511])
        zerov = jnp.zeros((16,), jnp.float32)
        for c in range(32):
            grev_v[pl.ds(base + 16 * c, 16)] = constv
            grev_v[pl.ds(base + 1024 + 16 * c, 16)] = zerov
        for c in range(32):
            grev_v[pl.ds(base + 512 + 16 * c, 16)] = lax.rev(
                tab_v[pl.ds(TAB - 16 * (c + 1), 16)], (0,)
            )

    build_grev(h0, 0)
    n1 = ROWS_PER_HEAD - (r0 % ROWS_PER_HEAD)

    @pl.when(n1 < ROWS_PER_W)
    def _():
        build_grev(h0 + 1, 1)

    def fill_chunk(q):
        buf = rows_v.at[q % 2]

        def row(k, carry):
            r = r0 + q * CH + k
            rel = r - h0 * ROWS_PER_HEAD
            slot = rel // ROWS_PER_HEAD
            rr = rel - slot * ROWS_PER_HEAD
            t = rr // B
            i = rr - t * B
            s = 1023 - B * t - i
            base = slot * GW + s
            for c in range(16):
                buf[k, pl.ds(16 * c, 16)] = grev_v[pl.ds(base + 16 * c, 16)]
            return carry

        lax.fori_loop(0, CH, row, 0)

    sems = [sem0, sem1]
    nch = ROWS_PER_W // CH
    cps = [None] * nch
    for q in range(nch):
        if q >= 2:
            cps[q - 2].wait()
        fill_chunk(q)
        cps[q] = pltpu.async_copy(
            rows_v.at[q % 2], bt_hbm.at[pl.ds(r0 + q * CH, CH)], sems[q % 2]
        )
    for q in range(max(0, nch - 2), nch):
        cps[q].wait()


def _build_bias_tiles(table):
    mesh = plsc.VectorSubcoreMesh(core_axis_name="c", subcore_axis_name="s")
    fn = pl.kernel(
        _sc_build_tiles_body,
        mesh=mesh,
        out_type=jax.ShapeDtypeStruct((ROWS_TOTAL, B), jnp.float32),
        scratch_types=[
            pltpu.VMEM((TAB,), jnp.float32),
            pltpu.VMEM((2 * GW,), jnp.float32),
            pltpu.VMEM((2, CH, B), jnp.float32),
            pltpu.SemaphoreType.DMA,
            pltpu.SemaphoreType.DMA,
        ],
        compiler_params=pltpu.CompilerParams(
            needs_layout_passes=False,
            use_tc_tiling_on_sc=False,
        ),
    )
    return fn(table)


BQ = 1024
NKB = SEQ // B


def _tc_add_body(attn_ref, bt_ref, const_ref, out_ref):
    qi = pl.program_id(1)
    for qv in range(SEQ // BQ):

        @pl.when(qi == qv)
        def _():
            cval = const_ref[0, 0, 0]
            for a in range(BQ // B):
                q256 = qv * (BQ // B) + a
                for bcol in range(NKB):
                    d = q256 - bcol
                    sl = (0, 0, pl.ds(a * B, B), pl.ds(bcol * B, B))
                    if d < 0:
                        out_ref[sl] = attn_ref[sl]
                    elif d < NT:
                        out_ref[sl] = attn_ref[sl] + bt_ref[pl.ds(d * B, B), :]
                    else:
                        out_ref[sl] = attn_ref[sl] + cval


def kernel(attn_weights, learnable_bias_diagonals):
    bt = _build_bias_tiles(learnable_bias_diagonals)
    consts = learnable_bias_diagonals[:, TAB - 1 :].reshape(NUM_HEADS, 1, 1)
    out = pl.pallas_call(
        _tc_add_body,
        grid=(NUM_HEADS, SEQ // BQ),
        in_specs=[
            pl.BlockSpec((1, 1, BQ, SEQ), lambda h, i: (0, h, i, 0)),
            pl.BlockSpec((ROWS_PER_HEAD, B), lambda h, i: (h, 0)),
            pl.BlockSpec((1, 1, 1), lambda h, i: (h, 0, 0), memory_space=pltpu.SMEM),
        ],
        out_specs=pl.BlockSpec((1, 1, BQ, SEQ), lambda h, i: (0, h, i, 0)),
        out_shape=jax.ShapeDtypeStruct(attn_weights.shape, attn_weights.dtype),
        compiler_params=pltpu.CompilerParams(
            dimension_semantics=("parallel", "parallel"),
        ),
    )(attn_weights, bt, consts)
    return out

# --- scband reference (transcript-rebuilt; emitter-appended) ---
"""Pipeline reference for scband-attention-with-learnable-bias-26594437497617 (READ-ONLY COPY).

The authoritative reference and input builder live on the scoring server;
editing this copy changes nothing except your own understanding.
"""

import jax, jax.numpy as jnp
import numpy as np

MAX_BIAS_LENGTH = 512

def setup_inputs(seed: int = 0) -> dict:
    key = jax.random.key(seed)
    k1, k2 = jax.random.split(key)
    attn_weights = jax.random.normal(k1, (1, 12, 2048, 2048), dtype=jnp.float32)
    learnable_bias_diagonals = jax.random.normal(k2, (12, MAX_BIAS_LENGTH), dtype=jnp.float32) * 0.02
    return {"attn_weights": attn_weights, "learnable_bias_diagonals": learnable_bias_diagonals}

def reference(attn_weights, learnable_bias_diagonals):
    batch_size, num_heads, seq_len_q, seq_len_k = attn_weights.shape
    q_pos = jnp.arange(seq_len_q, dtype=jnp.int32)
    k_pos = jnp.arange(seq_len_k, dtype=jnp.int32)
    rel_pos = q_pos[:, None] - k_pos[None, :]
    causal_mask = (rel_pos >= 0).astype(attn_weights.dtype)
    rel_pos = jnp.clip(rel_pos, 0, MAX_BIAS_LENGTH - 1)
    # gather: [num_heads, seq_len_q, seq_len_k]
    bias_values = jnp.take(learnable_bias_diagonals, rel_pos, axis=1)
    bias_values = bias_values * causal_mask
    bias_values = jnp.broadcast_to(bias_values[None, :, :, :], attn_weights.shape)
    final = attn_weights + bias_values
    return final

if __name__ == "__main__":
    import jax
    _d = setup_inputs()
    print(jax.jit(kernel)(*tuple(_d.values())))

</pallas_src>

<mosaic_0001>
#map = affine_map<(d0, d1) -> (0, 0)>
module attributes {stable_mosaic.version = 14 : i64} {
  func.func @_sc_build_tiles_body(%arg0: i32, %arg1: i32, %arg2: memref<12x512xf32, #tpu.memory_space<hbm>>, %arg3: memref<9216x256xf32, #tpu.memory_space<hbm>>, %arg4: memref<512xf32, #tpu.memory_space<vmem>>, %arg5: memref<3072xf32, #tpu.memory_space<vmem>>, %arg6: memref<2x96x256xf32, #tpu.memory_space<vmem>>, %arg7: memref<!tpu.dma_semaphore, #tpu.memory_space<semaphore_mem>>, %arg8: memref<!tpu.dma_semaphore, #tpu.memory_space<semaphore_mem>>) attributes {dimension_semantics = [#tpu.dimension_semantics<core_parallel>, #tpu.dimension_semantics<subcore_parallel>], iteration_bounds = array<i64: 2, 16>, scalar_prefetch = 0 : i64, scratch_operands = 5 : i64, tpu.core_type = #tpu.core_type<sc_vector_subcore>, window_params = [{transform_indices = #map}, {transform_indices = #map}]} {
    %mul3A = arith.constant 2 : i32
    %mul3A_0 = arith.muli %arg1, %mul3A : i32
    %add3A = arith.addi %mul3A_0, %arg0 : i32
    %mul3A_1 = arith.constant 288 : i32
    %mul3A_2 = arith.muli %add3A, %mul3A_1 : i32
    %jit3A = arith.constant 768 : i32
    %div3A = arith.divsi %mul3A_2, %jit3A : i32
    %sign3A = arith.constant 0 : i32
    %sign3A_3 = arith.cmpi sgt, %mul3A_2, %sign3A : i32
    %sign3A_4 = arith.extui %sign3A_3 : i1 to i32
    %sign3A_5 = arith.constant 0 : i32
    %sign3A_6 = arith.cmpi slt, %mul3A_2, %sign3A_5 : i32
    %sign3A_7 = arith.extui %sign3A_6 : i1 to i32
    %sign3A_8 = arith.subi %sign3A_4, %sign3A_7 : i32
    %sign3A_9 = arith.constant 0 : i32
    %sign3A_10 = arith.cmpi sgt, %jit3A, %sign3A_9 : i32
    %sign3A_11 = arith.extui %sign3A_10 : i1 to i32
    %sign3A_12 = arith.constant 0 : i32
    %sign3A_13 = arith.cmpi slt, %jit3A, %sign3A_12 : i32
    %sign3A_14 = arith.extui %sign3A_13 : i1 to i32
    %sign3A_15 = arith.subi %sign3A_11, %sign3A_14 : i32
    %ne3A = arith.cmpi ne, %sign3A_8, %sign3A_15 : i32
    %rem3A = arith.remsi %mul3A_2, %jit3A : i32
    %ne3A_16 = arith.constant 0 : i32
    %ne3A_17 = arith.cmpi ne, %rem3A, %ne3A_16 : i32
    %and3A = arith.andi %ne3A, %ne3A_17 : i1
    %sub3A = arith.constant 1 : i32
    %sub3A_18 = arith.subi %div3A, %sub3A : i32
    %select_n3A = arith.select %and3A, %sub3A_18, %div3A : i32
    "tpu.region"() ({
      %run_scoped3A = tpu.sem_alloc : memref<!tpu.dma_semaphore, #tpu.memory_space<semaphore_mem>>
      %dma_start3A_556 = arith.constant 0 : i32
      %dma_start3A_557 = tpu.memref_slice %arg2[%select_n3A, %dma_start3A_556] : memref<12x512xf32, #tpu.memory_space<hbm>> -> memref<1x512xf32, #tpu.memory_space<hbm>>
      %dma_start3A_558 = tpu.memref_squeeze %dma_start3A_557 : memref<1x512xf32, #tpu.memory_space<hbm>> -> memref<512xf32, #tpu.memory_space<hbm>>
      %dma_start3A_559 = arith.constant 0 : i32
      %dma_start3A_560 = tpu.memref_slice %arg2[%select_n3A, %dma_start3A_559] : memref<12x512xf32, #tpu.memory_space<hbm>> -> memref<1x512xf32, #tpu.memory_space<hbm>>
      %dma_start3A_561 = tpu.memref_squeeze %dma_start3A_560 : memref<1x512xf32, #tpu.memory_space<hbm>> -> memref<512xf32, #tpu.memory_space<hbm>>
      tpu.enqueue_dma source(%dma_start3A_561 : memref<512xf32, #tpu.memory_space<hbm>>) target(%arg4 : memref<512xf32, #tpu.memory_space<vmem>>) target_semaphore(%run_scoped3A : memref<!tpu.dma_semaphore, #tpu.memory_space<semaphore_mem>>)
      %dma_wait3A_562 = arith.constant 0 : i32
      %dma_wait3A_563 = tpu.memref_slice %arg2[%select_n3A, %dma_wait3A_562] : memref<12x512xf32, #tpu.memory_space<hbm>> -> memref<1x512xf32, #tpu.memory_space<hbm>>
      %dma_wait3A_564 = tpu.memref_squeeze %dma_wait3A_563 : memref<1x512xf32, #tpu.memory_space<hbm>> -> memref<512xf32, #tpu.memory_space<hbm>>
      %dma_wait3A_565 = arith.constant 0 : i32
      %dma_wait3A_566 = tpu.memref_slice %arg2[%select_n3A, %dma_wait3A_565] : memref<12x512xf32, #tpu.memory_space<hbm>> -> memref<1x512xf32, #tpu.memory_space<hbm>>
      %dma_wait3A_567 = tpu.memref_squeeze %dma_wait3A_566 : memref<1x512xf32, #tpu.memory_space<hbm>> -> memref<512xf32, #tpu.memory_space<hbm>>
      tpu.wait_dma2 semaphore(%run_scoped3A : memref<!tpu.dma_semaphore, #tpu.memory_space<semaphore_mem>>) src(%dma_wait3A_567 : memref<512xf32, #tpu.memory_space<hbm>>) dst(%arg4 : memref<512xf32, #tpu.memory_space<vmem>>)
      tpu.yield
    }) : () -> ()
    %broadcast_in_dim3A = arith.constant 511 : i32
    %broadcast_in_dim3A_19 = vector.broadcast %broadcast_in_dim3A : i32 to vector<16xi32>
    %gather3A = tpu.vector_load_idx %arg4[%broadcast_in_dim3A_19] : memref<512xf32, #tpu.memory_space<vmem>>[vector<16xi32>], vector<16xf32>,
    %broadcast_in_dim3A_20 = arith.constant 0.000000e+00 : f32
    %broadcast_in_dim3A_21 = vector.broadcast %broadcast_in_dim3A_20 : f32 to vector<16xf32>
    %swap3A = arith.constant 0 : index
    %swap3A_22 = tpu.vector_load %arg5[%swap3A] {strides = array<i32>} : memref<3072xf32, #tpu.memory_space<vmem>>, vector<16xf32>,
    tpu.vector_store %arg5[%swap3A], %gather3A {strides = array<i32>} : memref<3072xf32, #tpu.memory_space<vmem>>, vector<16xf32>,
    %swap3A_23 = arith.constant 1024 : index
    %swap3A_24 = tpu.vector_load %arg5[%swap3A_23] {strides = array<i32>} : memref<3072xf32, #tpu.memory_space<vmem>>, vector<16xf32>,
    tpu.vector_store %arg5[%swap3A_23], %broadcast_in_dim3A_21 {strides = array<i32>} : memref<3072xf32, #tpu.memory_space<vmem>>, vector<16xf32>,
    %swap3A_25 = arith.constant 16 : index
    %swap3A_26 = tpu.vector_load %arg5[%swap3A_25] {strides = array<i32>} : memref<3072xf32, #tpu.memory_space<vmem>>, vector<16xf32>,
    tpu.vector_store %arg5[%swap3A_25], %gather3A {strides = array<i32>} : memref<3072xf32, #tpu.memory_space<vmem>>, vector<16xf32>,
    %swap3A_27 = arith.constant 1040 : index
    %swap3A_28 = tpu.vector_load %arg5[%swap3A_27] {strides = array<i32>} : memref<3072xf32, #tpu.memory_space<vmem>>, vector<16xf32>,
    tpu.vector_store %arg5[%swap3A_27], %broadcast_in_dim3A_21 {strides = array<i32>} : memref<3072xf32, #tpu.memory_space<vmem>>, vector<16xf32>,
    %swap3A_29 = arith.constant 32 : index
    %swap3A_30 = tpu.vector_load %arg5[%swap3A_29] {strides = array<i32>} : memref<3072xf32, #tpu.memory_space<vmem>>, vector<16xf32>,
    tpu.vector_store %arg5[%swap3A_29], %gather3A {strides = array<i32>} : memref<3072xf32, #tpu.memory_space<vmem>>, vector<16xf32>,
    %swap3A_31 = arith.constant 1056 : index
    %swap3A_32 = tpu.vector_load %arg5[%swap3A_31] {strides = array<i32>} : memref<3072xf32, #tpu.memory_space<vmem>>, vector<16xf32>,
    tpu.vector_store %arg5[%swap3A_31], %broadcast_in_dim3A_21 {strides = array<i32>} : memref<3072xf32, #tpu.memory_space<vmem>>, vector<16xf32>,
    %swap3A_33 = arith.constant 48 : index
    %swap3A_34 = tpu.vector_load %arg5[%swap3A_33] {strides = array<i32>} : memref<3072xf32, #tpu.memory_space<vmem>>, vector<16xf32>,
    tpu.vector_store %arg5[%swap3A_33], %gather3A {strides = array<i32>} : memref<3072xf32, #tpu.memory_space<vmem>>, vector<16xf32>,
    %swap3A_35 = arith.constant 1072 : index
    %swap3A_36 = tpu.vector_load %arg5[%swap3A_35] {strides = array<i32>} : memref<3072xf32, #tpu.memory_space<vmem>>, vector<16xf32>,
    tpu.vector_store %arg5[%swap3A_35], %broadcast_in_dim3A_21 {strides = array<i32>} : memref<3072xf32, #tpu.memory_space<vmem>>, vector<16xf32>,
    %swap3A_37 = arith.constant 64 : index
    %swap3A_38 = tpu.vector_load %arg5[%swap3A_37] {strides = array<i32>} : memref<3072xf32, #tpu.memory_space<vmem>>, vector<16xf32>,
    tpu.vector_store %arg5[%swap3A_37], %gather3A {strides = array<i32>} : memref<3072xf32, #tpu.memory_space<vmem>>, vector<16xf32>,
    %swap3A_39 = arith.constant 1088 : index
    %swap3A_40 = tpu.vector_load %arg5[%swap3A_39] {strides = array<i32>} : memref<3072xf32, #tpu.memory_space<vmem>>, vector<16xf32>,
    tpu.vector_store %arg5[%swap3A_39], %broadcast_in_dim3A_21 {strides = array<i32>} : memref<3072xf32, #tpu.memory_space<vmem>>, vector<16xf32>,
    %swap3A_41 = arith.constant 80 : index
    %swap3A_42 = tpu.vector_load %arg5[%swap3A_41] {strides = array<i32>} : memref<3072xf32, #tpu.memory_space<vmem>>, vector<16xf32>,
    tpu.vector_store %arg5[%swap3A_41], %gather3A {strides = array<i32>} : memref<3072xf32, #tpu.memory_space<vmem>>, vector<16xf32>,
    %swap3A_43 = arith.constant 1104 : index
    %swap3A_44 = tpu.vector_load %arg5[%swap3A_43] {strides = array<i32>} : memref<3072xf32, #tpu.memory_space<vmem>>, vector<16xf32>,
    tpu.vector_store %arg5[%swap3A_43], %broadcast_in_dim3A_21 {strides = array<i32>} : memref<3072xf32, #tpu.memory_space<vmem>>, vector<16xf32>,
    %swap3A_45 = arith.constant 96 : index
    %swap3A_46 = tpu.vector_load %arg5[%swap3A_45] {strides = array<i32>} : memref<3072xf32, #tpu.memory_space<vmem>>, vector<16xf32>,
    tpu.vector_store %arg5[%swap3A_45], %gather3A {strides = array<i32>} : memref<3072xf32, #tpu.memory_space<vmem>>, vector<16xf32>,
    %swap3A_47 = arith.constant 1120 : index
    %swap3A_48 = tpu.vector_load %arg5[%swap3A_47] {strides = array<i32>} : memref<3072xf32, #tpu.memory_space<vmem>>, vector<16xf32>,
    tpu.vector_store %arg5[%swap3A_47], %broadcast_in_dim3A_21 {strides = array<i32>} : memref<3072xf32, #tpu.memory_space<vmem>>, vector<16xf32>,
    %swap3A_49 = arith.constant 112 : index
    %swap3A_50 = tpu.vector_load %arg5[%swap3A_49] {strides = array<i32>} : memref<3072xf32, #tpu.memory_space<vmem>>, vector<16xf32>,
    tpu.vector_store %arg5[%swap3A_49], %gather3A {strides = array<i32>} : memref<3072xf32, #tpu.memory_space<vmem>>, vector<16xf32>,
    %swap3A_51 = arith.constant 1136 : index
    %swap3A_52 = tpu.vector_load %arg5[%swap3A_51] {strides = array<i32>} : memref<3072xf32, #tpu.memory_space<vmem>>, vector<16xf32>,
    tpu.vector_store %arg5[%swap3A_51], %broadcast_in_dim3A_21 {strides = array<i32>} : memref<3072xf32, #tpu.memory_space<vmem>>, vector<16xf32>,
    %swap3A_53 = arith.constant 128 : index
    %swap3A_54 = tpu.vector_load %arg5[%swap3A_53] {strides = array<i32>} : memref<3072xf32, #tpu.memory_space<vmem>>, vector<16xf32>,
    tpu.vector_store %arg5[%swap3A_53], %gather3A {strides = array<i32>} : memref<3072xf32, #tpu.memory_space<vmem>>, vector<16xf32>,
    %swap3A_55 = arith.constant 1152 : index
    %swap3A_56 = tpu.vector_load %arg5[%swap3A_55] {strides = array<i32>} : memref<3072xf32, #tpu.memory_space<vmem>>, vector<16xf32>,
    tpu.vector_store %arg5[%swap3A_55], %broadcast_in_dim3A_21 {strides = array<i32>} : memref<3072xf32, #tpu.memory_space<vmem>>, vector<16xf32>,
    %swap3A_57 = arith.constant 144 : index
    %swap3A_58 = tpu.vector_load %arg5[%swap3A_57] {strides = array<i32>} : memref<3072xf32, #tpu.memory_space<vmem>>, vector<16xf32>,
    tpu.vector_store %arg5[%swap3A_57], %gather3A {strides = array<i32>} : memref<3072xf32, #tpu.memory_space<vmem>>, vector<16xf32>,
    %swap3A_59 = arith.constant 1168 : index
    %swap3A_60 = tpu.vector_load %arg5[%swap3A_59] {strides = array<i32>} : memref<3072xf32, #tpu.memory_space<vmem>>, vector<16xf32>,
    tpu.vector_store %arg5[%swap3A_59], %broadcast_in_dim3A_21 {strides = array<i32>} : memref<3072xf32, #tpu.memory_space<vmem>>, vector<16xf32>,
    %swap3A_61 = arith.constant 160 : index
    %swap3A_62 = tpu.vector_load %arg5[%swap3A_61] {strides = array<i32>} : memref<3072xf32, #tpu.memory_space<vmem>>, vector<16xf32>,
    tpu.vector_store %arg5[%swap3A_61], %gather3A {strides = array<i32>} : memref<3072xf32, #tpu.memory_space<vmem>>, vector<16xf32>,
    %swap3A_63 = arith.constant 1184 : index
    %swap3A_64 = tpu.vector_load %arg5[%swap3A_63] {strides = array<i32>} : memref<3072xf32, #tpu.memory_space<vmem>>, vector<16xf32>,
    tpu.vector_store %arg5[%swap3A_63], %broadcast_in_dim3A_21 {strides = array<i32>} : memref<3072xf32, #tpu.memory_space<vmem>>, vector<16xf32>,
    %swap3A_65 = arith.constant 176 : index
    %swap3A_66 = tpu.vector_load %arg5[%swap3A_65] {strides = array<i32>} : memref<3072xf32, #tpu.memory_space<vmem>>, vector<16xf32>,
    tpu.vector_store %arg5[%swap3A_65], %gather3A {strides = array<i32>} : memref<3072xf32, #tpu.memory_space<vmem>>, vector<16xf32>,
    %swap3A_67 = arith.constant 1200 : index
    %swap3A_68 = tpu.vector_load %arg5[%swap3A_67] {strides = array<i32>} : memref<3072xf32, #tpu.memory_space<vmem>>, vector<16xf32>,
    tpu.vector_store %arg5[%swap3A_67], %broadcast_in_dim3A_21 {strides = array<i32>} : memref<3072xf32, #tpu.memory_space<vmem>>, vector<16xf32>,
    %swap3A_69 = arith.constant 192 : index
    %swap3A_70 = tpu.vector_load %arg5[%swap3A_69] {strides = array<i32>} : memref<3072xf32, #tpu.memory_space<vmem>>, vector<16xf32>,
    tpu.vector_store %arg5[%swap3A_69], %gather3A {strides = array<i32>} : memref<3072xf32, #tpu.memory_space<vmem>>, vector<16xf32>,
    %swap3A_71 = arith.constant 1216 : index
    %swap3A_72 = tpu.vector_load %arg5[%swap3A_71] {strides = array<i32>} : memref<3072xf32, #tpu.memory_space<vmem>>, vector<16xf32>,
    tpu.vector_store %arg5[%swap3A_71], %broadcast_in_dim3A_21 {strides = array<i32>} : memref<3072xf32, #tpu.memory_space<vmem>>, vector<16xf32>,
    %swap3A_73 = arith.constant 208 : index
    %swap3A_74 = tpu.vector_load %arg5[%swap3A_73] {strides = array<i32>} : memref<3072xf32, #tpu.memory_space<vmem>>, vector<16xf32>,
    tpu.vector_store %arg5[%swap3A_73], %gather3A {strides = array<i32>} : memref<3072xf32, #tpu.memory_space<vmem>>, vector<16xf32>,
    %swap3A_75 = arith.constant 1232 : index
    %swap3A_76 = tpu.vector_load %arg5[%swap3A_75] {strides = array<i32>} : memref<3072xf32, #tpu.memory_space<vmem>>, vector<16xf32>,
    tpu.vector_store %arg5[%swap3A_75], %broadcast_in_dim3A_21 {strides = array<i32>} : memref<3072xf32, #tpu.memory_space<vmem>>, vector<16xf32>,
    %swap3A_77 = arith.constant 224 : index
    %swap3A_78 = tpu.vector_load %arg5[%swap3A_77] {strides = array<i32>} : memref<3072xf32, #tpu.memory_space<vmem>>, vector<16xf32>,
    tpu.vector_store %arg5[%swap3A_77], %gather3A {strides = array<i32>} : memref<3072xf32, #tpu.memory_space<vmem>>, vector<16xf32>,
    %swap3A_79 = arith.constant 1248 : index
    %swap3A_80 = tpu.vector_load %arg5[%swap3A_79] {strides = array<i32>} : memref<3072xf32, #tpu.memory_space<vmem>>, vector<16xf32>,
    tpu.vector_store %arg5[%swap3A_79], %broadcast_in_dim3A_21 {strides = array<i32>} : memref<3072xf32, #tpu.memory_space<vmem>>, vector<16xf32>,
    %swap3A_81 = arith.constant 240 : index
    %swap3A_82 = tpu.vector_load %arg5[%swap3A_81] {strides = array<i32>} : memref<3072xf32, #tpu.memory_space<vmem>>, vector<16xf32>,
    tpu.vector_store %arg5[%swap3A_81], %gather3A {strides = array<i32>} : memref<3072xf32, #tpu.memory_space<vmem>>, vector<16xf32>,
    %swap3A_83 = arith.constant 1264 : index
    %swap3A_84 = tpu.vector_load %arg5[%swap3A_83] {strides = array<i32>} : memref<3072xf32, #tpu.memory_space<vmem>>, vector<16xf32>,
    tpu.vector_store %arg5[%swap3A_83], %broadcast_in_dim3A_21 {strides = array<i32>} : memref<3072xf32, #tpu.memory_space<vmem>>, vector<16xf32>,
    %swap3A_85 = arith.constant 256 : index
    %swap3A_86 = tpu.vector_load %arg5[%swap3A_85] {strides = array<i32>} : memref<3072xf32, #tpu.memory_space<vmem>>, vector<16xf32>,
    tpu.vector_store %arg5[%swap3A_85], %gather3A {strides = array<i32>} : memref<3072xf32, #tpu.memory_space<vmem>>, vector<16xf32>,
    %swap3A_87 = arith.constant 1280 : index
    %swap3A_88 = tpu.vector_load %arg5[%swap3A_87] {strides = array<i32>} : memref<3072xf32, #tpu.memory_space<vmem>>, vector<16xf32>,
    tpu.vector_store %arg5[%swap3A_87], %broadcast_in_dim3A_21 {strides = array<i32>} : memref<3072xf32, #tpu.memory_space<vmem>>, vector<16xf32>,
    %swap3A_89 = arith.constant 272 : index
    %swap3A_90 = tpu.vector_load %arg5[%swap3A_89] {strides = array<i32>} : memref<3072xf32, #tpu.memory_space<vmem>>, vector<16xf32>,
    tpu.vector_store %arg5[%swap3A_89], %gather3A {strides = array<i32>} : memref<3072xf32, #tpu.memory_space<vmem>>, vector<16xf32>,
    %swap3A_91 = arith.constant 1296 : index
    %swap3A_92 = tpu.vector_load %arg5[%swap3A_91] {strides = array<i32>} : memref<3072xf32, #tpu.memory_space<vmem>>, vector<16xf32>,
    tpu.vector_store %arg5[%swap3A_91], %broadcast_in_dim3A_21 {strides = array<i32>} : memref<3072xf32, #tpu.memory_space<vmem>>, vector<16xf32>,
    %swap3A_93 = arith.constant 288 : index
    %swap3A_94 = tpu.vector_load %arg5[%swap3A_93] {strides = array<i32>} : memref<3072xf32, #tpu.memory_space<vmem>>, vector<16xf32>,
    tpu.vector_store %arg5[%swap3A_93], %gather3A {strides = array<i32>} : memref<3072xf32, #tpu.memory_space<vmem>>, vector<16xf32>,
    %swap3A_95 = arith.constant 1312 : index
    %swap3A_96 = tpu.vector_load %arg5[%swap3A_95] {strides = array<i32>} : memref<3072xf32, #tpu.memory_space<vmem>>, vector<16xf32>,
    tpu.vector_store %arg5[%swap3A_95], %broadcast_in_dim3A_21 {strides = array<i32>} : memref<3072xf32, #tpu.memory_space<vmem>>, vector<16xf32>,
    %swap3A_97 = arith.constant 304 : index
    %swap3A_98 = tpu.vector_load %arg5[%swap3A_97] {strides = array<i32>} : memref<3072xf32, #tpu.memory_space<vmem>>, vector<16xf32>,
    tpu.vector_store %arg5[%swap3A_97], %gather3A {strides = array<i32>} : memref<3072xf32, #tpu.memory_space<vmem>>, vector<16xf32>,
    %swap3A_99 = arith.constant 1328 : index
    %swap3A_100 = tpu.vector_load %arg5[%swap3A_99] {strides = array<i32>} : memref<3072xf32, #tpu.memory_space<vmem>>, vector<16xf32>,
    tpu.vector_store %arg5[%swap3A_99], %broadcast_in_dim3A_21 {strides = array<i32>} : memref<3072xf32, #tpu.memory_space<vmem>>, vector<16xf32>,
    %swap3A_101 = arith.constant 320 : index
    %swap3A_102 = tpu.vector_load %arg5[%swap3A_101] {strides = array<i32>} : memref<3072xf32, #tpu.memory_space<vmem>>, vector<16xf32>,
    tpu.vector_store %arg5[%swap3A_101], %gather3A {strides = array<i32>} : memref<3072xf32, #tpu.memory_space<vmem>>, vector<16xf32>,
    %swap3A_103 = arith.constant 1344 : index
    %swap3A_104 = tpu.vector_load %arg5[%swap3A_103] {strides = array<i32>} : memref<3072xf32, #tpu.memory_space<vmem>>, vector<16xf32>,
    tpu.vector_store %arg5[%swap3A_103], %broadcast_in_dim3A_21 {strides = array<i32>} : memref<3072xf32, #tpu.memory_space<vmem>>, vector<16xf32>,
    %swap3A_105 = arith.constant 336 : index
    %swap3A_106 = tpu.vector_load %arg5[%swap3A_105] {strides = array<i32>} : memref<3072xf32, #tpu.memory_space<vmem>>, vector<16xf32>,
    tpu.vector_store %arg5[%swap3A_105], %gather3A {strides = array<i32>} : memref<3072xf32, #tpu.memory_space<vmem>>, vector<16xf32>,
    %swap3A_107 = arith.constant 1360 : index
    %swap3A_108 = tpu.vector_load %arg5[%swap3A_107] {strides = array<i32>} : memref<3072xf32, #tpu.memory_space<vmem>>, vector<16xf32>,
    tpu.vector_store %arg5[%swap3A_107], %broadcast_in_dim3A_21 {strides = array<i32>} : memref<3072xf32, #tpu.memory_space<vmem>>, vector<16xf32>,
    %swap3A_109 = arith.constant 352 : index
    %swap3A_110 = tpu.vector_load %arg5[%swap3A_109] {strides = array<i32>} : memref<3072xf32, #tpu.memory_space<vmem>>, vector<16xf32>,
    tpu.vector_store %arg5[%swap3A_109], %gather3A {strides = array<i32>} : memref<3072xf32, #tpu.memory_space<vmem>>, vector<16xf32>,
    %swap3A_111 = arith.constant 1376 : index
    %swap3A_112 = tpu.vector_load %arg5[%swap3A_111] {strides = array<i32>} : memref<3072xf32, #tpu.memory_space<vmem>>, vector<16xf32>,
    tpu.vector_store %arg5[%swap3A_111], %broadcast_in_dim3A_21 {strides = array<i32>} : memref<3072xf32, #tpu.memory_space<vmem>>, vector<16xf32>,
    %swap3A_113 = arith.constant 368 : index
    %swap3A_114 = tpu.vector_load %arg5[%swap3A_113] {strides = array<i32>} : memref<3072xf32, #tpu.memory_space<vmem>>, vector<16xf32>,
    tpu.vector_store %arg5[%swap3A_113], %gather3A {strides = array<i32>} : memref<3072xf32, #tpu.memory_space<vmem>>, vector<16xf32>,
    %swap3A_115 = arith.constant 1392 : index
    %swap3A_116 = tpu.vector_load %arg5[%swap3A_115] {strides = array<i32>} : memref<3072xf32, #tpu.memory_space<vmem>>, vector<16xf32>,
    tpu.vector_store %arg5[%swap3A_115], %broadcast_in_dim3A_21 {strides = array<i32>} : memref<3072xf32, #tpu.memory_space<vmem>>, vector<16xf32>,
    %swap3A_117 = arith.constant 384 : index
    %swap3A_118 = tpu.vector_load %arg5[%swap3A_117] {strides = array<i32>} : memref<3072xf32, #tpu.memory_space<vmem>>, vector<16xf32>,
    tpu.vector_store %arg5[%swap3A_117], %gather3A {strides = array<i32>} : memref<3072xf32, #tpu.memory_space<vmem>>, vector<16xf32>,
    %swap3A_119 = arith.constant 1408 : index
    %swap3A_120 = tpu.vector_load %arg5[%swap3A_119] {strides = array<i32>} : memref<3072xf32, #tpu.memory_space<vmem>>, vector<16xf32>,
    tpu.vector_store %arg5[%swap3A_119], %broadcast_in_dim3A_21 {strides = array<i32>} : memref<3072xf32, #tpu.memory_space<vmem>>, vector<16xf32>,
    %swap3A_121 = arith.constant 400 : index
    %swap3A_122 = tpu.vector_load %arg5[%swap3A_121] {strides = array<i32>} : memref<3072xf32, #tpu.memory_space<vmem>>, vector<16xf32>,
    tpu.vector_store %arg5[%swap3A_121], %gather3A {strides = array<i32>} : memref<3072xf32, #tpu.memory_space<vmem>>, vector<16xf32>,
    %swap3A_123 = arith.constant 1424 : index
    %swap3A_124 = tpu.vector_load %arg5[%swap3A_123] {strides = array<i32>} : memref<3072xf32, #tpu.memory_space<vmem>>, vector<16xf32>,
    tpu.vector_store %arg5[%swap3A_123], %broadcast_in_dim3A_21 {strides = array<i32>} : memref<3072xf32, #tpu.memory_space<vmem>>, vector<16xf32>,
    %swap3A_125 = arith.constant 416 : index
    %swap3A_126 = tpu.vector_load %arg5[%swap3A_125] {strides = array<i32>} : memref<3072xf32, #tpu.memory_space<vmem>>, vector<16xf32>,
    tpu.vector_store %arg5[%swap3A_125], %gather3A {strides = array<i32>} : memref<3072xf32, #tpu.memory_space<vmem>>, vector<16xf32>,
    %swap3A_127 = arith.constant 1440 : index
    %swap3A_128 = tpu.vector_load %arg5[%swap3A_127] {strides = array<i32>} : memref<3072xf32, #tpu.memory_space<vmem>>, vector<16xf32>,
    tpu.vector_store %arg5[%swap3A_127], %broadcast_in_dim3A_21 {strides = array<i32>} : memref<3072xf32, #tpu.memory_space<vmem>>, vector<16xf32>,
    %swap3A_129 = arith.constant 432 : index
    %swap3A_130 = tpu.vector_load %arg5[%swap3A_129] {strides = array<i32>} : memref<3072xf32, #tpu.memory_space<vmem>>, vector<16xf32>,
    tpu.vector_store %arg5[%swap3A_129], %gather3A {strides = array<i32>} : memref<3072xf32, #tpu.memory_space<vmem>>, vector<16xf32>,
    %swap3A_131 = arith.constant 1456 : index
    %swap3A_132 = tpu.vector_load %arg5[%swap3A_131] {strides = array<i32>} : memref<3072xf32, #tpu.memory_space<vmem>>, vector<16xf32>,
    tpu.vector_store %arg5[%swap3A_131], %broadcast_in_dim3A_21 {strides = array<i32>} : memref<3072xf32, #tpu.memory_space<vmem>>, vector<16xf32>,
    %swap3A_133 = arith.constant 448 : index
    %swap3A_134 = tpu.vector_load %arg5[%swap3A_133] {strides = array<i32>} : memref<3072xf32, #tpu.memory_space<vmem>>, vector<16xf32>,
    tpu.vector_store %arg5[%swap3A_133], %gather3A {strides = array<i32>} : memref<3072xf32, #tpu.memory_space<vmem>>, vector<16xf32>,
    %swap3A_135 = arith.constant 1472 : index
    %swap3A_136 = tpu.vector_load %arg5[%swap3A_135] {strides = array<i32>} : memref<3072xf32, #tpu.memory_space<vmem>>, vector<16xf32>,
    tpu.vector_store %arg5[%swap3A_135], %broadcast_in_dim3A_21 {strides = array<i32>} : memref<3072xf32, #tpu.memory_space<vmem>>, vector<16xf32>,
    %swap3A_137 = arith.constant 464 : index
    %swap3A_138 = tpu.vector_load %arg5[%swap3A_137] {strides = array<i32>} : memref<3072xf32, #tpu.memory_space<vmem>>, vector<16xf32>,
    tpu.vector_store %arg5[%swap3A_137], %gather3A {strides = array<i32>} : memref<3072xf32, #tpu.memory_space<vmem>>, vector<16xf32>,
    %swap3A_139 = arith.constant 1488 : index
    %swap3A_140 = tpu.vector_load %arg5[%swap3A_139] {strides = array<i32>} : memref<3072xf32, #tpu.memory_space<vmem>>, vector<16xf32>,
    tpu.vector_store %arg5[%swap3A_139], %broadcast_in_dim3A_21 {strides = array<i32>} : memref<3072xf32, #tpu.memory_space<vmem>>, vector<16xf32>,
    %swap3A_141 = arith.constant 480 : index
    %swap3A_142 = tpu.vector_load %arg5[%swap3A_141] {strides = array<i32>} : memref<3072xf32, #tpu.memory_space<vmem>>, vector<16xf32>,
    tpu.vector_store %arg5[%swap3A_141], %gather3A {strides = array<i32>} : memref<3072xf32, #tpu.memory_space<vmem>>, vector<16xf32>,
    %swap3A_143 = arith.constant 1504 : index
    %swap3A_144 = tpu.vector_load %arg5[%swap3A_143] {strides = array<i32>} : memref<3072xf32, #tpu.memory_space<vmem>>, vector<16xf32>,
    tpu.vector_store %arg5[%swap3A_143], %broadcast_in_dim3A_21 {strides = array<i32>} : memref<3072xf32, #tpu.memory_space<vmem>>, vector<16xf32>,
    %swap3A_145 = arith.constant 496 : index
    %swap3A_146 = tpu.vector_load %arg5[%swap3A_145] {strides = array<i32>} : memref<3072xf32, #tpu.memory_space<vmem>>, vector<16xf32>,
    tpu.vector_store %arg5[%swap3A_145], %gather3A {strides = array<i32>} : memref<3072xf32, #tpu.memory_space<vmem>>, vector<16xf32>,
    %swap3A_147 = arith.constant 1520 : index
    %swap3A_148 = tpu.vector_load %arg5[%swap3A_147] {strides = array<i32>} : memref<3072xf32, #tpu.memory_space<vmem>>, vector<16xf32>,
    tpu.vector_store %arg5[%swap3A_147], %broadcast_in_dim3A_21 {strides = array<i32>} : memref<3072xf32, #tpu.memory_space<vmem>>, vector<16xf32>,
    %get3A = arith.constant 496 : index
    %get3A_149 = tpu.vector_load %arg4[%get3A] {strides = array<i32>} : memref<512xf32, #tpu.memory_space<vmem>>, vector<16xf32>,
    %rev3A = arith.constant 15 : i32
    %rev3A_150 = vector.broadcast %rev3A : i32 to vector<16xi32>
    %rev3A_151 = tpu.iota {dimensions = array<i32: 0>} : vector<16xi32>
    %rev3A_152 = arith.subi %rev3A_150, %rev3A_151 : vector<16xi32>
    %rev3A_153 = tpu.dynamic_gather %get3A_149[%rev3A_152] in [0] : vector<16xf32>, vector<16xi32> -> vector<16xf32>
    %swap3A_154 = arith.constant 512 : index
    %swap3A_155 = tpu.vector_load %arg5[%swap3A_154] {strides = array<i32>} : memref<3072xf32, #tpu.memory_space<vmem>>, vector<16xf32>,
    tpu.vector_store %arg5[%swap3A_154], %rev3A_153 {strides = array<i32>} : memref<3072xf32, #tpu.memory_space<vmem>>, vector<16xf32>,
    %get3A_156 = arith.constant 480 : index
    %get3A_157 = tpu.vector_load %arg4[%get3A_156] {strides = array<i32>} : memref<512xf32, #tpu.memory_space<vmem>>, vector<16xf32>,
    %rev3A_158 = arith.constant 15 : i32
    %rev3A_159 = vector.broadcast %rev3A_158 : i32 to vector<16xi32>
    %rev3A_160 = tpu.iota {dimensions = array<i32: 0>} : vector<16xi32>
    %rev3A_161 = arith.subi %rev3A_159, %rev3A_160 : vector<16xi32>
    %rev3A_162 = tpu.dynamic_gather %get3A_157[%rev3A_161] in [0] : vector<16xf32>, vector<16xi32> -> vector<16xf32>
    %swap3A_163 = arith.constant 528 : index
    %swap3A_164 = tpu.vector_load %arg5[%swap3A_163] {strides = array<i32>} : memref<3072xf32, #tpu.memory_space<vmem>>, vector<16xf32>,
    tpu.vector_store %arg5[%swap3A_163], %rev3A_162 {strides = array<i32>} : memref<3072xf32, #tpu.memory_space<vmem>>, vector<16xf32>,
    %get3A_165 = arith.constant 464 : index
    %get3A_166 = tpu.vector_load %arg4[%get3A_165] {strides = array<i32>} : memref<512xf32, #tpu.memory_space<vmem>>, vector<16xf32>,
    %rev3A_167 = arith.constant 15 : i32
    %rev3A_168 = vector.broadcast %rev3A_167 : i32 to vector<16xi32>
    %rev3A_169 = tpu.iota {dimensions = array<i32: 0>} : vector<16xi32>
    %rev3A_170 = arith.subi %rev3A_168, %rev3A_169 : vector<16xi32>
    %rev3A_171 = tpu.dynamic_gather %get3A_166[%rev3A_170] in [0] : vector<16xf32>, vector<16xi32> -> vector<16xf32>
    %swap3A_172 = arith.constant 544 : index
    %swap3A_173 = tpu.vector_load %arg5[%swap3A_172] {strides = array<i32>} : memref<3072xf32, #tpu.memory_space<vmem>>, vector<16xf32>,
    tpu.vector_store %arg5[%swap3A_172], %rev3A_171 {strides = array<i32>} : memref<3072xf32, #tpu.memory_space<vmem>>, vector<16xf32>,
    %get3A_174 = arith.constant 448 : index
    %get3A_175 = tpu.vector_load %arg4[%get3A_174] {strides = array<i32>} : memref<512xf32, #tpu.memory_space<vmem>>, vector<16xf32>,
    %rev3A_176 = arith.constant 15 : i32
    %rev3A_177 = vector.broadcast %rev3A_176 : i32 to vector<16xi32>
    %rev3A_178 = tpu.iota {dimensions = array<i32: 0>} : vector<16xi32>
    %rev3A_179 = arith.subi %rev3A_177, %rev3A_178 : vector<16xi32>
    %rev3A_180 = tpu.dynamic_gather %get3A_175[%rev3A_179] in [0] : vector<16xf32>, vector<16xi32> -> vector<16xf32>
    %swap3A_181 = arith.constant 560 : index
    %swap3A_182 = tpu.vector_load %arg5[%swap3A_181] {strides = array<i32>} : memref<3072xf32, #tpu.memory_space<vmem>>, vector<16xf32>,
    tpu.vector_store %arg5[%swap3A_181], %rev3A_180 {strides = array<i32>} : memref<3072xf32, #tpu.memory_space<vmem>>, vector<16xf32>,
    %get3A_183 = arith.constant 432 : index
    %get3A_184 = tpu.vector_load %arg4[%get3A_183] {strides = array<i32>} : memref<512xf32, #tpu.memory_space<vmem>>, vector<16xf32>,
    %rev3A_185 = arith.constant 15 : i32
    %rev3A_186 = vector.broadcast %rev3A_185 : i32 to vector<16xi32>
    %rev3A_187 = tpu.iota {dimensions = array<i32: 0>} : vector<16xi32>
    %rev3A_188 = arith.subi %rev3A_186, %rev3A_187 : vector<16xi32>
    %rev3A_189 = tpu.dynamic_gather %get3A_184[%rev3A_188] in [0] : vector<16xf32>, vector<16xi32> -> vector<16xf32>
    %swap3A_190 = arith.constant 576 : index
    %swap3A_191 = tpu.vector_load %arg5[%swap3A_190] {strides = array<i32>} : memref<3072xf32, #tpu.memory_space<vmem>>, vector<16xf32>,
    tpu.vector_store %arg5[%swap3A_190], %rev3A_189 {strides = array<i32>} : memref<3072xf32, #tpu.memory_space<vmem>>, vector<16xf32>,
    %get3A_192 = arith.constant 416 : index
    %get3A_193 = tpu.vector_load %arg4[%get3A_192] {strides = array<i32>} : memref<512xf32, #tpu.memory_space<vmem>>, vector<16xf32>,
    %rev3A_194 = arith.constant 15 : i32
    %rev3A_195 = vector.broadcast %rev3A_194 : i32 to vector<16xi32>
    %rev3A_196 = tpu.iota {dimensions = array<i32: 0>} : vector<16xi32>
    %rev3A_197 = arith.subi %rev3A_195, %rev3A_196 : vector<16xi32>
    %rev3A_198 = tpu.dynamic_gather %get3A_193[%rev3A_197] in [0] : vector<16xf32>, vector<16xi32> -> vector<16xf32>
    %swap3A_199 = arith.constant 592 : index
    %swap3A_200 = tpu.vector_load %arg5[%swap3A_199] {strides = array<i32>} : memref<3072xf32, #tpu.memory_space<vmem>>, vector<16xf32>,
    tpu.vector_store %arg5[%swap3A_199], %rev3A_198 {strides = array<i32>} : memref<3072xf32, #tpu.memory_space<vmem>>, vector<16xf32>,
    %get3A_201 = arith.constant 400 : index
    %get3A_202 = tpu.vector_load %arg4[%get3A_201] {strides = array<i32>} : memref<512xf32, #tpu.memory_space<vmem>>, vector<16xf32>,
    %rev3A_203 = arith.constant 15 : i32
    %rev3A_204 = vector.broadcast %rev3A_203 : i32 to vector<16xi32>
    %rev3A_205 = tpu.iota {dimensions = array<i32: 0>} : vector<16xi32>
    %rev3A_206 = arith.subi %rev3A_204, %rev3A_205 : vector<16xi32>
    %rev3A_207 = tpu.dynamic_gather %get3A_202[%rev3A_206] in [0] : vector<16xf32>, vector<16xi32> -> vector<16xf32>
    %swap3A_208 = arith.constant 608 : index
    %swap3A_209 = tpu.vector_load %arg5[%swap3A_208] {strides = array<i32>} : memref<3072xf32, #tpu.memory_space<vmem>>, vector<16xf32>,
    tpu.vector_store %arg5[%swap3A_208], %rev3A_207 {strides = array<i32>} : memref<3072xf32, #tpu.memory_space<vmem>>, vector<16xf32>,
    %get3A_210 = arith.constant 384 : index
    %get3A_211 = tpu.vector_load %arg4[%get3A_210] {strides = array<i32>} : memref<512xf32, #tpu.memory_space<vmem>>, vector<16xf32>,
    %rev3A_212 = arith.constant 15 : i32
    %rev3A_213 = vector.broadcast %rev3A_212 : i32 to vector<16xi32>
    %rev3A_214 = tpu.iota {dimensions = array<i32: 0>} : vector<16xi32>
    %rev3A_215 = arith.subi %rev3A_213, %rev3A_214 : vector<16xi32>
    %rev3A_216 = tpu.dynamic_gather %get3A_211[%rev3A_215] in [0] : vector<16xf32>, vector<16xi32> -> vector<16xf32>
    %swap3A_217 = arith.constant 624 : index
    %swap3A_218 = tpu.vector_load %arg5[%swap3A_217] {strides = array<i32>} : memref<3072xf32, #tpu.memory_space<vmem>>, vector<16xf32>,
    tpu.vector_store %arg5[%swap3A_217], %rev3A_216 {strides = array<i32>} : memref<3072xf32, #tpu.memory_space<vmem>>, vector<16xf32>,
    %get3A_219 = arith.constant 368 : index
    %get3A_220 = tpu.vector_load %arg4[%get3A_219] {strides = array<i32>} : memref<512xf32, #tpu.memory_space<vmem>>, vector<16xf32>,
    %rev3A_221 = arith.constant 15 : i32
    %rev3A_222 = vector.broadcast %rev3A_221 : i32 to vector<16xi32>
    %rev3A_223 = tpu.iota {dimensions = array<i32: 0>} : vector<16xi32>
    %rev3A_224 = arith.subi %rev3A_222, %rev3A_223 : vector<16xi32>
    %rev3A_225 = tpu.dynamic_gather %get3A_220[%rev3A_224] in [0] : vector<16xf32>, vector<16xi32> -> vector<16xf32>
    %swap3A_226 = arith.constant 640 : index
    %swap3A_227 = tpu.vector_load %arg5[%swap3A_226] {strides = array<i32>} : memref<3072xf32, #tpu.memory_space<vmem>>, vector<16xf32>,
    tpu.vector_store %arg5[%swap3A_226], %rev3A_225 {strides = array<i32>} : memref<3072xf32, #tpu.memory_space<vmem>>, vector<16xf32>,
    %get3A_228 = arith.constant 352 : index
    %get3A_229 = tpu.vector_load %arg4[%get3A_228] {strides = array<i32>} : memref<512xf32, #tpu.memory_space<vmem>>, vector<16xf32>,
    %rev3A_230 = arith.constant 15 : i32
    %rev3A_231 = vector.broadcast %rev3A_230 : i32 to vector<16xi32>
    %rev3A_232 = tpu.iota {dimensions = array<i32: 0>} : vector<16xi32>
    %rev3A_233 = arith.subi %rev3A_231, %rev3A_232 : vector<16xi32>
    %rev3A_234 = tpu.dynamic_gather %get3A_229[%rev3A_233] in [0] : vector<16xf32>, vector<16xi32> -> vector<16xf32>
    %swap3A_235 = arith.constant 656 : index
    %swap3A_236 = tpu.vector_load %arg5[%swap3A_235] {strides = array<i32>} : memref<3072xf32, #tpu.memory_space<vmem>>, vector<16xf32>,
    tpu.vector_store %arg5[%swap3A_235], %rev3A_234 {strides = array<i32>} : memref<3072xf32, #tpu.memory_space<vmem>>, vector<16xf32>,
    %get3A_237 = arith.constant 336 : index
    %get3A_238 = tpu.vector_load %arg4[%get3A_237] {strides = array<i32>} : memref<512xf32, #tpu.memory_space<vmem>>, vector<16xf32>,
    %rev3A_239 = arith.constant 15 : i32
    %rev3A_240 = vector.broadcast %rev3A_239 : i32 to vector<16xi32>
    %rev3A_241 = tpu.iota {dimensions = array<i32: 0>} : vector<16xi32>
    %rev3A_242 = arith.subi %rev3A_240, %rev3A_241 : vector<16xi32>
    %rev3A_243 = tpu.dynamic_gather %get3A_238[%rev3A_242] in [0] : vector<16xf32>, vector<16xi32> -> vector<16xf32>
    %swap3A_244 = arith.constant 672 : index
    %swap3A_245 = tpu.vector_load %arg5[%swap3A_244] {strides = array<i32>} : memref<3072xf32, #tpu.memory_space<vmem>>, vector<16xf32>,
    tpu.vector_store %arg5[%swap3A_244], %rev3A_243 {strides = array<i32>} : memref<3072xf32, #tpu.memory_space<vmem>>, vector<16xf32>,
    %get3A_246 = arith.constant 320 : index
    %get3A_247 = tpu.vector_load %arg4[%get3A_246] {strides = array<i32>} : memref<512xf32, #tpu.memory_space<vmem>>, vector<16xf32>,
    %rev3A_248 = arith.constant 15 : i32
    %rev3A_249 = vector.broadcast %rev3A_248 : i32 to vector<16xi32>
    %rev3A_250 = tpu.iota {dimensions = array<i32: 0>} : vector<16xi32>
    %rev3A_251 = arith.subi %rev3A_249, %rev3A_250 : vector<16xi32>
    %rev3A_252 = tpu.dynamic_gather %get3A_247[%rev3A_251] in [0] : vector<16xf32>, vector<16xi32> -> vector<16xf32>
    %swap3A_253 = arith.constant 688 : index
    %swap3A_254 = tpu.vector_load %arg5[%swap3A_253] {strides = array<i32>} : memref<3072xf32, #tpu.memory_space<vmem>>, vector<16xf32>,
    tpu.vector_store %arg5[%swap3A_253], %rev3A_252 {strides = array<i32>} : memref<3072xf32, #tpu.memory_space<vmem>>, vector<16xf32>,
    %get3A_255 = arith.constant 304 : index
    %get3A_256 = tpu.vector_load %arg4[%get3A_255] {strides = array<i32>} : memref<512xf32, #tpu.memory_space<vmem>>, vector<16xf32>,
    %rev3A_257 = arith.constant 15 : i32
    %rev3A_258 = vector.broadcast %rev3A_257 : i32 to vector<16xi32>
    %rev3A_259 = tpu.iota {dimensions = array<i32: 0>} : vector<16xi32>
    %rev3A_260 = arith.subi %rev3A_258, %rev3A_259 : vector<16xi32>
    %rev3A_261 = tpu.dynamic_gather %get3A_256[%rev3A_260] in [0] : vector<16xf32>, vector<16xi32> -> vector<16xf32>
    %swap3A_262 = arith.constant 704 : index
    %swap3A_263 = tpu.vector_load %arg5[%swap3A_262] {strides = array<i32>} : memref<3072xf32, #tpu.memory_space<vmem>>, vector<16xf32>,
    tpu.vector_store %arg5[%swap3A_262], %rev3A_261 {strides = array<i32>} : memref<3072xf32, #tpu.memory_space<vmem>>, vector<16xf32>,
    %get3A_264 = arith.constant 288 : index
    %get3A_265 = tpu.vector_load %arg4[%get3A_264] {strides = array<i32>} : memref<512xf32, #tpu.memory_space<vmem>>, vector<16xf32>,
    %rev3A_266 = arith.constant 15 : i32
    %rev3A_267 = vector.broadcast %rev3A_266 : i32 to vector<16xi32>
    %rev3A_268 = tpu.iota {dimensions = array<i32: 0>} : vector<16xi32>
    %rev3A_269 = arith.subi %rev3A_267, %rev3A_268 : vector<16xi32>
    %rev3A_270 = tpu.dynamic_gather %get3A_265[%rev3A_269] in [0] : vector<16xf32>, vector<16xi32> -> vector<16xf32>
    %swap3A_271 = arith.constant 720 : index
    %swap3A_272 = tpu.vector_load %arg5[%swap3A_271] {strides = array<i32>} : memref<3072xf32, #tpu.memory_space<vmem>>, vector<16xf32>,
    tpu.vector_store %arg5[%swap3A_271], %rev3A_270 {strides = array<i32>} : memref<3072xf32, #tpu.memory_space<vmem>>, vector<16xf32>,
    %get3A_273 = arith.constant 272 : index
    %get3A_274 = tpu.vector_load %arg4[%get3A_273] {strides = array<i32>} : memref<512xf32, #tpu.memory_space<vmem>>, vector<16xf32>,
    %rev3A_275 = arith.constant 15 : i32
    %rev3A_276 = vector.broadcast %rev3A_275 : i32 to vector<16xi32>
    %rev3A_277 = tpu.iota {dimensions = array<i32: 0>} : vector<16xi32>
    %rev3A_278 = arith.subi %rev3A_276, %rev3A_277 : vector<16xi32>
    %rev3A_279 = tpu.dynamic_gather %get3A_274[%rev3A_278] in [0] : vector<16xf32>, vector<16xi32> -> vector<16xf32>
    %swap3A_280 = arith.constant 736 : index
    %swap3A_281 = tpu.vector_load %arg5[%swap3A_280] {strides = array<i32>} : memref<3072xf32, #tpu.memory_space<vmem>>, vector<16xf32>,
    tpu.vector_store %arg5[%swap3A_280], %rev3A_279 {strides = array<i32>} : memref<3072xf32, #tpu.memory_space<vmem>>, vector<16xf32>,
    %get3A_282 = arith.constant 256 : index
    %get3A_283 = tpu.vector_load %arg4[%get3A_282] {strides = array<i32>} : memref<512xf32, #tpu.memory_space<vmem>>, vector<16xf32>,
    %rev3A_284 = arith.constant 15 : i32
    %rev3A_285 = vector.broadcast %rev3A_284 : i32 to vector<16xi32>
    %rev3A_286 = tpu.iota {dimensions = array<i32: 0>} : vector<16xi32>
    %rev3A_287 = arith.subi %rev3A_285, %rev3A_286 : vector<16xi32>
    %rev3A_288 = tpu.dynamic_gather %get3A_283[%rev3A_287] in [0] : vector<16xf32>, vector<16xi32> -> vector<16xf32>
    %swap3A_289 = arith.constant 752 : index
    %swap3A_290 = tpu.vector_load %arg5[%swap3A_289] {strides = array<i32>} : memref<3072xf32, #tpu.memory_space<vmem>>, vector<16xf32>,
    tpu.vector_store %arg5[%swap3A_289], %rev3A_288 {strides = array<i32>} : memref<3072xf32, #tpu.memory_space<vmem>>, vector<16xf32>,
    %get3A_291 = arith.constant 240 : index
    %get3A_292 = tpu.vector_load %arg4[%get3A_291] {strides = array<i32>} : memref<512xf32, #tpu.memory_space<vmem>>, vector<16xf32>,
    %rev3A_293 = arith.constant 15 : i32
    %rev3A_294 = vector.broadcast %rev3A_293 : i32 to vector<16xi32>
    %rev3A_295 = tpu.iota {dimensions = array<i32: 0>} : vector<16xi32>
    %rev3A_296 = arith.subi %rev3A_294, %rev3A_295 : vector<16xi32>
    %rev3A_297 = tpu.dynamic_gather %get3A_292[%rev3A_296] in [0] : vector<16xf32>, vector<16xi32> -> vector<16xf32>
    %swap3A_298 = arith.constant 768 : index
    %swap3A_299 = tpu.vector_load %arg5[%swap3A_298] {strides = array<i32>} : memref<3072xf32, #tpu.memory_space<vmem>>, vector<16xf32>,
    tpu.vector_store %arg5[%swap3A_298], %rev3A_297 {strides = array<i32>} : memref<3072xf32, #tpu.memory_space<vmem>>, vector<16xf32>,
    %get3A_300 = arith.constant 224 : index
    %get3A_301 = tpu.vector_load %arg4[%get3A_300] {strides = array<i32>} : memref<512xf32, #tpu.memory_space<vmem>>, vector<16xf32>,
    %rev3A_302 = arith.constant 15 : i32
    %rev3A_303 = vector.broadcast %rev3A_302 : i32 to vector<16xi32>
    %rev3A_304 = tpu.iota {dimensions = array<i32: 0>} : vector<16xi32>
    %rev3A_305 = arith.subi %rev3A_303, %rev3A_304 : vector<16xi32>
    %rev3A_306 = tpu.dynamic_gather %get3A_301[%rev3A_305] in [0] : vector<16xf32>, vector<16xi32> -> vector<16xf32>
    %swap3A_307 = arith.constant 784 : index
    %swap3A_308 = tpu.vector_load %arg5[%swap3A_307] {strides = array<i32>} : memref<3072xf32, #tpu.memory_space<vmem>>, vector<16xf32>,
    tpu.vector_store %arg5[%swap3A_307], %rev3A_306 {strides = array<i32>} : memref<3072xf32, #tpu.memory_space<vmem>>, vector<16xf32>,
    %get3A_309 = arith.constant 208 : index
    %get3A_310 = tpu.vector_load %arg4[%get3A_309] {strides = array<i32>} : memref<512xf32, #tpu.memory_space<vmem>>, vector<16xf32>,
    %rev3A_311 = arith.constant 15 : i32
    %rev3A_312 = vector.broadcast %rev3A_311 : i32 to vector<16xi32>
    %rev3A_313 = tpu.iota {dimensions = array<i32: 0>} : vector<16xi32>
    %rev3A_314 = arith.subi %rev3A_312, %rev3A_313 : vector<16xi32>
    %rev3A_315 = tpu.dynamic_gather %get3A_310[%rev3A_314] in [0] : vector<16xf32>, vector<16xi32> -> vector<16xf32>
    %swap3A_316 = arith.constant 800 : index
    %swap3A_317 = tpu.vector_load %arg5[%swap3A_316] {strides = array<i32>} : memref<3072xf32, #tpu.memory_space<vmem>>, vector<16xf32>,
    tpu.vector_store %arg5[%swap3A_316], %rev3A_315 {strides = array<i32>} : memref<3072xf32, #tpu.memory_space<vmem>>, vector<16xf32>,
    %get3A_318 = arith.constant 192 : index
    %get3A_319 = tpu.vector_load %arg4[%get3A_318] {strides = array<i32>} : memref<512xf32, #tpu.memory_space<vmem>>, vector<16xf32>,
    %rev3A_320 = arith.constant 15 : i32
    %rev3A_321 = vector.broadcast %rev3A_320 : i32 to vector<16xi32>
    %rev3A_322 = tpu.iota {dimensions = array<i32: 0>} : vector<16xi32>
    %rev3A_323 = arith.subi %rev3A_321, %rev3A_322 : vector<16xi32>
    %rev3A_324 = tpu.dynamic_gather %get3A_319[%rev3A_323] in [0] : vector<16xf32>, vector<16xi32> -> vector<16xf32>
    %swap3A_325 = arith.constant 816 : index
    %swap3A_326 = tpu.vector_load %arg5[%swap3A_325] {strides = array<i32>} : memref<3072xf32, #tpu.memory_space<vmem>>, vector<16xf32>,
    tpu.vector_store %arg5[%swap3A_325], %rev3A_324 {strides = array<i32>} : memref<3072xf32, #tpu.memory_space<vmem>>, vector<16xf32>,
    %get3A_327 = arith.constant 176 : index
    %get3A_328 = tpu.vector_load %arg4[%get3A_327] {strides = array<i32>} : memref<512xf32, #tpu.memory_space<vmem>>, vector<16xf32>,
    %rev3A_329 = arith.constant 15 : i32
    %rev3A_330 = vector.broadcast %rev3A_329 : i32 to vector<16xi32>
    %rev3A_331 = tpu.iota {dimensions = array<i32: 0>} : vector<16xi32>
    %rev3A_332 = arith.subi %rev3A_330, %rev3A_331 : vector<16xi32>
    %rev3A_333 = tpu.dynamic_gather %get3A_328[%rev3A_332] in [0] : vector<16xf32>, vector<16xi32> -> vector<16xf32>
    %swap3A_334 = arith.constant 832 : index
    %swap3A_335 = tpu.vector_load %arg5[%swap3A_334] {strides = array<i32>} : memref<3072xf32, #tpu.memory_space<vmem>>, vector<16xf32>,
    tpu.vector_store %arg5[%swap3A_334], %rev3A_333 {strides = array<i32>} : memref<3072xf32, #tpu.memory_space<vmem>>, vector<16xf32>,
    %get3A_336 = arith.constant 160 : index
    %get3A_337 = tpu.vector_load %arg4[%get3A_336] {strides = array<i32>} : memref<512xf32, #tpu.memory_space<vmem>>, vector<16xf32>,
    %rev3A_338 = arith.constant 15 : i32
    %rev3A_339 = vector.broadcast %rev3A_338 : i32 to vector<16xi32>
    %rev3A_340 = tpu.iota {dimensions = array<i32: 0>} : vector<16xi32>
    %rev3A_341 = arith.subi %rev3A_339, %rev3A_340 : vector<16xi32>
    %rev3A_342 = tpu.dynamic_gather %get3A_337[%rev3A_341] in [0] : vector<16xf32>, vector<16xi32> -> vector<16xf32>
    %swap3A_343 = arith.constant 848 : index
    %swap3A_344 = tpu.vector_load %arg5[%swap3A_343] {strides = array<i32>} : memref<3072xf32, #tpu.memory_space<vmem>>, vector<16xf32>,
    tpu.vector_store %arg5[%swap3A_343], %rev3A_342 {strides = array<i32>} : memref<3072xf32, #tpu.memory_space<vmem>>, vector<16xf32>,
    %get3A_345 = arith.constant 144 : index
    %get3A_346 = tpu.vector_load %arg4[%get3A_345] {strides = array<i32>} : memref<512xf32, #tpu.memory_space<vmem>>, vector<16xf32>,
    %rev3A_347 = arith.constant 15 : i32
    %rev3A_348 = vector.broadcast %rev3A_347 : i32 to vector<16xi32>
    %rev3A_349 = tpu.iota {dimensions = array<i32: 0>} : vector<16xi32>
    %rev3A_350 = arith.subi %rev3A_348, %rev3A_349 : vector<16xi32>
    %rev3A_351 = tpu.dynamic_gather %get3A_346[%rev3A_350] in [0] : vector<16xf32>, vector<16xi32> -> vector<16xf32>
    %swap3A_352 = arith.constant 864 : index
    %swap3A_353 = tpu.vector_load %arg5[%swap3A_352] {strides = array<i32>} : memref<3072xf32, #tpu.memory_space<vmem>>, vector<16xf32>,
    tpu.vector_store %arg5[%swap3A_352], %rev3A_351 {strides = array<i32>} : memref<3072xf32, #tpu.memory_space<vmem>>, vector<16xf32>,
    %get3A_354 = arith.constant 128 : index
    %get3A_355 = tpu.vector_load %arg4[%get3A_354] {strides = array<i32>} : memref<512xf32, #tpu.memory_space<vmem>>, vector<16xf32>,
    %rev3A_356 = arith.constant 15 : i32
    %rev3A_357 = vector.broadcast %rev3A_356 : i32 to vector<16xi32>
    %rev3A_358 = tpu.iota {dimensions = array<i32: 0>} : vector<16xi32>
    %rev3A_359 = arith.subi %rev3A_357, %rev3A_358 : vector<16xi32>
    %rev3A_360 = tpu.dynamic_gather %get3A_355[%rev3A_359] in [0] : vector<16xf32>, vector<16xi32> -> vector<16xf32>
    %swap3A_361 = arith.constant 880 : index
    %swap3A_362 = tpu.vector_load %arg5[%swap3A_361] {strides = array<i32>} : memref<3072xf32, #tpu.memory_space<vmem>>, vector<16xf32>,
    tpu.vector_store %arg5[%swap3A_361], %rev3A_360 {strides = array<i32>} : memref<3072xf32, #tpu.memory_space<vmem>>, vector<16xf32>,
    %get3A_363 = arith.constant 112 : index
    %get3A_364 = tpu.vector_load %arg4[%get3A_363] {strides = array<i32>} : memref<512xf32, #tpu.memory_space<vmem>>, vector<16xf32>,
    %rev3A_365 = arith.constant 15 : i32
    %rev3A_366 = vector.broadcast %rev3A_365 : i32 to vector<16xi32>
    %rev3A_367 = tpu.iota {dimensions = array<i32: 0>} : vector<16xi32>
    %rev3A_368 = arith.subi %rev3A_366, %rev3A_367 : vector<16xi32>
    %rev3A_369 = tpu.dynamic_gather %get3A_364[%rev3A_368] in [0] : vector<16xf32>, vector<16xi32> -> vector<16xf32>
    %swap3A_370 = arith.constant 896 : index
    %swap3A_371 = tpu.vector_load %arg5[%swap3A_370] {strides = array<i32>} : memref<3072xf32, #tpu.memory_space<vmem>>, vector<16xf32>,
    tpu.vector_store %arg5[%swap3A_370], %rev3A_369 {strides = array<i32>} : memref<3072xf32, #tpu.memory_space<vmem>>, vector<16xf32>,
    %get3A_372 = arith.constant 96 : index
    %get3A_373 = tpu.vector_load %arg4[%get3A_372] {strides = array<i32>} : memref<512xf32, #tpu.memory_space<vmem>>, vector<16xf32>,
    %rev3A_374 = arith.constant 15 : i32
    %rev3A_375 = vector.broadcast %rev3A_374 : i32 to vector<16xi32>
    %rev3A_376 = tpu.iota {dimensions = array<i32: 0>} : vector<16xi32>
    %rev3A_377 = arith.subi %rev3A_375, %rev3A_376 : vector<16xi32>
    %rev3A_378 = tpu.dynamic_gather %get3A_373[%rev3A_377] in [0] : vector<16xf32>, vector<16xi32> -> vector<16xf32>
    %swap3A_379 = arith.constant 912 : index
    %swap3A_380 = tpu.vector_load %arg5[%swap3A_379] {strides = array<i32>} : memref<3072xf32, #tpu.memory_space<vmem>>, vector<16xf32>,
    tpu.vector_store %arg5[%swap3A_379], %rev3A_378 {strides = array<i32>} : memref<3072xf32, #tpu.memory_space<vmem>>, vector<16xf32>,
    %get3A_381 = arith.constant 80 : index
    %get3A_382 = tpu.vector_load %arg4[%get3A_381] {strides = array<i32>} : memref<512xf32, #tpu.memory_space<vmem>>, vector<16xf32>,
    %rev3A_383 = arith.constant 15 : i32
    %rev3A_384 = vector.broadcast %rev3A_383 : i32 to vector<16xi32>
    %rev3A_385 = tpu.iota {dimensions = array<i32: 0>} : vector<16xi32>
    %rev3A_386 = arith.subi %rev3A_384, %rev3A_385 : vector<16xi32>
    %rev3A_387 = tpu.dynamic_gather %get3A_382[%rev3A_386] in [0] : vector<16xf32>, vector<16xi32> -> vector<16xf32>
    %swap3A_388 = arith.constant 928 : index
    %swap3A_389 = tpu.vector_load %arg5[%swap3A_388] {strides = array<i32>} : memref<3072xf32, #tpu.memory_space<vmem>>, vector<16xf32>,
    tpu.vector_store %arg5[%swap3A_388], %rev3A_387 {strides = array<i32>} : memref<3072xf32, #tpu.memory_space<vmem>>, vector<16xf32>,
    %get3A_390 = arith.constant 64 : index
    %get3A_391 = tpu.vector_load %arg4[%get3A_390] {strides = array<i32>} : memref<512xf32, #tpu.memory_space<vmem>>, vector<16xf32>,
    %rev3A_392 = arith.constant 15 : i32
    %rev3A_393 = vector.broadcast %rev3A_392 : i32 to vector<16xi32>
    %rev3A_394 = tpu.iota {dimensions = array<i32: 0>} : vector<16xi32>
    %rev3A_395 = arith.subi %rev3A_393, %rev3A_394 : vector<16xi32>
    %rev3A_396 = tpu.dynamic_gather %get3A_391[%rev3A_395] in [0] : vector<16xf32>, vector<16xi32> -> vector<16xf32>
    %swap3A_397 = arith.constant 944 : index
    %swap3A_398 = tpu.vector_load %arg5[%swap3A_397] {strides = array<i32>} : memref<3072xf32, #tpu.memory_space<vmem>>, vector<16xf32>,
    tpu.vector_store %arg5[%swap3A_397], %rev3A_396 {strides = array<i32>} : memref<3072xf32, #tpu.memory_space<vmem>>, vector<16xf32>,
    %get3A_399 = arith.constant 48 : index
    %get3A_400 = tpu.vector_load %arg4[%get3A_399] {strides = array<i32>} : memref<512xf32, #tpu.memory_space<vmem>>, vector<16xf32>,
    %rev3A_401 = arith.constant 15 : i32
    %rev3A_402 = vector.broadcast %rev3A_401 : i32 to vector<16xi32>
    %rev3A_403 = tpu.iota {dimensions = array<i32: 0>} : vector<16xi32>
    %rev3A_404 = arith.subi %rev3A_402, %rev3A_403 : vector<16xi32>
    %rev3A_405 = tpu.dynamic_gather %get3A_400[%rev3A_404] in [0] : vector<16xf32>, vector<16xi32> -> vector<16xf32>
    %swap3A_406 = arith.constant 960 : index
    %swap3A_407 = tpu.vector_load %arg5[%swap3A_406] {strides = array<i32>} : memref<3072xf32, #tpu.memory_space<vmem>>, vector<16xf32>,
    tpu.vector_store %arg5[%swap3A_406], %rev3A_405 {strides = array<i32>} : memref<3072xf32, #tpu.memory_space<vmem>>, vector<16xf32>,
    %get3A_408 = arith.constant 32 : index
    %get3A_409 = tpu.vector_load %arg4[%get3A_408] {strides = array<i32>} : memref<512xf32, #tpu.memory_space<vmem>>, vector<16xf32>,
    %rev3A_410 = arith.constant 15 : i32
    %rev3A_411 = vector.broadcast %rev3A_410 : i32 to vector<16xi32>
    %rev3A_412 = tpu.iota {dimensions = array<i32: 0>} : vector<16xi32>
    %rev3A_413 = arith.subi %rev3A_411, %rev3A_412 : vector<16xi32>
    %rev3A_414 = tpu.dynamic_gather %get3A_409[%rev3A_413] in [0] : vector<16xf32>, vector<16xi32> -> vector<16xf32>
    %swap3A_415 = arith.constant 976 : index
    %swap3A_416 = tpu.vector_load %arg5[%swap3A_415] {strides = array<i32>} : memref<3072xf32, #tpu.memory_space<vmem>>, vector<16xf32>,
    tpu.vector_store %arg5[%swap3A_415], %rev3A_414 {strides = array<i32>} : memref<3072xf32, #tpu.memory_space<vmem>>, vector<16xf32>,
    %get3A_417 = arith.constant 16 : index
    %get3A_418 = tpu.vector_load %arg4[%get3A_417] {strides = array<i32>} : memref<512xf32, #tpu.memory_space<vmem>>, vector<16xf32>,
    %rev3A_419 = arith.constant 15 : i32
    %rev3A_420 = vector.broadcast %rev3A_419 : i32 to vector<16xi32>
    %rev3A_421 = tpu.iota {dimensions = array<i32: 0>} : vector<16xi32>
    %rev3A_422 = arith.subi %rev3A_420, %rev3A_421 : vector<16xi32>
    %rev3A_423 = tpu.dynamic_gather %get3A_418[%rev3A_422] in [0] : vector<16xf32>, vector<16xi32> -> vector<16xf32>
    %swap3A_424 = arith.constant 992 : index
    %swap3A_425 = tpu.vector_load %arg5[%swap3A_424] {strides = array<i32>} : memref<3072xf32, #tpu.memory_space<vmem>>, vector<16xf32>,
    tpu.vector_store %arg5[%swap3A_424], %rev3A_423 {strides = array<i32>} : memref<3072xf32, #tpu.memory_space<vmem>>, vector<16xf32>,
    %get3A_426 = arith.constant 0 : index
    %get3A_427 = tpu.vector_load %arg4[%get3A_426] {strides = array<i32>} : memref<512xf32, #tpu.memory_space<vmem>>, vector<16xf32>,
    %rev3A_428 = arith.constant 15 : i32
    %rev3A_429 = vector.broadcast %rev3A_428 : i32 to vector<16xi32>
    %rev3A_430 = tpu.iota {dimensions = array<i32: 0>} : vector<16xi32>
    %rev3A_431 = arith.subi %rev3A_429, %rev3A_430 : vector<16xi32>
    %rev3A_432 = tpu.dynamic_gather %get3A_427[%rev3A_431] in [0] : vector<16xf32>, vector<16xi32> -> vector<16xf32>
    %swap3A_433 = arith.constant 1008 : index
    %swap3A_434 = tpu.vector_load %arg5[%swap3A_433] {strides = array<i32>} : memref<3072xf32, #tpu.memory_space<vmem>>, vector<16xf32>,
    tpu.vector_store %arg5[%swap3A_433], %rev3A_432 {strides = array<i32>} : memref<3072xf32, #tpu.memory_space<vmem>>, vector<16xf32>,
    %jit3A_435 = arith.constant 768 : i32
    %eq3A = arith.constant 0 : i32
    %eq3A_436 = arith.cmpi eq, %jit3A_435, %eq3A : i32
    %jit3A_437 = arith.constant 1 : i32
    %select_n3A_438 = arith.select %eq3A_436, %jit3A_437, %jit3A_435 : i32
    %rem3A_439 = arith.remsi %mul3A_2, %select_n3A_438 : i32
    %ne3A_440 = arith.constant 0 : i32
    %ne3A_441 = arith.cmpi ne, %rem3A_439, %ne3A_440 : i32
    %lt3A = arith.constant 0 : i32
    %lt3A_442 = arith.cmpi slt, %rem3A_439, %lt3A : i32
    %lt3A_443 = arith.constant 0 : i32
    %lt3A_444 = arith.cmpi slt, %select_n3A_438, %lt3A_443 : i32
    %ne3A_445 = arith.xori %lt3A_442, %lt3A_444 : i1
    %and3A_446 = arith.andi %ne3A_445, %ne3A_441 : i1
    %add3A_447 = arith.addi %rem3A_439, %select_n3A_438 : i32
    %select_n3A_448 = arith.select %and3A_446, %add3A_447, %rem3A_439 : i32
    %sub3A_449 = arith.constant 768 : i32
    %sub3A_450 = arith.subi %sub3A_449, %select_n3A_448 : i32
    %lt3A_451 = arith.constant 288 : i32
    %lt3A_452 = arith.cmpi slt, %sub3A_450, %lt3A_451 : i32
    %convert_element_type3A = arith.extui %lt3A_452 : i1 to i32
    %cond3A = arith.constant 0 : i32
    %cond3A_453 = arith.cmpi ne, %convert_element_type3A, %cond3A : i32
    scf.if %cond3A_453 {
      %add3A_556 = arith.constant 1 : i32
      %add3A_557 = arith.addi %select_n3A, %add3A_556 : i32
      "tpu.region"() ({
        %run_scoped3A = tpu.sem_alloc : memref<!tpu.dma_semaphore, #tpu.memory_space<semaphore_mem>>
        %dma_start3A_979 = arith.constant 0 : i32
        %dma_start3A_980 = tpu.memref_slice %arg2[%add3A_557, %dma_start3A_979] : memref<12x512xf32, #tpu.memory_space<hbm>> -> memref<1x512xf32, #tpu.memory_space<hbm>>
        %dma_start3A_981 = tpu.memref_squeeze %dma_start3A_980 : memref<1x512xf32, #tpu.memory_space<hbm>> -> memref<512xf32, #tpu.memory_space<hbm>>
        %dma_start3A_982 = arith.constant 0 : i32
        %dma_start3A_983 = tpu.memref_slice %arg2[%add3A_557, %dma_start3A_982] : memref<12x512xf32, #tpu.memory_space<hbm>> -> memref<1x512xf32, #tpu.memory_space<hbm>>
        %dma_start3A_984 = tpu.memref_squeeze %dma_start3A_983 : memref<1x512xf32, #tpu.memory_space<hbm>> -> memref<512xf32, #tpu.memory_space<hbm>>
        tpu.enqueue_dma source(%dma_start3A_984 : memref<512xf32, #tpu.memory_space<hbm>>) target(%arg4 : memref<512xf32, #tpu.memory_space<vmem>>) target_semaphore(%run_scoped3A : memref<!tpu.dma_semaphore, #tpu.memory_space<semaphore_mem>>)
        %dma_wait3A_985 = arith.constant 0 : i32
        %dma_wait3A_986 = tpu.memref_slice %arg2[%add3A_557, %dma_wait3A_985] : memref<12x512xf32, #tpu.memory_space<hbm>> -> memref<1x512xf32, #tpu.memory_space<hbm>>
        %dma_wait3A_987 = tpu.memref_squeeze %dma_wait3A_986 : memref<1x512xf32, #tpu.memory_space<hbm>> -> memref<512xf32, #tpu.memory_space<hbm>>
        %dma_wait3A_988 = arith.constant 0 : i32
        %dma_wait3A_989 = tpu.memref_slice %arg2[%add3A_557, %dma_wait3A_988] : memref<12x512xf32, #tpu.memory_space<hbm>> -> memref<1x512xf32, #tpu.memory_space<hbm>>
        %dma_wait3A_990 = tpu.memref_squeeze %dma_wait3A_989 : memref<1x512xf32, #tpu.memory_space<hbm>> -> memref<512xf32, #tpu.memory_space<hbm>>
        tpu.wait_dma2 semaphore(%run_scoped3A : memref<!tpu.dma_semaphore, #tpu.memory_space<semaphore_mem>>) src(%dma_wait3A_990 : memref<512xf32, #tpu.memory_space<hbm>>) dst(%arg4 : memref<512xf32, #tpu.memory_space<vmem>>)
        tpu.yield
      }) : () -> ()
      %broadcast_in_dim3A_558 = arith.constant 511 : i32
      %broadcast_in_dim3A_559 = vector.broadcast %broadcast_in_dim3A_558 : i32 to vector<16xi32>
      %gather3A_560 = tpu.vector_load_idx %arg4[%broadcast_in_dim3A_559] : memref<512xf32, #tpu.memory_space<vmem>>[vector<16xi32>], vector<16xf32>,
      %broadcast_in_dim3A_561 = arith.constant 0.000000e+00 : f32
      %broadcast_in_dim3A_562 = vector.broadcast %broadcast_in_dim3A_561 : f32 to vector<16xf32>
      %swap3A_563 = arith.constant 1536 : index
      %swap3A_564 = tpu.vector_load %arg5[%swap3A_563] {strides = array<i32>} : memref<3072xf32, #tpu.memory_space<vmem>>, vector<16xf32>,
      tpu.vector_store %arg5[%swap3A_563], %gather3A_560 {strides = array<i32>} : memref<3072xf32, #tpu.memory_space<vmem>>, vector<16xf32>,
      %swap3A_565 = arith.constant 2560 : index
      %swap3A_566 = tpu.vector_load %arg5[%swap3A_565] {strides = array<i32>} : memref<3072xf32, #tpu.memory_space<vmem>>, vector<16xf32>,
      tpu.vector_store %arg5[%swap3A_565], %broadcast_in_dim3A_562 {strides = array<i32>} : memref<3072xf32, #tpu.memory_space<vmem>>, vector<16xf32>,
      %swap3A_567 = arith.constant 1552 : index
      %swap3A_568 = tpu.vector_load %arg5[%swap3A_567] {strides = array<i32>} : memref<3072xf32, #tpu.memory_space<vmem>>, vector<16xf32>,
      tpu.vector_store %arg5[%swap3A_567], %gather3A_560 {strides = array<i32>} : memref<3072xf32, #tpu.memory_space<vmem>>, vector<16xf32>,
      %swap3A_569 = arith.constant 2576 : index
      %swap3A_570 = tpu.vector_load %arg5[%swap3A_569] {strides = array<i32>} : memref<3072xf32, #tpu.memory_space<vmem>>, vector<16xf32>,
      tpu.vector_store %arg5[%swap3A_569], %broadcast_in_dim3A_562 {strides = array<i32>} : memref<3072xf32, #tpu.memory_space<vmem>>, vector<16xf32>,
      %swap3A_571 = arith.constant 1568 : index
      %swap3A_572 = tpu.vector_load %arg5[%swap3A_571] {strides = array<i32>} : memref<3072xf32, #tpu.memory_space<vmem>>, vector<16xf32>,
      tpu.vector_store %arg5[%swap3A_571], %gather3A_560 {strides = array<i32>} : memref<3072xf32, #tpu.memory_space<vmem>>, vector<16xf32>,
      %swap3A_573 = arith.constant 2592 : index
      %swap3A_574 = tpu.vector_load %arg5[%swap3A_573] {strides = array<i32>} : memref<3072xf32, #tpu.memory_space<vmem>>, vector<16xf32>,
      tpu.vector_store %arg5[%swap3A_573], %broadcast_in_dim3A_562 {strides = array<i32>} : memref<3072xf32, #tpu.memory_space<vmem>>, vector<16xf32>,
      %swap3A_575 = arith.constant 1584 : index
      %swap3A_576 = tpu.vector_load %arg5[%swap3A_575] {strides = array<i32>} : memref<3072xf32, #tpu.memory_space<vmem>>, vector<16xf32>,
      tpu.vector_store %arg5[%swap3A_575], %gather3A_560 {strides = array<i32>} : memref<3072xf32, #tpu.memory_space<vmem>>, vector<16xf32>,
      %swap3A_577 = arith.constant 2608 : index
      %swap3A_578 = tpu.vector_load %arg5[%swap3A_577] {strides = array<i32>} : memref<3072xf32, #tpu.memory_space<vmem>>, vector<16xf32>,
      tpu.vector_store %arg5[%swap3A_577], %broadcast_in_dim3A_562 {strides = array<i32>} : memref<3072xf32, #tpu.memory_space<vmem>>, vector<16xf32>,
      %swap3A_579 = arith.constant 1600 : index
      %swap3A_580 = tpu.vector_load %arg5[%swap3A_579] {strides = array<i32>} : memref<3072xf32, #tpu.memory_space<vmem>>, vector<16xf32>,
      tpu.vector_store %arg5[%swap3A_579], %gather3A_560 {strides = array<i32>} : memref<3072xf32, #tpu.memory_space<vmem>>, vector<16xf32>,
      %swap3A_581 = arith.constant 2624 : index
      %swap3A_582 = tpu.vector_load %arg5[%swap3A_581] {strides = array<i32>} : memref<3072xf32, #tpu.memory_space<vmem>>, vector<16xf32>,
      tpu.vector_store %arg5[%swap3A_581], %broadcast_in_dim3A_562 {strides = array<i32>} : memref<3072xf32, #tpu.memory_space<vmem>>, vector<16xf32>,
      %swap3A_583 = arith.constant 1616 : index
      %swap3A_584 = tpu.vector_load %arg5[%swap3A_583] {strides = array<i32>} : memref<3072xf32, #tpu.memory_space<vmem>>, vector<16xf32>,
      tpu.vector_store %arg5[%swap3A_583], %gather3A_560 {strides = array<i32>} : memref<3072xf32, #tpu.memory_space<vmem>>, vector<16xf32>,
      %swap3A_585 = arith.constant 2640 : index
      %swap3A_586 = tpu.vector_load %arg5[%swap3A_585] {strides = array<i32>} : memref<3072xf32, #tpu.memory_space<vmem>>, vector<16xf32>,
      tpu.vector_store %arg5[%swap3A_585], %broadcast_in_dim3A_562 {strides = array<i32>} : memref<3072xf32, #tpu.memory_space<vmem>>, vector<16xf32>,
      %swap3A_587 = arith.constant 1632 : index
      %swap3A_588 = tpu.vector_load %arg5[%swap3A_587] {strides = array<i32>} : memref<3072xf32, #tpu.memory_space<vmem>>, vector<16xf32>,
      tpu.vector_store %arg5[%swap3A_587], %gather3A_560 {strides = array<i32>} : memref<3072xf32, #tpu.memory_space<vmem>>, vector<16xf32>,
      %swap3A_589 = arith.constant 2656 : index
      %swap3A_590 = tpu.vector_load %arg5[%swap3A_589] {strides = array<i32>} : memref<3072xf32, #tpu.memory_space<vmem>>, vector<16xf32>,
      tpu.vector_store %arg5[%swap3A_589], %broadcast_in_dim3A_562 {strides = array<i32>} : memref<3072xf32, #tpu.memory_space<vmem>>, vector<16xf32>,
      %swap3A_591 = arith.constant 1648 : index
      %swap3A_592 = tpu.vector_load %arg5[%swap3A_591] {strides = array<i32>} : memref<3072xf32, #tpu.memory_space<vmem>>, vector<16xf32>,
      tpu.vector_store %arg5[%swap3A_591], %gather3A_560 {strides = array<i32>} : memref<3072xf32, #tpu.memory_space<vmem>>, vector<16xf32>,
      %swap3A_593 = arith.constant 2672 : index
      %swap3A_594 = tpu.vector_load %arg5[%swap3A_593] {strides = array<i32>} : memref<3072xf32, #tpu.memory_space<vmem>>, vector<16xf32>,
      tpu.vector_store %arg5[%swap3A_593], %broadcast_in_dim3A_562 {strides = array<i32>} : memref<3072xf32, #tpu.memory_space<vmem>>, vector<16xf32>,
      %swap3A_595 = arith.constant 1664 : index
      %swap3A_596 = tpu.vector_load %arg5[%swap3A_595] {strides = array<i32>} : memref<3072xf32, #tpu.memory_space<vmem>>, vector<16xf32>,
      tpu.vector_store %arg5[%swap3A_595], %gather3A_560 {strides = array<i32>} : memref<3072xf32, #tpu.memory_space<vmem>>, vector<16xf32>,
      %swap3A_597 = arith.constant 2688 : index
      %swap3A_598 = tpu.vector_load %arg5[%swap3A_597] {strides = array<i32>} : memref<3072xf32, #tpu.memory_space<vmem>>, vector<16xf32>,
      tpu.vector_store %arg5[%swap3A_597], %broadcast_in_dim3A_562 {strides = array<i32>} : memref<3072xf32, #tpu.memory_space<vmem>>, vector<16xf32>,
      %swap3A_599 = arith.constant 1680 : index
      %swap3A_600 = tpu.vector_load %arg5[%swap3A_599] {strides = array<i32>} : memref<3072xf32, #tpu.memory_space<vmem>>, vector<16xf32>,
      tpu.vector_store %arg5[%swap3A_599], %gather3A_560 {strides = array<i32>} : memref<3072xf32, #tpu.memory_space<vmem>>, vector<16xf32>,
      %swap3A_601 = arith.constant 2704 : index
      %swap3A_602 = tpu.vector_load %arg5[%swap3A_601] {strides = array<i32>} : memref<3072xf32, #tpu.memory_space<vmem>>, vector<16xf32>,
      tpu.vector_store %arg5[%swap3A_601], %broadcast_in_dim3A_562 {strides = array<i32>} : memref<3072xf32, #tpu.memory_space<vmem>>, vector<16xf32>,
      %swap3A_603 = arith.constant 1696 : index
      %swap3A_604 = tpu.vector_load %arg5[%swap3A_603] {strides = array<i32>} : memref<3072xf32, #tpu.memory_space<vmem>>, vector<16xf32>,
      tpu.vector_store %arg5[%swap3A_603], %gather3A_560 {strides = array<i32>} : memref<3072xf32, #tpu.memory_space<vmem>>, vector<16xf32>,
      %swap3A_605 = arith.constant 2720 : index
      %swap3A_606 = tpu.vector_load %arg5[%swap3A_605] {strides = array<i32>} : memref<3072xf32, #tpu.memory_space<vmem>>, vector<16xf32>,
      tpu.vector_store %arg5[%swap3A_605], %broadcast_in_dim3A_562 {strides = array<i32>} : memref<3072xf32, #tpu.memory_space<vmem>>, vector<16xf32>,
      %swap3A_607 = arith.constant 1712 : index
      %swap3A_608 = tpu.vector_load %arg5[%swap3A_607] {strides = array<i32>} : memref<3072xf32, #tpu.memory_space<vmem>>, vector<16xf32>,
      tpu.vector_store %arg5[%swap3A_607], %gather3A_560 {strides = array<i32>} : memref<3072xf32, #tpu.memory_space<vmem>>, vector<16xf32>,
      %swap3A_609 = arith.constant 2736 : index
      %swap3A_610 = tpu.vector_load %arg5[%swap3A_609] {strides = array<i32>} : memref<3072xf32, #tpu.memory_space<vmem>>, vector<16xf32>,
      tpu.vector_store %arg5[%swap3A_609], %broadcast_in_dim3A_562 {strides = array<i32>} : memref<3072xf32, #tpu.memory_space<vmem>>, vector<16xf32>,
      %swap3A_611 = arith.constant 1728 : index
      %swap3A_612 = tpu.vector_load %arg5[%swap3A_611] {strides = array<i32>} : memref<3072xf32, #tpu.memory_space<vmem>>, vector<16xf32>,
      tpu.vector_store %arg5[%swap3A_611], %gather3A_560 {strides = array<i32>} : memref<3072xf32, #tpu.memory_space<vmem>>, vector<16xf32>,
      %swap3A_613 = arith.constant 2752 : index
      %swap3A_614 = tpu.vector_load %arg5[%swap3A_613] {strides = array<i32>} : memref<3072xf32, #tpu.memory_space<vmem>>, vector<16xf32>,
      tpu.vector_store %arg5[%swap3A_613], %broadcast_in_dim3A_562 {strides = array<i32>} : memref<3072xf32, #tpu.memory_space<vmem>>, vector<16xf32>,
      %swap3A_615 = arith.constant 1744 : index
      %swap3A_616 = tpu.vector_load %arg5[%swap3A_615] {strides = array<i32>} : memref<3072xf32, #tpu.memory_space<vmem>>, vector<16xf32>,
      tpu.vector_store %arg5[%swap3A_615], %gather3A_560 {strides = array<i32>} : memref<3072xf32, #tpu.memory_space<vmem>>, vector<16xf32>,
      %swap3A_617 = arith.constant 2768 : index
      %swap3A_618 = tpu.vector_load %arg5[%swap3A_617] {strides = array<i32>} : memref<3072xf32, #tpu.memory_space<vmem>>, vector<16xf32>,
      tpu.vector_store %arg5[%swap3A_617], %broadcast_in_dim3A_562 {strides = array<i32>} : memref<3072xf32, #tpu.memory_space<vmem>>, vector<16xf32>,
      %swap3A_619 = arith.constant 1760 : index
      %swap3A_620 = tpu.vector_load %arg5[%swap3A_619] {strides = array<i32>} : memref<3072xf32, #tpu.memory_space<vmem>>, vector<16xf32>,
      tpu.vector_store %arg5[%swap3A_619], %gather3A_560 {strides = array<i32>} : memref<3072xf32, #tpu.memory_space<vmem>>, vector<16xf32>,
      %swap3A_621 = arith.constant 2784 : index
      %swap3A_622 = tpu.vector_load %arg5[%swap3A_621] {strides = array<i32>} : memref<3072xf32, #tpu.memory_space<vmem>>, vector<16xf32>,
      tpu.vector_store %arg5[%swap3A_621], %broadcast_in_dim3A_562 {strides = array<i32>} : memref<3072xf32, #tpu.memory_space<vmem>>, vector<16xf32>,
      %swap3A_623 = arith.constant 1776 : index
      %swap3A_624 = tpu.vector_load %arg5[%swap3A_623] {strides = array<i32>} : memref<3072xf32, #tpu.memory_space<vmem>>, vector<16xf32>,
      tpu.vector_store %arg5[%swap3A_623], %gather3A_560 {strides = array<i32>} : memref<3072xf32, #tpu.memory_space<vmem>>, vector<16xf32>,
      %swap3A_625 = arith.constant 2800 : index
      %swap3A_626 = tpu.vector_load %arg5[%swap3A_625] {strides = array<i32>} : memref<3072xf32, #tpu.memory_space<vmem>>, vector<16xf32>,
      tpu.vector_store %arg5[%swap3A_625], %broadcast_in_dim3A_562 {strides = array<i32>} : memref<3072xf32, #tpu.memory_space<vmem>>, vector<16xf32>,
      %swap3A_627 = arith.constant 1792 : index
      %swap3A_628 = tpu.vector_load %arg5[%swap3A_627] {strides = array<i32>} : memref<3072xf32, #tpu.memory_space<vmem>>, vector<16xf32>,
      tpu.vector_store %arg5[%swap3A_627], %gather3A_560 {strides = array<i32>} : memref<3072xf32, #tpu.memory_space<vmem>>, vector<16xf32>,
      %swap3A_629 = arith.constant 2816 : index
      %swap3A_630 = tpu.vector_load %arg5[%swap3A_629] {strides = array<i32>} : memref<3072xf32, #tpu.memory_space<vmem>>, vector<16xf32>,
      tpu.vector_store %arg5[%swap3A_629], %broadcast_in_dim3A_562 {strides = array<i32>} : memref<3072xf32, #tpu.memory_space<vmem>>, vector<16xf32>,
      %swap3A_631 = arith.constant 1808 : index
      %swap3A_632 = tpu.vector_load %arg5[%swap3A_631] {strides = array<i32>} : memref<3072xf32, #tpu.memory_space<vmem>>, vector<16xf32>,
      tpu.vector_store %arg5[%swap3A_631], %gather3A_560 {strides = array<i32>} : memref<3072xf32, #tpu.memory_space<vmem>>, vector<16xf32>,
      %swap3A_633 = arith.constant 2832 : index
      %swap3A_634 = tpu.vector_load %arg5[%swap3A_633] {strides = array<i32>} : memref<3072xf32, #tpu.memory_space<vmem>>, vector<16xf32>,
      tpu.vector_store %arg5[%swap3A_633], %broadcast_in_dim3A_562 {strides = array<i32>} : memref<3072xf32, #tpu.memory_space<vmem>>, vector<16xf32>,
      %swap3A_635 = arith.constant 1824 : index
      %swap3A_636 = tpu.vector_load %arg5[%swap3A_635] {strides = array<i32>} : memref<3072xf32, #tpu.memory_space<vmem>>, vector<16xf32>,
      tpu.vector_store %arg5[%swap3A_635], %gather3A_560 {strides = array<i32>} : memref<3072xf32, #tpu.memory_space<vmem>>, vector<16xf32>,
      %swap3A_637 = arith.constant 2848 : index
      %swap3A_638 = tpu.vector_load %arg5[%swap3A_637] {strides = array<i32>} : memref<3072xf32, #tpu.memory_space<vmem>>, vector<16xf32>,
      tpu.vector_store %arg5[%swap3A_637], %broadcast_in_dim3A_562 {strides = array<i32>} : memref<3072xf32, #tpu.memory_space<vmem>>, vector<16xf32>,
      %swap3A_639 = arith.constant 1840 : index
      %swap3A_640 = tpu.vector_load %arg5[%swap3A_639] {strides = array<i32>} : memref<3072xf32, #tpu.memory_space<vmem>>, vector<16xf32>,
      tpu.vector_store %arg5[%swap3A_639], %gather3A_560 {strides = array<i32>} : memref<3072xf32, #tpu.memory_space<vmem>>, vector<16xf32>,
      %swap3A_641 = arith.constant 2864 : index
      %swap3A_642 = tpu.vector_load %arg5[%swap3A_641] {strides = array<i32>} : memref<3072xf32, #tpu.memory_space<vmem>>, vector<16xf32>,
      tpu.vector_store %arg5[%swap3A_641], %broadcast_in_dim3A_562 {strides = array<i32>} : memref<3072xf32, #tpu.memory_space<vmem>>, vector<16xf32>,
      %swap3A_643 = arith.constant 1856 : index
      %swap3A_644 = tpu.vector_load %arg5[%swap3A_643] {strides = array<i32>} : memref<3072xf32, #tpu.memory_space<vmem>>, vector<16xf32>,
      tpu.vector_store %arg5[%swap3A_643], %gather3A_560 {strides = array<i32>} : memref<3072xf32, #tpu.memory_space<vmem>>, vector<16xf32>,
      %swap3A_645 = arith.constant 2880 : index
      %swap3A_646 = tpu.vector_load %arg5[%swap3A_645] {strides = array<i32>} : memref<3072xf32, #tpu.memory_space<vmem>>, vector<16xf32>,
      tpu.vector_store %arg5[%swap3A_645], %broadcast_in_dim3A_562 {strides = array<i32>} : memref<3072xf32, #tpu.memory_space<vmem>>, vector<16xf32>,
      %swap3A_647 = arith.constant 1872 : index
      %swap3A_648 = tpu.vector_load %arg5[%swap3A_647] {strides = array<i32>} : memref<3072xf32, #tpu.memory_space<vmem>>, vector<16xf32>,
      tpu.vector_store %arg5[%swap3A_647], %gather3A_560 {strides = array<i32>} : memref<3072xf32, #tpu.memory_space<vmem>>, vector<16xf32>,
      %swap3A_649 = arith.constant 2896 : index
      %swap3A_650 = tpu.vector_load %arg5[%swap3A_649] {strides = array<i32>} : memref<3072xf32, #tpu.memory_space<vmem>>, vector<16xf32>,
      tpu.vector_store %arg5[%swap3A_649], %broadcast_in_dim3A_562 {strides = array<i32>} : memref<3072xf32, #tpu.memory_space<vmem>>, vector<16xf32>,
      %swap3A_651 = arith.constant 1888 : index
      %swap3A_652 = tpu.vector_load %arg5[%swap3A_651] {strides = array<i32>} : memref<3072xf32, #tpu.memory_space<vmem>>, vector<16xf32>,
      tpu.vector_store %arg5[%swap3A_651], %gather3A_560 {strides = array<i32>} : memref<3072xf32, #tpu.memory_space<vmem>>, vector<16xf32>,
      %swap3A_653 = arith.constant 2912 : index
      %swap3A_654 = tpu.vector_load %arg5[%swap3A_653] {strides = array<i32>} : memref<3072xf32, #tpu.memory_space<vmem>>, vector<16xf32>,
      tpu.vector_store %arg5[%swap3A_653], %broadcast_in_dim3A_562 {strides = array<i32>} : memref<3072xf32, #tpu.memory_space<vmem>>, vector<16xf32>,
      %swap3A_655 = arith.constant 1904 : index
      %swap3A_656 = tpu.vector_load %arg5[%swap3A_655] {strides = array<i32>} : memref<3072xf32, #tpu.memory_space<vmem>>, vector<16xf32>,
      tpu.vector_store %arg5[%swap3A_655], %gather3A_560 {strides = array<i32>} : memref<3072xf32, #tpu.memory_space<vmem>>, vector<16xf32>,
      %swap3A_657 = arith.constant 2928 : index
      %swap3A_658 = tpu.vector_load %arg5[%swap3A_657] {strides = array<i32>} : memref<3072xf32, #tpu.memory_space<vmem>>, vector<16xf32>,
      tpu.vector_store %arg5[%swap3A_657], %broadcast_in_dim3A_562 {strides = array<i32>} : memref<3072xf32, #tpu.memory_space<vmem>>, vector<16xf32>,
      %swap3A_659 = arith.constant 1920 : index
      %swap3A_660 = tpu.vector_load %arg5[%swap3A_659] {strides = array<i32>} : memref<3072xf32, #tpu.memory_space<vmem>>, vector<16xf32>,
      tpu.vector_store %arg5[%swap3A_659], %gather3A_560 {strides = array<i32>} : memref<3072xf32, #tpu.memory_space<vmem>>, vector<16xf32>,
      %swap3A_661 = arith.constant 2944 : index
      %swap3A_662 = tpu.vector_load %arg5[%swap3A_661] {strides = array<i32>} : memref<3072xf32, #tpu.memory_space<vmem>>, vector<16xf32>,
      tpu.vector_store %arg5[%swap3A_661], %broadcast_in_dim3A_562 {strides = array<i32>} : memref<3072xf32, #tpu.memory_space<vmem>>, vector<16xf32>,
      %swap3A_663 = arith.constant 1936 : index
      %swap3A_664 = tpu.vector_load %arg5[%swap3A_663] {strides = array<i32>} : memref<3072xf32, #tpu.memory_space<vmem>>, vector<16xf32>,
      tpu.vector_store %arg5[%swap3A_663], %gather3A_560 {strides = array<i32>} : memref<3072xf32, #tpu.memory_space<vmem>>, vector<16xf32>,
      %swap3A_665 = arith.constant 2960 : index
      %swap3A_666 = tpu.vector_load %arg5[%swap3A_665] {strides = array<i32>} : memref<3072xf32, #tpu.memory_space<vmem>>, vector<16xf32>,
      tpu.vector_store %arg5[%swap3A_665], %broadcast_in_dim3A_562 {strides = array<i32>} : memref<3072xf32, #tpu.memory_space<vmem>>, vector<16xf32>,
      %swap3A_667 = arith.constant 1952 : index
      %swap3A_668 = tpu.vector_load %arg5[%swap3A_667] {strides = array<i32>} : memref<3072xf32, #tpu.memory_space<vmem>>, vector<16xf32>,
      tpu.vector_store %arg5[%swap3A_667], %gather3A_560 {strides = array<i32>} : memref<3072xf32, #tpu.memory_space<vmem>>, vector<16xf32>,
      %swap3A_669 = arith.constant 2976 : index
      %swap3A_670 = tpu.vector_load %arg5[%swap3A_669] {strides = array<i32>} : memref<3072xf32, #tpu.memory_space<vmem>>, vector<16xf32>,
      tpu.vector_store %arg5[%swap3A_669], %broadcast_in_dim3A_562 {strides = array<i32>} : memref<3072xf32, #tpu.memory_space<vmem>>, vector<16xf32>,
      %swap3A_671 = arith.constant 1968 : index
      %swap3A_672 = tpu.vector_load %arg5[%swap3A_671] {strides = array<i32>} : memref<3072xf32, #tpu.memory_space<vmem>>, vector<16xf32>,
      tpu.vector_store %arg5[%swap3A_671], %gather3A_560 {strides = array<i32>} : memref<3072xf32, #tpu.memory_space<vmem>>, vector<16xf32>,
      %swap3A_673 = arith.constant 2992 : index
      %swap3A_674 = tpu.vector_load %arg5[%swap3A_673] {strides = array<i32>} : memref<3072xf32, #tpu.memory_space<vmem>>, vector<16xf32>,
      tpu.vector_store %arg5[%swap3A_673], %broadcast_in_dim3A_562 {strides = array<i32>} : memref<3072xf32, #tpu.memory_space<vmem>>, vector<16xf32>,
      %swap3A_675 = arith.constant 1984 : index
      %swap3A_676 = tpu.vector_load %arg5[%swap3A_675] {strides = array<i32>} : memref<3072xf32, #tpu.memory_space<vmem>>, vector<16xf32>,
      tpu.vector_store %arg5[%swap3A_675], %gather3A_560 {strides = array<i32>} : memref<3072xf32, #tpu.memory_space<vmem>>, vector<16xf32>,
      %swap3A_677 = arith.constant 3008 : index
      %swap3A_678 = tpu.vector_load %arg5[%swap3A_677] {strides = array<i32>} : memref<3072xf32, #tpu.memory_space<vmem>>, vector<16xf32>,
      tpu.vector_store %arg5[%swap3A_677], %broadcast_in_dim3A_562 {strides = array<i32>} : memref<3072xf32, #tpu.memory_space<vmem>>, vector<16xf32>,
      %swap3A_679 = arith.constant 2000 : index
      %swap3A_680 = tpu.vector_load %arg5[%swap3A_679] {strides = array<i32>} : memref<3072xf32, #tpu.memory_space<vmem>>, vector<16xf32>,
      tpu.vector_store %arg5[%swap3A_679], %gather3A_560 {strides = array<i32>} : memref<3072xf32, #tpu.memory_space<vmem>>, vector<16xf32>,
      %swap3A_681 = arith.constant 3024 : index
      %swap3A_682 = tpu.vector_load %arg5[%swap3A_681] {strides = array<i32>} : memref<3072xf32, #tpu.memory_space<vmem>>, vector<16xf32>,
      tpu.vector_store %arg5[%swap3A_681], %broadcast_in_dim3A_562 {strides = array<i32>} : memref<3072xf32, #tpu.memory_space<vmem>>, vector<16xf32>,
      %swap3A_683 = arith.constant 2016 : index
      %swap3A_684 = tpu.vector_load %arg5[%swap3A_683] {strides = array<i32>} : memref<3072xf32, #tpu.memory_space<vmem>>, vector<16xf32>,
      tpu.vector_store %arg5[%swap3A_683], %gather3A_560 {strides = array<i32>} : memref<3072xf32, #tpu.memory_space<vmem>>, vector<16xf32>,
      %swap3A_685 = arith.constant 3040 : index
      %swap3A_686 = tpu.vector_load %arg5[%swap3A_685] {strides = array<i32>} : memref<3072xf32, #tpu.memory_space<vmem>>, vector<16xf32>,
      tpu.vector_store %arg5[%swap3A_685], %broadcast_in_dim3A_562 {strides = array<i32>} : memref<3072xf32, #tpu.memory_space<vmem>>, vector<16xf32>,
      %swap3A_687 = arith.constant 2032 : index
      %swap3A_688 = tpu.vector_load %arg5[%swap3A_687] {strides = array<i32>} : memref<3072xf32, #tpu.memory_space<vmem>>, vector<16xf32>,
      tpu.vector_store %arg5[%swap3A_687], %gather3A_560 {strides = array<i32>} : memref<3072xf32, #tpu.memory_space<vmem>>, vector<16xf32>,
      %swap3A_689 = arith.constant 3056 : index
      %swap3A_690 = tpu.vector_load %arg5[%swap3A_689] {strides = array<i32>} : memref<3072xf32, #tpu.memory_space<vmem>>, vector<16xf32>,
      tpu.vector_store %arg5[%swap3A_689], %broadcast_in_dim3A_562 {strides = array<i32>} : memref<3072xf32, #tpu.memory_space<vmem>>, vector<16xf32>,
      %get3A_691 = arith.constant 496 : index
      %get3A_692 = tpu.vector_load %arg4[%get3A_691] {strides = array<i32>} : memref<512xf32, #tpu.memory_space<vmem>>, vector<16xf32>,
      %rev3A_693 = arith.constant 15 : i32
      %rev3A_694 = vector.broadcast %rev3A_693 : i32 to vector<16xi32>
      %rev3A_695 = tpu.iota {dimensions = array<i32: 0>} : vector<16xi32>
      %rev3A_696 = arith.subi %rev3A_694, %rev3A_695 : vector<16xi32>
      %rev3A_697 = tpu.dynamic_gather %get3A_692[%rev3A_696] in [0] : vector<16xf32>, vector<16xi32> -> vector<16xf32>
      %swap3A_698 = arith.constant 2048 : index
      %swap3A_699 = tpu.vector_load %arg5[%swap3A_698] {strides = array<i32>} : memref<3072xf32, #tpu.memory_space<vmem>>, vector<16xf32>,
      tpu.vector_store %arg5[%swap3A_698], %rev3A_697 {strides = array<i32>} : memref<3072xf32, #tpu.memory_space<vmem>>, vector<16xf32>,
      %get3A_700 = arith.constant 480 : index
      %get3A_701 = tpu.vector_load %arg4[%get3A_700] {strides = array<i32>} : memref<512xf32, #tpu.memory_space<vmem>>, vector<16xf32>,
      %rev3A_702 = arith.constant 15 : i32
      %rev3A_703 = vector.broadcast %rev3A_702 : i32 to vector<16xi32>
      %rev3A_704 = tpu.iota {dimensions = array<i32: 0>} : vector<16xi32>
      %rev3A_705 = arith.subi %rev3A_703, %rev3A_704 : vector<16xi32>
      %rev3A_706 = tpu.dynamic_gather %get3A_701[%rev3A_705] in [0] : vector<16xf32>, vector<16xi32> -> vector<16xf32>
      %swap3A_707 = arith.constant 2064 : index
      %swap3A_708 = tpu.vector_load %arg5[%swap3A_707] {strides = array<i32>} : memref<3072xf32, #tpu.memory_space<vmem>>, vector<16xf32>,
      tpu.vector_store %arg5[%swap3A_707], %rev3A_706 {strides = array<i32>} : memref<3072xf32, #tpu.memory_space<vmem>>, vector<16xf32>,
      %get3A_709 = arith.constant 464 : index
      %get3A_710 = tpu.vector_load %arg4[%get3A_709] {strides = array<i32>} : memref<512xf32, #tpu.memory_space<vmem>>, vector<16xf32>,
      %rev3A_711 = arith.constant 15 : i32
      %rev3A_712 = vector.broadcast %rev3A_711 : i32 to vector<16xi32>
      %rev3A_713 = tpu.iota {dimensions = array<i32: 0>} : vector<16xi32>
      %rev3A_714 = arith.subi %rev3A_712, %rev3A_713 : vector<16xi32>
      %rev3A_715 = tpu.dynamic_gather %get3A_710[%rev3A_714] in [0] : vector<16xf32>, vector<16xi32> -> vector<16xf32>
      %swap3A_716 = arith.constant 2080 : index
      %swap3A_717 = tpu.vector_load %arg5[%swap3A_716] {strides = array<i32>} : memref<3072xf32, #tpu.memory_space<vmem>>, vector<16xf32>,
      tpu.vector_store %arg5[%swap3A_716], %rev3A_715 {strides = array<i32>} : memref<3072xf32, #tpu.memory_space<vmem>>, vector<16xf32>,
      %get3A_718 = arith.constant 448 : index
      %get3A_719 = tpu.vector_load %arg4[%get3A_718] {strides = array<i32>} : memref<512xf32, #tpu.memory_space<vmem>>, vector<16xf32>,
      %rev3A_720 = arith.constant 15 : i32
      %rev3A_721 = vector.broadcast %rev3A_720 : i32 to vector<16xi32>
      %rev3A_722 = tpu.iota {dimensions = array<i32: 0>} : vector<16xi32>
      %rev3A_723 = arith.subi %rev3A_721, %rev3A_722 : vector<16xi32>
      %rev3A_724 = tpu.dynamic_gather %get3A_719[%rev3A_723] in [0] : vector<16xf32>, vector<16xi32> -> vector<16xf32>
      %swap3A_725 = arith.constant 2096 : index
      %swap3A_726 = tpu.vector_load %arg5[%swap3A_725] {strides = array<i32>} : memref<3072xf32, #tpu.memory_space<vmem>>, vector<16xf32>,
      tpu.vector_store %arg5[%swap3A_725], %rev3A_724 {strides = array<i32>} : memref<3072xf32, #tpu.memory_space<vmem>>, vector<16xf32>,
      %get3A_727 = arith.constant 432 : index
      %get3A_728 = tpu.vector_load %arg4[%get3A_727] {strides = array<i32>} : memref<512xf32, #tpu.memory_space<vmem>>, vector<16xf32>,
      %rev3A_729 = arith.constant 15 : i32
      %rev3A_730 = vector.broadcast %rev3A_729 : i32 to vector<16xi32>
      %rev3A_731 = tpu.iota {dimensions = array<i32: 0>} : vector<16xi32>
      %rev3A_732 = arith.subi %rev3A_730, %rev3A_731 : vector<16xi32>
      %rev3A_733 = tpu.dynamic_gather %get3A_728[%rev3A_732] in [0] : vector<16xf32>, vector<16xi32> -> vector<16xf32>
      %swap3A_734 = arith.constant 2112 : index
      %swap3A_735 = tpu.vector_load %arg5[%swap3A_734] {strides = array<i32>} : memref<3072xf32, #tpu.memory_space<vmem>>, vector<16xf32>,
      tpu.vector_store %arg5[%swap3A_734], %rev3A_733 {strides = array<i32>} : memref<3072xf32, #tpu.memory_space<vmem>>, vector<16xf32>,
      %get3A_736 = arith.constant 416 : index
      %get3A_737 = tpu.vector_load %arg4[%get3A_736] {strides = array<i32>} : memref<512xf32, #tpu.memory_space<vmem>>, vector<16xf32>,
      %rev3A_738 = arith.constant 15 : i32
      %rev3A_739 = vector.broadcast %rev3A_738 : i32 to vector<16xi32>
      %rev3A_740 = tpu.iota {dimensions = array<i32: 0>} : vector<16xi32>
      %rev3A_741 = arith.subi %rev3A_739, %rev3A_740 : vector<16xi32>
      %rev3A_742 = tpu.dynamic_gather %get3A_737[%rev3A_741] in [0] : vector<16xf32>, vector<16xi32> -> vector<16xf32>
      %swap3A_743 = arith.constant 2128 : index
      %swap3A_744 = tpu.vector_load %arg5[%swap3A_743] {strides = array<i32>} : memref<3072xf32, #tpu.memory_space<vmem>>, vector<16xf32>,
      tpu.vector_store %arg5[%swap3A_743], %rev3A_742 {strides = array<i32>} : memref<3072xf32, #tpu.memory_space<vmem>>, vector<16xf32>,
      %get3A_745 = arith.constant 400 : index
      %get3A_746 = tpu.vector_load %arg4[%get3A_745] {strides = array<i32>} : memref<512xf32, #tpu.memory_space<vmem>>, vector<16xf32>,
      %rev3A_747 = arith.constant 15 : i32
      %rev3A_748 = vector.broadcast %rev3A_747 : i32 to vector<16xi32>
      %rev3A_749 = tpu.iota {dimensions = array<i32: 0>} : vector<16xi32>
      %rev3A_750 = arith.subi %rev3A_748, %rev3A_749 : vector<16xi32>
      %rev3A_751 = tpu.dynamic_gather %get3A_746[%rev3A_750] in [0] : vector<16xf32>, vector<16xi32> -> vector<16xf32>
      %swap3A_752 = arith.constant 2144 : index
      %swap3A_753 = tpu.vector_load %arg5[%swap3A_752] {strides = array<i32>} : memref<3072xf32, #tpu.memory_space<vmem>>, vector<16xf32>,
      tpu.vector_store %arg5[%swap3A_752], %rev3A_751 {strides = array<i32>} : memref<3072xf32, #tpu.memory_space<vmem>>, vector<16xf32>,
      %get3A_754 = arith.constant 384 : index
      %get3A_755 = tpu.vector_load %arg4[%get3A_754] {strides = array<i32>} : memref<512xf32, #tpu.memory_space<vmem>>, vector<16xf32>,
      %rev3A_756 = arith.constant 15 : i32
      %rev3A_757 = vector.broadcast %rev3A_756 : i32 to vector<16xi32>
      %rev3A_758 = tpu.iota {dimensions = array<i32: 0>} : vector<16xi32>
      %rev3A_759 = arith.subi %rev3A_757, %rev3A_758 : vector<16xi32>
      %rev3A_760 = tpu.dynamic_gather %get3A_755[%rev3A_759] in [0] : vector<16xf32>, vector<16xi32> -> vector<16xf32>
      %swap3A_761 = arith.constant 2160 : index
      %swap3A_762 = tpu.vector_load %arg5[%swap3A_761] {strides = array<i32>} : memref<3072xf32, #tpu.memory_space<vmem>>, vector<16xf32>,
      tpu.vector_store %arg5[%swap3A_761], %rev3A_760 {strides = array<i32>} : memref<3072xf32, #tpu.memory_space<vmem>>, vector<16xf32>,
      %get3A_763 = arith.constant 368 : index
      %get3A_764 = tpu.vector_load %arg4[%get3A_763] {strides = array<i32>} : memref<512xf32, #tpu.memory_space<vmem>>, vector<16xf32>,
      %rev3A_765 = arith.constant 15 : i32
      %rev3A_766 = vector.broadcast %rev3A_765 : i32 to vector<16xi32>
      %rev3A_767 = tpu.iota {dimensions = array<i32: 0>} : vector<16xi32>
      %rev3A_768 = arith.subi %rev3A_766, %rev3A_767 : vector<16xi32>
      %rev3A_769 = tpu.dynamic_gather %get3A_764[%rev3A_768] in [0] : vector<16xf32>, vector<16xi32> -> vector<16xf32>
      %swap3A_770 = arith.constant 2176 : index
      %swap3A_771 = tpu.vector_load %arg5[%swap3A_770] {strides = array<i32>} : memref<3072xf32, #tpu.memory_space<vmem>>, vector<16xf32>,
      tpu.vector_store %arg5[%swap3A_770], %rev3A_769 {strides = array<i32>} : memref<3072xf32, #tpu.memory_space<vmem>>, vector<16xf32>,
      %get3A_772 = arith.constant 352 : index
      %get3A_773 = tpu.vector_load %arg4[%get3A_772] {strides = array<i32>} : memref<512xf32, #tpu.memory_space<vmem>>, vector<16xf32>,
      %rev3A_774 = arith.constant 15 : i32
      %rev3A_775 = vector.broadcast %rev3A_774 : i32 to vector<16xi32>
      %rev3A_776 = tpu.iota {dimensions = array<i32: 0>} : vector<16xi32>
      %rev3A_777 = arith.subi %rev3A_775, %rev3A_776 : vector<16xi32>
      %rev3A_778 = tpu.dynamic_gather %get3A_773[%rev3A_777] in [0] : vector<16xf32>, vector<16xi32> -> vector<16xf32>
      %swap3A_779 = arith.constant 2192 : index
      %swap3A_780 = tpu.vector_load %arg5[%swap3A_779] {strides = array<i32>} : memref<3072xf32, #tpu.memory_space<vmem>>, vector<16xf32>,
      tpu.vector_store %arg5[%swap3A_779], %rev3A_778 {strides = array<i32>} : memref<3072xf32, #tpu.memory_space<vmem>>, vector<16xf32>,
      %get3A_781 = arith.constant 336 : index
      %get3A_782 = tpu.vector_load %arg4[%get3A_781] {strides = array<i32>} : memref<512xf32, #tpu.memory_space<vmem>>, vector<16xf32>,
      %rev3A_783 = arith.constant 15 : i32
      %rev3A_784 = vector.broadcast %rev3A_783 : i32 to vector<16xi32>
      %rev3A_785 = tpu.iota {dimensions = array<i32: 0>} : vector<16xi32>
      %rev3A_786 = arith.subi %rev3A_784, %rev3A_785 : vector<16xi32>
      %rev3A_787 = tpu.dynamic_gather %get3A_782[%rev3A_786] in [0] : vector<16xf32>, vector<16xi32> -> vector<16xf32>
      %swap3A_788 = arith.constant 2208 : index
      %swap3A_789 = tpu.vector_load %arg5[%swap3A_788] {strides = array<i32>} : memref<3072xf32, #tpu.memory_space<vmem>>, vector<16xf32>,
      tpu.vector_store %arg5[%swap3A_788], %rev3A_787 {strides = array<i32>} : memref<3072xf32, #tpu.memory_space<vmem>>, vector<16xf32>,
      %get3A_790 = arith.constant 320 : index
      %get3A_791 = tpu.vector_load %arg4[%get3A_790] {strides = array<i32>} : memref<512xf32, #tpu.memory_space<vmem>>, vector<16xf32>,
      %rev3A_792 = arith.constant 15 : i32
      %rev3A_793 = vector.broadcast %rev3A_792 : i32 to vector<16xi32>
      %rev3A_794 = tpu.iota {dimensions = array<i32: 0>} : vector<16xi32>
      %rev3A_795 = arith.subi %rev3A_793, %rev3A_794 : vector<16xi32>
      %rev3A_796 = tpu.dynamic_gather %get3A_791[%rev3A_795] in [0] : vector<16xf32>, vector<16xi32> -> vector<16xf32>
      %swap3A_797 = arith.constant 2224 : index
      %swap3A_798 = tpu.vector_load %arg5[%swap3A_797] {strides = array<i32>} : memref<3072xf32, #tpu.memory_space<vmem>>, vector<16xf32>,
      tpu.vector_store %arg5[%swap3A_797], %rev3A_796 {strides = array<i32>} : memref<3072xf32, #tpu.memory_space<vmem>>, vector<16xf32>,
      %get3A_799 = arith.constant 304 : index
      %get3A_800 = tpu.vector_load %arg4[%get3A_799] {strides = array<i32>} : memref<512xf32, #tpu.memory_space<vmem>>, vector<16xf32>,
      %rev3A_801 = arith.constant 15 : i32
      %rev3A_802 = vector.broadcast %rev3A_801 : i32 to vector<16xi32>
      %rev3A_803 = tpu.iota {dimensions = array<i32: 0>} : vector<16xi32>
      %rev3A_804 = arith.subi %rev3A_802, %rev3A_803 : vector<16xi32>
      %rev3A_805 = tpu.dynamic_gather %get3A_800[%rev3A_804] in [0] : vector<16xf32>, vector<16xi32> -> vector<16xf32>
      %swap3A_806 = arith.constant 2240 : index
      %swap3A_807 = tpu.vector_load %arg5[%swap3A_806] {strides = array<i32>} : memref<3072xf32, #tpu.memory_space<vmem>>, vector<16xf32>,
      tpu.vector_store %arg5[%swap3A_806], %rev3A_805 {strides = array<i32>} : memref<3072xf32, #tpu.memory_space<vmem>>, vector<16xf32>,
      %get3A_808 = arith.constant 288 : index
      %get3A_809 = tpu.vector_load %arg4[%get3A_808] {strides = array<i32>} : memref<512xf32, #tpu.memory_space<vmem>>, vector<16xf32>,
      %rev3A_810 = arith.constant 15 : i32
      %rev3A_811 = vector.broadcast %rev3A_810 : i32 to vector<16xi32>
      %rev3A_812 = tpu.iota {dimensions = array<i32: 0>} : vector<16xi32>
      %rev3A_813 = arith.subi %rev3A_811, %rev3A_812 : vector<16xi32>
      %rev3A_814 = tpu.dynamic_gather %get3A_809[%rev3A_813] in [0] : vector<16xf32>, vector<16xi32> -> vector<16xf32>
      %swap3A_815 = arith.constant 2256 : index
      %swap3A_816 = tpu.vector_load %arg5[%swap3A_815] {strides = array<i32>} : memref<3072xf32, #tpu.memory_space<vmem>>, vector<16xf32>,
      tpu.vector_store %arg5[%swap3A_815], %rev3A_814 {strides = array<i32>} : memref<3072xf32, #tpu.memory_space<vmem>>, vector<16xf32>,
      %get3A_817 = arith.constant 272 : index
      %get3A_818 = tpu.vector_load %arg4[%get3A_817] {strides = array<i32>} : memref<512xf32, #tpu.memory_space<vmem>>, vector<16xf32>,
      %rev3A_819 = arith.constant 15 : i32
      %rev3A_820 = vector.broadcast %rev3A_819 : i32 to vector<16xi32>
      %rev3A_821 = tpu.iota {dimensions = array<i32: 0>} : vector<16xi32>
      %rev3A_822 = arith.subi %rev3A_820, %rev3A_821 : vector<16xi32>
      %rev3A_823 = tpu.dynamic_gather %get3A_818[%rev3A_822] in [0] : vector<16xf32>, vector<16xi32> -> vector<16xf32>
      %swap3A_824 = arith.constant 2272 : index
      %swap3A_825 = tpu.vector_load %arg5[%swap3A_824] {strides = array<i32>} : memref<3072xf32, #tpu.memory_space<vmem>>, vector<16xf32>,
      tpu.vector_store %arg5[%swap3A_824], %rev3A_823 {strides = array<i32>} : memref<3072xf32, #tpu.memory_space<vmem>>, vector<16xf32>,
      %get3A_826 = arith.constant 256 : index
      %get3A_827 = tpu.vector_load %arg4[%get3A_826] {strides = array<i32>} : memref<512xf32, #tpu.memory_space<vmem>>, vector<16xf32>,
      %rev3A_828 = arith.constant 15 : i32
      %rev3A_829 = vector.broadcast %rev3A_828 : i32 to vector<16xi32>
      %rev3A_830 = tpu.iota {dimensions = array<i32: 0>} : vector<16xi32>
      %rev3A_831 = arith.subi %rev3A_829, %rev3A_830 : vector<16xi32>
      %rev3A_832 = tpu.dynamic_gather %get3A_827[%rev3A_831] in [0] : vector<16xf32>, vector<16xi32> -> vector<16xf32>
      %swap3A_833 = arith.constant 2288 : index
      %swap3A_834 = tpu.vector_load %arg5[%swap3A_833] {strides = array<i32>} : memref<3072xf32, #tpu.memory_space<vmem>>, vector<16xf32>,
      tpu.vector_store %arg5[%swap3A_833], %rev3A_832 {strides = array<i32>} : memref<3072xf32, #tpu.memory_space<vmem>>, vector<16xf32>,
      %get3A_835 = arith.constant 240 : index
      %get3A_836 = tpu.vector_load %arg4[%get3A_835] {strides = array<i32>} : memref<512xf32, #tpu.memory_space<vmem>>, vector<16xf32>,
      %rev3A_837 = arith.constant 15 : i32
      %rev3A_838 = vector.broadcast %rev3A_837 : i32 to vector<16xi32>
      %rev3A_839 = tpu.iota {dimensions = array<i32: 0>} : vector<16xi32>
      %rev3A_840 = arith.subi %rev3A_838, %rev3A_839 : vector<16xi32>
      %rev3A_841 = tpu.dynamic_gather %get3A_836[%rev3A_840] in [0] : vector<16xf32>, vector<16xi32> -> vector<16xf32>
      %swap3A_842 = arith.constant 2304 : index
      %swap3A_843 = tpu.vector_load %arg5[%swap3A_842] {strides = array<i32>} : memref<3072xf32, #tpu.memory_space<vmem>>, vector<16xf32>,
      tpu.vector_store %arg5[%swap3A_842], %rev3A_841 {strides = array<i32>} : memref<3072xf32, #tpu.memory_space<vmem>>, vector<16xf32>,
      %get3A_844 = arith.constant 224 : index
      %get3A_845 = tpu.vector_load %arg4[%get3A_844] {strides = array<i32>} : memref<512xf32, #tpu.memory_space<vmem>>, vector<16xf32>,
      %rev3A_846 = arith.constant 15 : i32
      %rev3A_847 = vector.broadcast %rev3A_846 : i32 to vector<16xi32>
      %rev3A_848 = tpu.iota {dimensions = array<i32: 0>} : vector<16xi32>
      %rev3A_849 = arith.subi %rev3A_847, %rev3A_848 : vector<16xi32>
      %rev3A_850 = tpu.dynamic_gather %get3A_845[%rev3A_849] in [0] : vector<16xf32>, vector<16xi32> -> vector<16xf32>
      %swap3A_851 = arith.constant 2320 : index
      %swap3A_852 = tpu.vector_load %arg5[%swap3A_851] {strides = array<i32>} : memref<3072xf32, #tpu.memory_space<vmem>>, vector<16xf32>,
      tpu.vector_store %arg5[%swap3A_851], %rev3A_850 {strides = array<i32>} : memref<3072xf32, #tpu.memory_space<vmem>>, vector<16xf32>,
      %get3A_853 = arith.constant 208 : index
      %get3A_854 = tpu.vector_load %arg4[%get3A_853] {strides = array<i32>} : memref<512xf32, #tpu.memory_space<vmem>>, vector<16xf32>,
      %rev3A_855 = arith.constant 15 : i32
      %rev3A_856 = vector.broadcast %rev3A_855 : i32 to vector<16xi32>
      %rev3A_857 = tpu.iota {dimensions = array<i32: 0>} : vector<16xi32>
      %rev3A_858 = arith.subi %rev3A_856, %rev3A_857 : vector<16xi32>
      %rev3A_859 = tpu.dynamic_gather %get3A_854[%rev3A_858] in [0] : vector<16xf32>, vector<16xi32> -> vector<16xf32>
      %swap3A_860 = arith.constant 2336 : index
      %swap3A_861 = tpu.vector_load %arg5[%swap3A_860] {strides = array<i32>} : memref<3072xf32, #tpu.memory_space<vmem>>, vector<16xf32>,
      tpu.vector_store %arg5[%swap3A_860], %rev3A_859 {strides = array<i32>} : memref<3072xf32, #tpu.memory_space<vmem>>, vector<16xf32>,
      %get3A_862 = arith.constant 192 : index
      %get3A_863 = tpu.vector_load %arg4[%get3A_862] {strides = array<i32>} : memref<512xf32, #tpu.memory_space<vmem>>, vector<16xf32>,
      %rev3A_864 = arith.constant 15 : i32
      %rev3A_865 = vector.broadcast %rev3A_864 : i32 to vector<16xi32>
      %rev3A_866 = tpu.iota {dimensions = array<i32: 0>} : vector<16xi32>
      %rev3A_867 = arith.subi %rev3A_865, %rev3A_866 : vector<16xi32>
      %rev3A_868 = tpu.dynamic_gather %get3A_863[%rev3A_867] in [0] : vector<16xf32>, vector<16xi32> -> vector<16xf32>
      %swap3A_869 = arith.constant 2352 : index
      %swap3A_870 = tpu.vector_load %arg5[%swap3A_869] {strides = array<i32>} : memref<3072xf32, #tpu.memory_space<vmem>>, vector<16xf32>,
      tpu.vector_store %arg5[%swap3A_869], %rev3A_868 {strides = array<i32>} : memref<3072xf32, #tpu.memory_space<vmem>>, vector<16xf32>,
      %get3A_871 = arith.constant 176 : index
      %get3A_872 = tpu.vector_load %arg4[%get3A_871] {strides = array<i32>} : memref<512xf32, #tpu.memory_space<vmem>>, vector<16xf32>,
      %rev3A_873 = arith.constant 15 : i32
      %rev3A_874 = vector.broadcast %rev3A_873 : i32 to vector<16xi32>
      %rev3A_875 = tpu.iota {dimensions = array<i32: 0>} : vector<16xi32>
      %rev3A_876 = arith.subi %rev3A_874, %rev3A_875 : vector<16xi32>
      %rev3A_877 = tpu.dynamic_gather %get3A_872[%rev3A_876] in [0] : vector<16xf32>, vector<16xi32> -> vector<16xf32>
      %swap3A_878 = arith.constant 2368 : index
      %swap3A_879 = tpu.vector_load %arg5[%swap3A_878] {strides = array<i32>} : memref<3072xf32, #tpu.memory_space<vmem>>, vector<16xf32>,
      tpu.vector_store %arg5[%swap3A_878], %rev3A_877 {strides = array<i32>} : memref<3072xf32, #tpu.memory_space<vmem>>, vector<16xf32>,
      %get3A_880 = arith.constant 160 : index
      %get3A_881 = tpu.vector_load %arg4[%get3A_880] {strides = array<i32>} : memref<512xf32, #tpu.memory_space<vmem>>, vector<16xf32>,
      %rev3A_882 = arith.constant 15 : i32
      %rev3A_883 = vector.broadcast %rev3A_882 : i32 to vector<16xi32>
      %rev3A_884 = tpu.iota {dimensions = array<i32: 0>} : vector<16xi32>
      %rev3A_885 = arith.subi %rev3A_883, %rev3A_884 : vector<16xi32>
      %rev3A_886 = tpu.dynamic_gather %get3A_881[%rev3A_885] in [0] : vector<16xf32>, vector<16xi32> -> vector<16xf32>
      %swap3A_887 = arith.constant 2384 : index
      %swap3A_888 = tpu.vector_load %arg5[%swap3A_887] {strides = array<i32>} : memref<3072xf32, #tpu.memory_space<vmem>>, vector<16xf32>,
      tpu.vector_store %arg5[%swap3A_887], %rev3A_886 {strides = array<i32>} : memref<3072xf32, #tpu.memory_space<vmem>>, vector<16xf32>,
      %get3A_889 = arith.constant 144 : index
      %get3A_890 = tpu.vector_load %arg4[%get3A_889] {strides = array<i32>} : memref<512xf32, #tpu.memory_space<vmem>>, vector<16xf32>,
      %rev3A_891 = arith.constant 15 : i32
      %rev3A_892 = vector.broadcast %rev3A_891 : i32 to vector<16xi32>
      %rev3A_893 = tpu.iota {dimensions = array<i32: 0>} : vector<16xi32>
      %rev3A_894 = arith.subi %rev3A_892, %rev3A_893 : vector<16xi32>
      %rev3A_895 = tpu.dynamic_gather %get3A_890[%rev3A_894] in [0] : vector<16xf32>, vector<16xi32> -> vector<16xf32>
      %swap3A_896 = arith.constant 2400 : index
      %swap3A_897 = tpu.vector_load %arg5[%swap3A_896] {strides = array<i32>} : memref<3072xf32, #tpu.memory_space<vmem>>, vector<16xf32>,
      tpu.vector_store %arg5[%swap3A_896], %rev3A_895 {strides = array<i32>} : memref<3072xf32, #tpu.memory_space<vmem>>, vector<16xf32>,
      %get3A_898 = arith.constant 128 : index
      %get3A_899 = tpu.vector_load %arg4[%get3A_898] {strides = array<i32>} : memref<512xf32, #tpu.memory_space<vmem>>, vector<16xf32>,
      %rev3A_900 = arith.constant 15 : i32
      %rev3A_901 = vector.broadcast %rev3A_900 : i32 to vector<16xi32>
      %rev3A_902 = tpu.iota {dimensions = array<i32: 0>} : vector<16xi32>
      %rev3A_903 = arith.subi %rev3A_901, %rev3A_902 : vector<16xi32>
      %rev3A_904 = tpu.dynamic_gather %get3A_899[%rev3A_903] in [0] : vector<16xf32>, vector<16xi32> -> vector<16xf32>
      %swap3A_905 = arith.constant 2416 : index
      %swap3A_906 = tpu.vector_load %arg5[%swap3A_905] {strides = array<i32>} : memref<3072xf32, #tpu.memory_space<vmem>>, vector<16xf32>,
      tpu.vector_store %arg5[%swap3A_905], %rev3A_904 {strides = array<i32>} : memref<3072xf32, #tpu.memory_space<vmem>>, vector<16xf32>,
      %get3A_907 = arith.constant 112 : index
      %get3A_908 = tpu.vector_load %arg4[%get3A_907] {strides = array<i32>} : memref<512xf32, #tpu.memory_space<vmem>>, vector<16xf32>,
      %rev3A_909 = arith.constant 15 : i32
      %rev3A_910 = vector.broadcast %rev3A_909 : i32 to vector<16xi32>
      %rev3A_911 = tpu.iota {dimensions = array<i32: 0>} : vector<16xi32>
      %rev3A_912 = arith.subi %rev3A_910, %rev3A_911 : vector<16xi32>
      %rev3A_913 = tpu.dynamic_gather %get3A_908[%rev3A_912] in [0] : vector<16xf32>, vector<16xi32> -> vector<16xf32>
      %swap3A_914 = arith.constant 2432 : index
      %swap3A_915 = tpu.vector_load %arg5[%swap3A_914] {strides = array<i32>} : memref<3072xf32, #tpu.memory_space<vmem>>, vector<16xf32>,
      tpu.vector_store %arg5[%swap3A_914], %rev3A_913 {strides = array<i32>} : memref<3072xf32, #tpu.memory_space<vmem>>, vector<16xf32>,
      %get3A_916 = arith.constant 96 : index
      %get3A_917 = tpu.vector_load %arg4[%get3A_916] {strides = array<i32>} : memref<512xf32, #tpu.memory_space<vmem>>, vector<16xf32>,
      %rev3A_918 = arith.constant 15 : i32
      %rev3A_919 = vector.broadcast %rev3A_918 : i32 to vector<16xi32>
      %rev3A_920 = tpu.iota {dimensions = array<i32: 0>} : vector<16xi32>
      %rev3A_921 = arith.subi %rev3A_919, %rev3A_920 : vector<16xi32>
      %rev3A_922 = tpu.dynamic_gather %get3A_917[%rev3A_921] in [0] : vector<16xf32>, vector<16xi32> -> vector<16xf32>
      %swap3A_923 = arith.constant 2448 : index
      %swap3A_924 = tpu.vector_load %arg5[%swap3A_923] {strides = array<i32>} : memref<3072xf32, #tpu.memory_space<vmem>>, vector<16xf32>,
      tpu.vector_store %arg5[%swap3A_923], %rev3A_922 {strides = array<i32>} : memref<3072xf32, #tpu.memory_space<vmem>>, vector<16xf32>,
      %get3A_925 = arith.constant 80 : index
      %get3A_926 = tpu.vector_load %arg4[%get3A_925] {strides = array<i32>} : memref<512xf32, #tpu.memory_space<vmem>>, vector<16xf32>,
      %rev3A_927 = arith.constant 15 : i32
      %rev3A_928 = vector.broadcast %rev3A_927 : i32 to vector<16xi32>
      %rev3A_929 = tpu.iota {dimensions = array<i32: 0>} : vector<16xi32>
      %rev3A_930 = arith.subi %rev3A_928, %rev3A_929 : vector<16xi32>
      %rev3A_931 = tpu.dynamic_gather %get3A_926[%rev3A_930] in [0] : vector<16xf32>, vector<16xi32> -> vector<16xf32>
      %swap3A_932 = arith.constant 2464 : index
      %swap3A_933 = tpu.vector_load %arg5[%swap3A_932] {strides = array<i32>} : memref<3072xf32, #tpu.memory_space<vmem>>, vector<16xf32>,
      tpu.vector_store %arg5[%swap3A_932], %rev3A_931 {strides = array<i32>} : memref<3072xf32, #tpu.memory_space<vmem>>, vector<16xf32>,
      %get3A_934 = arith.constant 64 : index
      %get3A_935 = tpu.vector_load %arg4[%get3A_934] {strides = array<i32>} : memref<512xf32, #tpu.memory_space<vmem>>, vector<16xf32>,
      %rev3A_936 = arith.constant 15 : i32
      %rev3A_937 = vector.broadcast %rev3A_936 : i32 to vector<16xi32>
      %rev3A_938 = tpu.iota {dimensions = array<i32: 0>} : vector<16xi32>
      %rev3A_939 = arith.subi %rev3A_937, %rev3A_938 : vector<16xi32>
      %rev3A_940 = tpu.dynamic_gather %get3A_935[%rev3A_939] in [0] : vector<16xf32>, vector<16xi32> -> vector<16xf32>
      %swap3A_941 = arith.constant 2480 : index
      %swap3A_942 = tpu.vector_load %arg5[%swap3A_941] {strides = array<i32>} : memref<3072xf32, #tpu.memory_space<vmem>>, vector<16xf32>,
      tpu.vector_store %arg5[%swap3A_941], %rev3A_940 {strides = array<i32>} : memref<3072xf32, #tpu.memory_space<vmem>>, vector<16xf32>,
      %get3A_943 = arith.constant 48 : index
      %get3A_944 = tpu.vector_load %arg4[%get3A_943] {strides = array<i32>} : memref<512xf32, #tpu.memory_space<vmem>>, vector<16xf32>,
      %rev3A_945 = arith.constant 15 : i32
      %rev3A_946 = vector.broadcast %rev3A_945 : i32 to vector<16xi32>
      %rev3A_947 = tpu.iota {dimensions = array<i32: 0>} : vector<16xi32>
      %rev3A_948 = arith.subi %rev3A_946, %rev3A_947 : vector<16xi32>
      %rev3A_949 = tpu.dynamic_gather %get3A_944[%rev3A_948] in [0] : vector<16xf32>, vector<16xi32> -> vector<16xf32>
      %swap3A_950 = arith.constant 2496 : index
      %swap3A_951 = tpu.vector_load %arg5[%swap3A_950] {strides = array<i32>} : memref<3072xf32, #tpu.memory_space<vmem>>, vector<16xf32>,
      tpu.vector_store %arg5[%swap3A_950], %rev3A_949 {strides = array<i32>} : memref<3072xf32, #tpu.memory_space<vmem>>, vector<16xf32>,
      %get3A_952 = arith.constant 32 : index
      %get3A_953 = tpu.vector_load %arg4[%get3A_952] {strides = array<i32>} : memref<512xf32, #tpu.memory_space<vmem>>, vector<16xf32>,
      %rev3A_954 = arith.constant 15 : i32
      %rev3A_955 = vector.broadcast %rev3A_954 : i32 to vector<16xi32>
      %rev3A_956 = tpu.iota {dimensions = array<i32: 0>} : vector<16xi32>
      %rev3A_957 = arith.subi %rev3A_955, %rev3A_956 : vector<16xi32>
      %rev3A_958 = tpu.dynamic_gather %get3A_953[%rev3A_957] in [0] : vector<16xf32>, vector<16xi32> -> vector<16xf32>
      %swap3A_959 = arith.constant 2512 : index
      %swap3A_960 = tpu.vector_load %arg5[%swap3A_959] {strides = array<i32>} : memref<3072xf32, #tpu.memory_space<vmem>>, vector<16xf32>,
      tpu.vector_store %arg5[%swap3A_959], %rev3A_958 {strides = array<i32>} : memref<3072xf32, #tpu.memory_space<vmem>>, vector<16xf32>,
      %get3A_961 = arith.constant 16 : index
      %get3A_962 = tpu.vector_load %arg4[%get3A_961] {strides = array<i32>} : memref<512xf32, #tpu.memory_space<vmem>>, vector<16xf32>,
      %rev3A_963 = arith.constant 15 : i32
      %rev3A_964 = vector.broadcast %rev3A_963 : i32 to vector<16xi32>
      %rev3A_965 = tpu.iota {dimensions = array<i32: 0>} : vector<16xi32>
      %rev3A_966 = arith.subi %rev3A_964, %rev3A_965 : vector<16xi32>
      %rev3A_967 = tpu.dynamic_gather %get3A_962[%rev3A_966] in [0] : vector<16xf32>, vector<16xi32> -> vector<16xf32>
      %swap3A_968 = arith.constant 2528 : index
      %swap3A_969 = tpu.vector_load %arg5[%swap3A_968] {strides = array<i32>} : memref<3072xf32, #tpu.memory_space<vmem>>, vector<16xf32>,
      tpu.vector_store %arg5[%swap3A_968], %rev3A_967 {strides = array<i32>} : memref<3072xf32, #tpu.memory_space<vmem>>, vector<16xf32>,
      %get3A_970 = arith.constant 0 : index
      %get3A_971 = tpu.vector_load %arg4[%get3A_970] {strides = array<i32>} : memref<512xf32, #tpu.memory_space<vmem>>, vector<16xf32>,
      %rev3A_972 = arith.constant 15 : i32
      %rev3A_973 = vector.broadcast %rev3A_972 : i32 to vector<16xi32>
      %rev3A_974 = tpu.iota {dimensions = array<i32: 0>} : vector<16xi32>
      %rev3A_975 = arith.subi %rev3A_973, %rev3A_974 : vector<16xi32>
      %rev3A_976 = tpu.dynamic_gather %get3A_971[%rev3A_975] in [0] : vector<16xf32>, vector<16xi32> -> vector<16xf32>
      %swap3A_977 = arith.constant 2544 : index
      %swap3A_978 = tpu.vector_load %arg5[%swap3A_977] {strides = array<i32>} : memref<3072xf32, #tpu.memory_space<vmem>>, vector<16xf32>,
      tpu.vector_store %arg5[%swap3A_977], %rev3A_976 {strides = array<i32>} : memref<3072xf32, #tpu.memory_space<vmem>>, vector<16xf32>,
    } else {
    }
    %scan3A = arith.constant 0 : i32
    %scan3A_454 = arith.constant 0 : i32
    %scan3A_455 = arith.constant 0 : i32
    %scan3A_456 = arith.constant 96 : i32
    %scan3A_457 = arith.addi %scan3A_455, %scan3A_456 : i32
    %scan3A_458 = arith.constant 1 : i32
    scf.for %scan3A_556 = %scan3A_455 to %scan3A_457 step %scan3A_458  : i32 {
      %add3A_557 = arith.constant 0 : i32
      %add3A_558 = arith.addi %mul3A_2, %add3A_557 : i32
      %add3A_559 = arith.addi %add3A_558, %scan3A_556 : i32
      %mul3A_560 = arith.constant 768 : i32
      %mul3A_561 = arith.muli %select_n3A, %mul3A_560 : i32
      %sub3A_562 = arith.subi %add3A_559, %mul3A_561 : i32
      %jit3A_563 = arith.constant 768 : i32
      %div3A_564 = arith.divsi %sub3A_562, %jit3A_563 : i32
      %sign3A_565 = arith.constant 0 : i32
      %sign3A_566 = arith.cmpi sgt, %sub3A_562, %sign3A_565 : i32
      %sign3A_567 = arith.extui %sign3A_566 : i1 to i32
      %sign3A_568 = arith.constant 0 : i32
      %sign3A_569 = arith.cmpi slt, %sub3A_562, %sign3A_568 : i32
      %sign3A_570 = arith.extui %sign3A_569 : i1 to i32
      %sign3A_571 = arith.subi %sign3A_567, %sign3A_570 : i32
      %sign3A_572 = arith.constant 0 : i32
      %sign3A_573 = arith.cmpi sgt, %jit3A_563, %sign3A_572 : i32
      %sign3A_574 = arith.extui %sign3A_573 : i1 to i32
      %sign3A_575 = arith.constant 0 : i32
      %sign3A_576 = arith.cmpi slt, %jit3A_563, %sign3A_575 : i32
      %sign3A_577 = arith.extui %sign3A_576 : i1 to i32
      %sign3A_578 = arith.subi %sign3A_574, %sign3A_577 : i32
      %ne3A_579 = arith.cmpi ne, %sign3A_571, %sign3A_578 : i32
      %rem3A_580 = arith.remsi %sub3A_562, %jit3A_563 : i32
      %ne3A_581 = arith.constant 0 : i32
      %ne3A_582 = arith.cmpi ne, %rem3A_580, %ne3A_581 : i32
      %and3A_583 = arith.andi %ne3A_579, %ne3A_582 : i1
      %sub3A_584 = arith.constant 1 : i32
      %sub3A_585 = arith.subi %div3A_564, %sub3A_584 : i32
      %select_n3A_586 = arith.select %and3A_583, %sub3A_585, %div3A_564 : i32
      %mul3A_587 = arith.constant 768 : i32
      %mul3A_588 = arith.muli %select_n3A_586, %mul3A_587 : i32
      %sub3A_589 = arith.subi %sub3A_562, %mul3A_588 : i32
      %jit3A_590 = arith.constant 256 : i32
      %div3A_591 = arith.divsi %sub3A_589, %jit3A_590 : i32
      %sign3A_592 = arith.constant 0 : i32
      %sign3A_593 = arith.cmpi sgt, %sub3A_589, %sign3A_592 : i32
      %sign3A_594 = arith.extui %sign3A_593 : i1 to i32
      %sign3A_595 = arith.constant 0 : i32
      %sign3A_596 = arith.cmpi slt, %sub3A_589, %sign3A_595 : i32
      %sign3A_597 = arith.extui %sign3A_596 : i1 to i32
      %sign3A_598 = arith.subi %sign3A_594, %sign3A_597 : i32
      %sign3A_599 = arith.constant 0 : i32
      %sign3A_600 = arith.cmpi sgt, %jit3A_590, %sign3A_599 : i32
      %sign3A_601 = arith.extui %sign3A_600 : i1 to i32
      %sign3A_602 = arith.constant 0 : i32
      %sign3A_603 = arith.cmpi slt, %jit3A_590, %sign3A_602 : i32
      %sign3A_604 = arith.extui %sign3A_603 : i1 to i32
      %sign3A_605 = arith.subi %sign3A_601, %sign3A_604 : i32
      %ne3A_606 = arith.cmpi ne, %sign3A_598, %sign3A_605 : i32
      %rem3A_607 = arith.remsi %sub3A_589, %jit3A_590 : i32
      %ne3A_608 = arith.constant 0 : i32
      %ne3A_609 = arith.cmpi ne, %rem3A_607, %ne3A_608 : i32
      %and3A_610 = arith.andi %ne3A_606, %ne3A_609 : i1
      %sub3A_611 = arith.constant 1 : i32
      %sub3A_612 = arith.subi %div3A_591, %sub3A_611 : i32
      %select_n3A_613 = arith.select %and3A_610, %sub3A_612, %div3A_591 : i32
      %mul3A_614 = arith.constant 256 : i32
      %mul3A_615 = arith.muli %select_n3A_613, %mul3A_614 : i32
      %sub3A_616 = arith.subi %sub3A_589, %mul3A_615 : i32
      %mul3A_617 = arith.constant 256 : i32
      %mul3A_618 = arith.muli %mul3A_617, %select_n3A_613 : i32
      %sub3A_619 = arith.constant 1023 : i32
      %sub3A_620 = arith.subi %sub3A_619, %mul3A_618 : i32
      %sub3A_621 = arith.subi %sub3A_620, %sub3A_616 : i32
      %mul3A_622 = arith.constant 1536 : i32
      %mul3A_623 = arith.muli %select_n3A_586, %mul3A_622 : i32
      %add3A_624 = arith.addi %mul3A_623, %sub3A_621 : i32
      %add3A_625 = arith.constant 0 : i32
      %add3A_626 = arith.addi %add3A_624, %add3A_625 : i32
      %get3A_627 = arith.index_cast %add3A_626 : i32 to index
      %get3A_628 = tpu.vector_load %arg5[%get3A_627] {strides = array<i32>} : memref<3072xf32, #tpu.memory_space<vmem>>, vector<16xf32>,
      %swap3A_629 = arith.constant 0 : i32
      %swap3A_630 = arith.constant 0 : i32
      %swap3A_631 = tpu.memref_slice %arg6[%scan3A_454, %swap3A_629, %swap3A_630] : memref<2x96x256xf32, #tpu.memory_space<vmem>> -> memref<1x96x256xf32, #tpu.memory_space<vmem>>
      %swap3A_632 = tpu.memref_squeeze %swap3A_631 : memref<1x96x256xf32, #tpu.memory_space<vmem>> -> memref<96x256xf32, #tpu.memory_space<vmem>>
      %swap3A_633 = arith.index_cast %scan3A_556 : i32 to index
      %swap3A_634 = arith.constant 0 : index
      %swap3A_635 = tpu.vector_load %swap3A_632[%swap3A_633, %swap3A_634] {strides = array<i32>} : memref<96x256xf32, #tpu.memory_space<vmem>>, vector<16xf32>,
      tpu.vector_store %swap3A_632[%swap3A_633, %swap3A_634], %get3A_628 {strides = array<i32>} : memref<96x256xf32, #tpu.memory_space<vmem>>, vector<16xf32>,
      %add3A_636 = arith.constant 16 : i32
      %add3A_637 = arith.addi %add3A_624, %add3A_636 : i32
      %get3A_638 = arith.index_cast %add3A_637 : i32 to index
      %get3A_639 = tpu.vector_load %arg5[%get3A_638] {strides = array<i32>} : memref<3072xf32, #tpu.memory_space<vmem>>, vector<16xf32>,
      %swap3A_640 = arith.constant 0 : i32
      %swap3A_641 = arith.constant 0 : i32
      %swap3A_642 = tpu.memref_slice %arg6[%scan3A_454, %swap3A_640, %swap3A_641] : memref<2x96x256xf32, #tpu.memory_space<vmem>> -> memref<1x96x256xf32, #tpu.memory_space<vmem>>
      %swap3A_643 = tpu.memref_squeeze %swap3A_642 : memref<1x96x256xf32, #tpu.memory_space<vmem>> -> memref<96x256xf32, #tpu.memory_space<vmem>>
      %swap3A_644 = arith.index_cast %scan3A_556 : i32 to index
      %swap3A_645 = arith.constant 16 : index
      %swap3A_646 = tpu.vector_load %swap3A_643[%swap3A_644, %swap3A_645] {strides = array<i32>} : memref<96x256xf32, #tpu.memory_space<vmem>>, vector<16xf32>,
      tpu.vector_store %swap3A_643[%swap3A_644, %swap3A_645], %get3A_639 {strides = array<i32>} : memref<96x256xf32, #tpu.memory_space<vmem>>, vector<16xf32>,
      %add3A_647 = arith.constant 32 : i32
      %add3A_648 = arith.addi %add3A_624, %add3A_647 : i32
      %get3A_649 = arith.index_cast %add3A_648 : i32 to index
      %get3A_650 = tpu.vector_load %arg5[%get3A_649] {strides = array<i32>} : memref<3072xf32, #tpu.memory_space<vmem>>, vector<16xf32>,
      %swap3A_651 = arith.constant 0 : i32
      %swap3A_652 = arith.constant 0 : i32
      %swap3A_653 = tpu.memref_slice %arg6[%scan3A_454, %swap3A_651, %swap3A_652] : memref<2x96x256xf32, #tpu.memory_space<vmem>> -> memref<1x96x256xf32, #tpu.memory_space<vmem>>
      %swap3A_654 = tpu.memref_squeeze %swap3A_653 : memref<1x96x256xf32, #tpu.memory_space<vmem>> -> memref<96x256xf32, #tpu.memory_space<vmem>>
      %swap3A_655 = arith.index_cast %scan3A_556 : i32 to index
      %swap3A_656 = arith.constant 32 : index
      %swap3A_657 = tpu.vector_load %swap3A_654[%swap3A_655, %swap3A_656] {strides = array<i32>} : memref<96x256xf32, #tpu.memory_space<vmem>>, vector<16xf32>,
      tpu.vector_store %swap3A_654[%swap3A_655, %swap3A_656], %get3A_650 {strides = array<i32>} : memref<96x256xf32, #tpu.memory_space<vmem>>, vector<16xf32>,
      %add3A_658 = arith.constant 48 : i32
      %add3A_659 = arith.addi %add3A_624, %add3A_658 : i32
      %get3A_660 = arith.index_cast %add3A_659 : i32 to index
      %get3A_661 = tpu.vector_load %arg5[%get3A_660] {strides = array<i32>} : memref<3072xf32, #tpu.memory_space<vmem>>, vector<16xf32>,
      %swap3A_662 = arith.constant 0 : i32
      %swap3A_663 = arith.constant 0 : i32
      %swap3A_664 = tpu.memref_slice %arg6[%scan3A_454, %swap3A_662, %swap3A_663] : memref<2x96x256xf32, #tpu.memory_space<vmem>> -> memref<1x96x256xf32, #tpu.memory_space<vmem>>
      %swap3A_665 = tpu.memref_squeeze %swap3A_664 : memref<1x96x256xf32, #tpu.memory_space<vmem>> -> memref<96x256xf32, #tpu.memory_space<vmem>>
      %swap3A_666 = arith.index_cast %scan3A_556 : i32 to index
      %swap3A_667 = arith.constant 48 : index
      %swap3A_668 = tpu.vector_load %swap3A_665[%swap3A_666, %swap3A_667] {strides = array<i32>} : memref<96x256xf32, #tpu.memory_space<vmem>>, vector<16xf32>,
      tpu.vector_store %swap3A_665[%swap3A_666, %swap3A_667], %get3A_661 {strides = array<i32>} : memref<96x256xf32, #tpu.memory_space<vmem>>, vector<16xf32>,
      %add3A_669 = arith.constant 64 : i32
      %add3A_670 = arith.addi %add3A_624, %add3A_669 : i32
      %get3A_671 = arith.index_cast %add3A_670 : i32 to index
      %get3A_672 = tpu.vector_load %arg5[%get3A_671] {strides = array<i32>} : memref<3072xf32, #tpu.memory_space<vmem>>, vector<16xf32>,
      %swap3A_673 = arith.constant 0 : i32
      %swap3A_674 = arith.constant 0 : i32
      %swap3A_675 = tpu.memref_slice %arg6[%scan3A_454, %swap3A_673, %swap3A_674] : memref<2x96x256xf32, #tpu.memory_space<vmem>> -> memref<1x96x256xf32, #tpu.memory_space<vmem>>
      %swap3A_676 = tpu.memref_squeeze %swap3A_675 : memref<1x96x256xf32, #tpu.memory_space<vmem>> -> memref<96x256xf32, #tpu.memory_space<vmem>>
      %swap3A_677 = arith.index_cast %scan3A_556 : i32 to index
      %swap3A_678 = arith.constant 64 : index
      %swap3A_679 = tpu.vector_load %swap3A_676[%swap3A_677, %swap3A_678] {strides = array<i32>} : memref<96x256xf32, #tpu.memory_space<vmem>>, vector<16xf32>,
      tpu.vector_store %swap3A_676[%swap3A_677, %swap3A_678], %get3A_672 {strides = array<i32>} : memref<96x256xf32, #tpu.memory_space<vmem>>, vector<16xf32>,
      %add3A_680 = arith.constant 80 : i32
      %add3A_681 = arith.addi %add3A_624, %add3A_680 : i32
      %get3A_682 = arith.index_cast %add3A_681 : i32 to index
      %get3A_683 = tpu.vector_load %arg5[%get3A_682] {strides = array<i32>} : memref<3072xf32, #tpu.memory_space<vmem>>, vector<16xf32>,
      %swap3A_684 = arith.constant 0 : i32
      %swap3A_685 = arith.constant 0 : i32
      %swap3A_686 = tpu.memref_slice %arg6[%scan3A_454, %swap3A_684, %swap3A_685] : memref<2x96x256xf32, #tpu.memory_space<vmem>> -> memref<1x96x256xf32, #tpu.memory_space<vmem>>
      %swap3A_687 = tpu.memref_squeeze %swap3A_686 : memref<1x96x256xf32, #tpu.memory_space<vmem>> -> memref<96x256xf32, #tpu.memory_space<vmem>>
      %swap3A_688 = arith.index_cast %scan3A_556 : i32 to index
      %swap3A_689 = arith.constant 80 : index
      %swap3A_690 = tpu.vector_load %swap3A_687[%swap3A_688, %swap3A_689] {strides = array<i32>} : memref<96x256xf32, #tpu.memory_space<vmem>>, vector<16xf32>,
      tpu.vector_store %swap3A_687[%swap3A_688, %swap3A_689], %get3A_683 {strides = array<i32>} : memref<96x256xf32, #tpu.memory_space<vmem>>, vector<16xf32>,
      %add3A_691 = arith.constant 96 : i32
      %add3A_692 = arith.addi %add3A_624, %add3A_691 : i32
      %get3A_693 = arith.index_cast %add3A_692 : i32 to index
      %get3A_694 = tpu.vector_load %arg5[%get3A_693] {strides = array<i32>} : memref<3072xf32, #tpu.memory_space<vmem>>, vector<16xf32>,
      %swap3A_695 = arith.constant 0 : i32
      %swap3A_696 = arith.constant 0 : i32
      %swap3A_697 = tpu.memref_slice %arg6[%scan3A_454, %swap3A_695, %swap3A_696] : memref<2x96x256xf32, #tpu.memory_space<vmem>> -> memref<1x96x256xf32, #tpu.memory_space<vmem>>
      %swap3A_698 = tpu.memref_squeeze %swap3A_697 : memref<1x96x256xf32, #tpu.memory_space<vmem>> -> memref<96x256xf32, #tpu.memory_space<vmem>>
      %swap3A_699 = arith.index_cast %scan3A_556 : i32 to index
      %swap3A_700 = arith.constant 96 : index
      %swap3A_701 = tpu.vector_load %swap3A_698[%swap3A_699, %swap3A_700] {strides = array<i32>} : memref<96x256xf32, #tpu.memory_space<vmem>>, vector<16xf32>,
      tpu.vector_store %swap3A_698[%swap3A_699, %swap3A_700], %get3A_694 {strides = array<i32>} : memref<96x256xf32, #tpu.memory_space<vmem>>, vector<16xf32>,
      %add3A_702 = arith.constant 112 : i32
      %add3A_703 = arith.addi %add3A_624, %add3A_702 : i32
      %get3A_704 = arith.index_cast %add3A_703 : i32 to index
      %get3A_705 = tpu.vector_load %arg5[%get3A_704] {strides = array<i32>} : memref<3072xf32, #tpu.memory_space<vmem>>, vector<16xf32>,
      %swap3A_706 = arith.constant 0 : i32
      %swap3A_707 = arith.constant 0 : i32
      %swap3A_708 = tpu.memref_slice %arg6[%scan3A_454, %swap3A_706, %swap3A_707] : memref<2x96x256xf32, #tpu.memory_space<vmem>> -> memref<1x96x256xf32, #tpu.memory_space<vmem>>
      %swap3A_709 = tpu.memref_squeeze %swap3A_708 : memref<1x96x256xf32, #tpu.memory_space<vmem>> -> memref<96x256xf32, #tpu.memory_space<vmem>>
      %swap3A_710 = arith.index_cast %scan3A_556 : i32 to index
      %swap3A_711 = arith.constant 112 : index
      %swap3A_712 = tpu.vector_load %swap3A_709[%swap3A_710, %swap3A_711] {strides = array<i32>} : memref<96x256xf32, #tpu.memory_space<vmem>>, vector<16xf32>,
      tpu.vector_store %swap3A_709[%swap3A_710, %swap3A_711], %get3A_705 {strides = array<i32>} : memref<96x256xf32, #tpu.memory_space<vmem>>, vector<16xf32>,
      %add3A_713 = arith.constant 128 : i32
      %add3A_714 = arith.addi %add3A_624, %add3A_713 : i32
      %get3A_715 = arith.index_cast %add3A_714 : i32 to index
      %get3A_716 = tpu.vector_load %arg5[%get3A_715] {strides = array<i32>} : memref<3072xf32, #tpu.memory_space<vmem>>, vector<16xf32>,
      %swap3A_717 = arith.constant 0 : i32
      %swap3A_718 = arith.constant 0 : i32
      %swap3A_719 = tpu.memref_slice %arg6[%scan3A_454, %swap3A_717, %swap3A_718] : memref<2x96x256xf32, #tpu.memory_space<vmem>> -> memref<1x96x256xf32, #tpu.memory_space<vmem>>
      %swap3A_720 = tpu.memref_squeeze %swap3A_719 : memref<1x96x256xf32, #tpu.memory_space<vmem>> -> memref<96x256xf32, #tpu.memory_space<vmem>>
      %swap3A_721 = arith.index_cast %scan3A_556 : i32 to index
      %swap3A_722 = arith.constant 128 : index
      %swap3A_723 = tpu.vector_load %swap3A_720[%swap3A_721, %swap3A_722] {strides = array<i32>} : memref<96x256xf32, #tpu.memory_space<vmem>>, vector<16xf32>,
      tpu.vector_store %swap3A_720[%swap3A_721, %swap3A_722], %get3A_716 {strides = array<i32>} : memref<96x256xf32, #tpu.memory_space<vmem>>, vector<16xf32>,
      %add3A_724 = arith.constant 144 : i32
      %add3A_725 = arith.addi %add3A_624, %add3A_724 : i32
      %get3A_726 = arith.index_cast %add3A_725 : i32 to index
      %get3A_727 = tpu.vector_load %arg5[%get3A_726] {strides = array<i32>} : memref<3072xf32, #tpu.memory_space<vmem>>, vector<16xf32>,
      %swap3A_728 = arith.constant 0 : i32
      %swap3A_729 = arith.constant 0 : i32
      %swap3A_730 = tpu.memref_slice %arg6[%scan3A_454, %swap3A_728, %swap3A_729] : memref<2x96x256xf32, #tpu.memory_space<vmem>> -> memref<1x96x256xf32, #tpu.memory_space<vmem>>
      %swap3A_731 = tpu.memref_squeeze %swap3A_730 : memref<1x96x256xf32, #tpu.memory_space<vmem>> -> memref<96x256xf32, #tpu.memory_space<vmem>>
      %swap3A_732 = arith.index_cast %scan3A_556 : i32 to index
      %swap3A_733 = arith.constant 144 : index
      %swap3A_734 = tpu.vector_load %swap3A_731[%swap3A_732, %swap3A_733] {strides = array<i32>} : memref<96x256xf32, #tpu.memory_space<vmem>>, vector<16xf32>,
      tpu.vector_store %swap3A_731[%swap3A_732, %swap3A_733], %get3A_727 {strides = array<i32>} : memref<96x256xf32, #tpu.memory_space<vmem>>, vector<16xf32>,
      %add3A_735 = arith.constant 160 : i32
      %add3A_736 = arith.addi %add3A_624, %add3A_735 : i32
      %get3A_737 = arith.index_cast %add3A_736 : i32 to index
      %get3A_738 = tpu.vector_load %arg5[%get3A_737] {strides = array<i32>} : memref<3072xf32, #tpu.memory_space<vmem>>, vector<16xf32>,
      %swap3A_739 = arith.constant 0 : i32
      %swap3A_740 = arith.constant 0 : i32
      %swap3A_741 = tpu.memref_slice %arg6[%scan3A_454, %swap3A_739, %swap3A_740] : memref<2x96x256xf32, #tpu.memory_space<vmem>> -> memref<1x96x256xf32, #tpu.memory_space<vmem>>
      %swap3A_742 = tpu.memref_squeeze %swap3A_741 : memref<1x96x256xf32, #tpu.memory_space<vmem>> -> memref<96x256xf32, #tpu.memory_space<vmem>>
      %swap3A_743 = arith.index_cast %scan3A_556 : i32 to index
      %swap3A_744 = arith.constant 160 : index
      %swap3A_745 = tpu.vector_load %swap3A_742[%swap3A_743, %swap3A_744] {strides = array<i32>} : memref<96x256xf32, #tpu.memory_space<vmem>>, vector<16xf32>,
      tpu.vector_store %swap3A_742[%swap3A_743, %swap3A_744], %get3A_738 {strides = array<i32>} : memref<96x256xf32, #tpu.memory_space<vmem>>, vector<16xf32>,
      %add3A_746 = arith.constant 176 : i32
      %add3A_747 = arith.addi %add3A_624, %add3A_746 : i32
      %get3A_748 = arith.index_cast %add3A_747 : i32 to index
      %get3A_749 = tpu.vector_load %arg5[%get3A_748] {strides = array<i32>} : memref<3072xf32, #tpu.memory_space<vmem>>, vector<16xf32>,
      %swap3A_750 = arith.constant 0 : i32
      %swap3A_751 = arith.constant 0 : i32
      %swap3A_752 = tpu.memref_slice %arg6[%scan3A_454, %swap3A_750, %swap3A_751] : memref<2x96x256xf32, #tpu.memory_space<vmem>> -> memref<1x96x256xf32, #tpu.memory_space<vmem>>
      %swap3A_753 = tpu.memref_squeeze %swap3A_752 : memref<1x96x256xf32, #tpu.memory_space<vmem>> -> memref<96x256xf32, #tpu.memory_space<vmem>>
      %swap3A_754 = arith.index_cast %scan3A_556 : i32 to index
      %swap3A_755 = arith.constant 176 : index
      %swap3A_756 = tpu.vector_load %swap3A_753[%swap3A_754, %swap3A_755] {strides = array<i32>} : memref<96x256xf32, #tpu.memory_space<vmem>>, vector<16xf32>,
      tpu.vector_store %swap3A_753[%swap3A_754, %swap3A_755], %get3A_749 {strides = array<i32>} : memref<96x256xf32, #tpu.memory_space<vmem>>, vector<16xf32>,
      %add3A_757 = arith.constant 192 : i32
      %add3A_758 = arith.addi %add3A_624, %add3A_757 : i32
      %get3A_759 = arith.index_cast %add3A_758 : i32 to index
      %get3A_760 = tpu.vector_load %arg5[%get3A_759] {strides = array<i32>} : memref<3072xf32, #tpu.memory_space<vmem>>, vector<16xf32>,
      %swap3A_761 = arith.constant 0 : i32
      %swap3A_762 = arith.constant 0 : i32
      %swap3A_763 = tpu.memref_slice %arg6[%scan3A_454, %swap3A_761, %swap3A_762] : memref<2x96x256xf32, #tpu.memory_space<vmem>> -> memref<1x96x256xf32, #tpu.memory_space<vmem>>
      %swap3A_764 = tpu.memref_squeeze %swap3A_763 : memref<1x96x256xf32, #tpu.memory_space<vmem>> -> memref<96x256xf32, #tpu.memory_space<vmem>>
      %swap3A_765 = arith.index_cast %scan3A_556 : i32 to index
      %swap3A_766 = arith.constant 192 : index
      %swap3A_767 = tpu.vector_load %swap3A_764[%swap3A_765, %swap3A_766] {strides = array<i32>} : memref<96x256xf32, #tpu.memory_space<vmem>>, vector<16xf32>,
      tpu.vector_store %swap3A_764[%swap3A_765, %swap3A_766], %get3A_760 {strides = array<i32>} : memref<96x256xf32, #tpu.memory_space<vmem>>, vector<16xf32>,
      %add3A_768 = arith.constant 208 : i32
      %add3A_769 = arith.addi %add3A_624, %add3A_768 : i32
      %get3A_770 = arith.index_cast %add3A_769 : i32 to index
      %get3A_771 = tpu.vector_load %arg5[%get3A_770] {strides = array<i32>} : memref<3072xf32, #tpu.memory_space<vmem>>, vector<16xf32>,
      %swap3A_772 = arith.constant 0 : i32
      %swap3A_773 = arith.constant 0 : i32
      %swap3A_774 = tpu.memref_slice %arg6[%scan3A_454, %swap3A_772, %swap3A_773] : memref<2x96x256xf32, #tpu.memory_space<vmem>> -> memref<1x96x256xf32, #tpu.memory_space<vmem>>
      %swap3A_775 = tpu.memref_squeeze %swap3A_774 : memref<1x96x256xf32, #tpu.memory_space<vmem>> -> memref<96x256xf32, #tpu.memory_space<vmem>>
      %swap3A_776 = arith.index_cast %scan3A_556 : i32 to index
      %swap3A_777 = arith.constant 208 : index
      %swap3A_778 = tpu.vector_load %swap3A_775[%swap3A_776, %swap3A_777] {strides = array<i32>} : memref<96x256xf32, #tpu.memory_space<vmem>>, vector<16xf32>,
      tpu.vector_store %swap3A_775[%swap3A_776, %swap3A_777], %get3A_771 {strides = array<i32>} : memref<96x256xf32, #tpu.memory_space<vmem>>, vector<16xf32>,
      %add3A_779 = arith.constant 224 : i32
      %add3A_780 = arith.addi %add3A_624, %add3A_779 : i32
      %get3A_781 = arith.index_cast %add3A_780 : i32 to index
      %get3A_782 = tpu.vector_load %arg5[%get3A_781] {strides = array<i32>} : memref<3072xf32, #tpu.memory_space<vmem>>, vector<16xf32>,
      %swap3A_783 = arith.constant 0 : i32
      %swap3A_784 = arith.constant 0 : i32
      %swap3A_785 = tpu.memref_slice %arg6[%scan3A_454, %swap3A_783, %swap3A_784] : memref<2x96x256xf32, #tpu.memory_space<vmem>> -> memref<1x96x256xf32, #tpu.memory_space<vmem>>
      %swap3A_786 = tpu.memref_squeeze %swap3A_785 : memref<1x96x256xf32, #tpu.memory_space<vmem>> -> memref<96x256xf32, #tpu.memory_space<vmem>>
      %swap3A_787 = arith.index_cast %scan3A_556 : i32 to index
      %swap3A_788 = arith.constant 224 : index
      %swap3A_789 = tpu.vector_load %swap3A_786[%swap3A_787, %swap3A_788] {strides = array<i32>} : memref<96x256xf32, #tpu.memory_space<vmem>>, vector<16xf32>,
      tpu.vector_store %swap3A_786[%swap3A_787, %swap3A_788], %get3A_782 {strides = array<i32>} : memref<96x256xf32, #tpu.memory_space<vmem>>, vector<16xf32>,
      %add3A_790 = arith.constant 240 : i32
      %add3A_791 = arith.addi %add3A_624, %add3A_790 : i32
      %get3A_792 = arith.index_cast %add3A_791 : i32 to index
      %get3A_793 = tpu.vector_load %arg5[%get3A_792] {strides = array<i32>} : memref<3072xf32, #tpu.memory_space<vmem>>, vector<16xf32>,
      %swap3A_794 = arith.constant 0 : i32
      %swap3A_795 = arith.constant 0 : i32
      %swap3A_796 = tpu.memref_slice %arg6[%scan3A_454, %swap3A_794, %swap3A_795] : memref<2x96x256xf32, #tpu.memory_space<vmem>> -> memref<1x96x256xf32, #tpu.memory_space<vmem>>
      %swap3A_797 = tpu.memref_squeeze %swap3A_796 : memref<1x96x256xf32, #tpu.memory_space<vmem>> -> memref<96x256xf32, #tpu.memory_space<vmem>>
      %swap3A_798 = arith.index_cast %scan3A_556 : i32 to index
      %swap3A_799 = arith.constant 240 : index
      %swap3A_800 = tpu.vector_load %swap3A_797[%swap3A_798, %swap3A_799] {strides = array<i32>} : memref<96x256xf32, #tpu.memory_space<vmem>>, vector<16xf32>,
      tpu.vector_store %swap3A_797[%swap3A_798, %swap3A_799], %get3A_793 {strides = array<i32>} : memref<96x256xf32, #tpu.memory_space<vmem>>, vector<16xf32>,
    }
    %scan3A_459 = arith.constant 96 : i32
    %add3A_460 = arith.constant 0 : i32
    %add3A_461 = arith.addi %mul3A_2, %add3A_460 : i32
    %dma_start3A = arith.constant 0 : i32
    %dma_start3A_462 = arith.constant 0 : i32
    %dma_start3A_463 = arith.constant 0 : i32
    %dma_start3A_464 = tpu.memref_slice %arg6[%dma_start3A, %dma_start3A_462, %dma_start3A_463] : memref<2x96x256xf32, #tpu.memory_space<vmem>> -> memref<1x96x256xf32, #tpu.memory_space<vmem>>
    %dma_start3A_465 = tpu.memref_squeeze %dma_start3A_464 : memref<1x96x256xf32, #tpu.memory_space<vmem>> -> memref<96x256xf32, #tpu.memory_space<vmem>>
    %dma_start3A_466 = arith.constant 0 : i32
    %dma_start3A_467 = tpu.memref_slice %arg3[%add3A_461, %dma_start3A_466] : memref<9216x256xf32, #tpu.memory_space<hbm>> -> memref<96x256xf32, #tpu.memory_space<hbm>>
    %dma_start3A_468 = arith.constant 0 : i32
    %dma_start3A_469 = tpu.memref_slice %arg3[%add3A_461, %dma_start3A_468] : memref<9216x256xf32, #tpu.memory_space<hbm>> -> memref<96x256xf32, #tpu.memory_space<hbm>>
    %dma_start3A_470 = arith.constant 0 : i32
    %dma_start3A_471 = arith.constant 0 : i32
    %dma_start3A_472 = tpu.memref_slice %arg6[%dma_start3A, %dma_start3A_470, %dma_start3A_471] : memref<2x96x256xf32, #tpu.memory_space<vmem>> -> memref<1x96x256xf32, #tpu.memory_space<vmem>>
    %dma_start3A_473 = tpu.memref_squeeze %dma_start3A_472 : memref<1x96x256xf32, #tpu.memory_space<vmem>> -> memref<96x256xf32, #tpu.memory_space<vmem>>
    tpu.enqueue_dma source(%dma_start3A_473 : memref<96x256xf32, #tpu.memory_space<vmem>>) target(%dma_start3A_469 : memref<96x256xf32, #tpu.memory_space<hbm>>) target_semaphore(%arg7 : memref<!tpu.dma_semaphore, #tpu.memory_space<semaphore_mem>>)
    %scan3A_474 = arith.constant 0 : i32
    %scan3A_475 = arith.constant 1 : i32
    %scan3A_476 = arith.constant 0 : i32
    %scan3A_477 = arith.constant 96 : i32
    %scan3A_478 = arith.addi %scan3A_476, %scan3A_477 : i32
    %scan3A_479 = arith.constant 1 : i32
    scf.for %scan3A_556 = %scan3A_476 to %scan3A_478 step %scan3A_479  : i32 {
      %add3A_557 = arith.constant 96 : i32
      %add3A_558 = arith.addi %mul3A_2, %add3A_557 : i32
      %add3A_559 = arith.addi %add3A_558, %scan3A_556 : i32
      %mul3A_560 = arith.constant 768 : i32
      %mul3A_561 = arith.muli %select_n3A, %mul3A_560 : i32
      %sub3A_562 = arith.subi %add3A_559, %mul3A_561 : i32
      %jit3A_563 = arith.constant 768 : i32
      %div3A_564 = arith.divsi %sub3A_562, %jit3A_563 : i32
      %sign3A_565 = arith.constant 0 : i32
      %sign3A_566 = arith.cmpi sgt, %sub3A_562, %sign3A_565 : i32
      %sign3A_567 = arith.extui %sign3A_566 : i1 to i32
      %sign3A_568 = arith.constant 0 : i32
      %sign3A_569 = arith.cmpi slt, %sub3A_562, %sign3A_568 : i32
      %sign3A_570 = arith.extui %sign3A_569 : i1 to i32
      %sign3A_571 = arith.subi %sign3A_567, %sign3A_570 : i32
      %sign3A_572 = arith.constant 0 : i32
      %sign3A_573 = arith.cmpi sgt, %jit3A_563, %sign3A_572 : i32
      %sign3A_574 = arith.extui %sign3A_573 : i1 to i32
      %sign3A_575 = arith.constant 0 : i32
      %sign3A_576 = arith.cmpi slt, %jit3A_563, %sign3A_575 : i32
      %sign3A_577 = arith.extui %sign3A_576 : i1 to i32
      %sign3A_578 = arith.subi %sign3A_574, %sign3A_577 : i32
      %ne3A_579 = arith.cmpi ne, %sign3A_571, %sign3A_578 : i32
      %rem3A_580 = arith.remsi %sub3A_562, %jit3A_563 : i32
      %ne3A_581 = arith.constant 0 : i32
      %ne3A_582 = arith.cmpi ne, %rem3A_580, %ne3A_581 : i32
      %and3A_583 = arith.andi %ne3A_579, %ne3A_582 : i1
      %sub3A_584 = arith.constant 1 : i32
      %sub3A_585 = arith.subi %div3A_564, %sub3A_584 : i32
      %select_n3A_586 = arith.select %and3A_583, %sub3A_585, %div3A_564 : i32
      %mul3A_587 = arith.constant 768 : i32
      %mul3A_588 = arith.muli %select_n3A_586, %mul3A_587 : i32
      %sub3A_589 = arith.subi %sub3A_562, %mul3A_588 : i32
      %jit3A_590 = arith.constant 256 : i32
      %div3A_591 = arith.divsi %sub3A_589, %jit3A_590 : i32
      %sign3A_592 = arith.constant 0 : i32
      %sign3A_593 = arith.cmpi sgt, %sub3A_589, %sign3A_592 : i32
      %sign3A_594 = arith.extui %sign3A_593 : i1 to i32
      %sign3A_595 = arith.constant 0 : i32
      %sign3A_596 = arith.cmpi slt, %sub3A_589, %sign3A_595 : i32
      %sign3A_597 = arith.extui %sign3A_596 : i1 to i32
      %sign3A_598 = arith.subi %sign3A_594, %sign3A_597 : i32
      %sign3A_599 = arith.constant 0 : i32
      %sign3A_600 = arith.cmpi sgt, %jit3A_590, %sign3A_599 : i32
      %sign3A_601 = arith.extui %sign3A_600 : i1 to i32
      %sign3A_602 = arith.constant 0 : i32
      %sign3A_603 = arith.cmpi slt, %jit3A_590, %sign3A_602 : i32
      %sign3A_604 = arith.extui %sign3A_603 : i1 to i32
      %sign3A_605 = arith.subi %sign3A_601, %sign3A_604 : i32
      %ne3A_606 = arith.cmpi ne, %sign3A_598, %sign3A_605 : i32
      %rem3A_607 = arith.remsi %sub3A_589, %jit3A_590 : i32
      %ne3A_608 = arith.constant 0 : i32
      %ne3A_609 = arith.cmpi ne, %rem3A_607, %ne3A_608 : i32
      %and3A_610 = arith.andi %ne3A_606, %ne3A_609 : i1
      %sub3A_611 = arith.constant 1 : i32
      %sub3A_612 = arith.subi %div3A_591, %sub3A_611 : i32
      %select_n3A_613 = arith.select %and3A_610, %sub3A_612, %div3A_591 : i32
      %mul3A_614 = arith.constant 256 : i32
      %mul3A_615 = arith.muli %select_n3A_613, %mul3A_614 : i32
      %sub3A_616 = arith.subi %sub3A_589, %mul3A_615 : i32
      %mul3A_617 = arith.constant 256 : i32
      %mul3A_618 = arith.muli %mul3A_617, %select_n3A_613 : i32
      %sub3A_619 = arith.constant 1023 : i32
      %sub3A_620 = arith.subi %sub3A_619, %mul3A_618 : i32
      %sub3A_621 = arith.subi %sub3A_620, %sub3A_616 : i32
      %mul3A_622 = arith.constant 1536 : i32
      %mul3A_623 = arith.muli %select_n3A_586, %mul3A_622 : i32
      %add3A_624 = arith.addi %mul3A_623, %sub3A_621 : i32
      %add3A_625 = arith.constant 0 : i32
      %add3A_626 = arith.addi %add3A_624, %add3A_625 : i32
      %get3A_627 = arith.index_cast %add3A_626 : i32 to index
      %get3A_628 = tpu.vector_load %arg5[%get3A_627] {strides = array<i32>} : memref<3072xf32, #tpu.memory_space<vmem>>, vector<16xf32>,
      %swap3A_629 = arith.constant 0 : i32
      %swap3A_630 = arith.constant 0 : i32
      %swap3A_631 = tpu.memref_slice %arg6[%scan3A_475, %swap3A_629, %swap3A_630] : memref<2x96x256xf32, #tpu.memory_space<vmem>> -> memref<1x96x256xf32, #tpu.memory_space<vmem>>
      %swap3A_632 = tpu.memref_squeeze %swap3A_631 : memref<1x96x256xf32, #tpu.memory_space<vmem>> -> memref<96x256xf32, #tpu.memory_space<vmem>>
      %swap3A_633 = arith.index_cast %scan3A_556 : i32 to index
      %swap3A_634 = arith.constant 0 : index
      %swap3A_635 = tpu.vector_load %swap3A_632[%swap3A_633, %swap3A_634] {strides = array<i32>} : memref<96x256xf32, #tpu.memory_space<vmem>>, vector<16xf32>,
      tpu.vector_store %swap3A_632[%swap3A_633, %swap3A_634], %get3A_628 {strides = array<i32>} : memref<96x256xf32, #tpu.memory_space<vmem>>, vector<16xf32>,
      %add3A_636 = arith.constant 16 : i32
      %add3A_637 = arith.addi %add3A_624, %add3A_636 : i32
      %get3A_638 = arith.index_cast %add3A_637 : i32 to index
      %get3A_639 = tpu.vector_load %arg5[%get3A_638] {strides = array<i32>} : memref<3072xf32, #tpu.memory_space<vmem>>, vector<16xf32>,
      %swap3A_640 = arith.constant 0 : i32
      %swap3A_641 = arith.constant 0 : i32
      %swap3A_642 = tpu.memref_slice %arg6[%scan3A_475, %swap3A_640, %swap3A_641] : memref<2x96x256xf32, #tpu.memory_space<vmem>> -> memref<1x96x256xf32, #tpu.memory_space<vmem>>
      %swap3A_643 = tpu.memref_squeeze %swap3A_642 : memref<1x96x256xf32, #tpu.memory_space<vmem>> -> memref<96x256xf32, #tpu.memory_space<vmem>>
      %swap3A_644 = arith.index_cast %scan3A_556 : i32 to index
      %swap3A_645 = arith.constant 16 : index
      %swap3A_646 = tpu.vector_load %swap3A_643[%swap3A_644, %swap3A_645] {strides = array<i32>} : memref<96x256xf32, #tpu.memory_space<vmem>>, vector<16xf32>,
      tpu.vector_store %swap3A_643[%swap3A_644, %swap3A_645], %get3A_639 {strides = array<i32>} : memref<96x256xf32, #tpu.memory_space<vmem>>, vector<16xf32>,
      %add3A_647 = arith.constant 32 : i32
      %add3A_648 = arith.addi %add3A_624, %add3A_647 : i32
      %get3A_649 = arith.index_cast %add3A_648 : i32 to index
      %get3A_650 = tpu.vector_load %arg5[%get3A_649] {strides = array<i32>} : memref<3072xf32, #tpu.memory_space<vmem>>, vector<16xf32>,
      %swap3A_651 = arith.constant 0 : i32
      %swap3A_652 = arith.constant 0 : i32
      %swap3A_653 = tpu.memref_slice %arg6[%scan3A_475, %swap3A_651, %swap3A_652] : memref<2x96x256xf32, #tpu.memory_space<vmem>> -> memref<1x96x256xf32, #tpu.memory_space<vmem>>
      %swap3A_654 = tpu.memref_squeeze %swap3A_653 : memref<1x96x256xf32, #tpu.memory_space<vmem>> -> memref<96x256xf32, #tpu.memory_space<vmem>>
      %swap3A_655 = arith.index_cast %scan3A_556 : i32 to index
      %swap3A_656 = arith.constant 32 : index
      %swap3A_657 = tpu.vector_load %swap3A_654[%swap3A_655, %swap3A_656] {strides = array<i32>} : memref<96x256xf32, #tpu.memory_space<vmem>>, vector<16xf32>,
      tpu.vector_store %swap3A_654[%swap3A_655, %swap3A_656], %get3A_650 {strides = array<i32>} : memref<96x256xf32, #tpu.memory_space<vmem>>, vector<16xf32>,
      %add3A_658 = arith.constant 48 : i32
      %add3A_659 = arith.addi %add3A_624, %add3A_658 : i32
      %get3A_660 = arith.index_cast %add3A_659 : i32 to index
      %get3A_661 = tpu.vector_load %arg5[%get3A_660] {strides = array<i32>} : memref<3072xf32, #tpu.memory_space<vmem>>, vector<16xf32>,
      %swap3A_662 = arith.constant 0 : i32
      %swap3A_663 = arith.constant 0 : i32
      %swap3A_664 = tpu.memref_slice %arg6[%scan3A_475, %swap3A_662, %swap3A_663] : memref<2x96x256xf32, #tpu.memory_space<vmem>> -> memref<1x96x256xf32, #tpu.memory_space<vmem>>
      %swap3A_665 = tpu.memref_squeeze %swap3A_664 : memref<1x96x256xf32, #tpu.memory_space<vmem>> -> memref<96x256xf32, #tpu.memory_space<vmem>>
      %swap3A_666 = arith.index_cast %scan3A_556 : i32 to index
      %swap3A_667 = arith.constant 48 : index
      %swap3A_668 = tpu.vector_load %swap3A_665[%swap3A_666, %swap3A_667] {strides = array<i32>} : memref<96x256xf32, #tpu.memory_space<vmem>>, vector<16xf32>,
      tpu.vector_store %swap3A_665[%swap3A_666, %swap3A_667], %get3A_661 {strides = array<i32>} : memref<96x256xf32, #tpu.memory_space<vmem>>, vector<16xf32>,
      %add3A_669 = arith.constant 64 : i32
      %add3A_670 = arith.addi %add3A_624, %add3A_669 : i32
      %get3A_671 = arith.index_cast %add3A_670 : i32 to index
      %get3A_672 = tpu.vector_load %arg5[%get3A_671] {strides = array<i32>} : memref<3072xf32, #tpu.memory_space<vmem>>, vector<16xf32>,
      %swap3A_673 = arith.constant 0 : i32
      %swap3A_674 = arith.constant 0 : i32
      %swap3A_675 = tpu.memref_slice %arg6[%scan3A_475, %swap3A_673, %swap3A_674] : memref<2x96x256xf32, #tpu.memory_space<vmem>> -> memref<1x96x256xf32, #tpu.memory_space<vmem>>
      %swap3A_676 = tpu.memref_squeeze %swap3A_675 : memref<1x96x256xf32, #tpu.memory_space<vmem>> -> memref<96x256xf32, #tpu.memory_space<vmem>>
      %swap3A_677 = arith.index_cast %scan3A_556 : i32 to index
      %swap3A_678 = arith.constant 64 : index
      %swap3A_679 = tpu.vector_load %swap3A_676[%swap3A_677, %swap3A_678] {strides = array<i32>} : memref<96x256xf32, #tpu.memory_space<vmem>>, vector<16xf32>,
      tpu.vector_store %swap3A_676[%swap3A_677, %swap3A_678], %get3A_672 {strides = array<i32>} : memref<96x256xf32, #tpu.memory_space<vmem>>, vector<16xf32>,
      %add3A_680 = arith.constant 80 : i32
      %add3A_681 = arith.addi %add3A_624, %add3A_680 : i32
      %get3A_682 = arith.index_cast %add3A_681 : i32 to index
      %get3A_683 = tpu.vector_load %arg5[%get3A_682] {strides = array<i32>} : memref<3072xf32, #tpu.memory_space<vmem>>, vector<16xf32>,
      %swap3A_684 = arith.constant 0 : i32
      %swap3A_685 = arith.constant 0 : i32
      %swap3A_686 = tpu.memref_slice %arg6[%scan3A_475, %swap3A_684, %swap3A_685] : memref<2x96x256xf32, #tpu.memory_space<vmem>> -> memref<1x96x256xf32, #tpu.memory_space<vmem>>
      %swap3A_687 = tpu.memref_squeeze %swap3A_686 : memref<1x96x256xf32, #tpu.memory_space<vmem>> -> memref<96x256xf32, #tpu.memory_space<vmem>>
      %swap3A_688 = arith.index_cast %scan3A_556 : i32 to index
      %swap3A_689 = arith.constant 80 : index
      %swap3A_690 = tpu.vector_load %swap3A_687[%swap3A_688, %swap3A_689] {strides = array<i32>} : memref<96x256xf32, #tpu.memory_space<vmem>>, vector<16xf32>,
      tpu.vector_store %swap3A_687[%swap3A_688, %swap3A_689], %get3A_683 {strides = array<i32>} : memref<96x256xf32, #tpu.memory_space<vmem>>, vector<16xf32>,
      %add3A_691 = arith.constant 96 : i32
      %add3A_692 = arith.addi %add3A_624, %add3A_691 : i32
      %get3A_693 = arith.index_cast %add3A_692 : i32 to index
      %get3A_694 = tpu.vector_load %arg5[%get3A_693] {strides = array<i32>} : memref<3072xf32, #tpu.memory_space<vmem>>, vector<16xf32>,
      %swap3A_695 = arith.constant 0 : i32
      %swap3A_696 = arith.constant 0 : i32
      %swap3A_697 = tpu.memref_slice %arg6[%scan3A_475, %swap3A_695, %swap3A_696] : memref<2x96x256xf32, #tpu.memory_space<vmem>> -> memref<1x96x256xf32, #tpu.memory_space<vmem>>
      %swap3A_698 = tpu.memref_squeeze %swap3A_697 : memref<1x96x256xf32, #tpu.memory_space<vmem>> -> memref<96x256xf32, #tpu.memory_space<vmem>>
      %swap3A_699 = arith.index_cast %scan3A_556 : i32 to index
      %swap3A_700 = arith.constant 96 : index
      %swap3A_701 = tpu.vector_load %swap3A_698[%swap3A_699, %swap3A_700] {strides = array<i32>} : memref<96x256xf32, #tpu.memory_space<vmem>>, vector<16xf32>,
      tpu.vector_store %swap3A_698[%swap3A_699, %swap3A_700], %get3A_694 {strides = array<i32>} : memref<96x256xf32, #tpu.memory_space<vmem>>, vector<16xf32>,
      %add3A_702 = arith.constant 112 : i32
      %add3A_703 = arith.addi %add3A_624, %add3A_702 : i32
      %get3A_704 = arith.index_cast %add3A_703 : i32 to index
      %get3A_705 = tpu.vector_load %arg5[%get3A_704] {strides = array<i32>} : memref<3072xf32, #tpu.memory_space<vmem>>, vector<16xf32>,
      %swap3A_706 = arith.constant 0 : i32
      %swap3A_707 = arith.constant 0 : i32
      %swap3A_708 = tpu.memref_slice %arg6[%scan3A_475, %swap3A_706, %swap3A_707] : memref<2x96x256xf32, #tpu.memory_space<vmem>> -> memref<1x96x256xf32, #tpu.memory_space<vmem>>
      %swap3A_709 = tpu.memref_squeeze %swap3A_708 : memref<1x96x256xf32, #tpu.memory_space<vmem>> -> memref<96x256xf32, #tpu.memory_space<vmem>>
      %swap3A_710 = arith.index_cast %scan3A_556 : i32 to index
      %swap3A_711 = arith.constant 112 : index
      %swap3A_712 = tpu.vector_load %swap3A_709[%swap3A_710, %swap3A_711] {strides = array<i32>} : memref<96x256xf32, #tpu.memory_space<vmem>>, vector<16xf32>,
      tpu.vector_store %swap3A_709[%swap3A_710, %swap3A_711], %get3A_705 {strides = array<i32>} : memref<96x256xf32, #tpu.memory_space<vmem>>, vector<16xf32>,
      %add3A_713 = arith.constant 128 : i32
      %add3A_714 = arith.addi %add3A_624, %add3A_713 : i32
      %get3A_715 = arith.index_cast %add3A_714 : i32 to index
      %get3A_716 = tpu.vector_load %arg5[%get3A_715] {strides = array<i32>} : memref<3072xf32, #tpu.memory_space<vmem>>, vector<16xf32>,
      %swap3A_717 = arith.constant 0 : i32
      %swap3A_718 = arith.constant 0 : i32
      %swap3A_719 = tpu.memref_slice %arg6[%scan3A_475, %swap3A_717, %swap3A_718] : memref<2x96x256xf32, #tpu.memory_space<vmem>> -> memref<1x96x256xf32, #tpu.memory_space<vmem>>
      %swap3A_720 = tpu.memref_squeeze %swap3A_719 : memref<1x96x256xf32, #tpu.memory_space<vmem>> -> memref<96x256xf32, #tpu.memory_space<vmem>>
      %swap3A_721 = arith.index_cast %scan3A_556 : i32 to index
      %swap3A_722 = arith.constant 128 : index
      %swap3A_723 = tpu.vector_load %swap3A_720[%swap3A_721, %swap3A_722] {strides = array<i32>} : memref<96x256xf32, #tpu.memory_space<vmem>>, vector<16xf32>,
      tpu.vector_store %swap3A_720[%swap3A_721, %swap3A_722], %get3A_716 {strides = array<i32>} : memref<96x256xf32, #tpu.memory_space<vmem>>, vector<16xf32>,
      %add3A_724 = arith.constant 144 : i32
      %add3A_725 = arith.addi %add3A_624, %add3A_724 : i32
      %get3A_726 = arith.index_cast %add3A_725 : i32 to index
      %get3A_727 = tpu.vector_load %arg5[%get3A_726] {strides = array<i32>} : memref<3072xf32, #tpu.memory_space<vmem>>, vector<16xf32>,
      %swap3A_728 = arith.constant 0 : i32
      %swap3A_729 = arith.constant 0 : i32
      %swap3A_730 = tpu.memref_slice %arg6[%scan3A_475, %swap3A_728, %swap3A_729] : memref<2x96x256xf32, #tpu.memory_space<vmem>> -> memref<1x96x256xf32, #tpu.memory_space<vmem>>
      %swap3A_731 = tpu.memref_squeeze %swap3A_730 : memref<1x96x256xf32, #tpu.memory_space<vmem>> -> memref<96x256xf32, #tpu.memory_space<vmem>>
      %swap3A_732 = arith.index_cast %scan3A_556 : i32 to index
      %swap3A_733 = arith.constant 144 : index
      %swap3A_734 = tpu.vector_load %swap3A_731[%swap3A_732, %swap3A_733] {strides = array<i32>} : memref<96x256xf32, #tpu.memory_space<vmem>>, vector<16xf32>,
      tpu.vector_store %swap3A_731[%swap3A_732, %swap3A_733], %get3A_727 {strides = array<i32>} : memref<96x256xf32, #tpu.memory_space<vmem>>, vector<16xf32>,
      %add3A_735 = arith.constant 160 : i32
      %add3A_736 = arith.addi %add3A_624, %add3A_735 : i32
      %get3A_737 = arith.index_cast %add3A_736 : i32 to index
      %get3A_738 = tpu.vector_load %arg5[%get3A_737] {strides = array<i32>} : memref<3072xf32, #tpu.memory_space<vmem>>, vector<16xf32>,
      %swap3A_739 = arith.constant 0 : i32
      %swap3A_740 = arith.constant 0 : i32
      %swap3A_741 = tpu.memref_slice %arg6[%scan3A_475, %swap3A_739, %swap3A_740] : memref<2x96x256xf32, #tpu.memory_space<vmem>> -> memref<1x96x256xf32, #tpu.memory_space<vmem>>
      %swap3A_742 = tpu.memref_squeeze %swap3A_741 : memref<1x96x256xf32, #tpu.memory_space<vmem>> -> memref<96x256xf32, #tpu.memory_space<vmem>>
      %swap3A_743 = arith.index_cast %scan3A_556 : i32 to index
      %swap3A_744 = arith.constant 160 : index
      %swap3A_745 = tpu.vector_load %swap3A_742[%swap3A_743, %swap3A_744] {strides = array<i32>} : memref<96x256xf32, #tpu.memory_space<vmem>>, vector<16xf32>,
      tpu.vector_store %swap3A_742[%swap3A_743, %swap3A_744], %get3A_738 {strides = array<i32>} : memref<96x256xf32, #tpu.memory_space<vmem>>, vector<16xf32>,
      %add3A_746 = arith.constant 176 : i32
      %add3A_747 = arith.addi %add3A_624, %add3A_746 : i32
      %get3A_748 = arith.index_cast %add3A_747 : i32 to index
      %get3A_749 = tpu.vector_load %arg5[%get3A_748] {strides = array<i32>} : memref<3072xf32, #tpu.memory_space<vmem>>, vector<16xf32>,
      %swap3A_750 = arith.constant 0 : i32
      %swap3A_751 = arith.constant 0 : i32
      %swap3A_752 = tpu.memref_slice %arg6[%scan3A_475, %swap3A_750, %swap3A_751] : memref<2x96x256xf32, #tpu.memory_space<vmem>> -> memref<1x96x256xf32, #tpu.memory_space<vmem>>
      %swap3A_753 = tpu.memref_squeeze %swap3A_752 : memref<1x96x256xf32, #tpu.memory_space<vmem>> -> memref<96x256xf32, #tpu.memory_space<vmem>>
      %swap3A_754 = arith.index_cast %scan3A_556 : i32 to index
      %swap3A_755 = arith.constant 176 : index
      %swap3A_756 = tpu.vector_load %swap3A_753[%swap3A_754, %swap3A_755] {strides = array<i32>} : memref<96x256xf32, #tpu.memory_space<vmem>>, vector<16xf32>,
      tpu.vector_store %swap3A_753[%swap3A_754, %swap3A_755], %get3A_749 {strides = array<i32>} : memref<96x256xf32, #tpu.memory_space<vmem>>, vector<16xf32>,
      %add3A_757 = arith.constant 192 : i32
      %add3A_758 = arith.addi %add3A_624, %add3A_757 : i32
      %get3A_759 = arith.index_cast %add3A_758 : i32 to index
      %get3A_760 = tpu.vector_load %arg5[%get3A_759] {strides = array<i32>} : memref<3072xf32, #tpu.memory_space<vmem>>, vector<16xf32>,
      %swap3A_761 = arith.constant 0 : i32
      %swap3A_762 = arith.constant 0 : i32
      %swap3A_763 = tpu.memref_slice %arg6[%scan3A_475, %swap3A_761, %swap3A_762] : memref<2x96x256xf32, #tpu.memory_space<vmem>> -> memref<1x96x256xf32, #tpu.memory_space<vmem>>
      %swap3A_764 = tpu.memref_squeeze %swap3A_763 : memref<1x96x256xf32, #tpu.memory_space<vmem>> -> memref<96x256xf32, #tpu.memory_space<vmem>>
      %swap3A_765 = arith.index_cast %scan3A_556 : i32 to index
      %swap3A_766 = arith.constant 192 : index
      %swap3A_767 = tpu.vector_load %swap3A_764[%swap3A_765, %swap3A_766] {strides = array<i32>} : memref<96x256xf32, #tpu.memory_space<vmem>>, vector<16xf32>,
      tpu.vector_store %swap3A_764[%swap3A_765, %swap3A_766], %get3A_760 {strides = array<i32>} : memref<96x256xf32, #tpu.memory_space<vmem>>, vector<16xf32>,
      %add3A_768 = arith.constant 208 : i32
      %add3A_769 = arith.addi %add3A_624, %add3A_768 : i32
      %get3A_770 = arith.index_cast %add3A_769 : i32 to index
      %get3A_771 = tpu.vector_load %arg5[%get3A_770] {strides = array<i32>} : memref<3072xf32, #tpu.memory_space<vmem>>, vector<16xf32>,
      %swap3A_772 = arith.constant 0 : i32
      %swap3A_773 = arith.constant 0 : i32
      %swap3A_774 = tpu.memref_slice %arg6[%scan3A_475, %swap3A_772, %swap3A_773] : memref<2x96x256xf32, #tpu.memory_space<vmem>> -> memref<1x96x256xf32, #tpu.memory_space<vmem>>
      %swap3A_775 = tpu.memref_squeeze %swap3A_774 : memref<1x96x256xf32, #tpu.memory_space<vmem>> -> memref<96x256xf32, #tpu.memory_space<vmem>>
      %swap3A_776 = arith.index_cast %scan3A_556 : i32 to index
      %swap3A_777 = arith.constant 208 : index
      %swap3A_778 = tpu.vector_load %swap3A_775[%swap3A_776, %swap3A_777] {strides = array<i32>} : memref<96x256xf32, #tpu.memory_space<vmem>>, vector<16xf32>,
      tpu.vector_store %swap3A_775[%swap3A_776, %swap3A_777], %get3A_771 {strides = array<i32>} : memref<96x256xf32, #tpu.memory_space<vmem>>, vector<16xf32>,
      %add3A_779 = arith.constant 224 : i32
      %add3A_780 = arith.addi %add3A_624, %add3A_779 : i32
      %get3A_781 = arith.index_cast %add3A_780 : i32 to index
      %get3A_782 = tpu.vector_load %arg5[%get3A_781] {strides = array<i32>} : memref<3072xf32, #tpu.memory_space<vmem>>, vector<16xf32>,
      %swap3A_783 = arith.constant 0 : i32
      %swap3A_784 = arith.constant 0 : i32
      %swap3A_785 = tpu.memref_slice %arg6[%scan3A_475, %swap3A_783, %swap3A_784] : memref<2x96x256xf32, #tpu.memory_space<vmem>> -> memref<1x96x256xf32, #tpu.memory_space<vmem>>
      %swap3A_786 = tpu.memref_squeeze %swap3A_785 : memref<1x96x256xf32, #tpu.memory_space<vmem>> -> memref<96x256xf32, #tpu.memory_space<vmem>>
      %swap3A_787 = arith.index_cast %scan3A_556 : i32 to index
      %swap3A_788 = arith.constant 224 : index
      %swap3A_789 = tpu.vector_load %swap3A_786[%swap3A_787, %swap3A_788] {strides = array<i32>} : memref<96x256xf32, #tpu.memory_space<vmem>>, vector<16xf32>,
      tpu.vector_store %swap3A_786[%swap3A_787, %swap3A_788], %get3A_782 {strides = array<i32>} : memref<96x256xf32, #tpu.memory_space<vmem>>, vector<16xf32>,
      %add3A_790 = arith.constant 240 : i32
      %add3A_791 = arith.addi %add3A_624, %add3A_790 : i32
      %get3A_792 = arith.index_cast %add3A_791 : i32 to index
      %get3A_793 = tpu.vector_load %arg5[%get3A_792] {strides = array<i32>} : memref<3072xf32, #tpu.memory_space<vmem>>, vector<16xf32>,
      %swap3A_794 = arith.constant 0 : i32
      %swap3A_795 = arith.constant 0 : i32
      %swap3A_796 = tpu.memref_slice %arg6[%scan3A_475, %swap3A_794, %swap3A_795] : memref<2x96x256xf32, #tpu.memory_space<vmem>> -> memref<1x96x256xf32, #tpu.memory_space<vmem>>
      %swap3A_797 = tpu.memref_squeeze %swap3A_796 : memref<1x96x256xf32, #tpu.memory_space<vmem>> -> memref<96x256xf32, #tpu.memory_space<vmem>>
      %swap3A_798 = arith.index_cast %scan3A_556 : i32 to index
      %swap3A_799 = arith.constant 240 : index
      %swap3A_800 = tpu.vector_load %swap3A_797[%swap3A_798, %swap3A_799] {strides = array<i32>} : memref<96x256xf32, #tpu.memory_space<vmem>>, vector<16xf32>,
      tpu.vector_store %swap3A_797[%swap3A_798, %swap3A_799], %get3A_793 {strides = array<i32>} : memref<96x256xf32, #tpu.memory_space<vmem>>, vector<16xf32>,
    }
    %scan3A_480 = arith.constant 96 : i32
    %add3A_481 = arith.constant 96 : i32
    %add3A_482 = arith.addi %mul3A_2, %add3A_481 : i32
    %dma_start3A_483 = arith.constant 1 : i32
    %dma_start3A_484 = arith.constant 0 : i32
    %dma_start3A_485 = arith.constant 0 : i32
    %dma_start3A_486 = tpu.memref_slice %arg6[%dma_start3A_483, %dma_start3A_484, %dma_start3A_485] : memref<2x96x256xf32, #tpu.memory_space<vmem>> -> memref<1x96x256xf32, #tpu.memory_space<vmem>>
    %dma_start3A_487 = tpu.memref_squeeze %dma_start3A_486 : memref<1x96x256xf32, #tpu.memory_space<vmem>> -> memref<96x256xf32, #tpu.memory_space<vmem>>
    %dma_start3A_488 = arith.constant 0 : i32
    %dma_start3A_489 = tpu.memref_slice %arg3[%add3A_482, %dma_start3A_488] : memref<9216x256xf32, #tpu.memory_space<hbm>> -> memref<96x256xf32, #tpu.memory_space<hbm>>
    %dma_start3A_490 = arith.constant 0 : i32
    %dma_start3A_491 = tpu.memref_slice %arg3[%add3A_482, %dma_start3A_490] : memref<9216x256xf32, #tpu.memory_space<hbm>> -> memref<96x256xf32, #tpu.memory_space<hbm>>
    %dma_start3A_492 = arith.constant 0 : i32
    %dma_start3A_493 = arith.constant 0 : i32
    %dma_start3A_494 = tpu.memref_slice %arg6[%dma_start3A_483, %dma_start3A_492, %dma_start3A_493] : memref<2x96x256xf32, #tpu.memory_space<vmem>> -> memref<1x96x256xf32, #tpu.memory_space<vmem>>
    %dma_start3A_495 = tpu.memref_squeeze %dma_start3A_494 : memref<1x96x256xf32, #tpu.memory_space<vmem>> -> memref<96x256xf32, #tpu.memory_space<vmem>>
    tpu.enqueue_dma source(%dma_start3A_495 : memref<96x256xf32, #tpu.memory_space<vmem>>) target(%dma_start3A_491 : memref<96x256xf32, #tpu.memory_space<hbm>>) target_semaphore(%arg8 : memref<!tpu.dma_semaphore, #tpu.memory_space<semaphore_mem>>)
    %dma_wait3A = arith.constant 0 : i32
    %dma_wait3A_496 = arith.constant 0 : i32
    %dma_wait3A_497 = arith.constant 0 : i32
    %dma_wait3A_498 = tpu.memref_slice %arg6[%dma_wait3A, %dma_wait3A_496, %dma_wait3A_497] : memref<2x96x256xf32, #tpu.memory_space<vmem>> -> memref<1x96x256xf32, #tpu.memory_space<vmem>>
    %dma_wait3A_499 = tpu.memref_squeeze %dma_wait3A_498 : memref<1x96x256xf32, #tpu.memory_space<vmem>> -> memref<96x256xf32, #tpu.memory_space<vmem>>
    %dma_wait3A_500 = arith.constant 0 : i32
    %dma_wait3A_501 = tpu.memref_slice %arg3[%add3A_461, %dma_wait3A_500] : memref<9216x256xf32, #tpu.memory_space<hbm>> -> memref<96x256xf32, #tpu.memory_space<hbm>>
    %dma_wait3A_502 = arith.constant 0 : i32
    %dma_wait3A_503 = tpu.memref_slice %arg3[%add3A_461, %dma_wait3A_502] : memref<9216x256xf32, #tpu.memory_space<hbm>> -> memref<96x256xf32, #tpu.memory_space<hbm>>
    %dma_wait3A_504 = arith.constant 0 : i32
    %dma_wait3A_505 = arith.constant 0 : i32
    %dma_wait3A_506 = tpu.memref_slice %arg6[%dma_wait3A, %dma_wait3A_504, %dma_wait3A_505] : memref<2x96x256xf32, #tpu.memory_space<vmem>> -> memref<1x96x256xf32, #tpu.memory_space<vmem>>
    %dma_wait3A_507 = tpu.memref_squeeze %dma_wait3A_506 : memref<1x96x256xf32, #tpu.memory_space<vmem>> -> memref<96x256xf32, #tpu.memory_space<vmem>>
    tpu.wait_dma2 semaphore(%arg7 : memref<!tpu.dma_semaphore, #tpu.memory_space<semaphore_mem>>) src(%dma_wait3A_507 : memref<96x256xf32, #tpu.memory_space<vmem>>) dst(%dma_wait3A_503 : memref<96x256xf32, #tpu.memory_space<hbm>>)
    %scan3A_508 = arith.constant 0 : i32
    %scan3A_509 = arith.constant 0 : i32
    %scan3A_510 = arith.constant 0 : i32
    %scan3A_511 = arith.constant 96 : i32
    %scan3A_512 = arith.addi %scan3A_510, %scan3A_511 : i32
    %scan3A_513 = arith.constant 1 : i32
    scf.for %scan3A_556 = %scan3A_510 to %scan3A_512 step %scan3A_513  : i32 {
      %add3A_557 = arith.constant 192 : i32
      %add3A_558 = arith.addi %mul3A_2, %add3A_557 : i32
      %add3A_559 = arith.addi %add3A_558, %scan3A_556 : i32
      %mul3A_560 = arith.constant 768 : i32
      %mul3A_561 = arith.muli %select_n3A, %mul3A_560 : i32
      %sub3A_562 = arith.subi %add3A_559, %mul3A_561 : i32
      %jit3A_563 = arith.constant 768 : i32
      %div3A_564 = arith.divsi %sub3A_562, %jit3A_563 : i32
      %sign3A_565 = arith.constant 0 : i32
      %sign3A_566 = arith.cmpi sgt, %sub3A_562, %sign3A_565 : i32
      %sign3A_567 = arith.extui %sign3A_566 : i1 to i32
      %sign3A_568 = arith.constant 0 : i32
      %sign3A_569 = arith.cmpi slt, %sub3A_562, %sign3A_568 : i32
      %sign3A_570 = arith.extui %sign3A_569 : i1 to i32
      %sign3A_571 = arith.subi %sign3A_567, %sign3A_570 : i32
      %sign3A_572 = arith.constant 0 : i32
      %sign3A_573 = arith.cmpi sgt, %jit3A_563, %sign3A_572 : i32
      %sign3A_574 = arith.extui %sign3A_573 : i1 to i32
      %sign3A_575 = arith.constant 0 : i32
      %sign3A_576 = arith.cmpi slt, %jit3A_563, %sign3A_575 : i32
      %sign3A_577 = arith.extui %sign3A_576 : i1 to i32
      %sign3A_578 = arith.subi %sign3A_574, %sign3A_577 : i32
      %ne3A_579 = arith.cmpi ne, %sign3A_571, %sign3A_578 : i32
      %rem3A_580 = arith.remsi %sub3A_562, %jit3A_563 : i32
      %ne3A_581 = arith.constant 0 : i32
      %ne3A_582 = arith.cmpi ne, %rem3A_580, %ne3A_581 : i32
      %and3A_583 = arith.andi %ne3A_579, %ne3A_582 : i1
      %sub3A_584 = arith.constant 1 : i32
      %sub3A_585 = arith.subi %div3A_564, %sub3A_584 : i32
      %select_n3A_586 = arith.select %and3A_583, %sub3A_585, %div3A_564 : i32
      %mul3A_587 = arith.constant 768 : i32
      %mul3A_588 = arith.muli %select_n3A_586, %mul3A_587 : i32
      %sub3A_589 = arith.subi %sub3A_562, %mul3A_588 : i32
      %jit3A_590 = arith.constant 256 : i32
      %div3A_591 = arith.divsi %sub3A_589, %jit3A_590 : i32
      %sign3A_592 = arith.constant 0 : i32
      %sign3A_593 = arith.cmpi sgt, %sub3A_589, %sign3A_592 : i32
      %sign3A_594 = arith.extui %sign3A_593 : i1 to i32
      %sign3A_595 = arith.constant 0 : i32
      %sign3A_596 = arith.cmpi slt, %sub3A_589, %sign3A_595 : i32
      %sign3A_597 = arith.extui %sign3A_596 : i1 to i32
      %sign3A_598 = arith.subi %sign3A_594, %sign3A_597 : i32
      %sign3A_599 = arith.constant 0 : i32
      %sign3A_600 = arith.cmpi sgt, %jit3A_590, %sign3A_599 : i32
      %sign3A_601 = arith.extui %sign3A_600 : i1 to i32
      %sign3A_602 = arith.constant 0 : i32
      %sign3A_603 = arith.cmpi slt, %jit3A_590, %sign3A_602 : i32
      %sign3A_604 = arith.extui %sign3A_603 : i1 to i32
      %sign3A_605 = arith.subi %sign3A_601, %sign3A_604 : i32
      %ne3A_606 = arith.cmpi ne, %sign3A_598, %sign3A_605 : i32
      %rem3A_607 = arith.remsi %sub3A_589, %jit3A_590 : i32
      %ne3A_608 = arith.constant 0 : i32
      %ne3A_609 = arith.cmpi ne, %rem3A_607, %ne3A_608 : i32
      %and3A_610 = arith.andi %ne3A_606, %ne3A_609 : i1
      %sub3A_611 = arith.constant 1 : i32
      %sub3A_612 = arith.subi %div3A_591, %sub3A_611 : i32
      %select_n3A_613 = arith.select %and3A_610, %sub3A_612, %div3A_591 : i32
      %mul3A_614 = arith.constant 256 : i32
      %mul3A_615 = arith.muli %select_n3A_613, %mul3A_614 : i32
      %sub3A_616 = arith.subi %sub3A_589, %mul3A_615 : i32
      %mul3A_617 = arith.constant 256 : i32
      %mul3A_618 = arith.muli %mul3A_617, %select_n3A_613 : i32
      %sub3A_619 = arith.constant 1023 : i32
      %sub3A_620 = arith.subi %sub3A_619, %mul3A_618 : i32
      %sub3A_621 = arith.subi %sub3A_620, %sub3A_616 : i32
      %mul3A_622 = arith.constant 1536 : i32
      %mul3A_623 = arith.muli %select_n3A_586, %mul3A_622 : i32
      %add3A_624 = arith.addi %mul3A_623, %sub3A_621 : i32
      %add3A_625 = arith.constant 0 : i32
      %add3A_626 = arith.addi %add3A_624, %add3A_625 : i32
      %get3A_627 = arith.index_cast %add3A_626 : i32 to index
      %get3A_628 = tpu.vector_load %arg5[%get3A_627] {strides = array<i32>} : memref<3072xf32, #tpu.memory_space<vmem>>, vector<16xf32>,
      %swap3A_629 = arith.constant 0 : i32
      %swap3A_630 = arith.constant 0 : i32
      %swap3A_631 = tpu.memref_slice %arg6[%scan3A_509, %swap3A_629, %swap3A_630] : memref<2x96x256xf32, #tpu.memory_space<vmem>> -> memref<1x96x256xf32, #tpu.memory_space<vmem>>
      %swap3A_632 = tpu.memref_squeeze %swap3A_631 : memref<1x96x256xf32, #tpu.memory_space<vmem>> -> memref<96x256xf32, #tpu.memory_space<vmem>>
      %swap3A_633 = arith.index_cast %scan3A_556 : i32 to index
      %swap3A_634 = arith.constant 0 : index
      %swap3A_635 = tpu.vector_load %swap3A_632[%swap3A_633, %swap3A_634] {strides = array<i32>} : memref<96x256xf32, #tpu.memory_space<vmem>>, vector<16xf32>,
      tpu.vector_store %swap3A_632[%swap3A_633, %swap3A_634], %get3A_628 {strides = array<i32>} : memref<96x256xf32, #tpu.memory_space<vmem>>, vector<16xf32>,
      %add3A_636 = arith.constant 16 : i32
      %add3A_637 = arith.addi %add3A_624, %add3A_636 : i32
      %get3A_638 = arith.index_cast %add3A_637 : i32 to index
      %get3A_639 = tpu.vector_load %arg5[%get3A_638] {strides = array<i32>} : memref<3072xf32, #tpu.memory_space<vmem>>, vector<16xf32>,
      %swap3A_640 = arith.constant 0 : i32
      %swap3A_641 = arith.constant 0 : i32
      %swap3A_642 = tpu.memref_slice %arg6[%scan3A_509, %swap3A_640, %swap3A_641] : memref<2x96x256xf32, #tpu.memory_space<vmem>> -> memref<1x96x256xf32, #tpu.memory_space<vmem>>
      %swap3A_643 = tpu.memref_squeeze %swap3A_642 : memref<1x96x256xf32, #tpu.memory_space<vmem>> -> memref<96x256xf32, #tpu.memory_space<vmem>>
      %swap3A_644 = arith.index_cast %scan3A_556 : i32 to index
      %swap3A_645 = arith.constant 16 : index
      %swap3A_646 = tpu.vector_load %swap3A_643[%swap3A_644, %swap3A_645] {strides = array<i32>} : memref<96x256xf32, #tpu.memory_space<vmem>>, vector<16xf32>,
      tpu.vector_store %swap3A_643[%swap3A_644, %swap3A_645], %get3A_639 {strides = array<i32>} : memref<96x256xf32, #tpu.memory_space<vmem>>, vector<16xf32>,
      %add3A_647 = arith.constant 32 : i32
      %add3A_648 = arith.addi %add3A_624, %add3A_647 : i32
      %get3A_649 = arith.index_cast %add3A_648 : i32 to index
      %get3A_650 = tpu.vector_load %arg5[%get3A_649] {strides = array<i32>} : memref<3072xf32, #tpu.memory_space<vmem>>, vector<16xf32>,
      %swap3A_651 = arith.constant 0 : i32
      %swap3A_652 = arith.constant 0 : i32
      %swap3A_653 = tpu.memref_slice %arg6[%scan3A_509, %swap3A_651, %swap3A_652] : memref<2x96x256xf32, #tpu.memory_space<vmem>> -> memref<1x96x256xf32, #tpu.memory_space<vmem>>
      %swap3A_654 = tpu.memref_squeeze %swap3A_653 : memref<1x96x256xf32, #tpu.memory_space<vmem>> -> memref<96x256xf32, #tpu.memory_space<vmem>>
      %swap3A_655 = arith.index_cast %scan3A_556 : i32 to index
      %swap3A_656 = arith.constant 32 : index
      %swap3A_657 = tpu.vector_load %swap3A_654[%swap3A_655, %swap3A_656] {strides = array<i32>} : memref<96x256xf32, #tpu.memory_space<vmem>>, vector<16xf32>,
      tpu.vector_store %swap3A_654[%swap3A_655, %swap3A_656], %get3A_650 {strides = array<i32>} : memref<96x256xf32, #tpu.memory_space<vmem>>, vector<16xf32>,
      %add3A_658 = arith.constant 48 : i32
      %add3A_659 = arith.addi %add3A_624, %add3A_658 : i32
      %get3A_660 = arith.index_cast %add3A_659 : i32 to index
      %get3A_661 = tpu.vector_load %arg5[%get3A_660] {strides = array<i32>} : memref<3072xf32, #tpu.memory_space<vmem>>, vector<16xf32>,
      %swap3A_662 = arith.constant 0 : i32
      %swap3A_663 = arith.constant 0 : i32
      %swap3A_664 = tpu.memref_slice %arg6[%scan3A_509, %swap3A_662, %swap3A_663] : memref<2x96x256xf32, #tpu.memory_space<vmem>> -> memref<1x96x256xf32, #tpu.memory_space<vmem>>
      %swap3A_665 = tpu.memref_squeeze %swap3A_664 : memref<1x96x256xf32, #tpu.memory_space<vmem>> -> memref<96x256xf32, #tpu.memory_space<vmem>>
      %swap3A_666 = arith.index_cast %scan3A_556 : i32 to index
      %swap3A_667 = arith.constant 48 : index
      %swap3A_668 = tpu.vector_load %swap3A_665[%swap3A_666, %swap3A_667] {strides = array<i32>} : memref<96x256xf32, #tpu.memory_space<vmem>>, vector<16xf32>,
      tpu.vector_store %swap3A_665[%swap3A_666, %swap3A_667], %get3A_661 {strides = array<i32>} : memref<96x256xf32, #tpu.memory_space<vmem>>, vector<16xf32>,
      %add3A_669 = arith.constant 64 : i32
      %add3A_670 = arith.addi %add3A_624, %add3A_669 : i32
      %get3A_671 = arith.index_cast %add3A_670 : i32 to index
      %get3A_672 = tpu.vector_load %arg5[%get3A_671] {strides = array<i32>} : memref<3072xf32, #tpu.memory_space<vmem>>, vector<16xf32>,
      %swap3A_673 = arith.constant 0 : i32
      %swap3A_674 = arith.constant 0 : i32
      %swap3A_675 = tpu.memref_slice %arg6[%scan3A_509, %swap3A_673, %swap3A_674] : memref<2x96x256xf32, #tpu.memory_space<vmem>> -> memref<1x96x256xf32, #tpu.memory_space<vmem>>
      %swap3A_676 = tpu.memref_squeeze %swap3A_675 : memref<1x96x256xf32, #tpu.memory_space<vmem>> -> memref<96x256xf32, #tpu.memory_space<vmem>>
      %swap3A_677 = arith.index_cast %scan3A_556 : i32 to index
      %swap3A_678 = arith.constant 64 : index
      %swap3A_679 = tpu.vector_load %swap3A_676[%swap3A_677, %swap3A_678] {strides = array<i32>} : memref<96x256xf32, #tpu.memory_space<vmem>>, vector<16xf32>,
      tpu.vector_store %swap3A_676[%swap3A_677, %swap3A_678], %get3A_672 {strides = array<i32>} : memref<96x256xf32, #tpu.memory_space<vmem>>, vector<16xf32>,
      %add3A_680 = arith.constant 80 : i32
      %add3A_681 = arith.addi %add3A_624, %add3A_680 : i32
      %get3A_682 = arith.index_cast %add3A_681 : i32 to index
      %get3A_683 = tpu.vector_load %arg5[%get3A_682] {strides = array<i32>} : memref<3072xf32, #tpu.memory_space<vmem>>, vector<16xf32>,
      %swap3A_684 = arith.constant 0 : i32
      %swap3A_685 = arith.constant 0 : i32
      %swap3A_686 = tpu.memref_slice %arg6[%scan3A_509, %swap3A_684, %swap3A_685] : memref<2x96x256xf32, #tpu.memory_space<vmem>> -> memref<1x96x256xf32, #tpu.memory_space<vmem>>
      %swap3A_687 = tpu.memref_squeeze %swap3A_686 : memref<1x96x256xf32, #tpu.memory_space<vmem>> -> memref<96x256xf32, #tpu.memory_space<vmem>>
      %swap3A_688 = arith.index_cast %scan3A_556 : i32 to index
      %swap3A_689 = arith.constant 80 : index
      %swap3A_690 = tpu.vector_load %swap3A_687[%swap3A_688, %swap3A_689] {strides = array<i32>} : memref<96x256xf32, #tpu.memory_space<vmem>>, vector<16xf32>,
      tpu.vector_store %swap3A_687[%swap3A_688, %swap3A_689], %get3A_683 {strides = array<i32>} : memref<96x256xf32, #tpu.memory_space<vmem>>, vector<16xf32>,
      %add3A_691 = arith.constant 96 : i32
      %add3A_692 = arith.addi %add3A_624, %add3A_691 : i32
      %get3A_693 = arith.index_cast %add3A_692 : i32 to index
      %get3A_694 = tpu.vector_load %arg5[%get3A_693] {strides = array<i32>} : memref<3072xf32, #tpu.memory_space<vmem>>, vector<16xf32>,
      %swap3A_695 = arith.constant 0 : i32
      %swap3A_696 = arith.constant 0 : i32
      %swap3A_697 = tpu.memref_slice %arg6[%scan3A_509, %swap3A_695, %swap3A_696] : memref<2x96x256xf32, #tpu.memory_space<vmem>> -> memref<1x96x256xf32, #tpu.memory_space<vmem>>
      %swap3A_698 = tpu.memref_squeeze %swap3A_697 : memref<1x96x256xf32, #tpu.memory_space<vmem>> -> memref<96x256xf32, #tpu.memory_space<vmem>>
      %swap3A_699 = arith.index_cast %scan3A_556 : i32 to index
      %swap3A_700 = arith.constant 96 : index
      %swap3A_701 = tpu.vector_load %swap3A_698[%swap3A_699, %swap3A_700] {strides = array<i32>} : memref<96x256xf32, #tpu.memory_space<vmem>>, vector<16xf32>,
      tpu.vector_store %swap3A_698[%swap3A_699, %swap3A_700], %get3A_694 {strides = array<i32>} : memref<96x256xf32, #tpu.memory_space<vmem>>, vector<16xf32>,
      %add3A_702 = arith.constant 112 : i32
      %add3A_703 = arith.addi %add3A_624, %add3A_702 : i32
      %get3A_704 = arith.index_cast %add3A_703 : i32 to index
      %get3A_705 = tpu.vector_load %arg5[%get3A_704] {strides = array<i32>} : memref<3072xf32, #tpu.memory_space<vmem>>, vector<16xf32>,
      %swap3A_706 = arith.constant 0 : i32
      %swap3A_707 = arith.constant 0 : i32
      %swap3A_708 = tpu.memref_slice %arg6[%scan3A_509, %swap3A_706, %swap3A_707] : memref<2x96x256xf32, #tpu.memory_space<vmem>> -> memref<1x96x256xf32, #tpu.memory_space<vmem>>
      %swap3A_709 = tpu.memref_squeeze %swap3A_708 : memref<1x96x256xf32, #tpu.memory_space<vmem>> -> memref<96x256xf32, #tpu.memory_space<vmem>>
      %swap3A_710 = arith.index_cast %scan3A_556 : i32 to index
      %swap3A_711 = arith.constant 112 : index
      %swap3A_712 = tpu.vector_load %swap3A_709[%swap3A_710, %swap3A_711] {strides = array<i32>} : memref<96x256xf32, #tpu.memory_space<vmem>>, vector<16xf32>,
      tpu.vector_store %swap3A_709[%swap3A_710, %swap3A_711], %get3A_705 {strides = array<i32>} : memref<96x256xf32, #tpu.memory_space<vmem>>, vector<16xf32>,
      %add3A_713 = arith.constant 128 : i32
      %add3A_714 = arith.addi %add3A_624, %add3A_713 : i32
      %get3A_715 = arith.index_cast %add3A_714 : i32 to index
      %get3A_716 = tpu.vector_load %arg5[%get3A_715] {strides = array<i32>} : memref<3072xf32, #tpu.memory_space<vmem>>, vector<16xf32>,
      %swap3A_717 = arith.constant 0 : i32
      %swap3A_718 = arith.constant 0 : i32
      %swap3A_719 = tpu.memref_slice %arg6[%scan3A_509, %swap3A_717, %swap3A_718] : memref<2x96x256xf32, #tpu.memory_space<vmem>> -> memref<1x96x256xf32, #tpu.memory_space<vmem>>
      %swap3A_720 = tpu.memref_squeeze %swap3A_719 : memref<1x96x256xf32, #tpu.memory_space<vmem>> -> memref<96x256xf32, #tpu.memory_space<vmem>>
      %swap3A_721 = arith.index_cast %scan3A_556 : i32 to index
      %swap3A_722 = arith.constant 128 : index
      %swap3A_723 = tpu.vector_load %swap3A_720[%swap3A_721, %swap3A_722] {strides = array<i32>} : memref<96x256xf32, #tpu.memory_space<vmem>>, vector<16xf32>,
      tpu.vector_store %swap3A_720[%swap3A_721, %swap3A_722], %get3A_716 {strides = array<i32>} : memref<96x256xf32, #tpu.memory_space<vmem>>, vector<16xf32>,
      %add3A_724 = arith.constant 144 : i32
      %add3A_725 = arith.addi %add3A_624, %add3A_724 : i32
      %get3A_726 = arith.index_cast %add3A_725 : i32 to index
      %get3A_727 = tpu.vector_load %arg5[%get3A_726] {strides = array<i32>} : memref<3072xf32, #tpu.memory_space<vmem>>, vector<16xf32>,
      %swap3A_728 = arith.constant 0 : i32
      %swap3A_729 = arith.constant 0 : i32
      %swap3A_730 = tpu.memref_slice %arg6[%scan3A_509, %swap3A_728, %swap3A_729] : memref<2x96x256xf32, #tpu.memory_space<vmem>> -> memref<1x96x256xf32, #tpu.memory_space<vmem>>
      %swap3A_731 = tpu.memref_squeeze %swap3A_730 : memref<1x96x256xf32, #tpu.memory_space<vmem>> -> memref<96x256xf32, #tpu.memory_space<vmem>>
      %swap3A_732 = arith.index_cast %scan3A_556 : i32 to index
      %swap3A_733 = arith.constant 144 : index
      %swap3A_734 = tpu.vector_load %swap3A_731[%swap3A_732, %swap3A_733] {strides = array<i32>} : memref<96x256xf32, #tpu.memory_space<vmem>>, vector<16xf32>,
      tpu.vector_store %swap3A_731[%swap3A_732, %swap3A_733], %get3A_727 {strides = array<i32>} : memref<96x256xf32, #tpu.memory_space<vmem>>, vector<16xf32>,
      %add3A_735 = arith.constant 160 : i32
      %add3A_736 = arith.addi %add3A_624, %add3A_735 : i32
      %get3A_737 = arith.index_cast %add3A_736 : i32 to index
      %get3A_738 = tpu.vector_load %arg5[%get3A_737] {strides = array<i32>} : memref<3072xf32, #tpu.memory_space<vmem>>, vector<16xf32>,
      %swap3A_739 = arith.constant 0 : i32
      %swap3A_740 = arith.constant 0 : i32
      %swap3A_741 = tpu.memref_slice %arg6[%scan3A_509, %swap3A_739, %swap3A_740] : memref<2x96x256xf32, #tpu.memory_space<vmem>> -> memref<1x96x256xf32, #tpu.memory_space<vmem>>
      %swap3A_742 = tpu.memref_squeeze %swap3A_741 : memref<1x96x256xf32, #tpu.memory_space<vmem>> -> memref<96x256xf32, #tpu.memory_space<vmem>>
      %swap3A_743 = arith.index_cast %scan3A_556 : i32 to index
      %swap3A_744 = arith.constant 160 : index
      %swap3A_745 = tpu.vector_load %swap3A_742[%swap3A_743, %swap3A_744] {strides = array<i32>} : memref<96x256xf32, #tpu.memory_space<vmem>>, vector<16xf32>,
      tpu.vector_store %swap3A_742[%swap3A_743, %swap3A_744], %get3A_738 {strides = array<i32>} : memref<96x256xf32, #tpu.memory_space<vmem>>, vector<16xf32>,
      %add3A_746 = arith.constant 176 : i32
      %add3A_747 = arith.addi %add3A_624, %add3A_746 : i32
      %get3A_748 = arith.index_cast %add3A_747 : i32 to index
      %get3A_749 = tpu.vector_load %arg5[%get3A_748] {strides = array<i32>} : memref<3072xf32, #tpu.memory_space<vmem>>, vector<16xf32>,
      %swap3A_750 = arith.constant 0 : i32
      %swap3A_751 = arith.constant 0 : i32
      %swap3A_752 = tpu.memref_slice %arg6[%scan3A_509, %swap3A_750, %swap3A_751] : memref<2x96x256xf32, #tpu.memory_space<vmem>> -> memref<1x96x256xf32, #tpu.memory_space<vmem>>
      %swap3A_753 = tpu.memref_squeeze %swap3A_752 : memref<1x96x256xf32, #tpu.memory_space<vmem>> -> memref<96x256xf32, #tpu.memory_space<vmem>>
      %swap3A_754 = arith.index_cast %scan3A_556 : i32 to index
      %swap3A_755 = arith.constant 176 : index
      %swap3A_756 = tpu.vector_load %swap3A_753[%swap3A_754, %swap3A_755] {strides = array<i32>} : memref<96x256xf32, #tpu.memory_space<vmem>>, vector<16xf32>,
      tpu.vector_store %swap3A_753[%swap3A_754, %swap3A_755], %get3A_749 {strides = array<i32>} : memref<96x256xf32, #tpu.memory_space<vmem>>, vector<16xf32>,
      %add3A_757 = arith.constant 192 : i32
      %add3A_758 = arith.addi %add3A_624, %add3A_757 : i32
      %get3A_759 = arith.index_cast %add3A_758 : i32 to index
      %get3A_760 = tpu.vector_load %arg5[%get3A_759] {strides = array<i32>} : memref<3072xf32, #tpu.memory_space<vmem>>, vector<16xf32>,
      %swap3A_761 = arith.constant 0 : i32
      %swap3A_762 = arith.constant 0 : i32
      %swap3A_763 = tpu.memref_slice %arg6[%scan3A_509, %swap3A_761, %swap3A_762] : memref<2x96x256xf32, #tpu.memory_space<vmem>> -> memref<1x96x256xf32, #tpu.memory_space<vmem>>
      %swap3A_764 = tpu.memref_squeeze %swap3A_763 : memref<1x96x256xf32, #tpu.memory_space<vmem>> -> memref<96x256xf32, #tpu.memory_space<vmem>>
      %swap3A_765 = arith.index_cast %scan3A_556 : i32 to index
      %swap3A_766 = arith.constant 192 : index
      %swap3A_767 = tpu.vector_load %swap3A_764[%swap3A_765, %swap3A_766] {strides = array<i32>} : memref<96x256xf32, #tpu.memory_space<vmem>>, vector<16xf32>,
      tpu.vector_store %swap3A_764[%swap3A_765, %swap3A_766], %get3A_760 {strides = array<i32>} : memref<96x256xf32, #tpu.memory_space<vmem>>, vector<16xf32>,
      %add3A_768 = arith.constant 208 : i32
      %add3A_769 = arith.addi %add3A_624, %add3A_768 : i32
      %get3A_770 = arith.index_cast %add3A_769 : i32 to index
      %get3A_771 = tpu.vector_load %arg5[%get3A_770] {strides = array<i32>} : memref<3072xf32, #tpu.memory_space<vmem>>, vector<16xf32>,
      %swap3A_772 = arith.constant 0 : i32
      %swap3A_773 = arith.constant 0 : i32
      %swap3A_774 = tpu.memref_slice %arg6[%scan3A_509, %swap3A_772, %swap3A_773] : memref<2x96x256xf32, #tpu.memory_space<vmem>> -> memref<1x96x256xf32, #tpu.memory_space<vmem>>
      %swap3A_775 = tpu.memref_squeeze %swap3A_774 : memref<1x96x256xf32, #tpu.memory_space<vmem>> -> memref<96x256xf32, #tpu.memory_space<vmem>>
      %swap3A_776 = arith.index_cast %scan3A_556 : i32 to index
      %swap3A_777 = arith.constant 208 : index
      %swap3A_778 = tpu.vector_load %swap3A_775[%swap3A_776, %swap3A_777] {strides = array<i32>} : memref<96x256xf32, #tpu.memory_space<vmem>>, vector<16xf32>,
      tpu.vector_store %swap3A_775[%swap3A_776, %swap3A_777], %get3A_771 {strides = array<i32>} : memref<96x256xf32, #tpu.memory_space<vmem>>, vector<16xf32>,
      %add3A_779 = arith.constant 224 : i32
      %add3A_780 = arith.addi %add3A_624, %add3A_779 : i32
      %get3A_781 = arith.index_cast %add3A_780 : i32 to index
      %get3A_782 = tpu.vector_load %arg5[%get3A_781] {strides = array<i32>} : memref<3072xf32, #tpu.memory_space<vmem>>, vector<16xf32>,
      %swap3A_783 = arith.constant 0 : i32
      %swap3A_784 = arith.constant 0 : i32
      %swap3A_785 = tpu.memref_slice %arg6[%scan3A_509, %swap3A_783, %swap3A_784] : memref<2x96x256xf32, #tpu.memory_space<vmem>> -> memref<1x96x256xf32, #tpu.memory_space<vmem>>
      %swap3A_786 = tpu.memref_squeeze %swap3A_785 : memref<1x96x256xf32, #tpu.memory_space<vmem>> -> memref<96x256xf32, #tpu.memory_space<vmem>>
      %swap3A_787 = arith.index_cast %scan3A_556 : i32 to index
      %swap3A_788 = arith.constant 224 : index
      %swap3A_789 = tpu.vector_load %swap3A_786[%swap3A_787, %swap3A_788] {strides = array<i32>} : memref<96x256xf32, #tpu.memory_space<vmem>>, vector<16xf32>,
      tpu.vector_store %swap3A_786[%swap3A_787, %swap3A_788], %get3A_782 {strides = array<i32>} : memref<96x256xf32, #tpu.memory_space<vmem>>, vector<16xf32>,
      %add3A_790 = arith.constant 240 : i32
      %add3A_791 = arith.addi %add3A_624, %add3A_790 : i32
      %get3A_792 = arith.index_cast %add3A_791 : i32 to index
      %get3A_793 = tpu.vector_load %arg5[%get3A_792] {strides = array<i32>} : memref<3072xf32, #tpu.memory_space<vmem>>, vector<16xf32>,
      %swap3A_794 = arith.constant 0 : i32
      %swap3A_795 = arith.constant 0 : i32
      %swap3A_796 = tpu.memref_slice %arg6[%scan3A_509, %swap3A_794, %swap3A_795] : memref<2x96x256xf32, #tpu.memory_space<vmem>> -> memref<1x96x256xf32, #tpu.memory_space<vmem>>
      %swap3A_797 = tpu.memref_squeeze %swap3A_796 : memref<1x96x256xf32, #tpu.memory_space<vmem>> -> memref<96x256xf32, #tpu.memory_space<vmem>>
      %swap3A_798 = arith.index_cast %scan3A_556 : i32 to index
      %swap3A_799 = arith.constant 240 : index
      %swap3A_800 = tpu.vector_load %swap3A_797[%swap3A_798, %swap3A_799] {strides = array<i32>} : memref<96x256xf32, #tpu.memory_space<vmem>>, vector<16xf32>,
      tpu.vector_store %swap3A_797[%swap3A_798, %swap3A_799], %get3A_793 {strides = array<i32>} : memref<96x256xf32, #tpu.memory_space<vmem>>, vector<16xf32>,
    }
    %scan3A_514 = arith.constant 96 : i32
    %add3A_515 = arith.constant 192 : i32
    %add3A_516 = arith.addi %mul3A_2, %add3A_515 : i32
    %dma_start3A_517 = arith.constant 0 : i32
    %dma_start3A_518 = arith.constant 0 : i32
    %dma_start3A_519 = arith.constant 0 : i32
    %dma_start3A_520 = tpu.memref_slice %arg6[%dma_start3A_517, %dma_start3A_518, %dma_start3A_519] : memref<2x96x256xf32, #tpu.memory_space<vmem>> -> memref<1x96x256xf32, #tpu.memory_space<vmem>>
    %dma_start3A_521 = tpu.memref_squeeze %dma_start3A_520 : memref<1x96x256xf32, #tpu.memory_space<vmem>> -> memref<96x256xf32, #tpu.memory_space<vmem>>
    %dma_start3A_522 = arith.constant 0 : i32
    %dma_start3A_523 = tpu.memref_slice %arg3[%add3A_516, %dma_start3A_522] : memref<9216x256xf32, #tpu.memory_space<hbm>> -> memref<96x256xf32, #tpu.memory_space<hbm>>
    %dma_start3A_524 = arith.constant 0 : i32
    %dma_start3A_525 = tpu.memref_slice %arg3[%add3A_516, %dma_start3A_524] : memref<9216x256xf32, #tpu.memory_space<hbm>> -> memref<96x256xf32, #tpu.memory_space<hbm>>
    %dma_start3A_526 = arith.constant 0 : i32
    %dma_start3A_527 = arith.constant 0 : i32
    %dma_start3A_528 = tpu.memref_slice %arg6[%dma_start3A_517, %dma_start3A_526, %dma_start3A_527] : memref<2x96x256xf32, #tpu.memory_space<vmem>> -> memref<1x96x256xf32, #tpu.memory_space<vmem>>
    %dma_start3A_529 = tpu.memref_squeeze %dma_start3A_528 : memref<1x96x256xf32, #tpu.memory_space<vmem>> -> memref<96x256xf32, #tpu.memory_space<vmem>>
    tpu.enqueue_dma source(%dma_start3A_529 : memref<96x256xf32, #tpu.memory_space<vmem>>) target(%dma_start3A_525 : memref<96x256xf32, #tpu.memory_space<hbm>>) target_semaphore(%arg7 : memref<!tpu.dma_semaphore, #tpu.memory_space<semaphore_mem>>)
    %dma_wait3A_530 = arith.constant 1 : i32
    %dma_wait3A_531 = arith.constant 0 : i32
    %dma_wait3A_532 = arith.constant 0 : i32
    %dma_wait3A_533 = tpu.memref_slice %arg6[%dma_wait3A_530, %dma_wait3A_531, %dma_wait3A_532] : memref<2x96x256xf32, #tpu.memory_space<vmem>> -> memref<1x96x256xf32, #tpu.memory_space<vmem>>
    %dma_wait3A_534 = tpu.memref_squeeze %dma_wait3A_533 : memref<1x96x256xf32, #tpu.memory_space<vmem>> -> memref<96x256xf32, #tpu.memory_space<vmem>>
    %dma_wait3A_535 = arith.constant 0 : i32
    %dma_wait3A_536 = tpu.memref_slice %arg3[%add3A_482, %dma_wait3A_535] : memref<9216x256xf32, #tpu.memory_space<hbm>> -> memref<96x256xf32, #tpu.memory_space<hbm>>
    %dma_wait3A_537 = arith.constant 0 : i32
    %dma_wait3A_538 = tpu.memref_slice %arg3[%add3A_482, %dma_wait3A_537] : memref<9216x256xf32, #tpu.memory_space<hbm>> -> memref<96x256xf32, #tpu.memory_space<hbm>>
    %dma_wait3A_539 = arith.constant 0 : i32
    %dma_wait3A_540 = arith.constant 0 : i32
    %dma_wait3A_541 = tpu.memref_slice %arg6[%dma_wait3A_530, %dma_wait3A_539, %dma_wait3A_540] : memref<2x96x256xf32, #tpu.memory_space<vmem>> -> memref<1x96x256xf32, #tpu.memory_space<vmem>>
    %dma_wait3A_542 = tpu.memref_squeeze %dma_wait3A_541 : memref<1x96x256xf32, #tpu.memory_space<vmem>> -> memref<96x256xf32, #tpu.memory_space<vmem>>
    tpu.wait_dma2 semaphore(%arg8 : memref<!tpu.dma_semaphore, #tpu.memory_space<semaphore_mem>>) src(%dma_wait3A_542 : memref<96x256xf32, #tpu.memory_space<vmem>>) dst(%dma_wait3A_538 : memref<96x256xf32, #tpu.memory_space<hbm>>)
    %dma_wait3A_543 = arith.constant 0 : i32
    %dma_wait3A_544 = arith.constant 0 : i32
    %dma_wait3A_545 = arith.constant 0 : i32
    %dma_wait3A_546 = tpu.memref_slice %arg6[%dma_wait3A_543, %dma_wait3A_544, %dma_wait3A_545] : memref<2x96x256xf32, #tpu.memory_space<vmem>> -> memref<1x96x256xf32, #tpu.memory_space<vmem>>
    %dma_wait3A_547 = tpu.memref_squeeze %dma_wait3A_546 : memref<1x96x256xf32, #tpu.memory_space<vmem>> -> memref<96x256xf32, #tpu.memory_space<vmem>>
    %dma_wait3A_548 = arith.constant 0 : i32
    %dma_wait3A_549 = tpu.memref_slice %arg3[%add3A_516, %dma_wait3A_548] : memref<9216x256xf32, #tpu.memory_space<hbm>> -> memref<96x256xf32, #tpu.memory_space<hbm>>
    %dma_wait3A_550 = arith.constant 0 : i32
    %dma_wait3A_551 = tpu.memref_slice %arg3[%add3A_516, %dma_wait3A_550] : memref<9216x256xf32, #tpu.memory_space<hbm>> -> memref<96x256xf32, #tpu.memory_space<hbm>>
    %dma_wait3A_552 = arith.constant 0 : i32
    %dma_wait3A_553 = arith.constant 0 : i32
    %dma_wait3A_554 = tpu.memref_slice %arg6[%dma_wait3A_543, %dma_wait3A_552, %dma_wait3A_553] : memref<2x96x256xf32, #tpu.memory_space<vmem>> -> memref<1x96x256xf32, #tpu.memory_space<vmem>>
    %dma_wait3A_555 = tpu.memref_squeeze %dma_wait3A_554 : memref<1x96x256xf32, #tpu.memory_space<vmem>> -> memref<96x256xf32, #tpu.memory_space<vmem>>
    tpu.wait_dma2 semaphore(%arg7 : memref<!tpu.dma_semaphore, #tpu.memory_space<semaphore_mem>>) src(%dma_wait3A_555 : memref<96x256xf32, #tpu.memory_space<vmem>>) dst(%dma_wait3A_551 : memref<96x256xf32, #tpu.memory_space<hbm>>)
    return
  }
}

module attributes {stable_mosaic.version = 14 : i64} {
  func.func @_tc_add_body(%arg0: i32, %arg1: i32, %arg2: memref<1x1x1024x2048xf32, #tpu.memory_space<vmem>>, %arg3: memref<768x256xf32, #tpu.memory_space<vmem>>, %arg4: memref<1x1x1xf32, #tpu.memory_space<smem>>, %arg5: memref<1x1x1024x2048xf32, #tpu.memory_space<vmem>>) attributes {dimension_semantics = [#tpu.dimension_semantics<parallel>, #tpu.dimension_semantics<parallel>], iteration_bounds = array<i64: 12, 2>, scalar_prefetch = 0 : i64, scratch_operands = 0 : i64, tpu.core_type = #tpu.core_type<tc>, window_params = [{transform_indices = @transform_0, window_bounds = array<i64: 1, 1, 1024, 2048>}, {transform_indices = @transform_1, window_bounds = array<i64: 768, 256>}, {transform_indices = @transform_2, window_bounds = array<i64: 1, 1, 1>}, {transform_indices = @transform_3, window_bounds = array<i64: 1, 1, 1024, 2048>}]} {
    %eq3A = arith.constant 0 : i32
    %eq3A_0 = arith.cmpi eq, %arg1, %eq3A : i32
    %convert_element_type3A = arith.extui %eq3A_0 : i1 to i32
    %cond3A = arith.constant 0 : i32
    %cond3A_1 = arith.cmpi ne, %convert_element_type3A, %cond3A : i32
    scf.if %cond3A_1 {
      %get3A = arith.constant 0 : index
      %get3A_7 = arith.constant 0 : index
      %get3A_8 = arith.constant 0 : index
      %get3A_9 = memref.load %arg4[%get3A, %get3A_7, %get3A_8] : memref<1x1x1xf32, #tpu.memory_space<smem>>
      %get3A_10 = arith.constant 0 : index
      %get3A_11 = arith.constant 0 : index
      %get3A_12 = arith.constant 0 : index
      %get3A_13 = arith.constant 0 : index
      %get3A_14 = vector.load %arg2[%get3A_10, %get3A_11, %get3A_12, %get3A_13] : memref<1x1x1024x2048xf32, #tpu.memory_space<vmem>>, vector<1x1x256x256xf32>
      %get3A_15 = vector.shape_cast %get3A_14 : vector<1x1x256x256xf32> to vector<256x256xf32>
      %get3A_16 = arith.constant 0 : index
      %get3A_17 = arith.constant 0 : index
      %get3A_18 = vector.load %arg3[%get3A_16, %get3A_17] : memref<768x256xf32, #tpu.memory_space<vmem>>, vector<256x256xf32>
      %add3A = arith.addf %get3A_15, %get3A_18 : vector<256x256xf32>
      %swap3A = arith.constant 0 : index
      %swap3A_19 = arith.constant 0 : index
      %swap3A_20 = arith.constant 0 : index
      %swap3A_21 = arith.constant 0 : index
      %swap3A_22 = vector.load %arg5[%swap3A, %swap3A_19, %swap3A_20, %swap3A_21] : memref<1x1x1024x2048xf32, #tpu.memory_space<vmem>>, vector<1x1x256x256xf32>
      %swap3A_23 = vector.shape_cast %swap3A_22 : vector<1x1x256x256xf32> to vector<256x256xf32>
      %swap3A_24 = vector.shape_cast %add3A : vector<256x256xf32> to vector<1x1x256x256xf32>
      tpu.vector_store %arg5[%swap3A, %swap3A_19, %swap3A_20, %swap3A_21], %swap3A_24 {strides = array<i32>} : memref<1x1x1024x2048xf32, #tpu.memory_space<vmem>>, vector<1x1x256x256xf32>,
      %get3A_25 = arith.constant 0 : index
      %get3A_26 = arith.constant 0 : index
      %get3A_27 = arith.constant 0 : index
      %get3A_28 = arith.constant 256 : index
      %get3A_29 = vector.load %arg2[%get3A_25, %get3A_26, %get3A_27, %get3A_28] : memref<1x1x1024x2048xf32, #tpu.memory_space<vmem>>, vector<1x1x256x256xf32>
      %get3A_30 = vector.shape_cast %get3A_29 : vector<1x1x256x256xf32> to vector<256x256xf32>
      %swap3A_31 = arith.constant 0 : index
      %swap3A_32 = arith.constant 0 : index
      %swap3A_33 = arith.constant 0 : index
      %swap3A_34 = arith.constant 256 : index
      %swap3A_35 = vector.load %arg5[%swap3A_31, %swap3A_32, %swap3A_33, %swap3A_34] : memref<1x1x1024x2048xf32, #tpu.memory_space<vmem>>, vector<1x1x256x256xf32>
      %swap3A_36 = vector.shape_cast %swap3A_35 : vector<1x1x256x256xf32> to vector<256x256xf32>
      %swap3A_37 = vector.shape_cast %get3A_30 : vector<256x256xf32> to vector<1x1x256x256xf32>
      tpu.vector_store %arg5[%swap3A_31, %swap3A_32, %swap3A_33, %swap3A_34], %swap3A_37 {strides = array<i32>} : memref<1x1x1024x2048xf32, #tpu.memory_space<vmem>>, vector<1x1x256x256xf32>,
      %get3A_38 = arith.constant 0 : index
      %get3A_39 = arith.constant 0 : index
      %get3A_40 = arith.constant 0 : index
      %get3A_41 = arith.constant 512 : index
      %get3A_42 = vector.load %arg2[%get3A_38, %get3A_39, %get3A_40, %get3A_41] : memref<1x1x1024x2048xf32, #tpu.memory_space<vmem>>, vector<1x1x256x256xf32>
      %get3A_43 = vector.shape_cast %get3A_42 : vector<1x1x256x256xf32> to vector<256x256xf32>
      %swap3A_44 = arith.constant 0 : index
      %swap3A_45 = arith.constant 0 : index
      %swap3A_46 = arith.constant 0 : index
      %swap3A_47 = arith.constant 512 : index
      %swap3A_48 = vector.load %arg5[%swap3A_44, %swap3A_45, %swap3A_46, %swap3A_47] : memref<1x1x1024x2048xf32, #tpu.memory_space<vmem>>, vector<1x1x256x256xf32>
      %swap3A_49 = vector.shape_cast %swap3A_48 : vector<1x1x256x256xf32> to vector<256x256xf32>
      %swap3A_50 = vector.shape_cast %get3A_43 : vector<256x256xf32> to vector<1x1x256x256xf32>
      tpu.vector_store %arg5[%swap3A_44, %swap3A_45, %swap3A_46, %swap3A_47], %swap3A_50 {strides = array<i32>} : memref<1x1x1024x2048xf32, #tpu.memory_space<vmem>>, vector<1x1x256x256xf32>,
      %get3A_51 = arith.constant 0 : index
      %get3A_52 = arith.constant 0 : index
      %get3A_53 = arith.constant 0 : index
      %get3A_54 = arith.constant 768 : index
      %get3A_55 = vector.load %arg2[%get3A_51, %get3A_52, %get3A_53, %get3A_54] : memref<1x1x1024x2048xf32, #tpu.memory_space<vmem>>, vector<1x1x256x256xf32>
      %get3A_56 = vector.shape_cast %get3A_55 : vector<1x1x256x256xf32> to vector<256x256xf32>
      %swap3A_57 = arith.constant 0 : index
      %swap3A_58 = arith.constant 0 : index
      %swap3A_59 = arith.constant 0 : index
      %swap3A_60 = arith.constant 768 : index
      %swap3A_61 = vector.load %arg5[%swap3A_57, %swap3A_58, %swap3A_59, %swap3A_60] : memref<1x1x1024x2048xf32, #tpu.memory_space<vmem>>, vector<1x1x256x256xf32>
      %swap3A_62 = vector.shape_cast %swap3A_61 : vector<1x1x256x256xf32> to vector<256x256xf32>
      %swap3A_63 = vector.shape_cast %get3A_56 : vector<256x256xf32> to vector<1x1x256x256xf32>
      tpu.vector_store %arg5[%swap3A_57, %swap3A_58, %swap3A_59, %swap3A_60], %swap3A_63 {strides = array<i32>} : memref<1x1x1024x2048xf32, #tpu.memory_space<vmem>>, vector<1x1x256x256xf32>,
      %get3A_64 = arith.constant 0 : index
      %get3A_65 = arith.constant 0 : index
      %get3A_66 = arith.constant 0 : index
      %get3A_67 = arith.constant 1024 : index
      %get3A_68 = vector.load %arg2[%get3A_64, %get3A_65, %get3A_66, %get3A_67] : memref<1x1x1024x2048xf32, #tpu.memory_space<vmem>>, vector<1x1x256x256xf32>
      %get3A_69 = vector.shape_cast %get3A_68 : vector<1x1x256x256xf32> to vector<256x256xf32>
      %swap3A_70 = arith.constant 0 : index
      %swap3A_71 = arith.constant 0 : index
      %swap3A_72 = arith.constant 0 : index
      %swap3A_73 = arith.constant 1024 : index
      %swap3A_74 = vector.load %arg5[%swap3A_70, %swap3A_71, %swap3A_72, %swap3A_73] : memref<1x1x1024x2048xf32, #tpu.memory_space<vmem>>, vector<1x1x256x256xf32>
      %swap3A_75 = vector.shape_cast %swap3A_74 : vector<1x1x256x256xf32> to vector<256x256xf32>
      %swap3A_76 = vector.shape_cast %get3A_69 : vector<256x256xf32> to vector<1x1x256x256xf32>
      tpu.vector_store %arg5[%swap3A_70, %swap3A_71, %swap3A_72, %swap3A_73], %swap3A_76 {strides = array<i32>} : memref<1x1x1024x2048xf32, #tpu.memory_space<vmem>>, vector<1x1x256x256xf32>,
      %get3A_77 = arith.constant 0 : index
      %get3A_78 = arith.constant 0 : index
      %get3A_79 = arith.constant 0 : index
      %get3A_80 = arith.constant 1280 : index
      %get3A_81 = vector.load %arg2[%get3A_77, %get3A_78, %get3A_79, %get3A_80] : memref<1x1x1024x2048xf32, #tpu.memory_space<vmem>>, vector<1x1x256x256xf32>
      %get3A_82 = vector.shape_cast %get3A_81 : vector<1x1x256x256xf32> to vector<256x256xf32>
      %swap3A_83 = arith.constant 0 : index
      %swap3A_84 = arith.constant 0 : index
      %swap3A_85 = arith.constant 0 : index
      %swap3A_86 = arith.constant 1280 : index
      %swap3A_87 = vector.load %arg5[%swap3A_83, %swap3A_84, %swap3A_85, %swap3A_86] : memref<1x1x1024x2048xf32, #tpu.memory_space<vmem>>, vector<1x1x256x256xf32>
      %swap3A_88 = vector.shape_cast %swap3A_87 : vector<1x1x256x256xf32> to vector<256x256xf32>
      %swap3A_89 = vector.shape_cast %get3A_82 : vector<256x256xf32> to vector<1x1x256x256xf32>
      tpu.vector_store %arg5[%swap3A_83, %swap3A_84, %swap3A_85, %swap3A_86], %swap3A_89 {strides = array<i32>} : memref<1x1x1024x2048xf32, #tpu.memory_space<vmem>>, vector<1x1x256x256xf32>,
      %get3A_90 = arith.constant 0 : index
      %get3A_91 = arith.constant 0 : index
      %get3A_92 = arith.constant 0 : index
      %get3A_93 = arith.constant 1536 : index
      %get3A_94 = vector.load %arg2[%get3A_90, %get3A_91, %get3A_92, %get3A_93] : memref<1x1x1024x2048xf32, #tpu.memory_space<vmem>>, vector<1x1x256x256xf32>
      %get3A_95 = vector.shape_cast %get3A_94 : vector<1x1x256x256xf32> to vector<256x256xf32>
      %swap3A_96 = arith.constant 0 : index
      %swap3A_97 = arith.constant 0 : index
      %swap3A_98 = arith.constant 0 : index
      %swap3A_99 = arith.constant 1536 : index
      %swap3A_100 = vector.load %arg5[%swap3A_96, %swap3A_97, %swap3A_98, %swap3A_99] : memref<1x1x1024x2048xf32, #tpu.memory_space<vmem>>, vector<1x1x256x256xf32>
      %swap3A_101 = vector.shape_cast %swap3A_100 : vector<1x1x256x256xf32> to vector<256x256xf32>
      %swap3A_102 = vector.shape_cast %get3A_95 : vector<256x256xf32> to vector<1x1x256x256xf32>
      tpu.vector_store %arg5[%swap3A_96, %swap3A_97, %swap3A_98, %swap3A_99], %swap3A_102 {strides = array<i32>} : memref<1x1x1024x2048xf32, #tpu.memory_space<vmem>>, vector<1x1x256x256xf32>,
      %get3A_103 = arith.constant 0 : index
      %get3A_104 = arith.constant 0 : index
      %get3A_105 = arith.constant 0 : index
      %get3A_106 = arith.constant 1792 : index
      %get3A_107 = vector.load %arg2[%get3A_103, %get3A_104, %get3A_105, %get3A_106] : memref<1x1x1024x2048xf32, #tpu.memory_space<vmem>>, vector<1x1x256x256xf32>
      %get3A_108 = vector.shape_cast %get3A_107 : vector<1x1x256x256xf32> to vector<256x256xf32>
      %swap3A_109 = arith.constant 0 : index
      %swap3A_110 = arith.constant 0 : index
      %swap3A_111 = arith.constant 0 : index
      %swap3A_112 = arith.constant 1792 : index
      %swap3A_113 = vector.load %arg5[%swap3A_109, %swap3A_110, %swap3A_111, %swap3A_112] : memref<1x1x1024x2048xf32, #tpu.memory_space<vmem>>, vector<1x1x256x256xf32>
      %swap3A_114 = vector.shape_cast %swap3A_113 : vector<1x1x256x256xf32> to vector<256x256xf32>
      %swap3A_115 = vector.shape_cast %get3A_108 : vector<256x256xf32> to vector<1x1x256x256xf32>
      tpu.vector_store %arg5[%swap3A_109, %swap3A_110, %swap3A_111, %swap3A_112], %swap3A_115 {strides = array<i32>} : memref<1x1x1024x2048xf32, #tpu.memory_space<vmem>>, vector<1x1x256x256xf32>,
      %get3A_116 = arith.constant 0 : index
      %get3A_117 = arith.constant 0 : index
      %get3A_118 = arith.constant 256 : index
      %get3A_119 = arith.constant 0 : index
      %get3A_120 = vector.load %arg2[%get3A_116, %get3A_117, %get3A_118, %get3A_119] : memref<1x1x1024x2048xf32, #tpu.memory_space<vmem>>, vector<1x1x256x256xf32>
      %get3A_121 = vector.shape_cast %get3A_120 : vector<1x1x256x256xf32> to vector<256x256xf32>
      %get3A_122 = arith.constant 256 : index
      %get3A_123 = arith.constant 0 : index
      %get3A_124 = vector.load %arg3[%get3A_122, %get3A_123] : memref<768x256xf32, #tpu.memory_space<vmem>>, vector<256x256xf32>
      %add3A_125 = arith.addf %get3A_121, %get3A_124 : vector<256x256xf32>
      %swap3A_126 = arith.constant 0 : index
      %swap3A_127 = arith.constant 0 : index
      %swap3A_128 = arith.constant 256 : index
      %swap3A_129 = arith.constant 0 : index
      %swap3A_130 = vector.load %arg5[%swap3A_126, %swap3A_127, %swap3A_128, %swap3A_129] : memref<1x1x1024x2048xf32, #tpu.memory_space<vmem>>, vector<1x1x256x256xf32>
      %swap3A_131 = vector.shape_cast %swap3A_130 : vector<1x1x256x256xf32> to vector<256x256xf32>
      %swap3A_132 = vector.shape_cast %add3A_125 : vector<256x256xf32> to vector<1x1x256x256xf32>
      tpu.vector_store %arg5[%swap3A_126, %swap3A_127, %swap3A_128, %swap3A_129], %swap3A_132 {strides = array<i32>} : memref<1x1x1024x2048xf32, #tpu.memory_space<vmem>>, vector<1x1x256x256xf32>,
      %get3A_133 = arith.constant 0 : index
      %get3A_134 = arith.constant 0 : index
      %get3A_135 = arith.constant 256 : index
      %get3A_136 = arith.constant 256 : index
      %get3A_137 = vector.load %arg2[%get3A_133, %get3A_134, %get3A_135, %get3A_136] : memref<1x1x1024x2048xf32, #tpu.memory_space<vmem>>, vector<1x1x256x256xf32>
      %get3A_138 = vector.shape_cast %get3A_137 : vector<1x1x256x256xf32> to vector<256x256xf32>
      %get3A_139 = arith.constant 0 : index
      %get3A_140 = arith.constant 0 : index
      %get3A_141 = vector.load %arg3[%get3A_139, %get3A_140] : memref<768x256xf32, #tpu.memory_space<vmem>>, vector<256x256xf32>
      %add3A_142 = arith.addf %get3A_138, %get3A_141 : vector<256x256xf32>
      %swap3A_143 = arith.constant 0 : index
      %swap3A_144 = arith.constant 0 : index
      %swap3A_145 = arith.constant 256 : index
      %swap3A_146 = arith.constant 256 : index
      %swap3A_147 = vector.load %arg5[%swap3A_143, %swap3A_144, %swap3A_145, %swap3A_146] : memref<1x1x1024x2048xf32, #tpu.memory_space<vmem>>, vector<1x1x256x256xf32>
      %swap3A_148 = vector.shape_cast %swap3A_147 : vector<1x1x256x256xf32> to vector<256x256xf32>
      %swap3A_149 = vector.shape_cast %add3A_142 : vector<256x256xf32> to vector<1x1x256x256xf32>
      tpu.vector_store %arg5[%swap3A_143, %swap3A_144, %swap3A_145, %swap3A_146], %swap3A_149 {strides = array<i32>} : memref<1x1x1024x2048xf32, #tpu.memory_space<vmem>>, vector<1x1x256x256xf32>,
      %get3A_150 = arith.constant 0 : index
      %get3A_151 = arith.constant 0 : index
      %get3A_152 = arith.constant 256 : index
      %get3A_153 = arith.constant 512 : index
      %get3A_154 = vector.load %arg2[%get3A_150, %get3A_151, %get3A_152, %get3A_153] : memref<1x1x1024x2048xf32, #tpu.memory_space<vmem>>, vector<1x1x256x256xf32>
      %get3A_155 = vector.shape_cast %get3A_154 : vector<1x1x256x256xf32> to vector<256x256xf32>
      %swap3A_156 = arith.constant 0 : index
      %swap3A_157 = arith.constant 0 : index
      %swap3A_158 = arith.constant 256 : index
      %swap3A_159 = arith.constant 512 : index
      %swap3A_160 = vector.load %arg5[%swap3A_156, %swap3A_157, %swap3A_158, %swap3A_159] : memref<1x1x1024x2048xf32, #tpu.memory_space<vmem>>, vector<1x1x256x256xf32>
      %swap3A_161 = vector.shape_cast %swap3A_160 : vector<1x1x256x256xf32> to vector<256x256xf32>
      %swap3A_162 = vector.shape_cast %get3A_155 : vector<256x256xf32> to vector<1x1x256x256xf32>
      tpu.vector_store %arg5[%swap3A_156, %swap3A_157, %swap3A_158, %swap3A_159], %swap3A_162 {strides = array<i32>} : memref<1x1x1024x2048xf32, #tpu.memory_space<vmem>>, vector<1x1x256x256xf32>,
      %get3A_163 = arith.constant 0 : index
      %get3A_164 = arith.constant 0 : index
      %get3A_165 = arith.constant 256 : index
      %get3A_166 = arith.constant 768 : index
      %get3A_167 = vector.load %arg2[%get3A_163, %get3A_164, %get3A_165, %get3A_166] : memref<1x1x1024x2048xf32, #tpu.memory_space<vmem>>, vector<1x1x256x256xf32>
      %get3A_168 = vector.shape_cast %get3A_167 : vector<1x1x256x256xf32> to vector<256x256xf32>
      %swap3A_169 = arith.constant 0 : index
      %swap3A_170 = arith.constant 0 : index
      %swap3A_171 = arith.constant 256 : index
      %swap3A_172 = arith.constant 768 : index
      %swap3A_173 = vector.load %arg5[%swap3A_169, %swap3A_170, %swap3A_171, %swap3A_172] : memref<1x1x1024x2048xf32, #tpu.memory_space<vmem>>, vector<1x1x256x256xf32>
      %swap3A_174 = vector.shape_cast %swap3A_173 : vector<1x1x256x256xf32> to vector<256x256xf32>
      %swap3A_175 = vector.shape_cast %get3A_168 : vector<256x256xf32> to vector<1x1x256x256xf32>
      tpu.vector_store %arg5[%swap3A_169, %swap3A_170, %swap3A_171, %swap3A_172], %swap3A_175 {strides = array<i32>} : memref<1x1x1024x2048xf32, #tpu.memory_space<vmem>>, vector<1x1x256x256xf32>,
      %get3A_176 = arith.constant 0 : index
      %get3A_177 = arith.constant 0 : index
      %get3A_178 = arith.constant 256 : index
      %get3A_179 = arith.constant 1024 : index
      %get3A_180 = vector.load %arg2[%get3A_176, %get3A_177, %get3A_178, %get3A_179] : memref<1x1x1024x2048xf32, #tpu.memory_space<vmem>>, vector<1x1x256x256xf32>
      %get3A_181 = vector.shape_cast %get3A_180 : vector<1x1x256x256xf32> to vector<256x256xf32>
      %swap3A_182 = arith.constant 0 : index
      %swap3A_183 = arith.constant 0 : index
      %swap3A_184 = arith.constant 256 : index
      %swap3A_185 = arith.constant 1024 : index
      %swap3A_186 = vector.load %arg5[%swap3A_182, %swap3A_183, %swap3A_184, %swap3A_185] : memref<1x1x1024x2048xf32, #tpu.memory_space<vmem>>, vector<1x1x256x256xf32>
      %swap3A_187 = vector.shape_cast %swap3A_186 : vector<1x1x256x256xf32> to vector<256x256xf32>
      %swap3A_188 = vector.shape_cast %get3A_181 : vector<256x256xf32> to vector<1x1x256x256xf32>
      tpu.vector_store %arg5[%swap3A_182, %swap3A_183, %swap3A_184, %swap3A_185], %swap3A_188 {strides = array<i32>} : memref<1x1x1024x2048xf32, #tpu.memory_space<vmem>>, vector<1x1x256x256xf32>,
      %get3A_189 = arith.constant 0 : index
      %get3A_190 = arith.constant 0 : index
      %get3A_191 = arith.constant 256 : index
      %get3A_192 = arith.constant 1280 : index
      %get3A_193 = vector.load %arg2[%get3A_189, %get3A_190, %get3A_191, %get3A_192] : memref<1x1x1024x2048xf32, #tpu.memory_space<vmem>>, vector<1x1x256x256xf32>
      %get3A_194 = vector.shape_cast %get3A_193 : vector<1x1x256x256xf32> to vector<256x256xf32>
      %swap3A_195 = arith.constant 0 : index
      %swap3A_196 = arith.constant 0 : index
      %swap3A_197 = arith.constant 256 : index
      %swap3A_198 = arith.constant 1280 : index
      %swap3A_199 = vector.load %arg5[%swap3A_195, %swap3A_196, %swap3A_197, %swap3A_198] : memref<1x1x1024x2048xf32, #tpu.memory_space<vmem>>, vector<1x1x256x256xf32>
      %swap3A_200 = vector.shape_cast %swap3A_199 : vector<1x1x256x256xf32> to vector<256x256xf32>
      %swap3A_201 = vector.shape_cast %get3A_194 : vector<256x256xf32> to vector<1x1x256x256xf32>
      tpu.vector_store %arg5[%swap3A_195, %swap3A_196, %swap3A_197, %swap3A_198], %swap3A_201 {strides = array<i32>} : memref<1x1x1024x2048xf32, #tpu.memory_space<vmem>>, vector<1x1x256x256xf32>,
      %get3A_202 = arith.constant 0 : index
      %get3A_203 = arith.constant 0 : index
      %get3A_204 = arith.constant 256 : index
      %get3A_205 = arith.constant 1536 : index
      %get3A_206 = vector.load %arg2[%get3A_202, %get3A_203, %get3A_204, %get3A_205] : memref<1x1x1024x2048xf32, #tpu.memory_space<vmem>>, vector<1x1x256x256xf32>
      %get3A_207 = vector.shape_cast %get3A_206 : vector<1x1x256x256xf32> to vector<256x256xf32>
      %swap3A_208 = arith.constant 0 : index
      %swap3A_209 = arith.constant 0 : index
      %swap3A_210 = arith.constant 256 : index
      %swap3A_211 = arith.constant 1536 : index
      %swap3A_212 = vector.load %arg5[%swap3A_208, %swap3A_209, %swap3A_210, %swap3A_211] : memref<1x1x1024x2048xf32, #tpu.memory_space<vmem>>, vector<1x1x256x256xf32>
      %swap3A_213 = vector.shape_cast %swap3A_212 : vector<1x1x256x256xf32> to vector<256x256xf32>
      %swap3A_214 = vector.shape_cast %get3A_207 : vector<256x256xf32> to vector<1x1x256x256xf32>
      tpu.vector_store %arg5[%swap3A_208, %swap3A_209, %swap3A_210, %swap3A_211], %swap3A_214 {strides = array<i32>} : memref<1x1x1024x2048xf32, #tpu.memory_space<vmem>>, vector<1x1x256x256xf32>,
      %get3A_215 = arith.constant 0 : index
      %get3A_216 = arith.constant 0 : index
      %get3A_217 = arith.constant 256 : index
      %get3A_218 = arith.constant 1792 : index
      %get3A_219 = vector.load %arg2[%get3A_215, %get3A_216, %get3A_217, %get3A_218] : memref<1x1x1024x2048xf32, #tpu.memory_space<vmem>>, vector<1x1x256x256xf32>
      %get3A_220 = vector.shape_cast %get3A_219 : vector<1x1x256x256xf32> to vector<256x256xf32>
      %swap3A_221 = arith.constant 0 : index
      %swap3A_222 = arith.constant 0 : index
      %swap3A_223 = arith.constant 256 : index
      %swap3A_224 = arith.constant 1792 : index
      %swap3A_225 = vector.load %arg5[%swap3A_221, %swap3A_222, %swap3A_223, %swap3A_224] : memref<1x1x1024x2048xf32, #tpu.memory_space<vmem>>, vector<1x1x256x256xf32>
      %swap3A_226 = vector.shape_cast %swap3A_225 : vector<1x1x256x256xf32> to vector<256x256xf32>
      %swap3A_227 = vector.shape_cast %get3A_220 : vector<256x256xf32> to vector<1x1x256x256xf32>
      tpu.vector_store %arg5[%swap3A_221, %swap3A_222, %swap3A_223, %swap3A_224], %swap3A_227 {strides = array<i32>} : memref<1x1x1024x2048xf32, #tpu.memory_space<vmem>>, vector<1x1x256x256xf32>,
      %get3A_228 = arith.constant 0 : index
      %get3A_229 = arith.constant 0 : index
      %get3A_230 = arith.constant 512 : index
      %get3A_231 = arith.constant 0 : index
      %get3A_232 = vector.load %arg2[%get3A_228, %get3A_229, %get3A_230, %get3A_231] : memref<1x1x1024x2048xf32, #tpu.memory_space<vmem>>, vector<1x1x256x256xf32>
      %get3A_233 = vector.shape_cast %get3A_232 : vector<1x1x256x256xf32> to vector<256x256xf32>
      %get3A_234 = arith.constant 512 : index
      %get3A_235 = arith.constant 0 : index
      %get3A_236 = vector.load %arg3[%get3A_234, %get3A_235] : memref<768x256xf32, #tpu.memory_space<vmem>>, vector<256x256xf32>
      %add3A_237 = arith.addf %get3A_233, %get3A_236 : vector<256x256xf32>
      %swap3A_238 = arith.constant 0 : index
      %swap3A_239 = arith.constant 0 : index
      %swap3A_240 = arith.constant 512 : index
      %swap3A_241 = arith.constant 0 : index
      %swap3A_242 = vector.load %arg5[%swap3A_238, %swap3A_239, %swap3A_240, %swap3A_241] : memref<1x1x1024x2048xf32, #tpu.memory_space<vmem>>, vector<1x1x256x256xf32>
      %swap3A_243 = vector.shape_cast %swap3A_242 : vector<1x1x256x256xf32> to vector<256x256xf32>
      %swap3A_244 = vector.shape_cast %add3A_237 : vector<256x256xf32> to vector<1x1x256x256xf32>
      tpu.vector_store %arg5[%swap3A_238, %swap3A_239, %swap3A_240, %swap3A_241], %swap3A_244 {strides = array<i32>} : memref<1x1x1024x2048xf32, #tpu.memory_space<vmem>>, vector<1x1x256x256xf32>,
      %get3A_245 = arith.constant 0 : index
      %get3A_246 = arith.constant 0 : index
      %get3A_247 = arith.constant 512 : index
      %get3A_248 = arith.constant 256 : index
      %get3A_249 = vector.load %arg2[%get3A_245, %get3A_246, %get3A_247, %get3A_248] : memref<1x1x1024x2048xf32, #tpu.memory_space<vmem>>, vector<1x1x256x256xf32>
      %get3A_250 = vector.shape_cast %get3A_249 : vector<1x1x256x256xf32> to vector<256x256xf32>
      %get3A_251 = arith.constant 256 : index
      %get3A_252 = arith.constant 0 : index
      %get3A_253 = vector.load %arg3[%get3A_251, %get3A_252] : memref<768x256xf32, #tpu.memory_space<vmem>>, vector<256x256xf32>
      %add3A_254 = arith.addf %get3A_250, %get3A_253 : vector<256x256xf32>
      %swap3A_255 = arith.constant 0 : index
      %swap3A_256 = arith.constant 0 : index
      %swap3A_257 = arith.constant 512 : index
      %swap3A_258 = arith.constant 256 : index
      %swap3A_259 = vector.load %arg5[%swap3A_255, %swap3A_256, %swap3A_257, %swap3A_258] : memref<1x1x1024x2048xf32, #tpu.memory_space<vmem>>, vector<1x1x256x256xf32>
      %swap3A_260 = vector.shape_cast %swap3A_259 : vector<1x1x256x256xf32> to vector<256x256xf32>
      %swap3A_261 = vector.shape_cast %add3A_254 : vector<256x256xf32> to vector<1x1x256x256xf32>
      tpu.vector_store %arg5[%swap3A_255, %swap3A_256, %swap3A_257, %swap3A_258], %swap3A_261 {strides = array<i32>} : memref<1x1x1024x2048xf32, #tpu.memory_space<vmem>>, vector<1x1x256x256xf32>,
      %get3A_262 = arith.constant 0 : index
      %get3A_263 = arith.constant 0 : index
      %get3A_264 = arith.constant 512 : index
      %get3A_265 = arith.constant 512 : index
      %get3A_266 = vector.load %arg2[%get3A_262, %get3A_263, %get3A_264, %get3A_265] : memref<1x1x1024x2048xf32, #tpu.memory_space<vmem>>, vector<1x1x256x256xf32>
      %get3A_267 = vector.shape_cast %get3A_266 : vector<1x1x256x256xf32> to vector<256x256xf32>
      %get3A_268 = arith.constant 0 : index
      %get3A_269 = arith.constant 0 : index
      %get3A_270 = vector.load %arg3[%get3A_268, %get3A_269] : memref<768x256xf32, #tpu.memory_space<vmem>>, vector<256x256xf32>
      %add3A_271 = arith.addf %get3A_267, %get3A_270 : vector<256x256xf32>
      %swap3A_272 = arith.constant 0 : index
      %swap3A_273 = arith.constant 0 : index
      %swap3A_274 = arith.constant 512 : index
      %swap3A_275 = arith.constant 512 : index
      %swap3A_276 = vector.load %arg5[%swap3A_272, %swap3A_273, %swap3A_274, %swap3A_275] : memref<1x1x1024x2048xf32, #tpu.memory_space<vmem>>, vector<1x1x256x256xf32>
      %swap3A_277 = vector.shape_cast %swap3A_276 : vector<1x1x256x256xf32> to vector<256x256xf32>
      %swap3A_278 = vector.shape_cast %add3A_271 : vector<256x256xf32> to vector<1x1x256x256xf32>
      tpu.vector_store %arg5[%swap3A_272, %swap3A_273, %swap3A_274, %swap3A_275], %swap3A_278 {strides = array<i32>} : memref<1x1x1024x2048xf32, #tpu.memory_space<vmem>>, vector<1x1x256x256xf32>,
      %get3A_279 = arith.constant 0 : index
      %get3A_280 = arith.constant 0 : index
      %get3A_281 = arith.constant 512 : index
      %get3A_282 = arith.constant 768 : index
      %get3A_283 = vector.load %arg2[%get3A_279, %get3A_280, %get3A_281, %get3A_282] : memref<1x1x1024x2048xf32, #tpu.memory_space<vmem>>, vector<1x1x256x256xf32>
      %get3A_284 = vector.shape_cast %get3A_283 : vector<1x1x256x256xf32> to vector<256x256xf32>
      %swap3A_285 = arith.constant 0 : index
      %swap3A_286 = arith.constant 0 : index
      %swap3A_287 = arith.constant 512 : index
      %swap3A_288 = arith.constant 768 : index
      %swap3A_289 = vector.load %arg5[%swap3A_285, %swap3A_286, %swap3A_287, %swap3A_288] : memref<1x1x1024x2048xf32, #tpu.memory_space<vmem>>, vector<1x1x256x256xf32>
      %swap3A_290 = vector.shape_cast %swap3A_289 : vector<1x1x256x256xf32> to vector<256x256xf32>
      %swap3A_291 = vector.shape_cast %get3A_284 : vector<256x256xf32> to vector<1x1x256x256xf32>
      tpu.vector_store %arg5[%swap3A_285, %swap3A_286, %swap3A_287, %swap3A_288], %swap3A_291 {strides = array<i32>} : memref<1x1x1024x2048xf32, #tpu.memory_space<vmem>>, vector<1x1x256x256xf32>,
      %get3A_292 = arith.constant 0 : index
      %get3A_293 = arith.constant 0 : index
      %get3A_294 = arith.constant 512 : index
      %get3A_295 = arith.constant 1024 : index
      %get3A_296 = vector.load %arg2[%get3A_292, %get3A_293, %get3A_294, %get3A_295] : memref<1x1x1024x2048xf32, #tpu.memory_space<vmem>>, vector<1x1x256x256xf32>
      %get3A_297 = vector.shape_cast %get3A_296 : vector<1x1x256x256xf32> to vector<256x256xf32>
      %swap3A_298 = arith.constant 0 : index
      %swap3A_299 = arith.constant 0 : index
      %swap3A_300 = arith.constant 512 : index
      %swap3A_301 = arith.constant 1024 : index
      %swap3A_302 = vector.load %arg5[%swap3A_298, %swap3A_299, %swap3A_300, %swap3A_301] : memref<1x1x1024x2048xf32, #tpu.memory_space<vmem>>, vector<1x1x256x256xf32>
      %swap3A_303 = vector.shape_cast %swap3A_302 : vector<1x1x256x256xf32> to vector<256x256xf32>
      %swap3A_304 = vector.shape_cast %get3A_297 : vector<256x256xf32> to vector<1x1x256x256xf32>
      tpu.vector_store %arg5[%swap3A_298, %swap3A_299, %swap3A_300, %swap3A_301], %swap3A_304 {strides = array<i32>} : memref<1x1x1024x2048xf32, #tpu.memory_space<vmem>>, vector<1x1x256x256xf32>,
      %get3A_305 = arith.constant 0 : index
      %get3A_306 = arith.constant 0 : index
      %get3A_307 = arith.constant 512 : index
      %get3A_308 = arith.constant 1280 : index
      %get3A_309 = vector.load %arg2[%get3A_305, %get3A_306, %get3A_307, %get3A_308] : memref<1x1x1024x2048xf32, #tpu.memory_space<vmem>>, vector<1x1x256x256xf32>
      %get3A_310 = vector.shape_cast %get3A_309 : vector<1x1x256x256xf32> to vector<256x256xf32>
      %swap3A_311 = arith.constant 0 : index
      %swap3A_312 = arith.constant 0 : index
      %swap3A_313 = arith.constant 512 : index
      %swap3A_314 = arith.constant 1280 : index
      %swap3A_315 = vector.load %arg5[%swap3A_311, %swap3A_312, %swap3A_313, %swap3A_314] : memref<1x1x1024x2048xf32, #tpu.memory_space<vmem>>, vector<1x1x256x256xf32>
      %swap3A_316 = vector.shape_cast %swap3A_315 : vector<1x1x256x256xf32> to vector<256x256xf32>
      %swap3A_317 = vector.shape_cast %get3A_310 : vector<256x256xf32> to vector<1x1x256x256xf32>
      tpu.vector_store %arg5[%swap3A_311, %swap3A_312, %swap3A_313, %swap3A_314], %swap3A_317 {strides = array<i32>} : memref<1x1x1024x2048xf32, #tpu.memory_space<vmem>>, vector<1x1x256x256xf32>,
      %get3A_318 = arith.constant 0 : index
      %get3A_319 = arith.constant 0 : index
      %get3A_320 = arith.constant 512 : index
      %get3A_321 = arith.constant 1536 : index
      %get3A_322 = vector.load %arg2[%get3A_318, %get3A_319, %get3A_320, %get3A_321] : memref<1x1x1024x2048xf32, #tpu.memory_space<vmem>>, vector<1x1x256x256xf32>
      %get3A_323 = vector.shape_cast %get3A_322 : vector<1x1x256x256xf32> to vector<256x256xf32>
      %swap3A_324 = arith.constant 0 : index
      %swap3A_325 = arith.constant 0 : index
      %swap3A_326 = arith.constant 512 : index
      %swap3A_327 = arith.constant 1536 : index
      %swap3A_328 = vector.load %arg5[%swap3A_324, %swap3A_325, %swap3A_326, %swap3A_327] : memref<1x1x1024x2048xf32, #tpu.memory_space<vmem>>, vector<1x1x256x256xf32>
      %swap3A_329 = vector.shape_cast %swap3A_328 : vector<1x1x256x256xf32> to vector<256x256xf32>
      %swap3A_330 = vector.shape_cast %get3A_323 : vector<256x256xf32> to vector<1x1x256x256xf32>
      tpu.vector_store %arg5[%swap3A_324, %swap3A_325, %swap3A_326, %swap3A_327], %swap3A_330 {strides = array<i32>} : memref<1x1x1024x2048xf32, #tpu.memory_space<vmem>>, vector<1x1x256x256xf32>,
      %get3A_331 = arith.constant 0 : index
      %get3A_332 = arith.constant 0 : index
      %get3A_333 = arith.constant 512 : index
      %get3A_334 = arith.constant 1792 : index
      %get3A_335 = vector.load %arg2[%get3A_331, %get3A_332, %get3A_333, %get3A_334] : memref<1x1x1024x2048xf32, #tpu.memory_space<vmem>>, vector<1x1x256x256xf32>
      %get3A_336 = vector.shape_cast %get3A_335 : vector<1x1x256x256xf32> to vector<256x256xf32>
      %swap3A_337 = arith.constant 0 : index
      %swap3A_338 = arith.constant 0 : index
      %swap3A_339 = arith.constant 512 : index
      %swap3A_340 = arith.constant 1792 : index
      %swap3A_341 = vector.load %arg5[%swap3A_337, %swap3A_338, %swap3A_339, %swap3A_340] : memref<1x1x1024x2048xf32, #tpu.memory_space<vmem>>, vector<1x1x256x256xf32>
      %swap3A_342 = vector.shape_cast %swap3A_341 : vector<1x1x256x256xf32> to vector<256x256xf32>
      %swap3A_343 = vector.shape_cast %get3A_336 : vector<256x256xf32> to vector<1x1x256x256xf32>
      tpu.vector_store %arg5[%swap3A_337, %swap3A_338, %swap3A_339, %swap3A_340], %swap3A_343 {strides = array<i32>} : memref<1x1x1024x2048xf32, #tpu.memory_space<vmem>>, vector<1x1x256x256xf32>,
      %get3A_344 = arith.constant 0 : index
      %get3A_345 = arith.constant 0 : index
      %get3A_346 = arith.constant 768 : index
      %get3A_347 = arith.constant 0 : index
      %get3A_348 = vector.load %arg2[%get3A_344, %get3A_345, %get3A_346, %get3A_347] : memref<1x1x1024x2048xf32, #tpu.memory_space<vmem>>, vector<1x1x256x256xf32>
      %get3A_349 = vector.shape_cast %get3A_348 : vector<1x1x256x256xf32> to vector<256x256xf32>
      %add3A_350 = vector.broadcast %get3A_9 : f32 to vector<256x256xf32>
      %add3A_351 = arith.addf %get3A_349, %add3A_350 : vector<256x256xf32>
      %swap3A_352 = arith.constant 0 : index
      %swap3A_353 = arith.constant 0 : index
      %swap3A_354 = arith.constant 768 : index
      %swap3A_355 = arith.constant 0 : index
      %swap3A_356 = vector.load %arg5[%swap3A_352, %swap3A_353, %swap3A_354, %swap3A_355] : memref<1x1x1024x2048xf32, #tpu.memory_space<vmem>>, vector<1x1x256x256xf32>
      %swap3A_357 = vector.shape_cast %swap3A_356 : vector<1x1x256x256xf32> to vector<256x256xf32>
      %swap3A_358 = vector.shape_cast %add3A_351 : vector<256x256xf32> to vector<1x1x256x256xf32>
      tpu.vector_store %arg5[%swap3A_352, %swap3A_353, %swap3A_354, %swap3A_355], %swap3A_358 {strides = array<i32>} : memref<1x1x1024x2048xf32, #tpu.memory_space<vmem>>, vector<1x1x256x256xf32>,
      %get3A_359 = arith.constant 0 : index
      %get3A_360 = arith.constant 0 : index
      %get3A_361 = arith.constant 768 : index
      %get3A_362 = arith.constant 256 : index
      %get3A_363 = vector.load %arg2[%get3A_359, %get3A_360, %get3A_361, %get3A_362] : memref<1x1x1024x2048xf32, #tpu.memory_space<vmem>>, vector<1x1x256x256xf32>
      %get3A_364 = vector.shape_cast %get3A_363 : vector<1x1x256x256xf32> to vector<256x256xf32>
      %get3A_365 = arith.constant 512 : index
      %get3A_366 = arith.constant 0 : index
      %get3A_367 = vector.load %arg3[%get3A_365, %get3A_366] : memref<768x256xf32, #tpu.memory_space<vmem>>, vector<256x256xf32>
      %add3A_368 = arith.addf %get3A_364, %get3A_367 : vector<256x256xf32>
      %swap3A_369 = arith.constant 0 : index
      %swap3A_370 = arith.constant 0 : index
      %swap3A_371 = arith.constant 768 : index
      %swap3A_372 = arith.constant 256 : index
      %swap3A_373 = vector.load %arg5[%swap3A_369, %swap3A_370, %swap3A_371, %swap3A_372] : memref<1x1x1024x2048xf32, #tpu.memory_space<vmem>>, vector<1x1x256x256xf32>
      %swap3A_374 = vector.shape_cast %swap3A_373 : vector<1x1x256x256xf32> to vector<256x256xf32>
      %swap3A_375 = vector.shape_cast %add3A_368 : vector<256x256xf32> to vector<1x1x256x256xf32>
      tpu.vector_store %arg5[%swap3A_369, %swap3A_370, %swap3A_371, %swap3A_372], %swap3A_375 {strides = array<i32>} : memref<1x1x1024x2048xf32, #tpu.memory_space<vmem>>, vector<1x1x256x256xf32>,
      %get3A_376 = arith.constant 0 : index
      %get3A_377 = arith.constant 0 : index
      %get3A_378 = arith.constant 768 : index
      %get3A_379 = arith.constant 512 : index
      %get3A_380 = vector.load %arg2[%get3A_376, %get3A_377, %get3A_378, %get3A_379] : memref<1x1x1024x2048xf32, #tpu.memory_space<vmem>>, vector<1x1x256x256xf32>
      %get3A_381 = vector.shape_cast %get3A_380 : vector<1x1x256x256xf32> to vector<256x256xf32>
      %get3A_382 = arith.constant 256 : index
      %get3A_383 = arith.constant 0 : index
      %get3A_384 = vector.load %arg3[%get3A_382, %get3A_383] : memref<768x256xf32, #tpu.memory_space<vmem>>, vector<256x256xf32>
      %add3A_385 = arith.addf %get3A_381, %get3A_384 : vector<256x256xf32>
      %swap3A_386 = arith.constant 0 : index
      %swap3A_387 = arith.constant 0 : index
      %swap3A_388 = arith.constant 768 : index
      %swap3A_389 = arith.constant 512 : index
      %swap3A_390 = vector.load %arg5[%swap3A_386, %swap3A_387, %swap3A_388, %swap3A_389] : memref<1x1x1024x2048xf32, #tpu.memory_space<vmem>>, vector<1x1x256x256xf32>
      %swap3A_391 = vector.shape_cast %swap3A_390 : vector<1x1x256x256xf32> to vector<256x256xf32>
      %swap3A_392 = vector.shape_cast %add3A_385 : vector<256x256xf32> to vector<1x1x256x256xf32>
      tpu.vector_store %arg5[%swap3A_386, %swap3A_387, %swap3A_388, %swap3A_389], %swap3A_392 {strides = array<i32>} : memref<1x1x1024x2048xf32, #tpu.memory_space<vmem>>, vector<1x1x256x256xf32>,
      %get3A_393 = arith.constant 0 : index
      %get3A_394 = arith.constant 0 : index
      %get3A_395 = arith.constant 768 : index
      %get3A_396 = arith.constant 768 : index
      %get3A_397 = vector.load %arg2[%get3A_393, %get3A_394, %get3A_395, %get3A_396] : memref<1x1x1024x2048xf32, #tpu.memory_space<vmem>>, vector<1x1x256x256xf32>
      %get3A_398 = vector.shape_cast %get3A_397 : vector<1x1x256x256xf32> to vector<256x256xf32>
      %get3A_399 = arith.constant 0 : index
      %get3A_400 = arith.constant 0 : index
      %get3A_401 = vector.load %arg3[%get3A_399, %get3A_400] : memref<768x256xf32, #tpu.memory_space<vmem>>, vector<256x256xf32>
      %add3A_402 = arith.addf %get3A_398, %get3A_401 : vector<256x256xf32>
      %swap3A_403 = arith.constant 0 : index
      %swap3A_404 = arith.constant 0 : index
      %swap3A_405 = arith.constant 768 : index
      %swap3A_406 = arith.constant 768 : index
      %swap3A_407 = vector.load %arg5[%swap3A_403, %swap3A_404, %swap3A_405, %swap3A_406] : memref<1x1x1024x2048xf32, #tpu.memory_space<vmem>>, vector<1x1x256x256xf32>
      %swap3A_408 = vector.shape_cast %swap3A_407 : vector<1x1x256x256xf32> to vector<256x256xf32>
      %swap3A_409 = vector.shape_cast %add3A_402 : vector<256x256xf32> to vector<1x1x256x256xf32>
      tpu.vector_store %arg5[%swap3A_403, %swap3A_404, %swap3A_405, %swap3A_406], %swap3A_409 {strides = array<i32>} : memref<1x1x1024x2048xf32, #tpu.memory_space<vmem>>, vector<1x1x256x256xf32>,
      %get3A_410 = arith.constant 0 : index
      %get3A_411 = arith.constant 0 : index
      %get3A_412 = arith.constant 768 : index
      %get3A_413 = arith.constant 1024 : index
      %get3A_414 = vector.load %arg2[%get3A_410, %get3A_411, %get3A_412, %get3A_413] : memref<1x1x1024x2048xf32, #tpu.memory_space<vmem>>, vector<1x1x256x256xf32>
      %get3A_415 = vector.shape_cast %get3A_414 : vector<1x1x256x256xf32> to vector<256x256xf32>
      %swap3A_416 = arith.constant 0 : index
      %swap3A_417 = arith.constant 0 : index
      %swap3A_418 = arith.constant 768 : index
      %swap3A_419 = arith.constant 1024 : index
      %swap3A_420 = vector.load %arg5[%swap3A_416, %swap3A_417, %swap3A_418, %swap3A_419] : memref<1x1x1024x2048xf32, #tpu.memory_space<vmem>>, vector<1x1x256x256xf32>
      %swap3A_421 = vector.shape_cast %swap3A_420 : vector<1x1x256x256xf32> to vector<256x256xf32>
      %swap3A_422 = vector.shape_cast %get3A_415 : vector<256x256xf32> to vector<1x1x256x256xf32>
      tpu.vector_store %arg5[%swap3A_416, %swap3A_417, %swap3A_418, %swap3A_419], %swap3A_422 {strides = array<i32>} : memref<1x1x1024x2048xf32, #tpu.memory_space<vmem>>, vector<1x1x256x256xf32>,
      %get3A_423 = arith.constant 0 : index
      %get3A_424 = arith.constant 0 : index
      %get3A_425 = arith.constant 768 : index
      %get3A_426 = arith.constant 1280 : index
      %get3A_427 = vector.load %arg2[%get3A_423, %get3A_424, %get3A_425, %get3A_426] : memref<1x1x1024x2048xf32, #tpu.memory_space<vmem>>, vector<1x1x256x256xf32>
      %get3A_428 = vector.shape_cast %get3A_427 : vector<1x1x256x256xf32> to vector<256x256xf32>
      %swap3A_429 = arith.constant 0 : index
      %swap3A_430 = arith.constant 0 : index
      %swap3A_431 = arith.constant 768 : index
      %swap3A_432 = arith.constant 1280 : index
      %swap3A_433 = vector.load %arg5[%swap3A_429, %swap3A_430, %swap3A_431, %swap3A_432] : memref<1x1x1024x2048xf32, #tpu.memory_space<vmem>>, vector<1x1x256x256xf32>
      %swap3A_434 = vector.shape_cast %swap3A_433 : vector<1x1x256x256xf32> to vector<256x256xf32>
      %swap3A_435 = vector.shape_cast %get3A_428 : vector<256x256xf32> to vector<1x1x256x256xf32>
      tpu.vector_store %arg5[%swap3A_429, %swap3A_430, %swap3A_431, %swap3A_432], %swap3A_435 {strides = array<i32>} : memref<1x1x1024x2048xf32, #tpu.memory_space<vmem>>, vector<1x1x256x256xf32>,
      %get3A_436 = arith.constant 0 : index
      %get3A_437 = arith.constant 0 : index
      %get3A_438 = arith.constant 768 : index
      %get3A_439 = arith.constant 1536 : index
      %get3A_440 = vector.load %arg2[%get3A_436, %get3A_437, %get3A_438, %get3A_439] : memref<1x1x1024x2048xf32, #tpu.memory_space<vmem>>, vector<1x1x256x256xf32>
      %get3A_441 = vector.shape_cast %get3A_440 : vector<1x1x256x256xf32> to vector<256x256xf32>
      %swap3A_442 = arith.constant 0 : index
      %swap3A_443 = arith.constant 0 : index
      %swap3A_444 = arith.constant 768 : index
      %swap3A_445 = arith.constant 1536 : index
      %swap3A_446 = vector.load %arg5[%swap3A_442, %swap3A_443, %swap3A_444, %swap3A_445] : memref<1x1x1024x2048xf32, #tpu.memory_space<vmem>>, vector<1x1x256x256xf32>
      %swap3A_447 = vector.shape_cast %swap3A_446 : vector<1x1x256x256xf32> to vector<256x256xf32>
      %swap3A_448 = vector.shape_cast %get3A_441 : vector<256x256xf32> to vector<1x1x256x256xf32>
      tpu.vector_store %arg5[%swap3A_442, %swap3A_443, %swap3A_444, %swap3A_445], %swap3A_448 {strides = array<i32>} : memref<1x1x1024x2048xf32, #tpu.memory_space<vmem>>, vector<1x1x256x256xf32>,
      %get3A_449 = arith.constant 0 : index
      %get3A_450 = arith.constant 0 : index
      %get3A_451 = arith.constant 768 : index
      %get3A_452 = arith.constant 1792 : index
      %get3A_453 = vector.load %arg2[%get3A_449, %get3A_450, %get3A_451, %get3A_452] : memref<1x1x1024x2048xf32, #tpu.memory_space<vmem>>, vector<1x1x256x256xf32>
      %get3A_454 = vector.shape_cast %get3A_453 : vector<1x1x256x256xf32> to vector<256x256xf32>
      %swap3A_455 = arith.constant 0 : index
      %swap3A_456 = arith.constant 0 : index
      %swap3A_457 = arith.constant 768 : index
      %swap3A_458 = arith.constant 1792 : index
      %swap3A_459 = vector.load %arg5[%swap3A_455, %swap3A_456, %swap3A_457, %swap3A_458] : memref<1x1x1024x2048xf32, #tpu.memory_space<vmem>>, vector<1x1x256x256xf32>
      %swap3A_460 = vector.shape_cast %swap3A_459 : vector<1x1x256x256xf32> to vector<256x256xf32>
      %swap3A_461 = vector.shape_cast %get3A_454 : vector<256x256xf32> to vector<1x1x256x256xf32>
      tpu.vector_store %arg5[%swap3A_455, %swap3A_456, %swap3A_457, %swap3A_458], %swap3A_461 {strides = array<i32>} : memref<1x1x1024x2048xf32, #tpu.memory_space<vmem>>, vector<1x1x256x256xf32>,
    } else {
    }
    %eq3A_2 = arith.constant 1 : i32
    %eq3A_3 = arith.cmpi eq, %arg1, %eq3A_2 : i32
    %convert_element_type3A_4 = arith.extui %eq3A_3 : i1 to i32
    %cond3A_5 = arith.constant 0 : i32
    %cond3A_6 = arith.cmpi ne, %convert_element_type3A_4, %cond3A_5 : i32
    scf.if %cond3A_6 {
      %get3A = arith.constant 0 : index
      %get3A_7 = arith.constant 0 : index
      %get3A_8 = arith.constant 0 : index
      %get3A_9 = memref.load %arg4[%get3A, %get3A_7, %get3A_8] : memref<1x1x1xf32, #tpu.memory_space<smem>>
      %get3A_10 = arith.constant 0 : index
      %get3A_11 = arith.constant 0 : index
      %get3A_12 = arith.constant 0 : index
      %get3A_13 = arith.constant 0 : index
      %get3A_14 = vector.load %arg2[%get3A_10, %get3A_11, %get3A_12, %get3A_13] : memref<1x1x1024x2048xf32, #tpu.memory_space<vmem>>, vector<1x1x256x256xf32>
      %get3A_15 = vector.shape_cast %get3A_14 : vector<1x1x256x256xf32> to vector<256x256xf32>
      %add3A = vector.broadcast %get3A_9 : f32 to vector<256x256xf32>
      %add3A_16 = arith.addf %get3A_15, %add3A : vector<256x256xf32>
      %swap3A = arith.constant 0 : index
      %swap3A_17 = arith.constant 0 : index
      %swap3A_18 = arith.constant 0 : index
      %swap3A_19 = arith.constant 0 : index
      %swap3A_20 = vector.load %arg5[%swap3A, %swap3A_17, %swap3A_18, %swap3A_19] : memref<1x1x1024x2048xf32, #tpu.memory_space<vmem>>, vector<1x1x256x256xf32>
      %swap3A_21 = vector.shape_cast %swap3A_20 : vector<1x1x256x256xf32> to vector<256x256xf32>
      %swap3A_22 = vector.shape_cast %add3A_16 : vector<256x256xf32> to vector<1x1x256x256xf32>
      tpu.vector_store %arg5[%swap3A, %swap3A_17, %swap3A_18, %swap3A_19], %swap3A_22 {strides = array<i32>} : memref<1x1x1024x2048xf32, #tpu.memory_space<vmem>>, vector<1x1x256x256xf32>,
      %get3A_23 = arith.constant 0 : index
      %get3A_24 = arith.constant 0 : index
      %get3A_25 = arith.constant 0 : index
      %get3A_26 = arith.constant 256 : index
      %get3A_27 = vector.load %arg2[%get3A_23, %get3A_24, %get3A_25, %get3A_26] : memref<1x1x1024x2048xf32, #tpu.memory_space<vmem>>, vector<1x1x256x256xf32>
      %get3A_28 = vector.shape_cast %get3A_27 : vector<1x1x256x256xf32> to vector<256x256xf32>
      %add3A_29 = vector.broadcast %get3A_9 : f32 to vector<256x256xf32>
      %add3A_30 = arith.addf %get3A_28, %add3A_29 : vector<256x256xf32>
      %swap3A_31 = arith.constant 0 : index
      %swap3A_32 = arith.constant 0 : index
      %swap3A_33 = arith.constant 0 : index
      %swap3A_34 = arith.constant 256 : index
      %swap3A_35 = vector.load %arg5[%swap3A_31, %swap3A_32, %swap3A_33, %swap3A_34] : memref<1x1x1024x2048xf32, #tpu.memory_space<vmem>>, vector<1x1x256x256xf32>
      %swap3A_36 = vector.shape_cast %swap3A_35 : vector<1x1x256x256xf32> to vector<256x256xf32>
      %swap3A_37 = vector.shape_cast %add3A_30 : vector<256x256xf32> to vector<1x1x256x256xf32>
      tpu.vector_store %arg5[%swap3A_31, %swap3A_32, %swap3A_33, %swap3A_34], %swap3A_37 {strides = array<i32>} : memref<1x1x1024x2048xf32, #tpu.memory_space<vmem>>, vector<1x1x256x256xf32>,
      %get3A_38 = arith.constant 0 : index
      %get3A_39 = arith.constant 0 : index
      %get3A_40 = arith.constant 0 : index
      %get3A_41 = arith.constant 512 : index
      %get3A_42 = vector.load %arg2[%get3A_38, %get3A_39, %get3A_40, %get3A_41] : memref<1x1x1024x2048xf32, #tpu.memory_space<vmem>>, vector<1x1x256x256xf32>
      %get3A_43 = vector.shape_cast %get3A_42 : vector<1x1x256x256xf32> to vector<256x256xf32>
      %get3A_44 = arith.constant 512 : index
      %get3A_45 = arith.constant 0 : index
      %get3A_46 = vector.load %arg3[%get3A_44, %get3A_45] : memref<768x256xf32, #tpu.memory_space<vmem>>, vector<256x256xf32>
      %add3A_47 = arith.addf %get3A_43, %get3A_46 : vector<256x256xf32>
      %swap3A_48 = arith.constant 0 : index
      %swap3A_49 = arith.constant 0 : index
      %swap3A_50 = arith.constant 0 : index
      %swap3A_51 = arith.constant 512 : index
      %swap3A_52 = vector.load %arg5[%swap3A_48, %swap3A_49, %swap3A_50, %swap3A_51] : memref<1x1x1024x2048xf32, #tpu.memory_space<vmem>>, vector<1x1x256x256xf32>
      %swap3A_53 = vector.shape_cast %swap3A_52 : vector<1x1x256x256xf32> to vector<256x256xf32>
      %swap3A_54 = vector.shape_cast %add3A_47 : vector<256x256xf32> to vector<1x1x256x256xf32>
      tpu.vector_store %arg5[%swap3A_48, %swap3A_49, %swap3A_50, %swap3A_51], %swap3A_54 {strides = array<i32>} : memref<1x1x1024x2048xf32, #tpu.memory_space<vmem>>, vector<1x1x256x256xf32>,
      %get3A_55 = arith.constant 0 : index
      %get3A_56 = arith.constant 0 : index
      %get3A_57 = arith.constant 0 : index
      %get3A_58 = arith.constant 768 : index
      %get3A_59 = vector.load %arg2[%get3A_55, %get3A_56, %get3A_57, %get3A_58] : memref<1x1x1024x2048xf32, #tpu.memory_space<vmem>>, vector<1x1x256x256xf32>
      %get3A_60 = vector.shape_cast %get3A_59 : vector<1x1x256x256xf32> to vector<256x256xf32>
      %get3A_61 = arith.constant 256 : index
      %get3A_62 = arith.constant 0 : index
      %get3A_63 = vector.load %arg3[%get3A_61, %get3A_62] : memref<768x256xf32, #tpu.memory_space<vmem>>, vector<256x256xf32>
      %add3A_64 = arith.addf %get3A_60, %get3A_63 : vector<256x256xf32>
      %swap3A_65 = arith.constant 0 : index
      %swap3A_66 = arith.constant 0 : index
      %swap3A_67 = arith.constant 0 : index
      %swap3A_68 = arith.constant 768 : index
      %swap3A_69 = vector.load %arg5[%swap3A_65, %swap3A_66, %swap3A_67, %swap3A_68] : memref<1x1x1024x2048xf32, #tpu.memory_space<vmem>>, vector<1x1x256x256xf32>
      %swap3A_70 = vector.shape_cast %swap3A_69 : vector<1x1x256x256xf32> to vector<256x256xf32>
      %swap3A_71 = vector.shape_cast %add3A_64 : vector<256x256xf32> to vector<1x1x256x256xf32>
      tpu.vector_store %arg5[%swap3A_65, %swap3A_66, %swap3A_67, %swap3A_68], %swap3A_71 {strides = array<i32>} : memref<1x1x1024x2048xf32, #tpu.memory_space<vmem>>, vector<1x1x256x256xf32>,
      %get3A_72 = arith.constant 0 : index
      %get3A_73 = arith.constant 0 : index
      %get3A_74 = arith.constant 0 : index
      %get3A_75 = arith.constant 1024 : index
      %get3A_76 = vector.load %arg2[%get3A_72, %get3A_73, %get3A_74, %get3A_75] : memref<1x1x1024x2048xf32, #tpu.memory_space<vmem>>, vector<1x1x256x256xf32>
      %get3A_77 = vector.shape_cast %get3A_76 : vector<1x1x256x256xf32> to vector<256x256xf32>
      %get3A_78 = arith.constant 0 : index
      %get3A_79 = arith.constant 0 : index
      %get3A_80 = vector.load %arg3[%get3A_78, %get3A_79] : memref<768x256xf32, #tpu.memory_space<vmem>>, vector<256x256xf32>
      %add3A_81 = arith.addf %get3A_77, %get3A_80 : vector<256x256xf32>
      %swap3A_82 = arith.constant 0 : index
      %swap3A_83 = arith.constant 0 : index
      %swap3A_84 = arith.constant 0 : index
      %swap3A_85 = arith.constant 1024 : index
      %swap3A_86 = vector.load %arg5[%swap3A_82, %swap3A_83, %swap3A_84, %swap3A_85] : memref<1x1x1024x2048xf32, #tpu.memory_space<vmem>>, vector<1x1x256x256xf32>
      %swap3A_87 = vector.shape_cast %swap3A_86 : vector<1x1x256x256xf32> to vector<256x256xf32>
      %swap3A_88 = vector.shape_cast %add3A_81 : vector<256x256xf32> to vector<1x1x256x256xf32>
      tpu.vector_store %arg5[%swap3A_82, %swap3A_83, %swap3A_84, %swap3A_85], %swap3A_88 {strides = array<i32>} : memref<1x1x1024x2048xf32, #tpu.memory_space<vmem>>, vector<1x1x256x256xf32>,
      %get3A_89 = arith.constant 0 : index
      %get3A_90 = arith.constant 0 : index
      %get3A_91 = arith.constant 0 : index
      %get3A_92 = arith.constant 1280 : index
      %get3A_93 = vector.load %arg2[%get3A_89, %get3A_90, %get3A_91, %get3A_92] : memref<1x1x1024x2048xf32, #tpu.memory_space<vmem>>, vector<1x1x256x256xf32>
      %get3A_94 = vector.shape_cast %get3A_93 : vector<1x1x256x256xf32> to vector<256x256xf32>
      %swap3A_95 = arith.constant 0 : index
      %swap3A_96 = arith.constant 0 : index
      %swap3A_97 = arith.constant 0 : index
      %swap3A_98 = arith.constant 1280 : index
      %swap3A_99 = vector.load %arg5[%swap3A_95, %swap3A_96, %swap3A_97, %swap3A_98] : memref<1x1x1024x2048xf32, #tpu.memory_space<vmem>>, vector<1x1x256x256xf32>
      %swap3A_100 = vector.shape_cast %swap3A_99 : vector<1x1x256x256xf32> to vector<256x256xf32>
      %swap3A_101 = vector.shape_cast %get3A_94 : vector<256x256xf32> to vector<1x1x256x256xf32>
      tpu.vector_store %arg5[%swap3A_95, %swap3A_96, %swap3A_97, %swap3A_98], %swap3A_101 {strides = array<i32>} : memref<1x1x1024x2048xf32, #tpu.memory_space<vmem>>, vector<1x1x256x256xf32>,
      %get3A_102 = arith.constant 0 : index
      %get3A_103 = arith.constant 0 : index
      %get3A_104 = arith.constant 0 : index
      %get3A_105 = arith.constant 1536 : index
      %get3A_106 = vector.load %arg2[%get3A_102, %get3A_103, %get3A_104, %get3A_105] : memref<1x1x1024x2048xf32, #tpu.memory_space<vmem>>, vector<1x1x256x256xf32>
      %get3A_107 = vector.shape_cast %get3A_106 : vector<1x1x256x256xf32> to vector<256x256xf32>
      %swap3A_108 = arith.constant 0 : index
      %swap3A_109 = arith.constant 0 : index
      %swap3A_110 = arith.constant 0 : index
      %swap3A_111 = arith.constant 1536 : index
      %swap3A_112 = vector.load %arg5[%swap3A_108, %swap3A_109, %swap3A_110, %swap3A_111] : memref<1x1x1024x2048xf32, #tpu.memory_space<vmem>>, vector<1x1x256x256xf32>
      %swap3A_113 = vector.shape_cast %swap3A_112 : vector<1x1x256x256xf32> to vector<256x256xf32>
      %swap3A_114 = vector.shape_cast %get3A_107 : vector<256x256xf32> to vector<1x1x256x256xf32>
      tpu.vector_store %arg5[%swap3A_108, %swap3A_109, %swap3A_110, %swap3A_111], %swap3A_114 {strides = array<i32>} : memref<1x1x1024x2048xf32, #tpu.memory_space<vmem>>, vector<1x1x256x256xf32>,
      %get3A_115 = arith.constant 0 : index
      %get3A_116 = arith.constant 0 : index
      %get3A_117 = arith.constant 0 : index
      %get3A_118 = arith.constant 1792 : index
      %get3A_119 = vector.load %arg2[%get3A_115, %get3A_116, %get3A_117, %get3A_118] : memref<1x1x1024x2048xf32, #tpu.memory_space<vmem>>, vector<1x1x256x256xf32>
      %get3A_120 = vector.shape_cast %get3A_119 : vector<1x1x256x256xf32> to vector<256x256xf32>
      %swap3A_121 = arith.constant 0 : index
      %swap3A_122 = arith.constant 0 : index
      %swap3A_123 = arith.constant 0 : index
      %swap3A_124 = arith.constant 1792 : index
      %swap3A_125 = vector.load %arg5[%swap3A_121, %swap3A_122, %swap3A_123, %swap3A_124] : memref<1x1x1024x2048xf32, #tpu.memory_space<vmem>>, vector<1x1x256x256xf32>
      %swap3A_126 = vector.shape_cast %swap3A_125 : vector<1x1x256x256xf32> to vector<256x256xf32>
      %swap3A_127 = vector.shape_cast %get3A_120 : vector<256x256xf32> to vector<1x1x256x256xf32>
      tpu.vector_store %arg5[%swap3A_121, %swap3A_122, %swap3A_123, %swap3A_124], %swap3A_127 {strides = array<i32>} : memref<1x1x1024x2048xf32, #tpu.memory_space<vmem>>, vector<1x1x256x256xf32>,
      %get3A_128 = arith.constant 0 : index
      %get3A_129 = arith.constant 0 : index
      %get3A_130 = arith.constant 256 : index
      %get3A_131 = arith.constant 0 : index
      %get3A_132 = vector.load %arg2[%get3A_128, %get3A_129, %get3A_130, %get3A_131] : memref<1x1x1024x2048xf32, #tpu.memory_space<vmem>>, vector<1x1x256x256xf32>
      %get3A_133 = vector.shape_cast %get3A_132 : vector<1x1x256x256xf32> to vector<256x256xf32>
      %add3A_134 = vector.broadcast %get3A_9 : f32 to vector<256x256xf32>
      %add3A_135 = arith.addf %get3A_133, %add3A_134 : vector<256x256xf32>
      %swap3A_136 = arith.constant 0 : index
      %swap3A_137 = arith.constant 0 : index
      %swap3A_138 = arith.constant 256 : index
      %swap3A_139 = arith.constant 0 : index
      %swap3A_140 = vector.load %arg5[%swap3A_136, %swap3A_137, %swap3A_138, %swap3A_139] : memref<1x1x1024x2048xf32, #tpu.memory_space<vmem>>, vector<1x1x256x256xf32>
      %swap3A_141 = vector.shape_cast %swap3A_140 : vector<1x1x256x256xf32> to vector<256x256xf32>
      %swap3A_142 = vector.shape_cast %add3A_135 : vector<256x256xf32> to vector<1x1x256x256xf32>
      tpu.vector_store %arg5[%swap3A_136, %swap3A_137, %swap3A_138, %swap3A_139], %swap3A_142 {strides = array<i32>} : memref<1x1x1024x2048xf32, #tpu.memory_space<vmem>>, vector<1x1x256x256xf32>,
      %get3A_143 = arith.constant 0 : index
      %get3A_144 = arith.constant 0 : index
      %get3A_145 = arith.constant 256 : index
      %get3A_146 = arith.constant 256 : index
      %get3A_147 = vector.load %arg2[%get3A_143, %get3A_144, %get3A_145, %get3A_146] : memref<1x1x1024x2048xf32, #tpu.memory_space<vmem>>, vector<1x1x256x256xf32>
      %get3A_148 = vector.shape_cast %get3A_147 : vector<1x1x256x256xf32> to vector<256x256xf32>
      %add3A_149 = vector.broadcast %get3A_9 : f32 to vector<256x256xf32>
      %add3A_150 = arith.addf %get3A_148, %add3A_149 : vector<256x256xf32>
      %swap3A_151 = arith.constant 0 : index
      %swap3A_152 = arith.constant 0 : index
      %swap3A_153 = arith.constant 256 : index
      %swap3A_154 = arith.constant 256 : index
      %swap3A_155 = vector.load %arg5[%swap3A_151, %swap3A_152, %swap3A_153, %swap3A_154] : memref<1x1x1024x2048xf32, #tpu.memory_space<vmem>>, vector<1x1x256x256xf32>
      %swap3A_156 = vector.shape_cast %swap3A_155 : vector<1x1x256x256xf32> to vector<256x256xf32>
      %swap3A_157 = vector.shape_cast %add3A_150 : vector<256x256xf32> to vector<1x1x256x256xf32>
      tpu.vector_store %arg5[%swap3A_151, %swap3A_152, %swap3A_153, %swap3A_154], %swap3A_157 {strides = array<i32>} : memref<1x1x1024x2048xf32, #tpu.memory_space<vmem>>, vector<1x1x256x256xf32>,
      %get3A_158 = arith.constant 0 : index
      %get3A_159 = arith.constant 0 : index
      %get3A_160 = arith.constant 256 : index
      %get3A_161 = arith.constant 512 : index
      %get3A_162 = vector.load %arg2[%get3A_158, %get3A_159, %get3A_160, %get3A_161] : memref<1x1x1024x2048xf32, #tpu.memory_space<vmem>>, vector<1x1x256x256xf32>
      %get3A_163 = vector.shape_cast %get3A_162 : vector<1x1x256x256xf32> to vector<256x256xf32>
      %add3A_164 = vector.broadcast %get3A_9 : f32 to vector<256x256xf32>
      %add3A_165 = arith.addf %get3A_163, %add3A_164 : vector<256x256xf32>
      %swap3A_166 = arith.constant 0 : index
      %swap3A_167 = arith.constant 0 : index
      %swap3A_168 = arith.constant 256 : index
      %swap3A_169 = arith.constant 512 : index
      %swap3A_170 = vector.load %arg5[%swap3A_166, %swap3A_167, %swap3A_168, %swap3A_169] : memref<1x1x1024x2048xf32, #tpu.memory_space<vmem>>, vector<1x1x256x256xf32>
      %swap3A_171 = vector.shape_cast %swap3A_170 : vector<1x1x256x256xf32> to vector<256x256xf32>
      %swap3A_172 = vector.shape_cast %add3A_165 : vector<256x256xf32> to vector<1x1x256x256xf32>
      tpu.vector_store %arg5[%swap3A_166, %swap3A_167, %swap3A_168, %swap3A_169], %swap3A_172 {strides = array<i32>} : memref<1x1x1024x2048xf32, #tpu.memory_space<vmem>>, vector<1x1x256x256xf32>,
      %get3A_173 = arith.constant 0 : index
      %get3A_174 = arith.constant 0 : index
      %get3A_175 = arith.constant 256 : index
      %get3A_176 = arith.constant 768 : index
      %get3A_177 = vector.load %arg2[%get3A_173, %get3A_174, %get3A_175, %get3A_176] : memref<1x1x1024x2048xf32, #tpu.memory_space<vmem>>, vector<1x1x256x256xf32>
      %get3A_178 = vector.shape_cast %get3A_177 : vector<1x1x256x256xf32> to vector<256x256xf32>
      %get3A_179 = arith.constant 512 : index
      %get3A_180 = arith.constant 0 : index
      %get3A_181 = vector.load %arg3[%get3A_179, %get3A_180] : memref<768x256xf32, #tpu.memory_space<vmem>>, vector<256x256xf32>
      %add3A_182 = arith.addf %get3A_178, %get3A_181 : vector<256x256xf32>
      %swap3A_183 = arith.constant 0 : index
      %swap3A_184 = arith.constant 0 : index
      %swap3A_185 = arith.constant 256 : index
      %swap3A_186 = arith.constant 768 : index
      %swap3A_187 = vector.load %arg5[%swap3A_183, %swap3A_184, %swap3A_185, %swap3A_186] : memref<1x1x1024x2048xf32, #tpu.memory_space<vmem>>, vector<1x1x256x256xf32>
      %swap3A_188 = vector.shape_cast %swap3A_187 : vector<1x1x256x256xf32> to vector<256x256xf32>
      %swap3A_189 = vector.shape_cast %add3A_182 : vector<256x256xf32> to vector<1x1x256x256xf32>
      tpu.vector_store %arg5[%swap3A_183, %swap3A_184, %swap3A_185, %swap3A_186], %swap3A_189 {strides = array<i32>} : memref<1x1x1024x2048xf32, #tpu.memory_space<vmem>>, vector<1x1x256x256xf32>,
      %get3A_190 = arith.constant 0 : index
      %get3A_191 = arith.constant 0 : index
      %get3A_192 = arith.constant 256 : index
      %get3A_193 = arith.constant 1024 : index
      %get3A_194 = vector.load %arg2[%get3A_190, %get3A_191, %get3A_192, %get3A_193] : memref<1x1x1024x2048xf32, #tpu.memory_space<vmem>>, vector<1x1x256x256xf32>
      %get3A_195 = vector.shape_cast %get3A_194 : vector<1x1x256x256xf32> to vector<256x256xf32>
      %get3A_196 = arith.constant 256 : index
      %get3A_197 = arith.constant 0 : index
      %get3A_198 = vector.load %arg3[%get3A_196, %get3A_197] : memref<768x256xf32, #tpu.memory_space<vmem>>, vector<256x256xf32>
      %add3A_199 = arith.addf %get3A_195, %get3A_198 : vector<256x256xf32>
      %swap3A_200 = arith.constant 0 : index
      %swap3A_201 = arith.constant 0 : index
      %swap3A_202 = arith.constant 256 : index
      %swap3A_203 = arith.constant 1024 : index
      %swap3A_204 = vector.load %arg5[%swap3A_200, %swap3A_201, %swap3A_202, %swap3A_203] : memref<1x1x1024x2048xf32, #tpu.memory_space<vmem>>, vector<1x1x256x256xf32>
      %swap3A_205 = vector.shape_cast %swap3A_204 : vector<1x1x256x256xf32> to vector<256x256xf32>
      %swap3A_206 = vector.shape_cast %add3A_199 : vector<256x256xf32> to vector<1x1x256x256xf32>
      tpu.vector_store %arg5[%swap3A_200, %swap3A_201, %swap3A_202, %swap3A_203], %swap3A_206 {strides = array<i32>} : memref<1x1x1024x2048xf32, #tpu.memory_space<vmem>>, vector<1x1x256x256xf32>,
      %get3A_207 = arith.constant 0 : index
      %get3A_208 = arith.constant 0 : index
      %get3A_209 = arith.constant 256 : index
      %get3A_210 = arith.constant 1280 : index
      %get3A_211 = vector.load %arg2[%get3A_207, %get3A_208, %get3A_209, %get3A_210] : memref<1x1x1024x2048xf32, #tpu.memory_space<vmem>>, vector<1x1x256x256xf32>
      %get3A_212 = vector.shape_cast %get3A_211 : vector<1x1x256x256xf32> to vector<256x256xf32>
      %get3A_213 = arith.constant 0 : index
      %get3A_214 = arith.constant 0 : index
      %get3A_215 = vector.load %arg3[%get3A_213, %get3A_214] : memref<768x256xf32, #tpu.memory_space<vmem>>, vector<256x256xf32>
      %add3A_216 = arith.addf %get3A_212, %get3A_215 : vector<256x256xf32>
      %swap3A_217 = arith.constant 0 : index
      %swap3A_218 = arith.constant 0 : index
      %swap3A_219 = arith.constant 256 : index
      %swap3A_220 = arith.constant 1280 : index
      %swap3A_221 = vector.load %arg5[%swap3A_217, %swap3A_218, %swap3A_219, %swap3A_220] : memref<1x1x1024x2048xf32, #tpu.memory_space<vmem>>, vector<1x1x256x256xf32>
      %swap3A_222 = vector.shape_cast %swap3A_221 : vector<1x1x256x256xf32> to vector<256x256xf32>
      %swap3A_223 = vector.shape_cast %add3A_216 : vector<256x256xf32> to vector<1x1x256x256xf32>
      tpu.vector_store %arg5[%swap3A_217, %swap3A_218, %swap3A_219, %swap3A_220], %swap3A_223 {strides = array<i32>} : memref<1x1x1024x2048xf32, #tpu.memory_space<vmem>>, vector<1x1x256x256xf32>,
      %get3A_224 = arith.constant 0 : index
      %get3A_225 = arith.constant 0 : index
      %get3A_226 = arith.constant 256 : index
      %get3A_227 = arith.constant 1536 : index
      %get3A_228 = vector.load %arg2[%get3A_224, %get3A_225, %get3A_226, %get3A_227] : memref<1x1x1024x2048xf32, #tpu.memory_space<vmem>>, vector<1x1x256x256xf32>
      %get3A_229 = vector.shape_cast %get3A_228 : vector<1x1x256x256xf32> to vector<256x256xf32>
      %swap3A_230 = arith.constant 0 : index
      %swap3A_231 = arith.constant 0 : index
      %swap3A_232 = arith.constant 256 : index
      %swap3A_233 = arith.constant 1536 : index
      %swap3A_234 = vector.load %arg5[%swap3A_230, %swap3A_231, %swap3A_232, %swap3A_233] : memref<1x1x1024x2048xf32, #tpu.memory_space<vmem>>, vector<1x1x256x256xf32>
      %swap3A_235 = vector.shape_cast %swap3A_234 : vector<1x1x256x256xf32> to vector<256x256xf32>
      %swap3A_236 = vector.shape_cast %get3A_229 : vector<256x256xf32> to vector<1x1x256x256xf32>
      tpu.vector_store %arg5[%swap3A_230, %swap3A_231, %swap3A_232, %swap3A_233], %swap3A_236 {strides = array<i32>} : memref<1x1x1024x2048xf32, #tpu.memory_space<vmem>>, vector<1x1x256x256xf32>,
      %get3A_237 = arith.constant 0 : index
      %get3A_238 = arith.constant 0 : index
      %get3A_239 = arith.constant 256 : index
      %get3A_240 = arith.constant 1792 : index
      %get3A_241 = vector.load %arg2[%get3A_237, %get3A_238, %get3A_239, %get3A_240] : memref<1x1x1024x2048xf32, #tpu.memory_space<vmem>>, vector<1x1x256x256xf32>
      %get3A_242 = vector.shape_cast %get3A_241 : vector<1x1x256x256xf32> to vector<256x256xf32>
      %swap3A_243 = arith.constant 0 : index
      %swap3A_244 = arith.constant 0 : index
      %swap3A_245 = arith.constant 256 : index
      %swap3A_246 = arith.constant 1792 : index
      %swap3A_247 = vector.load %arg5[%swap3A_243, %swap3A_244, %swap3A_245, %swap3A_246] : memref<1x1x1024x2048xf32, #tpu.memory_space<vmem>>, vector<1x1x256x256xf32>
      %swap3A_248 = vector.shape_cast %swap3A_247 : vector<1x1x256x256xf32> to vector<256x256xf32>
      %swap3A_249 = vector.shape_cast %get3A_242 : vector<256x256xf32> to vector<1x1x256x256xf32>
      tpu.vector_store %arg5[%swap3A_243, %swap3A_244, %swap3A_245, %swap3A_246], %swap3A_249 {strides = array<i32>} : memref<1x1x1024x2048xf32, #tpu.memory_space<vmem>>, vector<1x1x256x256xf32>,
      %get3A_250 = arith.constant 0 : index
      %get3A_251 = arith.constant 0 : index
      %get3A_252 = arith.constant 512 : index
      %get3A_253 = arith.constant 0 : index
      %get3A_254 = vector.load %arg2[%get3A_250, %get3A_251, %get3A_252, %get3A_253] : memref<1x1x1024x2048xf32, #tpu.memory_space<vmem>>, vector<1x1x256x256xf32>
      %get3A_255 = vector.shape_cast %get3A_254 : vector<1x1x256x256xf32> to vector<256x256xf32>
      %add3A_256 = vector.broadcast %get3A_9 : f32 to vector<256x256xf32>
      %add3A_257 = arith.addf %get3A_255, %add3A_256 : vector<256x256xf32>
      %swap3A_258 = arith.constant 0 : index
      %swap3A_259 = arith.constant 0 : index
      %swap3A_260 = arith.constant 512 : index
      %swap3A_261 = arith.constant 0 : index
      %swap3A_262 = vector.load %arg5[%swap3A_258, %swap3A_259, %swap3A_260, %swap3A_261] : memref<1x1x1024x2048xf32, #tpu.memory_space<vmem>>, vector<1x1x256x256xf32>
      %swap3A_263 = vector.shape_cast %swap3A_262 : vector<1x1x256x256xf32> to vector<256x256xf32>
      %swap3A_264 = vector.shape_cast %add3A_257 : vector<256x256xf32> to vector<1x1x256x256xf32>
      tpu.vector_store %arg5[%swap3A_258, %swap3A_259, %swap3A_260, %swap3A_261], %swap3A_264 {strides = array<i32>} : memref<1x1x1024x2048xf32, #tpu.memory_space<vmem>>, vector<1x1x256x256xf32>,
      %get3A_265 = arith.constant 0 : index
      %get3A_266 = arith.constant 0 : index
      %get3A_267 = arith.constant 512 : index
      %get3A_268 = arith.constant 256 : index
      %get3A_269 = vector.load %arg2[%get3A_265, %get3A_266, %get3A_267, %get3A_268] : memref<1x1x1024x2048xf32, #tpu.memory_space<vmem>>, vector<1x1x256x256xf32>
      %get3A_270 = vector.shape_cast %get3A_269 : vector<1x1x256x256xf32> to vector<256x256xf32>
      %add3A_271 = vector.broadcast %get3A_9 : f32 to vector<256x256xf32>
      %add3A_272 = arith.addf %get3A_270, %add3A_271 : vector<256x256xf32>
      %swap3A_273 = arith.constant 0 : index
      %swap3A_274 = arith.constant 0 : index
      %swap3A_275 = arith.constant 512 : index
      %swap3A_276 = arith.constant 256 : index
      %swap3A_277 = vector.load %arg5[%swap3A_273, %swap3A_274, %swap3A_275, %swap3A_276] : memref<1x1x1024x2048xf32, #tpu.memory_space<vmem>>, vector<1x1x256x256xf32>
      %swap3A_278 = vector.shape_cast %swap3A_277 : vector<1x1x256x256xf32> to vector<256x256xf32>
      %swap3A_279 = vector.shape_cast %add3A_272 : vector<256x256xf32> to vector<1x1x256x256xf32>
      tpu.vector_store %arg5[%swap3A_273, %swap3A_274, %swap3A_275, %swap3A_276], %swap3A_279 {strides = array<i32>} : memref<1x1x1024x2048xf32, #tpu.memory_space<vmem>>, vector<1x1x256x256xf32>,
      %get3A_280 = arith.constant 0 : index
      %get3A_281 = arith.constant 0 : index
      %get3A_282 = arith.constant 512 : index
      %get3A_283 = arith.constant 512 : index
      %get3A_284 = vector.load %arg2[%get3A_280, %get3A_281, %get3A_282, %get3A_283] : memref<1x1x1024x2048xf32, #tpu.memory_space<vmem>>, vector<1x1x256x256xf32>
      %get3A_285 = vector.shape_cast %get3A_284 : vector<1x1x256x256xf32> to vector<256x256xf32>
      %add3A_286 = vector.broadcast %get3A_9 : f32 to vector<256x256xf32>
      %add3A_287 = arith.addf %get3A_285, %add3A_286 : vector<256x256xf32>
      %swap3A_288 = arith.constant 0 : index
      %swap3A_289 = arith.constant 0 : index
      %swap3A_290 = arith.constant 512 : index
      %swap3A_291 = arith.constant 512 : index
      %swap3A_292 = vector.load %arg5[%swap3A_288, %swap3A_289, %swap3A_290, %swap3A_291] : memref<1x1x1024x2048xf32, #tpu.memory_space<vmem>>, vector<1x1x256x256xf32>
      %swap3A_293 = vector.shape_cast %swap3A_292 : vector<1x1x256x256xf32> to vector<256x256xf32>
      %swap3A_294 = vector.shape_cast %add3A_287 : vector<256x256xf32> to vector<1x1x256x256xf32>
      tpu.vector_store %arg5[%swap3A_288, %swap3A_289, %swap3A_290, %swap3A_291], %swap3A_294 {strides = array<i32>} : memref<1x1x1024x2048xf32, #tpu.memory_space<vmem>>, vector<1x1x256x256xf32>,
      %get3A_295 = arith.constant 0 : index
      %get3A_296 = arith.constant 0 : index
      %get3A_297 = arith.constant 512 : index
      %get3A_298 = arith.constant 768 : index
      %get3A_299 = vector.load %arg2[%get3A_295, %get3A_296, %get3A_297, %get3A_298] : memref<1x1x1024x2048xf32, #tpu.memory_space<vmem>>, vector<1x1x256x256xf32>
      %get3A_300 = vector.shape_cast %get3A_299 : vector<1x1x256x256xf32> to vector<256x256xf32>
      %add3A_301 = vector.broadcast %get3A_9 : f32 to vector<256x256xf32>
      %add3A_302 = arith.addf %get3A_300, %add3A_301 : vector<256x256xf32>
      %swap3A_303 = arith.constant 0 : index
      %swap3A_304 = arith.constant 0 : index
      %swap3A_305 = arith.constant 512 : index
      %swap3A_306 = arith.constant 768 : index
      %swap3A_307 = vector.load %arg5[%swap3A_303, %swap3A_304, %swap3A_305, %swap3A_306] : memref<1x1x1024x2048xf32, #tpu.memory_space<vmem>>, vector<1x1x256x256xf32>
      %swap3A_308 = vector.shape_cast %swap3A_307 : vector<1x1x256x256xf32> to vector<256x256xf32>
      %swap3A_309 = vector.shape_cast %add3A_302 : vector<256x256xf32> to vector<1x1x256x256xf32>
      tpu.vector_store %arg5[%swap3A_303, %swap3A_304, %swap3A_305, %swap3A_306], %swap3A_309 {strides = array<i32>} : memref<1x1x1024x2048xf32, #tpu.memory_space<vmem>>, vector<1x1x256x256xf32>,
      %get3A_310 = arith.constant 0 : index
      %get3A_311 = arith.constant 0 : index
      %get3A_312 = arith.constant 512 : index
      %get3A_313 = arith.constant 1024 : index
      %get3A_314 = vector.load %arg2[%get3A_310, %get3A_311, %get3A_312, %get3A_313] : memref<1x1x1024x2048xf32, #tpu.memory_space<vmem>>, vector<1x1x256x256xf32>
      %get3A_315 = vector.shape_cast %get3A_314 : vector<1x1x256x256xf32> to vector<256x256xf32>
      %get3A_316 = arith.constant 512 : index
      %get3A_317 = arith.constant 0 : index
      %get3A_318 = vector.load %arg3[%get3A_316, %get3A_317] : memref<768x256xf32, #tpu.memory_space<vmem>>, vector<256x256xf32>
      %add3A_319 = arith.addf %get3A_315, %get3A_318 : vector<256x256xf32>
      %swap3A_320 = arith.constant 0 : index
      %swap3A_321 = arith.constant 0 : index
      %swap3A_322 = arith.constant 512 : index
      %swap3A_323 = arith.constant 1024 : index
      %swap3A_324 = vector.load %arg5[%swap3A_320, %swap3A_321, %swap3A_322, %swap3A_323] : memref<1x1x1024x2048xf32, #tpu.memory_space<vmem>>, vector<1x1x256x256xf32>
      %swap3A_325 = vector.shape_cast %swap3A_324 : vector<1x1x256x256xf32> to vector<256x256xf32>
      %swap3A_326 = vector.shape_cast %add3A_319 : vector<256x256xf32> to vector<1x1x256x256xf32>
      tpu.vector_store %arg5[%swap3A_320, %swap3A_321, %swap3A_322, %swap3A_323], %swap3A_326 {strides = array<i32>} : memref<1x1x1024x2048xf32, #tpu.memory_space<vmem>>, vector<1x1x256x256xf32>,
      %get3A_327 = arith.constant 0 : index
      %get3A_328 = arith.constant 0 : index
      %get3A_329 = arith.constant 512 : index
      %get3A_330 = arith.constant 1280 : index
      %get3A_331 = vector.load %arg2[%get3A_327, %get3A_328, %get3A_329, %get3A_330] : memref<1x1x1024x2048xf32, #tpu.memory_space<vmem>>, vector<1x1x256x256xf32>
      %get3A_332 = vector.shape_cast %get3A_331 : vector<1x1x256x256xf32> to vector<256x256xf32>
      %get3A_333 = arith.constant 256 : index
      %get3A_334 = arith.constant 0 : index
      %get3A_335 = vector.load %arg3[%get3A_333, %get3A_334] : memref<768x256xf32, #tpu.memory_space<vmem>>, vector<256x256xf32>
      %add3A_336 = arith.addf %get3A_332, %get3A_335 : vector<256x256xf32>
      %swap3A_337 = arith.constant 0 : index
      %swap3A_338 = arith.constant 0 : index
      %swap3A_339 = arith.constant 512 : index
      %swap3A_340 = arith.constant 1280 : index
      %swap3A_341 = vector.load %arg5[%swap3A_337, %swap3A_338, %swap3A_339, %swap3A_340] : memref<1x1x1024x2048xf32, #tpu.memory_space<vmem>>, vector<1x1x256x256xf32>
      %swap3A_342 = vector.shape_cast %swap3A_341 : vector<1x1x256x256xf32> to vector<256x256xf32>
      %swap3A_343 = vector.shape_cast %add3A_336 : vector<256x256xf32> to vector<1x1x256x256xf32>
      tpu.vector_store %arg5[%swap3A_337, %swap3A_338, %swap3A_339, %swap3A_340], %swap3A_343 {strides = array<i32>} : memref<1x1x1024x2048xf32, #tpu.memory_space<vmem>>, vector<1x1x256x256xf32>,
      %get3A_344 = arith.constant 0 : index
      %get3A_345 = arith.constant 0 : index
      %get3A_346 = arith.constant 512 : index
      %get3A_347 = arith.constant 1536 : index
      %get3A_348 = vector.load %arg2[%get3A_344, %get3A_345, %get3A_346, %get3A_347] : memref<1x1x1024x2048xf32, #tpu.memory_space<vmem>>, vector<1x1x256x256xf32>
      %get3A_349 = vector.shape_cast %get3A_348 : vector<1x1x256x256xf32> to vector<256x256xf32>
      %get3A_350 = arith.constant 0 : index
      %get3A_351 = arith.constant 0 : index
      %get3A_352 = vector.load %arg3[%get3A_350, %get3A_351] : memref<768x256xf32, #tpu.memory_space<vmem>>, vector<256x256xf32>
      %add3A_353 = arith.addf %get3A_349, %get3A_352 : vector<256x256xf32>
      %swap3A_354 = arith.constant 0 : index
      %swap3A_355 = arith.constant 0 : index
      %swap3A_356 = arith.constant 512 : index
      %swap3A_357 = arith.constant 1536 : index
      %swap3A_358 = vector.load %arg5[%swap3A_354, %swap3A_355, %swap3A_356, %swap3A_357] : memref<1x1x1024x2048xf32, #tpu.memory_space<vmem>>, vector<1x1x256x256xf32>
      %swap3A_359 = vector.shape_cast %swap3A_358 : vector<1x1x256x256xf32> to vector<256x256xf32>
      %swap3A_360 = vector.shape_cast %add3A_353 : vector<256x256xf32> to vector<1x1x256x256xf32>
      tpu.vector_store %arg5[%swap3A_354, %swap3A_355, %swap3A_356, %swap3A_357], %swap3A_360 {strides = array<i32>} : memref<1x1x1024x2048xf32, #tpu.memory_space<vmem>>, vector<1x1x256x256xf32>,
      %get3A_361 = arith.constant 0 : index
      %get3A_362 = arith.constant 0 : index
      %get3A_363 = arith.constant 512 : index
      %get3A_364 = arith.constant 1792 : index
      %get3A_365 = vector.load %arg2[%get3A_361, %get3A_362, %get3A_363, %get3A_364] : memref<1x1x1024x2048xf32, #tpu.memory_space<vmem>>, vector<1x1x256x256xf32>
      %get3A_366 = vector.shape_cast %get3A_365 : vector<1x1x256x256xf32> to vector<256x256xf32>
      %swap3A_367 = arith.constant 0 : index
      %swap3A_368 = arith.constant 0 : index
      %swap3A_369 = arith.constant 512 : index
      %swap3A_370 = arith.constant 1792 : index
      %swap3A_371 = vector.load %arg5[%swap3A_367, %swap3A_368, %swap3A_369, %swap3A_370] : memref<1x1x1024x2048xf32, #tpu.memory_space<vmem>>, vector<1x1x256x256xf32>
      %swap3A_372 = vector.shape_cast %swap3A_371 : vector<1x1x256x256xf32> to vector<256x256xf32>
      %swap3A_373 = vector.shape_cast %get3A_366 : vector<256x256xf32> to vector<1x1x256x256xf32>
      tpu.vector_store %arg5[%swap3A_367, %swap3A_368, %swap3A_369, %swap3A_370], %swap3A_373 {strides = array<i32>} : memref<1x1x1024x2048xf32, #tpu.memory_space<vmem>>, vector<1x1x256x256xf32>,
      %get3A_374 = arith.constant 0 : index
      %get3A_375 = arith.constant 0 : index
      %get3A_376 = arith.constant 768 : index
      %get3A_377 = arith.constant 0 : index
      %get3A_378 = vector.load %arg2[%get3A_374, %get3A_375, %get3A_376, %get3A_377] : memref<1x1x1024x2048xf32, #tpu.memory_space<vmem>>, vector<1x1x256x256xf32>
      %get3A_379 = vector.shape_cast %get3A_378 : vector<1x1x256x256xf32> to vector<256x256xf32>
      %add3A_380 = vector.broadcast %get3A_9 : f32 to vector<256x256xf32>
      %add3A_381 = arith.addf %get3A_379, %add3A_380 : vector<256x256xf32>
      %swap3A_382 = arith.constant 0 : index
      %swap3A_383 = arith.constant 0 : index
      %swap3A_384 = arith.constant 768 : index
      %swap3A_385 = arith.constant 0 : index
      %swap3A_386 = vector.load %arg5[%swap3A_382, %swap3A_383, %swap3A_384, %swap3A_385] : memref<1x1x1024x2048xf32, #tpu.memory_space<vmem>>, vector<1x1x256x256xf32>
      %swap3A_387 = vector.shape_cast %swap3A_386 : vector<1x1x256x256xf32> to vector<256x256xf32>
      %swap3A_388 = vector.shape_cast %add3A_381 : vector<256x256xf32> to vector<1x1x256x256xf32>
      tpu.vector_store %arg5[%swap3A_382, %swap3A_383, %swap3A_384, %swap3A_385], %swap3A_388 {strides = array<i32>} : memref<1x1x1024x2048xf32, #tpu.memory_space<vmem>>, vector<1x1x256x256xf32>,
      %get3A_389 = arith.constant 0 : index
      %get3A_390 = arith.constant 0 : index
      %get3A_391 = arith.constant 768 : index
      %get3A_392 = arith.constant 256 : index
      %get3A_393 = vector.load %arg2[%get3A_389, %get3A_390, %get3A_391, %get3A_392] : memref<1x1x1024x2048xf32, #tpu.memory_space<vmem>>, vector<1x1x256x256xf32>
      %get3A_394 = vector.shape_cast %get3A_393 : vector<1x1x256x256xf32> to vector<256x256xf32>
      %add3A_395 = vector.broadcast %get3A_9 : f32 to vector<256x256xf32>
      %add3A_396 = arith.addf %get3A_394, %add3A_395 : vector<256x256xf32>
      %swap3A_397 = arith.constant 0 : index
      %swap3A_398 = arith.constant 0 : index
      %swap3A_399 = arith.constant 768 : index
      %swap3A_400 = arith.constant 256 : index
      %swap3A_401 = vector.load %arg5[%swap3A_397, %swap3A_398, %swap3A_399, %swap3A_400] : memref<1x1x1024x2048xf32, #tpu.memory_space<vmem>>, vector<1x1x256x256xf32>
      %swap3A_402 = vector.shape_cast %swap3A_401 : vector<1x1x256x256xf32> to vector<256x256xf32>
      %swap3A_403 = vector.shape_cast %add3A_396 : vector<256x256xf32> to vector<1x1x256x256xf32>
      tpu.vector_store %arg5[%swap3A_397, %swap3A_398, %swap3A_399, %swap3A_400], %swap3A_403 {strides = array<i32>} : memref<1x1x1024x2048xf32, #tpu.memory_space<vmem>>, vector<1x1x256x256xf32>,
      %get3A_404 = arith.constant 0 : index
      %get3A_405 = arith.constant 0 : index
      %get3A_406 = arith.constant 768 : index
      %get3A_407 = arith.constant 512 : index
      %get3A_408 = vector.load %arg2[%get3A_404, %get3A_405, %get3A_406, %get3A_407] : memref<1x1x1024x2048xf32, #tpu.memory_space<vmem>>, vector<1x1x256x256xf32>
      %get3A_409 = vector.shape_cast %get3A_408 : vector<1x1x256x256xf32> to vector<256x256xf32>
      %add3A_410 = vector.broadcast %get3A_9 : f32 to vector<256x256xf32>
      %add3A_411 = arith.addf %get3A_409, %add3A_410 : vector<256x256xf32>
      %swap3A_412 = arith.constant 0 : index
      %swap3A_413 = arith.constant 0 : index
      %swap3A_414 = arith.constant 768 : index
      %swap3A_415 = arith.constant 512 : index
      %swap3A_416 = vector.load %arg5[%swap3A_412, %swap3A_413, %swap3A_414, %swap3A_415] : memref<1x1x1024x2048xf32, #tpu.memory_space<vmem>>, vector<1x1x256x256xf32>
      %swap3A_417 = vector.shape_cast %swap3A_416 : vector<1x1x256x256xf32> to vector<256x256xf32>
      %swap3A_418 = vector.shape_cast %add3A_411 : vector<256x256xf32> to vector<1x1x256x256xf32>
      tpu.vector_store %arg5[%swap3A_412, %swap3A_413, %swap3A_414, %swap3A_415], %swap3A_418 {strides = array<i32>} : memref<1x1x1024x2048xf32, #tpu.memory_space<vmem>>, vector<1x1x256x256xf32>,
      %get3A_419 = arith.constant 0 : index
      %get3A_420 = arith.constant 0 : index
      %get3A_421 = arith.constant 768 : index
      %get3A_422 = arith.constant 768 : index
      %get3A_423 = vector.load %arg2[%get3A_419, %get3A_420, %get3A_421, %get3A_422] : memref<1x1x1024x2048xf32, #tpu.memory_space<vmem>>, vector<1x1x256x256xf32>
      %get3A_424 = vector.shape_cast %get3A_423 : vector<1x1x256x256xf32> to vector<256x256xf32>
      %add3A_425 = vector.broadcast %get3A_9 : f32 to vector<256x256xf32>
      %add3A_426 = arith.addf %get3A_424, %add3A_425 : vector<256x256xf32>
      %swap3A_427 = arith.constant 0 : index
      %swap3A_428 = arith.constant 0 : index
      %swap3A_429 = arith.constant 768 : index
      %swap3A_430 = arith.constant 768 : index
      %swap3A_431 = vector.load %arg5[%swap3A_427, %swap3A_428, %swap3A_429, %swap3A_430] : memref<1x1x1024x2048xf32, #tpu.memory_space<vmem>>, vector<1x1x256x256xf32>
      %swap3A_432 = vector.shape_cast %swap3A_431 : vector<1x1x256x256xf32> to vector<256x256xf32>
      %swap3A_433 = vector.shape_cast %add3A_426 : vector<256x256xf32> to vector<1x1x256x256xf32>
      tpu.vector_store %arg5[%swap3A_427, %swap3A_428, %swap3A_429, %swap3A_430], %swap3A_433 {strides = array<i32>} : memref<1x1x1024x2048xf32, #tpu.memory_space<vmem>>, vector<1x1x256x256xf32>,
      %get3A_434 = arith.constant 0 : index
      %get3A_435 = arith.constant 0 : index
      %get3A_436 = arith.constant 768 : index
      %get3A_437 = arith.constant 1024 : index
      %get3A_438 = vector.load %arg2[%get3A_434, %get3A_435, %get3A_436, %get3A_437] : memref<1x1x1024x2048xf32, #tpu.memory_space<vmem>>, vector<1x1x256x256xf32>
      %get3A_439 = vector.shape_cast %get3A_438 : vector<1x1x256x256xf32> to vector<256x256xf32>
      %add3A_440 = vector.broadcast %get3A_9 : f32 to vector<256x256xf32>
      %add3A_441 = arith.addf %get3A_439, %add3A_440 : vector<256x256xf32>
      %swap3A_442 = arith.constant 0 : index
      %swap3A_443 = arith.constant 0 : index
      %swap3A_444 = arith.constant 768 : index
      %swap3A_445 = arith.constant 1024 : index
      %swap3A_446 = vector.load %arg5[%swap3A_442, %swap3A_443, %swap3A_444, %swap3A_445] : memref<1x1x1024x2048xf32, #tpu.memory_space<vmem>>, vector<1x1x256x256xf32>
      %swap3A_447 = vector.shape_cast %swap3A_446 : vector<1x1x256x256xf32> to vector<256x256xf32>
      %swap3A_448 = vector.shape_cast %add3A_441 : vector<256x256xf32> to vector<1x1x256x256xf32>
      tpu.vector_store %arg5[%swap3A_442, %swap3A_443, %swap3A_444, %swap3A_445], %swap3A_448 {strides = array<i32>} : memref<1x1x1024x2048xf32, #tpu.memory_space<vmem>>, vector<1x1x256x256xf32>,
      %get3A_449 = arith.constant 0 : index
      %get3A_450 = arith.constant 0 : index
      %get3A_451 = arith.constant 768 : index
      %get3A_452 = arith.constant 1280 : index
      %get3A_453 = vector.load %arg2[%get3A_449, %get3A_450, %get3A_451, %get3A_452] : memref<1x1x1024x2048xf32, #tpu.memory_space<vmem>>, vector<1x1x256x256xf32>
      %get3A_454 = vector.shape_cast %get3A_453 : vector<1x1x256x256xf32> to vector<256x256xf32>
      %get3A_455 = arith.constant 512 : index
      %get3A_456 = arith.constant 0 : index
      %get3A_457 = vector.load %arg3[%get3A_455, %get3A_456] : memref<768x256xf32, #tpu.memory_space<vmem>>, vector<256x256xf32>
      %add3A_458 = arith.addf %get3A_454, %get3A_457 : vector<256x256xf32>
      %swap3A_459 = arith.constant 0 : index
      %swap3A_460 = arith.constant 0 : index
      %swap3A_461 = arith.constant 768 : index
      %swap3A_462 = arith.constant 1280 : index
      %swap3A_463 = vector.load %arg5[%swap3A_459, %swap3A_460, %swap3A_461, %swap3A_462] : memref<1x1x1024x2048xf32, #tpu.memory_space<vmem>>, vector<1x1x256x256xf32>
      %swap3A_464 = vector.shape_cast %swap3A_463 : vector<1x1x256x256xf32> to vector<256x256xf32>
      %swap3A_465 = vector.shape_cast %add3A_458 : vector<256x256xf32> to vector<1x1x256x256xf32>
      tpu.vector_store %arg5[%swap3A_459, %swap3A_460, %swap3A_461, %swap3A_462], %swap3A_465 {strides = array<i32>} : memref<1x1x1024x2048xf32, #tpu.memory_space<vmem>>, vector<1x1x256x256xf32>,
      %get3A_466 = arith.constant 0 : index
      %get3A_467 = arith.constant 0 : index
      %get3A_468 = arith.constant 768 : index
      %get3A_469 = arith.constant 1536 : index
      %get3A_470 = vector.load %arg2[%get3A_466, %get3A_467, %get3A_468, %get3A_469] : memref<1x1x1024x2048xf32, #tpu.memory_space<vmem>>, vector<1x1x256x256xf32>
      %get3A_471 = vector.shape_cast %get3A_470 : vector<1x1x256x256xf32> to vector<256x256xf32>
      %get3A_472 = arith.constant 256 : index
      %get3A_473 = arith.constant 0 : index
      %get3A_474 = vector.load %arg3[%get3A_472, %get3A_473] : memref<768x256xf32, #tpu.memory_space<vmem>>, vector<256x256xf32>
      %add3A_475 = arith.addf %get3A_471, %get3A_474 : vector<256x256xf32>
      %swap3A_476 = arith.constant 0 : index
      %swap3A_477 = arith.constant 0 : index
      %swap3A_478 = arith.constant 768 : index
      %swap3A_479 = arith.constant 1536 : index
      %swap3A_480 = vector.load %arg5[%swap3A_476, %swap3A_477, %swap3A_478, %swap3A_479] : memref<1x1x1024x2048xf32, #tpu.memory_space<vmem>>, vector<1x1x256x256xf32>
      %swap3A_481 = vector.shape_cast %swap3A_480 : vector<1x1x256x256xf32> to vector<256x256xf32>
      %swap3A_482 = vector.shape_cast %add3A_475 : vector<256x256xf32> to vector<1x1x256x256xf32>
      tpu.vector_store %arg5[%swap3A_476, %swap3A_477, %swap3A_478, %swap3A_479], %swap3A_482 {strides = array<i32>} : memref<1x1x1024x2048xf32, #tpu.memory_space<vmem>>, vector<1x1x256x256xf32>,
      %get3A_483 = arith.constant 0 : index
      %get3A_484 = arith.constant 0 : index
      %get3A_485 = arith.constant 768 : index
      %get3A_486 = arith.constant 1792 : index
      %get3A_487 = vector.load %arg2[%get3A_483, %get3A_484, %get3A_485, %get3A_486] : memref<1x1x1024x2048xf32, #tpu.memory_space<vmem>>, vector<1x1x256x256xf32>
      %get3A_488 = vector.shape_cast %get3A_487 : vector<1x1x256x256xf32> to vector<256x256xf32>
      %get3A_489 = arith.constant 0 : index
      %get3A_490 = arith.constant 0 : index
      %get3A_491 = vector.load %arg3[%get3A_489, %get3A_490] : memref<768x256xf32, #tpu.memory_space<vmem>>, vector<256x256xf32>
      %add3A_492 = arith.addf %get3A_488, %get3A_491 : vector<256x256xf32>
      %swap3A_493 = arith.constant 0 : index
      %swap3A_494 = arith.constant 0 : index
      %swap3A_495 = arith.constant 768 : index
      %swap3A_496 = arith.constant 1792 : index
      %swap3A_497 = vector.load %arg5[%swap3A_493, %swap3A_494, %swap3A_495, %swap3A_496] : memref<1x1x1024x2048xf32, #tpu.memory_space<vmem>>, vector<1x1x256x256xf32>
      %swap3A_498 = vector.shape_cast %swap3A_497 : vector<1x1x256x256xf32> to vector<256x256xf32>
      %swap3A_499 = vector.shape_cast %add3A_492 : vector<256x256xf32> to vector<1x1x256x256xf32>
      tpu.vector_store %arg5[%swap3A_493, %swap3A_494, %swap3A_495, %swap3A_496], %swap3A_499 {strides = array<i32>} : memref<1x1x1024x2048xf32, #tpu.memory_space<vmem>>, vector<1x1x256x256xf32>,
    } else {
    }
    return
  }
  func.func @transform_0(%arg0: i32, %arg1: i32) -> (i32, i32, i32, i32) {
    %c0_i32 = arith.constant 0 : i32
    %c0_i32_0 = arith.constant 0 : i32
    %c0_i32_1 = arith.constant 0 : i32
    return %c0_i32, %arg0, %arg1, %c0_i32_0 : i32, i32, i32, i32
  }
  func.func @transform_1(%arg0: i32, %arg1: i32) -> (i32, i32) {
    %c0_i32 = arith.constant 0 : i32
    %c0_i32_0 = arith.constant 0 : i32
    return %arg0, %c0_i32 : i32, i32
  }
  func.func @transform_2(%arg0: i32, %arg1: i32) -> (i32, i32, i32) {
    %c0_i32 = arith.constant 0 : i32
    %c0_i32_0 = arith.constant 0 : i32
    %c0_i32_1 = arith.constant 0 : i32
    return %arg0, %c0_i32, %c0_i32_0 : i32, i32, i32
  }
  func.func @transform_3(%arg0: i32, %arg1: i32) -> (i32, i32, i32, i32) {
    %c0_i32 = arith.constant 0 : i32
    %c0_i32_0 = arith.constant 0 : i32
    %c0_i32_1 = arith.constant 0 : i32
    return %c0_i32, %arg0, %arg1, %c0_i32_0 : i32, i32, i32, i32
  }
}

</mosaic_0001>

<sc_bundles>
// kernel: kernel.4.cloned.1.call-start
scs
__scs_entry_jumppad:
0x0: {  	(pc) =	sbr.rel $0x88, $3  }
0x1: {  	(tag) =	ssettag $0x0;
	lr =	simm.s32 $0x1  }
0x2: {  	[smem:$0x3F9F] =	sst lr;
	_ =	strace $0xD0000000  }
0x3: {  	_ = 	snop  }
0x4: {  	_ = 	snop  }
0x5: {  	_ = 	snop  }
0x6: {  	_ = 	snop  }
0x7: {  	_ = 	snop  }
__scs_overlays_trampoline_lowered:
0x8: {  	[smem:$0x3FAE] =	sst s0  }
0x9: {  	[smem:$0x3FAF] =	sst s1  }
0xa: {  	[smem:$0x3FB0] =	sst s2  }
0xb: {  	[smem:$0x3FB1] =	sst s3  }
0xc: {  	[smem:$0x3FB2] =	sst s4  }
0xd: {  	[smem:$0x3FB3] =	sst s5  }
0xe: {  	[smem:$0x3FB4] =	sst s6  }
0xf: {  	[smem:$0x3FB5] =	sst s7  }
0x10: {  	[smem:$0x3FB6] =	sst s8  }
0x11: {  	[smem:$0x3FB7] =	sst s9;
	s0 =	simm.s32 @!p0 $0x0  }
0x12: {  	s1 =	sld [smem:$0x3F9D];
	s0 =	simm.s32 @p0 $0x1  }
0x13: {  	[smem:$0x3FB8] =	sst s0;
	s0 =	simm.s32 @!p1 $0x0  }
0x14: {  	s2 =	sld [smem:$0x3F9C];
	s0 =	simm.s32 @p1 $0x1  }
0x15: {  	[smem:$0x3FB9] =	sst s0;
	s0 =	simm.s32 @!p2 $0x0  }
0x16: {  	s3 =	sld [smem:$0x3FDB];
	s0 =	simm.s32 @p2 $0x1  }
0x17: {  	s4 =	simm.s32 $0x1BF5;
	[smem:$0x3FBB] =	sst s0  }
0x18: {  	s0 =	sld [smem:$0x3F9E];
	_ =	swait.ge [sflag:s4], $0x0  }
0x19: {  	s7 =	sld [smem:$0x3F9F]  }
0x1a: {  	s8 =	sadd.s32 $0xFFFFE003, lr  }
0x1b: {  	s9 =	sadd.s32 $0xFFFFFEF7, lr;
	s5 =	simm.s32 $0xFFFFFFFF;
	p2 =	slt.u32 s8, $0xFFFFF086  }
0x1c: {  	p1 =	slt.u32 s9, $0xF7A;
	s5 =	simm.s32 @!p2 $0x0  }
0x1d: {  	s5 =	simm.s32 @p1 $0x1;
	p0 =	seq.s32 s7, s2  }
0x1e: {  	s7 =	smul.u32 @!p0 $0xF7A, s2;
	p2 =	seq.s32 @!p0 s5, $0x0  }
0x1f: {  	s9 =	smul.u32 $0xF7A, s1;
	s8 =	simm.s32 @!p0 $0x1BF5;
	p2 =	por !p2, p0  }
0x20: {  	[sflag:s8] =	ssyncset.s32 @!p0 $0xFFFFF086;
	s6 =	sadd.s32 @!p0 s3, s7;
	s7 =	simm.s32 @!p0 $0x108  }
0x21: {  	s3 =	sadd.s32 s3, s9;
	s6 =	sadd.s32 @!p0 $0x88, s6;
	s7 =	simm.s32 @p2 $0x1082  }
0x22: {  	[simem:s7], [sflag:s8] =	dma.local @!p0 [hbm:s6], $0xF7A  }
0x23: {  	s9 =	sor.u32 $0xD0000000, s2;
	s6 =	simm.s32 $0x108;
	_ =	swait.ge @!p0 [sflag:s8], $0x0  }
0x24: {  	s3 =	sadd.s32 $0x88, s3;
	s6 =	simm.s32 @!p1 $0x1082;
	[sflag:s4] =	ssyncset.s32 $0xFFFFF086  }
0x25: {  	[simem:s6], [sflag:s4] =	dma.local [hbm:s3], $0xF7A  }
0x26: {  	[smem:$0x3F9F] =	sst s1;
	(tag) =	ssettag s2;
	_ =	strace s9  }
0x27: {  	s1 =	sld [smem:$0x3FAF]  }
0x28: {  	s2 =	sld [smem:$0x3FB0]  }
0x29: {  	s4 =	sld [smem:$0x3FB2]  }
0x2a: {  	p0 =	seq.s32 s5, $0x0;
	s5 =	sld [smem:$0x3FB3]  }
0x2b: {  	s6 =	sld [smem:$0x3FB4]  }
0x2c: {  	s7 =	sld [smem:$0x3FB5]  }
0x2d: {  	s3 =	simm.s32 $0x108;
	s8 =	sld [smem:$0x3FB6]  }
0x2e: {  	s3 =	simm.s32 @!p0 $0x1082;
	s9 =	sld [smem:$0x3FB7]  }
0x2f: {  	lr =	sadd.s32 s0, s3;
	s0 =	sld [smem:$0x3FAE]  }
0x30: {  	s3 =	sld [smem:$0x3FB1]  }
0x31: {  	[smem:$0x3FBA] =	sst s10  }
0x32: {  	s10 =	sld [smem:$0x3FB8];
	_ =	sdelay $0x3  }
0x33: {  	p0 =	seq.s32 s10, $0x1;
	s10 =	sld [smem:$0x3FBA];
	_ =	sdelay $0x3  }
0x34: {  	[smem:$0x3FBA] =	sst s10  }
0x35: {  	s10 =	sld [smem:$0x3FB9];
	_ =	sdelay $0x3  }
0x36: {  	p1 =	seq.s32 s10, $0x1;
	s10 =	sld [smem:$0x3FBA];
	_ =	sdelay $0x3  }
0x37: {  	[smem:$0x3FBA] =	sst s10  }
0x38: {  	s10 =	sld [smem:$0x3FBB]  }
0x39: {  	_ = 	snop;
	(pc) =	sbr.ind lr, $3  }
0x3a: {  	_ = 	snop  }
0x3b: {  	_ = 	snop  }
0x3c: {  	p2 =	seq.s32 s10, $0x1;
	s10 =	sld [smem:$0x3FBA]  }
0x3d: {  	_ =	shalt  }
0x3e: {  	_ =	shalt  }
0x3f: {  	_ =	shalt  }
0x40: {  	_ =	shalt  }
0x41: {  	_ =	shalt  }
0x42: {  	_ =	shalt  }
0x43: {  	_ =	shalt  }
0x44: {  	_ =	shalt  }
0x45: {  	_ =	shalt  }
0x46: {  	_ =	shalt  }
0x47: {  	_ =	shalt  }
0x48: {  	_ =	shalt  }
0x49: {  	_ =	shalt  }
0x4a: {  	_ =	shalt  }
0x4b: {  	_ =	shalt  }
0x4c: {  	_ =	shalt  }
0x4d: {  	_ =	shalt  }
0x4e: {  	_ =	shalt  }
0x4f: {  	_ =	shalt  }
0x50: {  	_ =	shalt  }
0x51: {  	_ =	shalt  }
0x52: {  	_ =	shalt  }
0x53: {  	_ =	shalt  }
0x54: {  	_ =	shalt  }
0x55: {  	_ =	shalt  }
0x56: {  	_ =	shalt  }
0x57: {  	_ =	shalt  }
0x58: {  	_ =	shalt  }
0x59: {  	_ =	shalt  }
0x5a: {  	_ =	shalt  }
0x5b: {  	_ =	shalt  }
0x5c: {  	_ =	shalt  }
0x5d: {  	_ =	shalt  }
0x5e: {  	_ =	shalt  }
0x5f: {  	_ =	shalt  }
0x60: {  	_ =	shalt  }
0x61: {  	_ =	shalt  }
0x62: {  	_ =	shalt  }
0x63: {  	_ =	shalt  }
0x64: {  	_ =	shalt  }
0x65: {  	_ =	shalt  }
0x66: {  	_ =	shalt  }
0x67: {  	_ =	shalt  }
0x68: {  	_ =	shalt  }
0x69: {  	_ =	shalt  }
0x6a: {  	_ =	shalt  }
0x6b: {  	_ =	shalt  }
0x6c: {  	_ =	shalt  }
0x6d: {  	_ =	shalt  }
0x6e: {  	_ =	shalt  }
0x6f: {  	_ =	shalt  }
0x70: {  	_ =	shalt  }
0x71: {  	_ =	shalt  }
0x72: {  	_ =	shalt  }
0x73: {  	_ =	shalt  }
0x74: {  	_ =	shalt  }
0x75: {  	_ =	shalt  }
0x76: {  	_ =	shalt  }
0x77: {  	_ =	shalt  }
0x78: {  	_ =	shalt  }
0x79: {  	_ =	shalt  }
0x7a: {  	_ =	shalt  }
0x7b: {  	_ =	shalt  }
0x7c: {  	_ =	shalt  }
0x7d: {  	_ =	shalt  }
0x7e: {  	_ =	shalt  }
0x7f: {  	_ =	shalt  }
0x80: {  	_ =	shalt  }
0x81: {  	_ =	shalt  }
0x82: {  	_ =	shalt  }
0x83: {  	_ =	shalt  }
0x84: {  	_ =	shalt  }
0x85: {  	_ =	shalt  }
0x86: {  	_ =	shalt  }
0x87: {  	_ =	shalt  }
.Lfunc_end0:
.L_simem_size_0:
called_computation_lowered:
.L_overlay_start_0:
0x88: {  	s2 =	sld [smem:$0x3FD9]  }
0x89: {  	s3 =	sld [smem:$0x3FFE];
	_ =	sdelay $0x1  }
0x8a: {  	s1 =	srdreg.scid  }
0x8b: {  	s0 =	sand.u32 $0x1, s1  }
0x8c: {  	s17 =	sshll.u32 s0, $0xA;
	s2 =	sadd.s32 s3, s2  }
0x8d: {  	s2 =	sadd.s32 s2, s17  }
0x8e: {  	[smem:$0x3FC6] =	sst s2  }
0x8f: {  	_ = 	snop  }
0x90: {  	s2 =	sld [smem:$0x3FD0];
	(tm) =	ssettm $0x1  }
0x91: {  	s18 =	sld [smem:$0x3FFB];
	_ =	sdelay $0x3  }
0x92: {  	_ =	strace s18  }
0x93: {  	s3 =	sld [smem:$0x3FFC];
	_ =	sdelay $0x3  }
0x94: {  	_ =	strace s3  }
0x95: {  	s3 =	sld [smem:$0x3FFD];
	_ =	sdelay $0x3  }
0x96: {  	_ =	strace s3  }
0x97: {  	_ =	strace $0x8FFFFFFF  }
0x98: {  	s19 =	sld [smem:$0x3FDB];
	_ =	sdelay $0x1  }
0x99: {  	s4 =	simm.s32 $_scs_section_size  }
0x9a: {  	s5 =	simm.s32 $_size__tile_overlayer_lowered;
	s6 =	simm.s32 $_tile_overlayer_lowered  }
0x9b: {  	s22 =	simm.s32 $0x1BFF;
	s21 =	sshll.u32 s6, $0x1;
	s3 =	sadd.s32 s4, s19  }
0x9c: {  	s7 =	simm.s32 $0x0;
	s20 =	sshll.u32 s5, $0x1;
	s5 =	sadd.s32 s21, s3  }
0x9d: {  	[timem:s7], [sflag:s22] =	dma.local [hbm:s5], s20  }
0x9e: {  	_ =	swait.ge [sflag:s22], s20  }
0x9f: {  	s4 =	ssub.s32 $0x0, s20;
	[sflag:s22] =	ssyncset.done $0x0  }
0xa0: {  	[sflag:s22] =	ssyncadd.s32 s4;
	_ =	sdelay $0x1  }
0xa1: {  	s23 =	simm.s32 $0x1B8B  }
0xa2: {  	_ =	swait.ge [sflag:s23], $0x1  }
0xa3: {  	[sflag:s23] =	ssyncset.done $0x0  }
0xa4: {  	s25 =	simm.s32 $0x1B8E;
	s24 =	sld [smem:$0x3FFE];
	[sflag:s23] =	ssyncadd.s32 $0xFFFFFFFF  }
0xa5: {  	s26 =	simm.s32 $execute0_lowered;
	[smem:$0x3FD2] =	sst s25  }
0xa6: {  	s5 =	sshll.u32 s26, $0x1;
	_ =	strace $0x80000046;
	[dreg:$0x1] =	wrdreg $0xFFFFFFFF  }
0xa7: {  	s28 =	simm.s32 $_size_execute0_lowered;
	s3 =	sadd.s32 s3, s5;
	[dreg:$0x0] =	wrdreg $0x0  }
0xa8: {  	s5 =	sshll.u32 s28, $0x1;
	[dreg:$0x2] =	wrdreg s3  }
0xa9: {  	[dreg:$0x3] =	wrdreg s5  }
0xaa: {  	[dreg:$0x4] =	wrdreg $0xC0  }
0xab: {  	_ =	task [dreg:s7], $0x5FFFF  }
0xac: {  	[dreg:$0x1] =	wrdreg $0xFFFFFFFF  }
0xad: {  	[dreg:$0x0] =	wrdreg $0x60  }
0xae: {  	[dreg:$0x2] =	wrdreg s24  }
0xaf: {  	[dreg:$0x3] =	wrdreg s2  }
0xb0: {  	[dreg:$0x4] =	wrdreg $0x9  }
0xb1: {  	_ =	task.clear_ibuf [dreg:s7], $0x5FFFF;
	_ =	strace $0x90000046  }
0xb2: {  	s29 =	simm.s32 $0x9;
	_ =	strace $0x80000048  }
0xb3: {  	_ =	swait.ge [sflag:s29], $0x1  }
0xb4: {  	[sflag:s29] =	ssyncadd.s32 $0xFFFFFFFF  }
0xb5: {  	_ =	strace $0x90000048  }
0xb6: {  	_ =	sfence  }
0xb7: {  	s30 =	sld [smem:$0x0];
	_ =	sdelay $0x2  }
0xb8: {  	s31 =	sshll.u32 s1, $0xD;
	s1 =	sshrl.u32 s1, $0x2  }
0xb9: {  	s3 =	sand.u32 $0x4000, s31;
	s1 =	sadd.s32 s1, s30  }
0xba: {  	s0 =	sor.u32 s3, s0;
	s1 =	sshll.u32 s1, $0x11  }
0xbb: {  	s0 =	sor.u32 s1, s0  }
0xbc: {  	s0 =	sadd.s32 $0x8F2B, s0  }
0xbd: {  	[sflag:s0] =	ssyncadd.remote.s32 $0x1  }
0xbe: {  	_ =	sfence.sel $0xFFFF  }
0xbf: {  	[dreg:$0x0] =	wrdreg $0xFFFFFFFF;
	(pc) =	sbr.abs _section_cstart, $3  }
0xc0: {  	[dreg:$0x1] =	wrdreg $0xFFFFFFFF  }
0xc1: {  	_ =	task.clear_ibuf [dreg:s7], $0x2FFFF;
	_ =	strace $0x9FFFFFFF  }
0xc2: {  	(tm) =	ssettm $0x7FFFFFFF  }
0xc3: {  	_ =	shalt  }
tec
execute0_lowered:
.L_overlay_start_1:
0x0: {  	(tag) =	ssettag $0x1  }
0x1: {  	s1 =	srdreg.scid;
	s4 =	rddreg [dreg:$0x0]  }
0x2: {  	s0 =	stileid.u32;
	s6 =	rddreg [dreg:$0x1]  }
0x3: {  	s2 =	simm.s32 $0x0;
	s13 =	simm.s32 $0x1;
	s14 =	simm.s32 $0xE00  }
0x4: {  	s3 =	sand.u32 $0x1, s1;
	s25 =	sshll.u32 s0, $0x1;
	s9 =	smul.u32 $0x240, s0  }
0x5: {  	s5 =	sor.u32 s3, s25;
	s10 =	ssub.s32 $0x2, s3;
	s3 =	smul.u32 $0x120, s3  }
0x6: {  	s15 =	simm.s32 $0x6E00;
	s16 =	simm.s32 $0x2;
	s7 =	smul.u32 $0x120, s5  }
0x7: {  	s17 =	simm.s32 $0x0;
	[smem:$0x7FF] =	sst s2;
	s8 =	smul.u32 $0x300060, s5  }
0x8: {  	s1 =	rddreg [dreg:$0x2];
	_ =	strace $0x80000047;
	s26 =	smul.u32 $0x12000, s5  }
0x9: {  	s11 =	sshrl.u32 s10, $0x1;
	s5 =	smul.u32 $0x2400, s5;
	s9 =	sadd.s32 s3, s9  }
0xa: {  	s10 =	ssub.s32 s10, s11;
	s8 =	sshrl.u32 s8, $0x17;
	s29 =	smulhi.u32 $0x555556, s9  }
0xb: {  	s30 =	sshrl.u32 s26, $0x3;
	s5 =	sadd.s32 s6, s5;
	s12 =	smul.u32 $0x300, s8  }
0xc: {  	s28 =	sshll.u32 s8, $0x6;
	s8 =	sadd.s32 s6, s30;
	s31 =	smul.u32 $0x300, s29  }
0xd: {  	v0 =	vlaneseq.u32;
	s3 =	sadd.s32 s4, s28;
	s6 =	sadd.s32 $0xC00, s8;
	s12 =	ssub.s32 s7, s12  }
0xe: {  	v2 =	vmul.u32 $0xFFFFFFFF, v0;
	s4 =	sadd.s32 $0x40, s3;
	s7 =	sadd.s32 $0x1800, s8;
	s9 =	ssub.s32 s9, s31  }
0xf: {  	s8 =	smax.u32 s10, $0x1;
	s12 =	sand.u32 $0xFFFF, s12;
	s10 =	sadd.s32 $0x60, s9  }
0x10: {  	v1 =	vimm.f32 $0.0e+00;
	v0 =	vimm.s32 $0x1FF;
	v2 =	vadd.s32 $0xF, v2;
	s11 =	sadd.s32 $0xC0, s9;
	p0 =	slt.u32 s12, $0x1E1;
	s12 =	simm.s32 $0x3  }
.LBB2_1:
0x11: {  	[tilespmem:s2], [sflag:$0x3] =	stream.linear.gather [hbm4b:s3+s2], $0x200, $0x38;
	[tilespmem:$0xCE00] =	vst v63  }
0x12: {  	_ =	swait.ge [sflag:s12], $0x200  }
0x13: {  	[sflag:s12] =	ssyncset.done $0x0  }
0x14: {  	[sflag:s12] =	ssyncadd.s32 $0xFFFFFE00  }
0x15: {  	v3 =	vld.idx.msk [tilespmem:v0+s2+$0x0], $0xffff;
	_ =	sdelay $0x3  }
0x16: {  	[tilespmem:$0x600] =	vst v1  }
0x17: {  	[tilespmem:$0x200] =	vst v3  }
0x18: {  	[tilespmem:$0x210] =	vst v3  }
0x19: {  	[tilespmem:$0x220] =	vst v3  }
0x1a: {  	[tilespmem:$0x230] =	vst v3  }
0x1b: {  	[tilespmem:$0x240] =	vst v3  }
0x1c: {  	[tilespmem:$0x250] =	vst v3  }
0x1d: {  	[tilespmem:$0x260] =	vst v3  }
0x1e: {  	[tilespmem:$0x270] =	vst v3  }
0x1f: {  	[tilespmem:$0x280] =	vst v3  }
0x20: {  	[tilespmem:$0x290] =	vst v3  }
0x21: {  	[tilespmem:$0x2A0] =	vst v3  }
0x22: {  	[tilespmem:$0x2B0] =	vst v3  }
0x23: {  	[tilespmem:$0x2C0] =	vst v3  }
0x24: {  	[tilespmem:$0x2D0] =	vst v3  }
0x25: {  	[tilespmem:$0x2E0] =	vst v3  }
0x26: {  	[tilespmem:$0x2F0] =	vst v3  }
0x27: {  	[tilespmem:$0x300] =	vst v3  }
0x28: {  	[tilespmem:$0x310] =	vst v3  }
0x29: {  	[tilespmem:$0x320] =	vst v3  }
0x2a: {  	[tilespmem:$0x330] =	vst v3  }
0x2b: {  	[tilespmem:$0x340] =	vst v3  }
0x2c: {  	[tilespmem:$0x350] =	vst v3  }
0x2d: {  	[tilespmem:$0x360] =	vst v3  }
0x2e: {  	[tilespmem:$0x370] =	vst v3  }
0x2f: {  	[tilespmem:$0x380] =	vst v3  }
0x30: {  	[tilespmem:$0x390] =	vst v3  }
0x31: {  	v5 =	vld [tilespmem:$0x1E0];
	[tilespmem:$0x3A0] =	vst v3  }
0x32: {  	[tilespmem:$0x3B0] =	vst v3  }
0x33: {  	v7 =	vld [tilespmem:$0x1C0];
	[tilespmem:$0x3C0] =	vst v3  }
0x34: {  	[tilespmem:$0x3D0] =	vst v3  }
0x35: {  	v9 =	vld [tilespmem:$0x1A0];
	[tilespmem:$0x3E0] =	vst v3  }
0x36: {  	[tilespmem:$0x3F0] =	vst v3;
	v3 =	vperm.xlane v5, v2  }
0x37: {  	v33 =	vld [tilespmem:$0x180];
	[tilespmem:$0x610] =	vst v1  }
0x38: {  	[tilespmem:$0x410] =	vst v3;
	v3 =	vperm.xlane v7, v2  }
0x39: {  	v36 =	vld [tilespmem:$0x160];
	[tilespmem:$0x620] =	vst v1  }
0x3a: {  	[tilespmem:$0x430] =	vst v3;
	v3 =	vperm.xlane v9, v2  }
0x3b: {  	v39 =	vld [tilespmem:$0x140];
	[tilespmem:$0x630] =	vst v1  }
0x3c: {  	[tilespmem:$0x450] =	vst v3;
	v3 =	vperm.xlane v33, v2  }
0x3d: {  	v42 =	vld [tilespmem:$0x120];
	[tilespmem:$0x640] =	vst v1  }
0x3e: {  	[tilespmem:$0x470] =	vst v3;
	v3 =	vperm.xlane v36, v2  }
0x3f: {  	v45 =	vld [tilespmem:$0x100];
	[tilespmem:$0x650] =	vst v1  }
0x40: {  	[tilespmem:$0x490] =	vst v3;
	v3 =	vperm.xlane v39, v2  }
0x41: {  	v48 =	vld [tilespmem:$0xE0];
	[tilespmem:$0x660] =	vst v1  }
0x42: {  	[tilespmem:$0x4B0] =	vst v3;
	v3 =	vperm.xlane v42, v2  }
0x43: {  	v51 =	vld [tilespmem:$0xC0];
	[tilespmem:$0x670] =	vst v1  }
0x44: {  	[tilespmem:$0x4D0] =	vst v3;
	v3 =	vperm.xlane v45, v2  }
0x45: {  	v54 =	vld [tilespmem:$0xA0];
	[tilespmem:$0x680] =	vst v1  }
0x46: {  	[tilespmem:$0x4F0] =	vst v3;
	v3 =	vperm.xlane v48, v2  }
0x47: {  	v57 =	vld [tilespmem:$0x80];
	[tilespmem:$0x690] =	vst v1  }
0x48: {  	[tilespmem:$0x510] =	vst v3;
	v3 =	vperm.xlane v51, v2  }
0x49: {  	v60 =	vld [tilespmem:$0x60];
	[tilespmem:$0x6A0] =	vst v1  }
0x4a: {  	[tilespmem:$0x530] =	vst v3;
	v3 =	vperm.xlane v54, v2  }
0x4b: {  	v62 =	vld [tilespmem:$0x50];
	[tilespmem:$0x6B0] =	vst v1  }
0x4c: {  	[tilespmem:$0x550] =	vst v3;
	v3 =	vperm.xlane v57, v2  }
0x4d: {  	[tilespmem:$0x6C0] =	vst v1  }
0x4e: {  	[tilespmem:$0x570] =	vst v3;
	v3 =	vperm.xlane v60, v2  }
0x4f: {  	[tilespmem:$0x6D0] =	vst v1  }
0x50: {  	[tilespmem:$0x590] =	vst v3;
	v3 =	vperm.xlane v62, v2  }
0x51: {  	[tilespmem:$0x6E0] =	vst v1  }
0x52: {  	[tilespmem:$0x5A0] =	vst v3;
	v3 =	vld [tilespmem:$0x40]  }
0x53: {  	[tilespmem:$0x6F0] =	vst v1  }
0x54: {  	[tilespmem:$0x700] =	vst v1  }
0x55: {  	[tilespmem:$0x710] =	vst v1  }
0x56: {  	[tilespmem:$0x720] =	vst v1  }
0x57: {  	[tilespmem:$0x730] =	vst v1;
	v3 =	vperm.xlane v3, v2  }
0x58: {  	[tilespmem:$0x740] =	vst v1  }
0x59: {  	[tilespmem:$0x5B0] =	vst v3;
	v3 =	vld [tilespmem:$0x30]  }
0x5a: {  	[tilespmem:$0x750] =	vst v1  }
0x5b: {  	[tilespmem:$0x760] =	vst v1  }
0x5c: {  	[tilespmem:$0x770] =	vst v1  }
0x5d: {  	[tilespmem:$0x780] =	vst v1  }
0x5e: {  	[tilespmem:$0x790] =	vst v1;
	v3 =	vperm.xlane v3, v2  }
0x5f: {  	v4 =	vld [tilespmem:$0x1F0];
	[tilespmem:$0x7A0] =	vst v1  }
0x60: {  	[tilespmem:$0x5C0] =	vst v3;
	v3 =	vld [tilespmem:$0x20]  }
0x61: {  	v6 =	vld [tilespmem:$0x1D0];
	[tilespmem:$0x7B0] =	vst v1  }
0x62: {  	v8 =	vld [tilespmem:$0x1B0];
	[tilespmem:$0x7C0] =	vst v1  }
0x63: {  	v31 =	vld [tilespmem:$0x190];
	[tilespmem:$0x7D0] =	vst v1  }
0x64: {  	v34 =	vld [tilespmem:$0x170];
	[tilespmem:$0x7E0] =	vst v1;
	v4 =	vperm.xlane v4, v2  }
0x65: {  	v37 =	vld [tilespmem:$0x150];
	[tilespmem:$0x7F0] =	vst v1;
	v3 =	vperm.xlane v3, v2  }
0x66: {  	v40 =	vld [tilespmem:$0x130];
	v32 =	vperm.xlane v6, v2;
	[tilespmem:$0x400] =	vst v4  }
0x67: {  	v35 =	vperm.xlane v8, v2;
	[tilespmem:$0x5D0] =	vst v3;
	v3 =	vld [tilespmem:$0x10]  }
0x68: {  	v43 =	vld [tilespmem:$0x110];
	v38 =	vperm.xlane v31, v2;
	[tilespmem:$0x420] =	vst v32  }
0x69: {  	v46 =	vld [tilespmem:$0xF0];
	v41 =	vperm.xlane v34, v2;
	[tilespmem:$0x440] =	vst v35  }
0x6a: {  	v49 =	vld [tilespmem:$0xD0];
	v44 =	vperm.xlane v37, v2;
	[tilespmem:$0x460] =	vst v38  }
0x6b: {  	v52 =	vld [tilespmem:$0xB0];
	v47 =	vperm.xlane v40, v2;
	[tilespmem:$0x480] =	vst v41  }
0x6c: {  	v55 =	vld [tilespmem:$0x90];
	[tilespmem:$0x4A0] =	vst v44;
	v3 =	vperm.xlane v3, v2  }
0x6d: {  	v58 =	vld [tilespmem:$0x70];
	v50 =	vperm.xlane v43, v2;
	[tilespmem:$0x4C0] =	vst v47  }
0x6e: {  	v53 =	vperm.xlane v46, v2;
	[tilespmem:$0x5E0] =	vst v3;
	v3 =	vld [tilespmem:$0x0]  }
0x6f: {  	v56 =	vperm.xlane v49, v2;
	[tilespmem:$0x4E0] =	vst v50  }
0x70: {  	v59 =	vperm.xlane v52, v2;
	[tilespmem:$0x500] =	vst v53  }
.Ltmp0:
0x71: {  	v61 =	vperm.xlane v55, v2;
	[tilespmem:$0x520] =	vst v56;
	(pc) =	sbr.rel @p0 .LBB2_3-.Ltmp0, $4  }
0x72: {  	v63 =	vperm.xlane v58, v2;
	[tilespmem:$0x540] =	vst v59  }
0x73: {  	[tilespmem:$0x560] =	vst v61;
	v3 =	vperm.xlane v3, v2  }
0x74: {  	[tilespmem:$0x580] =	vst v63  }
0x75: {  	[tilespmem:$0x5F0] =	vst v3  }
0x76: {  	[tilespmem:s2], [sflag:$0x3] =	stream.linear.gather [hbm4b:s4+s2], $0x200, $0x38;
	[tilespmem:$0xCE00] =	vst v63  }
0x77: {  	_ =	swait.ge [sflag:s12], $0x200  }
0x78: {  	[sflag:s12] =	ssyncset.done $0x0  }
0x79: {  	[sflag:s12] =	ssyncadd.s32 $0xFFFFFE00  }
0x7a: {  	v3 =	vld.idx.msk [tilespmem:v0+s2+$0x0], $0xffff;
	_ =	sdelay $0x3  }
0x7b: {  	[tilespmem:$0xC00] =	vst v1  }
0x7c: {  	[tilespmem:$0x800] =	vst v3  }
0x7d: {  	[tilespmem:$0x810] =	vst v3  }
0x7e: {  	[tilespmem:$0x820] =	vst v3  }
0x7f: {  	[tilespmem:$0x830] =	vst v3  }
0x80: {  	[tilespmem:$0x840] =	vst v3  }
0x81: {  	[tilespmem:$0x850] =	vst v3  }
0x82: {  	[tilespmem:$0x860] =	vst v3  }
0x83: {  	[tilespmem:$0x870] =	vst v3  }
0x84: {  	[tilespmem:$0x880] =	vst v3  }
0x85: {  	[tilespmem:$0x890] =	vst v3  }
0x86: {  	[tilespmem:$0x8A0] =	vst v3  }
0x87: {  	[tilespmem:$0x8B0] =	vst v3  }
0x88: {  	[tilespmem:$0x8C0] =	vst v3  }
0x89: {  	[tilespmem:$0x8D0] =	vst v3  }
0x8a: {  	[tilespmem:$0x8E0] =	vst v3  }
0x8b: {  	[tilespmem:$0x8F0] =	vst v3  }
0x8c: {  	[tilespmem:$0x900] =	vst v3  }
0x8d: {  	[tilespmem:$0x910] =	vst v3  }
0x8e: {  	[tilespmem:$0x920] =	vst v3  }
0x8f: {  	[tilespmem:$0x930] =	vst v3  }
0x90: {  	[tilespmem:$0x940] =	vst v3  }
0x91: {  	[tilespmem:$0x950] =	vst v3  }
0x92: {  	[tilespmem:$0x960] =	vst v3  }
0x93: {  	[tilespmem:$0x970] =	vst v3  }
0x94: {  	[tilespmem:$0x980] =	vst v3  }
0x95: {  	[tilespmem:$0x990] =	vst v3  }
0x96: {  	v5 =	vld [tilespmem:$0x1E0];
	[tilespmem:$0x9A0] =	vst v3  }
0x97: {  	[tilespmem:$0x9B0] =	vst v3  }
0x98: {  	v7 =	vld [tilespmem:$0x1C0];
	[tilespmem:$0x9C0] =	vst v3  }
0x99: {  	[tilespmem:$0x9D0] =	vst v3  }
0x9a: {  	v9 =	vld [tilespmem:$0x1A0];
	[tilespmem:$0x9E0] =	vst v3  }
0x9b: {  	[tilespmem:$0x9F0] =	vst v3;
	v3 =	vperm.xlane v5, v2  }
0x9c: {  	v33 =	vld [tilespmem:$0x180];
	[tilespmem:$0xC10] =	vst v1  }
0x9d: {  	[tilespmem:$0xA10] =	vst v3;
	v3 =	vperm.xlane v7, v2  }
0x9e: {  	v36 =	vld [tilespmem:$0x160];
	[tilespmem:$0xC20] =	vst v1  }
0x9f: {  	[tilespmem:$0xA30] =	vst v3;
	v3 =	vperm.xlane v9, v2  }
0xa0: {  	v39 =	vld [tilespmem:$0x140];
	[tilespmem:$0xC30] =	vst v1  }
0xa1: {  	[tilespmem:$0xA50] =	vst v3;
	v3 =	vperm.xlane v33, v2  }
0xa2: {  	v42 =	vld [tilespmem:$0x120];
	[tilespmem:$0xC40] =	vst v1  }
0xa3: {  	[tilespmem:$0xA70] =	vst v3;
	v3 =	vperm.xlane v36, v2  }
0xa4: {  	v45 =	vld [tilespmem:$0x100];
	[tilespmem:$0xC50] =	vst v1  }
0xa5: {  	[tilespmem:$0xA90] =	vst v3;
	v3 =	vperm.xlane v39, v2  }
0xa6: {  	v48 =	vld [tilespmem:$0xE0];
	[tilespmem:$0xC60] =	vst v1  }
0xa7: {  	[tilespmem:$0xAB0] =	vst v3;
	v3 =	vperm.xlane v42, v2  }
0xa8: {  	v51 =	vld [tilespmem:$0xC0];
	[tilespmem:$0xC70] =	vst v1  }
0xa9: {  	[tilespmem:$0xAD0] =	vst v3;
	v3 =	vperm.xlane v45, v2  }
0xaa: {  	v54 =	vld [tilespmem:$0xA0];
	[tilespmem:$0xC80] =	vst v1  }
0xab: {  	[tilespmem:$0xAF0] =	vst v3;
	v3 =	vperm.xlane v48, v2  }
0xac: {  	v57 =	vld [tilespmem:$0x80];
	[tilespmem:$0xC90] =	vst v1  }
0xad: {  	[tilespmem:$0xB10] =	vst v3;
	v3 =	vperm.xlane v51, v2  }
0xae: {  	v60 =	vld [tilespmem:$0x60];
	[tilespmem:$0xCA0] =	vst v1  }
0xaf: {  	[tilespmem:$0xB30] =	vst v3;
	v3 =	vperm.xlane v54, v2  }
0xb0: {  	v62 =	vld [tilespmem:$0x50];
	[tilespmem:$0xCB0] =	vst v1  }
0xb1: {  	[tilespmem:$0xB50] =	vst v3;
	v3 =	vperm.xlane v57, v2  }
0xb2: {  	[tilespmem:$0xCC0] =	vst v1  }
0xb3: {  	[tilespmem:$0xB70] =	vst v3;
	v3 =	vperm.xlane v60, v2  }
0xb4: {  	[tilespmem:$0xCD0] =	vst v1  }
0xb5: {  	[tilespmem:$0xB90] =	vst v3;
	v3 =	vperm.xlane v62, v2  }
0xb6: {  	[tilespmem:$0xCE0] =	vst v1  }
0xb7: {  	[tilespmem:$0xBA0] =	vst v3;
	v3 =	vld [tilespmem:$0x40]  }
0xb8: {  	[tilespmem:$0xCF0] =	vst v1  }
0xb9: {  	[tilespmem:$0xD00] =	vst v1  }
0xba: {  	[tilespmem:$0xD10] =	vst v1  }
0xbb: {  	[tilespmem:$0xD20] =	vst v1  }
0xbc: {  	[tilespmem:$0xD30] =	vst v1;
	v3 =	vperm.xlane v3, v2  }
0xbd: {  	[tilespmem:$0xD40] =	vst v1  }
0xbe: {  	[tilespmem:$0xBB0] =	vst v3;
	v3 =	vld [tilespmem:$0x30]  }
0xbf: {  	[tilespmem:$0xD50] =	vst v1  }
0xc0: {  	[tilespmem:$0xD60] =	vst v1  }
0xc1: {  	[tilespmem:$0xD70] =	vst v1  }
0xc2: {  	[tilespmem:$0xD80] =	vst v1  }
0xc3: {  	[tilespmem:$0xD90] =	vst v1;
	v3 =	vperm.xlane v3, v2  }
0xc4: {  	v4 =	vld [tilespmem:$0x1F0];
	[tilespmem:$0xDA0] =	vst v1  }
0xc5: {  	[tilespmem:$0xBC0] =	vst v3;
	v3 =	vld [tilespmem:$0x20]  }
0xc6: {  	v6 =	vld [tilespmem:$0x1D0];
	[tilespmem:$0xDB0] =	vst v1  }
0xc7: {  	v8 =	vld [tilespmem:$0x1B0];
	[tilespmem:$0xDC0] =	vst v1  }
0xc8: {  	v31 =	vld [tilespmem:$0x190];
	[tilespmem:$0xDD0] =	vst v1  }
0xc9: {  	v34 =	vld [tilespmem:$0x170];
	[tilespmem:$0xDE0] =	vst v1;
	v4 =	vperm.xlane v4, v2  }
0xca: {  	v37 =	vld [tilespmem:$0x150];
	[tilespmem:$0xDF0] =	vst v1;
	v3 =	vperm.xlane v3, v2  }
0xcb: {  	v40 =	vld [tilespmem:$0x130];
	v32 =	vperm.xlane v6, v2;
	[tilespmem:$0xA00] =	vst v4  }
0xcc: {  	v35 =	vperm.xlane v8, v2;
	[tilespmem:$0xBD0] =	vst v3;
	v3 =	vld [tilespmem:$0x10]  }
0xcd: {  	v43 =	vld [tilespmem:$0x110];
	v38 =	vperm.xlane v31, v2;
	[tilespmem:$0xA20] =	vst v32  }
0xce: {  	v46 =	vld [tilespmem:$0xF0];
	v41 =	vperm.xlane v34, v2;
	[tilespmem:$0xA40] =	vst v35  }
0xcf: {  	v49 =	vld [tilespmem:$0xD0];
	v44 =	vperm.xlane v37, v2;
	[tilespmem:$0xA60] =	vst v38  }
0xd0: {  	v52 =	vld [tilespmem:$0xB0];
	v47 =	vperm.xlane v40, v2;
	[tilespmem:$0xA80] =	vst v41  }
0xd1: {  	v55 =	vld [tilespmem:$0x90];
	[tilespmem:$0xAA0] =	vst v44;
	v3 =	vperm.xlane v3, v2  }
0xd2: {  	v58 =	vld [tilespmem:$0x70];
	v50 =	vperm.xlane v43, v2;
	[tilespmem:$0xAC0] =	vst v47  }
0xd3: {  	v53 =	vperm.xlane v46, v2;
	[tilespmem:$0xBE0] =	vst v3;
	v3 =	vld [tilespmem:$0x0]  }
0xd4: {  	v56 =	vperm.xlane v49, v2;
	[tilespmem:$0xAE0] =	vst v50  }
0xd5: {  	v59 =	vperm.xlane v52, v2;
	[tilespmem:$0xB00] =	vst v53  }
0xd6: {  	v61 =	vperm.xlane v55, v2;
	[tilespmem:$0xB20] =	vst v56  }
0xd7: {  	v63 =	vperm.xlane v58, v2;
	[tilespmem:$0xB40] =	vst v59  }
0xd8: {  	[tilespmem:$0xB60] =	vst v61;
	v3 =	vperm.xlane v3, v2  }
0xd9: {  	[tilespmem:$0xB80] =	vst v63  }
0xda: {  	[tilespmem:$0xBF0] =	vst v3  }
.LBB2_3:
0xdb: {  	s18 =	sadd.s32 $0x0, s9  }
0xdc: {  	s19 =	smulhi.u32 $0x2AAAAAAB, s18;
	s20 =	sshra.s32 s18, $0x1F  }
0xdd: {  	s20 =	smul.u32 $0x2AAAAAAB, s20;
	_ =	sdelay $0x1  }
0xde: {  	s19 =	sadd.s32 s20, s19  }
0xdf: {  	s20 =	sshrl.u32 s19, $0x1F;
	s19 =	sshra.s32 s19, $0x7  }
0xe0: {  	s19 =	sadd.s32 s20, s19  }
0xe1: {  	s20 =	smul.u32 $0xFFFFFD00, s19  }
0xe2: {  	s21 =	ssub.s32 $0x0, s18  }
0xe3: {  	p1 =	slt.s32 s18, $0x1;
	p2 =	sne.s32 s20, s21  }
0xe4: {  	p1 =	por !p1, !p2  }
0xe5: {  	s20 =	simm.s32 $0x1;
	p1 =	por !p1, !p1  }
0xe6: {  	s20 =	simm.s32 @!p1 $0x0  }
0xe7: {  	s19 =	ssub.s32 s19, s20  }
0xe8: {  	s19 =	smul.u32 $0x900, s19;
	_ =	sdelay $0x1  }
0xe9: {  	s19 =	ssub.s32 s19, s18  }
0xea: {  	v3 =	vld [tilespmem:s19+$0x5FF];
	_ =	sdelay $0x3  }
0xeb: {  	s18 =	simm.s32 $0xE80  }
0xec: {  	[tilespmem:s18+$0xFFFFFF80] =	vst v3  }
0xed: {  	v3 =	vld [tilespmem:s19+$0x60F];
	_ =	sdelay $0x4  }
0xee: {  	[tilespmem:s18+$0xFFFFFF90] =	vst v3  }
0xef: {  	v3 =	vld [tilespmem:s19+$0x61F];
	_ =	sdelay $0x4  }
0xf0: {  	[tilespmem:s18+$0xFFFFFFA0] =	vst v3  }
0xf1: {  	v3 =	vld [tilespmem:s19+$0x62F];
	_ =	sdelay $0x4  }
0xf2: {  	[tilespmem:s18+$0xFFFFFFB0] =	vst v3  }
0xf3: {  	v3 =	vld [tilespmem:s19+$0x63F];
	_ =	sdelay $0x4  }
0xf4: {  	[tilespmem:s18+$0xFFFFFFC0] =	vst v3  }
0xf5: {  	v3 =	vld [tilespmem:s19+$0x64F];
	_ =	sdelay $0x4  }
0xf6: {  	[tilespmem:s18+$0xFFFFFFD0] =	vst v3  }
0xf7: {  	v3 =	vld [tilespmem:s19+$0x65F];
	_ =	sdelay $0x4  }
0xf8: {  	[tilespmem:s18+$0xFFFFFFE0] =	vst v3  }
0xf9: {  	v3 =	vld [tilespmem:s19+$0x66F];
	_ =	sdelay $0x4  }
0xfa: {  	[tilespmem:s18+$0xFFFFFFF0] =	vst v3  }
0xfb: {  	v3 =	vld [tilespmem:s19+$0x67F];
	_ =	sdelay $0x4  }
0xfc: {  	[tilespmem:s18+$0x0] =	vst v3  }
0xfd: {  	v3 =	vld [tilespmem:s19+$0x68F];
	_ =	sdelay $0x4  }
0xfe: {  	[tilespmem:s18+$0x10] =	vst v3  }
0xff: {  	v3 =	vld [tilespmem:s19+$0x69F];
	_ =	sdelay $0x4  }
0x100: {  	[tilespmem:s18+$0x20] =	vst v3  }
0x101: {  	v3 =	vld [tilespmem:s19+$0x6AF];
	_ =	sdelay $0x4  }
0x102: {  	[tilespmem:s18+$0x30] =	vst v3  }
0x103: {  	v3 =	vld [tilespmem:s19+$0x6BF];
	_ =	sdelay $0x4  }
0x104: {  	[tilespmem:s18+$0x40] =	vst v3  }
0x105: {  	v3 =	vld [tilespmem:s19+$0x6CF]  }
0x106: {  	s21 =	sadd.s32 $0x1, s9;
	s20 =	simm.s32 $0x2  }
.LBB2_4:
0x107: {  	p1 =	sne.s32 s20, $0x5F;
	s22 =	smulhi.u32 $0x2AAAAAAB, s21;
	s23 =	sshra.s32 s21, $0x1F  }
0x108: {  	s23 =	smul.u32 $0x2AAAAAAB, s23;
	_ =	sdelay $0x1  }
0x109: {  	s22 =	sadd.s32 s23, s22;
	[tilespmem:s18+$0x50] =	vst v3  }
0x10a: {  	s23 =	sshrl.u32 s22, $0x1F;
	s22 =	sshra.s32 s22, $0x7;
	v3 =	vld [tilespmem:s19+$0x6DF]  }
0x10b: {  	s22 =	sadd.s32 s23, s22  }
0x10c: {  	s23 =	smul.u32 $0xFFFFFD00, s22  }
0x10d: {  	s24 =	ssub.s32 $0x0, s21  }
0x10e: {  	p2 =	slt.s32 s21, $0x1;
	p3 =	sne.s32 s23, s24  }
0x10f: {  	p2 =	por !p2, !p3;
	[tilespmem:s18+$0x60] =	vst v3  }
0x110: {  	p2 =	por !p2, !p2;
	v3 =	vld [tilespmem:s19+$0x6EF];
	s19 =	simm.s32 $0x1  }
0x111: {  	s19 =	simm.s32 @!p2 $0x0  }
0x112: {  	s19 =	ssub.s32 s22, s19  }
0x113: {  	s19 =	smul.u32 $0x900, s19;
	_ =	sdelay $0x1  }
0x114: {  	s19 =	ssub.s32 s19, s21;
	[tilespmem:s18+$0x70] =	vst v3  }
0x115: {  	v3 =	vld [tilespmem:s19+$0x5FF];
	_ =	sdelay $0x3  }
0x116: {  	s18 =	sadd.s32 $0x100, s18  }
0x117: {  	[tilespmem:s18+$0xFFFFFF80] =	vst v3  }
0x118: {  	v3 =	vld [tilespmem:s19+$0x60F];
	_ =	sdelay $0x4  }
0x119: {  	[tilespmem:s18+$0xFFFFFF90] =	vst v3  }
0x11a: {  	v3 =	vld [tilespmem:s19+$0x61F];
	_ =	sdelay $0x4  }
0x11b: {  	[tilespmem:s18+$0xFFFFFFA0] =	vst v3  }
0x11c: {  	v3 =	vld [tilespmem:s19+$0x62F];
	_ =	sdelay $0x4  }
0x11d: {  	[tilespmem:s18+$0xFFFFFFB0] =	vst v3  }
0x11e: {  	v3 =	vld [tilespmem:s19+$0x63F];
	_ =	sdelay $0x4  }
0x11f: {  	[tilespmem:s18+$0xFFFFFFC0] =	vst v3  }
0x120: {  	v3 =	vld [tilespmem:s19+$0x64F];
	_ =	sdelay $0x4  }
0x121: {  	[tilespmem:s18+$0xFFFFFFD0] =	vst v3  }
0x122: {  	v3 =	vld [tilespmem:s19+$0x65F];
	_ =	sdelay $0x4  }
0x123: {  	[tilespmem:s18+$0xFFFFFFE0] =	vst v3  }
0x124: {  	v3 =	vld [tilespmem:s19+$0x66F];
	_ =	sdelay $0x4  }
0x125: {  	[tilespmem:s18+$0xFFFFFFF0] =	vst v3  }
0x126: {  	v3 =	vld [tilespmem:s19+$0x67F];
	_ =	sdelay $0x4  }
0x127: {  	[tilespmem:s18+$0x0] =	vst v3  }
0x128: {  	v3 =	vld [tilespmem:s19+$0x68F];
	_ =	sdelay $0x4  }
0x129: {  	[tilespmem:s18+$0x10] =	vst v3  }
0x12a: {  	v3 =	vld [tilespmem:s19+$0x69F];
	_ =	sdelay $0x4  }
0x12b: {  	[tilespmem:s18+$0x20] =	vst v3  }
0x12c: {  	v3 =	vld [tilespmem:s19+$0x6AF];
	_ =	sdelay $0x4  }
0x12d: {  	[tilespmem:s18+$0x30] =	vst v3  }
0x12e: {  	v3 =	vld [tilespmem:s19+$0x6BF];
	_ =	sdelay $0x2  }
.Ltmp1:
0x12f: {  	(pc) =	sbr.rel @p1 .LBB2_4-.Ltmp1, $4  }
0x130: {  	_ = 	snop  }
0x131: {  	[tilespmem:s18+$0x40] =	vst v3  }
0x132: {  	v3 =	vld [tilespmem:s19+$0x6CF]  }
0x133: {  	s21 =	sadd.s32 s20, s9;
	s20 =	sadd.s32 $0x1, s20  }
0x134: {  	s20 =	smulhi.u32 $0x2AAAAAAB, s21;
	s22 =	sshra.s32 s21, $0x1F  }
0x135: {  	s22 =	smul.u32 $0x2AAAAAAB, s22;
	_ =	sdelay $0x1  }
0x136: {  	s20 =	sadd.s32 s22, s20;
	[tilespmem:s18+$0x50] =	vst v3  }
0x137: {  	s22 =	sshrl.u32 s20, $0x1F;
	s20 =	sshra.s32 s20, $0x7;
	v3 =	vld [tilespmem:s19+$0x6DF]  }
0x138: {  	s20 =	sadd.s32 s22, s20  }
0x139: {  	s22 =	smul.u32 $0xFFFFFD00, s20  }
0x13a: {  	s23 =	ssub.s32 $0x0, s21  }
0x13b: {  	p1 =	slt.s32 s21, $0x1;
	p2 =	sne.s32 s22, s23  }
0x13c: {  	p1 =	por !p1, !p2;
	[tilespmem:s18+$0x60] =	vst v3  }
0x13d: {  	p1 =	por !p1, !p1;
	v3 =	vld [tilespmem:s19+$0x6EF];
	s19 =	simm.s32 $0x1  }
0x13e: {  	s19 =	simm.s32 @!p1 $0x0  }
0x13f: {  	s19 =	ssub.s32 s20, s19  }
0x140: {  	s19 =	smul.u32 $0x900, s19;
	_ =	sdelay $0x1  }
0x141: {  	s19 =	ssub.s32 s19, s21;
	[tilespmem:s18+$0x70] =	vst v3  }
0x142: {  	v3 =	vld [tilespmem:s19+$0x5FF];
	_ =	sdelay $0x3  }
0x143: {  	s26 =	sadd.s32 $0x100, s18  }
0x144: {  	[tilespmem:s26+$0xFFFFFF80] =	vst v3  }
0x145: {  	v3 =	vld [tilespmem:s19+$0x60F];
	_ =	sdelay $0x4  }
0x146: {  	[tilespmem:s26+$0xFFFFFF90] =	vst v3  }
0x147: {  	v3 =	vld [tilespmem:s19+$0x61F];
	_ =	sdelay $0x4  }
0x148: {  	[tilespmem:s26+$0xFFFFFFA0] =	vst v3  }
0x149: {  	v3 =	vld [tilespmem:s19+$0x62F];
	_ =	sdelay $0x4  }
0x14a: {  	[tilespmem:s26+$0xFFFFFFB0] =	vst v3  }
0x14b: {  	v3 =	vld [tilespmem:s19+$0x63F];
	_ =	sdelay $0x4  }
0x14c: {  	[tilespmem:s26+$0xFFFFFFC0] =	vst v3  }
0x14d: {  	v3 =	vld [tilespmem:s19+$0x64F];
	_ =	sdelay $0x4  }
0x14e: {  	[tilespmem:s26+$0xFFFFFFD0] =	vst v3  }
0x14f: {  	v3 =	vld [tilespmem:s19+$0x65F];
	_ =	sdelay $0x4  }
0x150: {  	[tilespmem:s26+$0xFFFFFFE0] =	vst v3  }
0x151: {  	v3 =	vld [tilespmem:s19+$0x66F];
	_ =	sdelay $0x4  }
0x152: {  	[tilespmem:s26+$0xFFFFFFF0] =	vst v3  }
0x153: {  	v3 =	vld [tilespmem:s19+$0x67F];
	_ =	sdelay $0x4  }
0x154: {  	[tilespmem:s26+$0x0] =	vst v3  }
0x155: {  	v3 =	vld [tilespmem:s19+$0x68F];
	_ =	sdelay $0x4  }
0x156: {  	[tilespmem:s26+$0x10] =	vst v3  }
0x157: {  	v3 =	vld [tilespmem:s19+$0x69F];
	_ =	sdelay $0x4  }
0x158: {  	[tilespmem:s26+$0x20] =	vst v3  }
0x159: {  	v3 =	vld [tilespmem:s19+$0x6AF];
	_ =	sdelay $0x4  }
0x15a: {  	[tilespmem:s26+$0x30] =	vst v3  }
0x15b: {  	v3 =	vld [tilespmem:s19+$0x6BF];
	_ =	sdelay $0x4  }
0x15c: {  	[tilespmem:s26+$0x40] =	vst v3  }
0x15d: {  	v3 =	vld [tilespmem:s19+$0x6CF];
	_ =	sdelay $0x1  }
0x15e: {  	s28 =	smulhi.u32 $0x2AAAAAAB, s10;
	s29 =	sshra.s32 s10, $0x1F  }
0x15f: {  	s21 =	smul.u32 $0x2AAAAAAB, s29;
	_ =	sdelay $0x1  }
0x160: {  	s20 =	sadd.s32 s21, s28;
	[tilespmem:s26+$0x50] =	vst v3  }
0x161: {  	s21 =	sshrl.u32 s20, $0x1F;
	s20 =	sshra.s32 s20, $0x7;
	v3 =	vld [tilespmem:s19+$0x6DF]  }
0x162: {  	s20 =	sadd.s32 s21, s20  }
0x163: {  	s21 =	smul.u32 $0xFFFFFD00, s20  }
0x164: {  	s30 =	ssub.s32 $0x0, s10  }
0x165: {  	p5 =	slt.s32 s10, $0x1;
	p6 =	sne.s32 s21, s30  }
0x166: {  	p1 =	por !p5, !p6;
	[tilespmem:s26+$0x60] =	vst v3  }
0x167: {  	p1 =	por !p1, !p1;
	v3 =	vld [tilespmem:s19+$0x6EF];
	s19 =	simm.s32 $0x1  }
0x168: {  	s19 =	simm.s32 @!p1 $0x0  }
0x169: {  	s19 =	ssub.s32 s20, s19  }
0x16a: {  	s19 =	smul.u32 $0x900, s19;
	_ =	sdelay $0x1  }
0x16b: {  	s31 =	simm.s32 $0x0;
	[tilespmem:s26+$0x70] =	vst v3;
	s19 =	ssub.s32 s19, s10  }
0x16c: {  	[hbm4b:s5+s31] =	stream.linear.scatter [tilespmem:s14], [sflag:$0x1], $0x6000, $0x38;
	[tilespmem:$0xCE00] =	vst v63  }
0x16d: {  	v3 =	vld [tilespmem:s19+$0x5FF];
	_ =	sdelay $0x3  }
0x16e: {  	s18 =	simm.s32 $0x0  }
0x16f: {  	[tilespmem:s18+$0x6E00] =	vst v3  }
0x170: {  	v3 =	vld [tilespmem:s19+$0x60F];
	_ =	sdelay $0x4  }
0x171: {  	[tilespmem:s18+$0x6E10] =	vst v3  }
0x172: {  	v3 =	vld [tilespmem:s19+$0x61F];
	_ =	sdelay $0x4  }
0x173: {  	[tilespmem:s18+$0x6E20] =	vst v3  }
0x174: {  	v3 =	vld [tilespmem:s19+$0x62F];
	_ =	sdelay $0x4  }
0x175: {  	[tilespmem:s18+$0x6E30] =	vst v3  }
0x176: {  	v3 =	vld [tilespmem:s19+$0x63F];
	_ =	sdelay $0x4  }
0x177: {  	[tilespmem:s18+$0x6E40] =	vst v3  }
0x178: {  	v3 =	vld [tilespmem:s19+$0x64F];
	_ =	sdelay $0x4  }
0x179: {  	[tilespmem:s18+$0x6E50] =	vst v3  }
0x17a: {  	v3 =	vld [tilespmem:s19+$0x65F];
	_ =	sdelay $0x4  }
0x17b: {  	[tilespmem:s18+$0x6E60] =	vst v3  }
0x17c: {  	v3 =	vld [tilespmem:s19+$0x66F];
	_ =	sdelay $0x4  }
0x17d: {  	[tilespmem:s18+$0x6E70] =	vst v3  }
0x17e: {  	v3 =	vld [tilespmem:s19+$0x67F];
	_ =	sdelay $0x4  }
0x17f: {  	[tilespmem:s18+$0x6E80] =	vst v3  }
0x180: {  	v3 =	vld [tilespmem:s19+$0x68F];
	_ =	sdelay $0x4  }
0x181: {  	[tilespmem:s18+$0x6E90] =	vst v3  }
0x182: {  	v3 =	vld [tilespmem:s19+$0x69F];
	_ =	sdelay $0x4  }
0x183: {  	[tilespmem:s18+$0x6EA0] =	vst v3  }
0x184: {  	v3 =	vld [tilespmem:s19+$0x6AF];
	_ =	sdelay $0x4  }
0x185: {  	[tilespmem:s18+$0x6EB0] =	vst v3  }
0x186: {  	v3 =	vld [tilespmem:s19+$0x6BF];
	_ =	sdelay $0x4  }
0x187: {  	[tilespmem:s18+$0x6EC0] =	vst v3  }
0x188: {  	v3 =	vld [tilespmem:s19+$0x6CF]  }
0x189: {  	s22 =	simm.s32 $0x800;
	s21 =	sadd.s32 $0x1, s10  }
0x18a: {  	s23 =	smulhi.u32 $0x2AAAAAAB, s21;
	s24 =	sshra.s32 s21, $0x1F;
	s20 =	simm.s32 $0x400  }
.LBB2_6:
0x18b: {  	p1 =	sne.s32 s22, $0x17C00;
	s24 =	smul.u32 $0x2AAAAAAB, s24;
	_ =	sdelay $0x1  }
0x18c: {  	s23 =	sadd.s32 s24, s23;
	[tilespmem:s18+$0x6ED0] =	vst v3  }
0x18d: {  	s24 =	sshrl.u32 s23, $0x1F;
	s23 =	sshra.s32 s23, $0x7;
	v3 =	vld [tilespmem:s19+$0x6DF]  }
0x18e: {  	s23 =	sadd.s32 s24, s23  }
0x18f: {  	s24 =	smul.u32 $0xFFFFFD00, s23  }
0x190: {  	s25 =	ssub.s32 $0x0, s21  }
0x191: {  	p2 =	slt.s32 s21, $0x1;
	p3 =	sne.s32 s24, s25  }
0x192: {  	p2 =	por !p2, !p3;
	[tilespmem:s18+$0x6EE0] =	vst v3  }
0x193: {  	p2 =	por !p2, !p2;
	v3 =	vld [tilespmem:s19+$0x6EF];
	s19 =	simm.s32 $0x1  }
0x194: {  	s19 =	simm.s32 @!p2 $0x0  }
0x195: {  	s19 =	ssub.s32 s23, s19  }
0x196: {  	s19 =	smul.u32 $0x900, s19;
	_ =	sdelay $0x1  }
0x197: {  	s19 =	ssub.s32 s19, s21;
	[tilespmem:s18+$0x6EF0] =	vst v3  }
0x198: {  	v3 =	vld [tilespmem:s19+$0x5FF];
	_ =	sdelay $0x3  }
0x199: {  	s18 =	sshra.s32 s20, $0x2;
	s20 =	smov.u32 s22  }
0x19a: {  	[tilespmem:s18+$0x6E00] =	vst v3  }
0x19b: {  	v3 =	vld [tilespmem:s19+$0x60F];
	_ =	sdelay $0x4  }
0x19c: {  	[tilespmem:s18+$0x6E10] =	vst v3  }
0x19d: {  	v3 =	vld [tilespmem:s19+$0x61F];
	_ =	sdelay $0x4  }
0x19e: {  	[tilespmem:s18+$0x6E20] =	vst v3  }
0x19f: {  	v3 =	vld [tilespmem:s19+$0x62F];
	_ =	sdelay $0x4  }
0x1a0: {  	[tilespmem:s18+$0x6E30] =	vst v3  }
0x1a1: {  	v3 =	vld [tilespmem:s19+$0x63F];
	_ =	sdelay $0x4  }
0x1a2: {  	[tilespmem:s18+$0x6E40] =	vst v3  }
0x1a3: {  	v3 =	vld [tilespmem:s19+$0x64F];
	_ =	sdelay $0x4  }
0x1a4: {  	[tilespmem:s18+$0x6E50] =	vst v3  }
0x1a5: {  	v3 =	vld [tilespmem:s19+$0x65F];
	_ =	sdelay $0x4  }
0x1a6: {  	[tilespmem:s18+$0x6E60] =	vst v3  }
0x1a7: {  	v3 =	vld [tilespmem:s19+$0x66F];
	_ =	sdelay $0x4  }
0x1a8: {  	[tilespmem:s18+$0x6E70] =	vst v3  }
0x1a9: {  	v3 =	vld [tilespmem:s19+$0x67F];
	_ =	sdelay $0x4  }
0x1aa: {  	[tilespmem:s18+$0x6E80] =	vst v3  }
0x1ab: {  	v3 =	vld [tilespmem:s19+$0x68F];
	_ =	sdelay $0x4  }
0x1ac: {  	[tilespmem:s18+$0x6E90] =	vst v3  }
0x1ad: {  	v3 =	vld [tilespmem:s19+$0x69F];
	_ =	sdelay $0x4  }
0x1ae: {  	[tilespmem:s18+$0x6EA0] =	vst v3  }
0x1af: {  	v3 =	vld [tilespmem:s19+$0x6AF];
	_ =	sdelay $0x4  }
0x1b0: {  	[tilespmem:s18+$0x6EB0] =	vst v3  }
0x1b1: {  	v3 =	vld [tilespmem:s19+$0x6BF];
	_ =	sdelay $0x3  }
.Ltmp2:
0x1b2: {  	(pc) =	sbr.rel @p1 .LBB2_6-.Ltmp2, $4  }
0x1b3: {  	[tilespmem:s18+$0x6EC0] =	vst v3  }
0x1b4: {  	v3 =	vld [tilespmem:s19+$0x6CF]  }
0x1b5: {  	s21 =	sadd.s32 $0x1, s21  }
0x1b6: {  	s22 =	sadd.s32 $0x400, s22;
	s23 =	smulhi.u32 $0x2AAAAAAB, s21;
	s24 =	sshra.s32 s21, $0x1F  }
0x1b7: {  	s22 =	smul.u32 $0x2AAAAAAB, s24;
	_ =	sdelay $0x1  }
0x1b8: {  	s22 =	sadd.s32 s22, s23;
	[tilespmem:s18+$0x6ED0] =	vst v3  }
0x1b9: {  	s23 =	sshrl.u32 s22, $0x1F;
	s22 =	sshra.s32 s22, $0x7;
	v3 =	vld [tilespmem:s19+$0x6DF]  }
0x1ba: {  	s22 =	sadd.s32 s23, s22  }
0x1bb: {  	s23 =	smul.u32 $0xFFFFFD00, s22  }
0x1bc: {  	s31 =	ssub.s32 $0x0, s21  }
0x1bd: {  	p1 =	slt.s32 s21, $0x1;
	p2 =	sne.s32 s23, s31  }
0x1be: {  	p1 =	por !p1, !p2;
	[tilespmem:s18+$0x6EE0] =	vst v3  }
0x1bf: {  	p1 =	por !p1, !p1;
	v3 =	vld [tilespmem:s19+$0x6EF];
	s19 =	simm.s32 $0x1  }
0x1c0: {  	s19 =	simm.s32 @!p1 $0x0  }
0x1c1: {  	s19 =	ssub.s32 s22, s19  }
0x1c2: {  	s19 =	smul.u32 $0x900, s19;
	_ =	sdelay $0x1  }
0x1c3: {  	s19 =	ssub.s32 s19, s21;
	[tilespmem:s18+$0x6EF0] =	vst v3  }
0x1c4: {  	v3 =	vld [tilespmem:s19+$0x5FF];
	_ =	sdelay $0x3  }
0x1c5: {  	s24 =	sshra.s32 s20, $0x2  }
0x1c6: {  	[tilespmem:s24+$0x6E00] =	vst v3  }
0x1c7: {  	v3 =	vld [tilespmem:s19+$0x60F];
	_ =	sdelay $0x4  }
0x1c8: {  	[tilespmem:s24+$0x6E10] =	vst v3  }
0x1c9: {  	v3 =	vld [tilespmem:s19+$0x61F];
	_ =	sdelay $0x4  }
0x1ca: {  	[tilespmem:s24+$0x6E20] =	vst v3  }
0x1cb: {  	v3 =	vld [tilespmem:s19+$0x62F];
	_ =	sdelay $0x4  }
0x1cc: {  	[tilespmem:s24+$0x6E30] =	vst v3  }
0x1cd: {  	v3 =	vld [tilespmem:s19+$0x63F];
	_ =	sdelay $0x4  }
0x1ce: {  	[tilespmem:s24+$0x6E40] =	vst v3  }
0x1cf: {  	v3 =	vld [tilespmem:s19+$0x64F];
	_ =	sdelay $0x4  }
0x1d0: {  	[tilespmem:s24+$0x6E50] =	vst v3  }
0x1d1: {  	v3 =	vld [tilespmem:s19+$0x65F];
	_ =	sdelay $0x4  }
0x1d2: {  	[tilespmem:s24+$0x6E60] =	vst v3  }
0x1d3: {  	v3 =	vld [tilespmem:s19+$0x66F];
	_ =	sdelay $0x4  }
0x1d4: {  	[tilespmem:s24+$0x6E70] =	vst v3  }
0x1d5: {  	v3 =	vld [tilespmem:s19+$0x67F];
	_ =	sdelay $0x4  }
0x1d6: {  	[tilespmem:s24+$0x6E80] =	vst v3  }
0x1d7: {  	v3 =	vld [tilespmem:s19+$0x68F];
	_ =	sdelay $0x4  }
0x1d8: {  	[tilespmem:s24+$0x6E90] =	vst v3  }
0x1d9: {  	v3 =	vld [tilespmem:s19+$0x69F];
	_ =	sdelay $0x4  }
0x1da: {  	[tilespmem:s24+$0x6EA0] =	vst v3  }
0x1db: {  	v3 =	vld [tilespmem:s19+$0x6AF];
	_ =	sdelay $0x4  }
0x1dc: {  	[tilespmem:s24+$0x6EB0] =	vst v3  }
0x1dd: {  	v3 =	vld [tilespmem:s19+$0x6BF];
	_ =	sdelay $0x4  }
0x1de: {  	[tilespmem:s24+$0x6EC0] =	vst v3  }
0x1df: {  	v3 =	vld [tilespmem:s19+$0x6CF];
	_ =	sdelay $0x3  }
0x1e0: {  	s25 =	sadd.s32 $0x0, s11  }
0x1e1: {  	s26 =	smulhi.u32 $0x2AAAAAAB, s25;
	s28 =	sshra.s32 s25, $0x1F;
	[tilespmem:s24+$0x6ED0] =	vst v3  }
0x1e2: {  	s21 =	smul.u32 $0x2AAAAAAB, s28;
	v3 =	vld [tilespmem:s19+$0x6DF];
	_ =	sdelay $0x1  }
0x1e3: {  	s30 =	sadd.s32 s21, s26  }
0x1e4: {  	s20 =	sshrl.u32 s30, $0x1F;
	s18 =	sshra.s32 s30, $0x7  }
0x1e5: {  	s18 =	sadd.s32 s20, s18  }
0x1e6: {  	s20 =	smul.u32 $0xFFFFFD00, s18;
	[tilespmem:s24+$0x6EE0] =	vst v3  }
0x1e7: {  	s31 =	ssub.s32 $0x0, s25;
	v3 =	vld [tilespmem:s19+$0x6EF]  }
0x1e8: {  	p5 =	slt.s32 s25, $0x1;
	p6 =	sne.s32 s20, s31  }
0x1e9: {  	p1 =	por !p5, !p6  }
0x1ea: {  	s20 =	simm.s32 $0x1;
	p1 =	por !p1, !p1  }
0x1eb: {  	s20 =	simm.s32 @!p1 $0x0  }
0x1ec: {  	s29 =	simm.s32 $0x0;
	s18 =	ssub.s32 s18, s20;
	[tilespmem:s24+$0x6EF0] =	vst v3  }
0x1ed: {  	[hbm4b:s6+s29] =	stream.linear.scatter [tilespmem:s15], [sflag:$0x2], $0x6000, $0x38;
	[tilespmem:$0xCE00] =	vst v63  }
0x1ee: {  	s18 =	smul.u32 $0x900, s18;
	_ =	swait.ge [sflag:s13], $0x6000  }
0x1ef: {  	[sflag:s13] =	ssyncset.done $0x0  }
0x1f0: {  	s19 =	ssub.s32 s18, s25;
	[sflag:s13] =	ssyncadd.s32 $0xFFFFA000  }
0x1f1: {  	v3 =	vld [tilespmem:s19+$0x5FF];
	_ =	sdelay $0x3  }
0x1f2: {  	s18 =	simm.s32 $0xE80  }
0x1f3: {  	[tilespmem:s18+$0xFFFFFF80] =	vst v3  }
0x1f4: {  	v3 =	vld [tilespmem:s19+$0x60F];
	_ =	sdelay $0x4  }
0x1f5: {  	[tilespmem:s18+$0xFFFFFF90] =	vst v3  }
0x1f6: {  	v3 =	vld [tilespmem:s19+$0x61F];
	_ =	sdelay $0x4  }
0x1f7: {  	[tilespmem:s18+$0xFFFFFFA0] =	vst v3  }
0x1f8: {  	v3 =	vld [tilespmem:s19+$0x62F];
	_ =	sdelay $0x4  }
0x1f9: {  	[tilespmem:s18+$0xFFFFFFB0] =	vst v3  }
0x1fa: {  	v3 =	vld [tilespmem:s19+$0x63F];
	_ =	sdelay $0x4  }
0x1fb: {  	[tilespmem:s18+$0xFFFFFFC0] =	vst v3  }
0x1fc: {  	v3 =	vld [tilespmem:s19+$0x64F];
	_ =	sdelay $0x4  }
0x1fd: {  	[tilespmem:s18+$0xFFFFFFD0] =	vst v3  }
0x1fe: {  	v3 =	vld [tilespmem:s19+$0x65F];
	_ =	sdelay $0x4  }
0x1ff: {  	[tilespmem:s18+$0xFFFFFFE0] =	vst v3  }
0x200: {  	v3 =	vld [tilespmem:s19+$0x66F];
	_ =	sdelay $0x4  }
0x201: {  	[tilespmem:s18+$0xFFFFFFF0] =	vst v3  }
0x202: {  	v3 =	vld [tilespmem:s19+$0x67F];
	_ =	sdelay $0x4  }
0x203: {  	[tilespmem:s18+$0x0] =	vst v3  }
0x204: {  	v3 =	vld [tilespmem:s19+$0x68F];
	_ =	sdelay $0x4  }
0x205: {  	[tilespmem:s18+$0x10] =	vst v3  }
0x206: {  	v3 =	vld [tilespmem:s19+$0x69F];
	_ =	sdelay $0x4  }
0x207: {  	[tilespmem:s18+$0x20] =	vst v3  }
0x208: {  	v3 =	vld [tilespmem:s19+$0x6AF];
	_ =	sdelay $0x4  }
0x209: {  	[tilespmem:s18+$0x30] =	vst v3  }
0x20a: {  	v3 =	vld [tilespmem:s19+$0x6BF];
	_ =	sdelay $0x4  }
0x20b: {  	[tilespmem:s18+$0x40] =	vst v3  }
0x20c: {  	v3 =	vld [tilespmem:s19+$0x6CF]  }
0x20d: {  	s21 =	sadd.s32 $0x1, s11;
	s20 =	simm.s32 $0x2  }
.LBB2_8:
0x20e: {  	p1 =	sne.s32 s20, $0x5F;
	s22 =	smulhi.u32 $0x2AAAAAAB, s21;
	s23 =	sshra.s32 s21, $0x1F  }
0x20f: {  	s23 =	smul.u32 $0x2AAAAAAB, s23;
	_ =	sdelay $0x1  }
0x210: {  	s22 =	sadd.s32 s23, s22;
	[tilespmem:s18+$0x50] =	vst v3  }
0x211: {  	s23 =	sshrl.u32 s22, $0x1F;
	s22 =	sshra.s32 s22, $0x7;
	v3 =	vld [tilespmem:s19+$0x6DF]  }
0x212: {  	s22 =	sadd.s32 s23, s22  }
0x213: {  	s23 =	smul.u32 $0xFFFFFD00, s22  }
0x214: {  	s24 =	ssub.s32 $0x0, s21  }
0x215: {  	p2 =	slt.s32 s21, $0x1;
	p3 =	sne.s32 s23, s24  }
0x216: {  	p2 =	por !p2, !p3;
	[tilespmem:s18+$0x60] =	vst v3  }
0x217: {  	p2 =	por !p2, !p2;
	v3 =	vld [tilespmem:s19+$0x6EF];
	s19 =	simm.s32 $0x1  }
0x218: {  	s19 =	simm.s32 @!p2 $0x0  }
0x219: {  	s19 =	ssub.s32 s22, s19  }
0x21a: {  	s19 =	smul.u32 $0x900, s19;
	_ =	sdelay $0x1  }
0x21b: {  	s19 =	ssub.s32 s19, s21;
	[tilespmem:s18+$0x70] =	vst v3  }
0x21c: {  	v3 =	vld [tilespmem:s19+$0x5FF];
	_ =	sdelay $0x3  }
0x21d: {  	s18 =	sadd.s32 $0x100, s18  }
0x21e: {  	[tilespmem:s18+$0xFFFFFF80] =	vst v3  }
0x21f: {  	v3 =	vld [tilespmem:s19+$0x60F];
	_ =	sdelay $0x4  }
0x220: {  	[tilespmem:s18+$0xFFFFFF90] =	vst v3  }
0x221: {  	v3 =	vld [tilespmem:s19+$0x61F];
	_ =	sdelay $0x4  }
0x222: {  	[tilespmem:s18+$0xFFFFFFA0] =	vst v3  }
0x223: {  	v3 =	vld [tilespmem:s19+$0x62F];
	_ =	sdelay $0x4  }
0x224: {  	[tilespmem:s18+$0xFFFFFFB0] =	vst v3  }
0x225: {  	v3 =	vld [tilespmem:s19+$0x63F];
	_ =	sdelay $0x4  }
0x226: {  	[tilespmem:s18+$0xFFFFFFC0] =	vst v3  }
0x227: {  	v3 =	vld [tilespmem:s19+$0x64F];
	_ =	sdelay $0x4  }
0x228: {  	[tilespmem:s18+$0xFFFFFFD0] =	vst v3  }
0x229: {  	v3 =	vld [tilespmem:s19+$0x65F];
	_ =	sdelay $0x4  }
0x22a: {  	[tilespmem:s18+$0xFFFFFFE0] =	vst v3  }
0x22b: {  	v3 =	vld [tilespmem:s19+$0x66F];
	_ =	sdelay $0x4  }
0x22c: {  	[tilespmem:s18+$0xFFFFFFF0] =	vst v3  }
0x22d: {  	v3 =	vld [tilespmem:s19+$0x67F];
	_ =	sdelay $0x4  }
0x22e: {  	[tilespmem:s18+$0x0] =	vst v3  }
0x22f: {  	v3 =	vld [tilespmem:s19+$0x68F];
	_ =	sdelay $0x4  }
0x230: {  	[tilespmem:s18+$0x10] =	vst v3  }
0x231: {  	v3 =	vld [tilespmem:s19+$0x69F];
	_ =	sdelay $0x4  }
0x232: {  	[tilespmem:s18+$0x20] =	vst v3  }
0x233: {  	v3 =	vld [tilespmem:s19+$0x6AF];
	_ =	sdelay $0x4  }
0x234: {  	[tilespmem:s18+$0x30] =	vst v3  }
0x235: {  	v3 =	vld [tilespmem:s19+$0x6BF];
	_ =	sdelay $0x2  }
.Ltmp3:
0x236: {  	(pc) =	sbr.rel @p1 .LBB2_8-.Ltmp3, $4  }
0x237: {  	_ = 	snop  }
0x238: {  	[tilespmem:s18+$0x40] =	vst v3  }
0x239: {  	v3 =	vld [tilespmem:s19+$0x6CF]  }
0x23a: {  	s21 =	sadd.s32 s20, s11;
	s20 =	sadd.s32 $0x1, s20  }
0x23b: {  	s20 =	smulhi.u32 $0x2AAAAAAB, s21;
	s22 =	sshra.s32 s21, $0x1F  }
0x23c: {  	s22 =	smul.u32 $0x2AAAAAAB, s22;
	_ =	sdelay $0x1  }
0x23d: {  	s20 =	sadd.s32 s22, s20;
	[tilespmem:s18+$0x50] =	vst v3  }
0x23e: {  	s22 =	sshrl.u32 s20, $0x1F;
	s20 =	sshra.s32 s20, $0x7;
	v3 =	vld [tilespmem:s19+$0x6DF]  }
0x23f: {  	s20 =	sadd.s32 s22, s20  }
0x240: {  	s22 =	smul.u32 $0xFFFFFD00, s20  }
0x241: {  	s23 =	ssub.s32 $0x0, s21  }
0x242: {  	p1 =	slt.s32 s21, $0x1;
	p2 =	sne.s32 s22, s23  }
0x243: {  	p1 =	por !p1, !p2;
	[tilespmem:s18+$0x60] =	vst v3  }
0x244: {  	p1 =	por !p1, !p1;
	v3 =	vld [tilespmem:s19+$0x6EF];
	s19 =	simm.s32 $0x1  }
0x245: {  	s19 =	simm.s32 @!p1 $0x0  }
0x246: {  	s19 =	ssub.s32 s20, s19  }
0x247: {  	s19 =	smul.u32 $0x900, s19;
	_ =	sdelay $0x1  }
0x248: {  	s19 =	ssub.s32 s19, s21;
	[tilespmem:s18+$0x70] =	vst v3  }
0x249: {  	v3 =	vld [tilespmem:s19+$0x5FF];
	_ =	sdelay $0x3  }
0x24a: {  	s31 =	sadd.s32 $0x100, s18  }
0x24b: {  	[tilespmem:s31+$0xFFFFFF80] =	vst v3  }
0x24c: {  	v3 =	vld [tilespmem:s19+$0x60F];
	_ =	sdelay $0x4  }
0x24d: {  	[tilespmem:s31+$0xFFFFFF90] =	vst v3  }
0x24e: {  	v3 =	vld [tilespmem:s19+$0x61F];
	_ =	sdelay $0x4  }
0x24f: {  	[tilespmem:s31+$0xFFFFFFA0] =	vst v3  }
0x250: {  	v3 =	vld [tilespmem:s19+$0x62F];
	_ =	sdelay $0x4  }
0x251: {  	[tilespmem:s31+$0xFFFFFFB0] =	vst v3  }
0x252: {  	v3 =	vld [tilespmem:s19+$0x63F];
	_ =	sdelay $0x4  }
0x253: {  	[tilespmem:s31+$0xFFFFFFC0] =	vst v3  }
0x254: {  	v3 =	vld [tilespmem:s19+$0x64F];
	_ =	sdelay $0x4  }
0x255: {  	[tilespmem:s31+$0xFFFFFFD0] =	vst v3  }
0x256: {  	v3 =	vld [tilespmem:s19+$0x65F];
	_ =	sdelay $0x4  }
0x257: {  	[tilespmem:s31+$0xFFFFFFE0] =	vst v3  }
0x258: {  	v3 =	vld [tilespmem:s19+$0x66F];
	_ =	sdelay $0x4  }
0x259: {  	[tilespmem:s31+$0xFFFFFFF0] =	vst v3  }
0x25a: {  	v3 =	vld [tilespmem:s19+$0x67F];
	_ =	sdelay $0x4  }
0x25b: {  	[tilespmem:s31+$0x0] =	vst v3  }
0x25c: {  	v3 =	vld [tilespmem:s19+$0x68F];
	_ =	sdelay $0x4  }
0x25d: {  	[tilespmem:s31+$0x10] =	vst v3  }
0x25e: {  	v3 =	vld [tilespmem:s19+$0x69F];
	_ =	sdelay $0x4  }
0x25f: {  	[tilespmem:s31+$0x20] =	vst v3  }
0x260: {  	v3 =	vld [tilespmem:s19+$0x6AF];
	_ =	sdelay $0x4  }
0x261: {  	[tilespmem:s31+$0x30] =	vst v3  }
0x262: {  	v3 =	vld [tilespmem:s19+$0x6BF];
	_ =	sdelay $0x4  }
0x263: {  	[tilespmem:s31+$0x40] =	vst v3  }
0x264: {  	v3 =	vld [tilespmem:s19+$0x6CF];
	_ =	sdelay $0x4  }
0x265: {  	[tilespmem:s31+$0x50] =	vst v3  }
0x266: {  	v3 =	vld [tilespmem:s19+$0x6DF];
	_ =	sdelay $0x4  }
0x267: {  	[tilespmem:s31+$0x60] =	vst v3  }
0x268: {  	v3 =	vld [tilespmem:s19+$0x6EF];
	_ =	sdelay $0x4  }
0x269: {  	s17 =	sadd.s32 $0x1, s17;
	[tilespmem:s31+$0x70] =	vst v3  }
0x26a: {  	[hbm4b:s7+s2] =	stream.linear.scatter [tilespmem:s14], [sflag:$0x1], $0x6000, $0x38;
	[tilespmem:$0xCE00] =	vst v63  }
0x26b: {  	p1 =	sne.s32 s17, s8;
	_ =	swait.ge [sflag:s16], $0x6000  }
.Ltmp4:
0x26c: {  	[sflag:s16] =	ssyncset.done $0x0;
	(pc) =	sbr.rel @p1 .LBB2_1-.Ltmp4, $4  }
0x26d: {  	[sflag:s16] =	ssyncadd.s32 $0xFFFFA000  }
0x26e: {  	_ =	swait.ge [sflag:s13], $0x6000  }
0x26f: {  	[sflag:s13] =	ssyncset.done $0x0  }
0x270: {  	[sflag:s13] =	ssyncadd.s32 $0xFFFFA000  }
0x271: {  	_ =	sfence.sel $0x180000  }
0x272: {  	[bflag:$0x0] =	sbarrier.arrive $0xFFFF  }
0x273: {  	p0 =	sne.s32 s0, $0x0;
	_ =	strace $0x90000047  }
0x274: {  	s0 =	sadd.s32 @!p0 $0x100000, s1;
	[bflag:$0x2] =	sbarrier.arrive $0xFFFF  }
0x275: {  	[sflag:s0] =	ssyncadd.tile.s32 @!p0 $0x1;
	_ =	shalt  }
.Lfunc_end2:
_tile_overlayer_lowered:
.L_overlay_start_2:
0x276: {  	(tag) =	ssettag $0x2  }
0x277: {  	s0 =	rddreg [dreg:$0x0];
	s2 =	stileid.u32  }
0x278: {  	s1 =	rddreg [dreg:$0x1];
	p0 =	sne.s32 s2, $0x0  }
0x279: {  	s3 =	rddreg [dreg:$0x2];
	[bflag:$0x3] =	sbarrier.arrive $0xFFFF;
	s2 =	simm.s32 @!p0 $0x1C03  }
0x27a: {  	[timem:s3], [sflag:s2] =	dma.local @!p0 [hbm:s0], s1  }
0x27b: {  	s0 =	simm.s32 @!p0 $0x3  }
0x27c: {  	_ =	swait.ge @!p0 [sflag:s0], s1  }
0x27d: {  	s1 =	ssub.s32 @!p0 $0x0, s1;
	[sflag:s0] =	ssyncset.done @!p0 $0x0  }
0x27e: {  	[sflag:s0] =	ssyncadd.s32 @!p0 s1  }
0x27f: {  	[bflag:$0x3] =	sbarrier.arrive $0xFFFF  }
0x280: {  	_ =	shalt  }

</sc_bundles>
